<compile_context>
chip_gen: v7x
topology: tpu7x:2x2x1
jax: 0.10.2.dev20260603
libtpu: 0.0.44.dev20260713+nightly
codegen_flags: <defaults>
</compile_context>

<pallas_src>
import jax
import jax.numpy as jnp
from jax import lax
from jax.experimental import pallas as pl
from jax.experimental.pallas import tpu as pltpu
from jax.experimental.pallas import tpu_sc as plsc

ZCH = 1_000_000
PADDED = 1 << 20
NUM_IDS = 819_200
NC, NS, L = 2, 16, 16
NW = NC * NS
PER_TILE = NUM_IDS // NW
CHUNK = 1024
NCHUNK = PER_TILE // CHUNK
VPC = CHUNK // L
NSPLIT = PADDED // 16
NB = 16384
EPT = NB // NS
MROW = (ZCH - 1) // 16
I32MAX = 2**31 - 1


def _i32(x):
    return jnp.int32(x)


def _body(values_hbm, table2d_hbm, splitter_hbm, mapping2d_hbm, out_hbm,
          splitter_v, off_v, offpart_v, q0_v, q1_v, lo0_v, lo1_v,
          row0_v, row1_v, hi_v, gbuf_v, mbuf_v, off_shared, sem1, sem2):
    wid = lax.axis_index("c") * NS + lax.axis_index("s")
    sid = lax.axis_index("s")
    pltpu.sync_copy(splitter_hbm, splitter_v)
    iota = lax.iota(jnp.int32, L)

    @plsc.parallel_loop(0, EPT // L, unroll=4)
    def _edges(j):
        ji = j.astype(jnp.int32) * _i32(L) + iota
        e = (sid * _i32(EPT) + ji) << _i32(17)
        s = jnp.zeros((L,), jnp.int32)
        for k in range(15, -1, -1):
            cur = 1 << k
            t = plsc.load_gather(splitter_v, [s + _i32(cur - 1)])
            s = s + jnp.where(t < e, _i32(cur), _i32(0))
        plsc.store_scatter(offpart_v, [ji], s)

    pltpu.sync_copy(offpart_v, off_shared.at[pl.ds(sid * _i32(EPT), EPT)])
    plsc.subcore_barrier()
    pltpu.sync_copy(off_shared, off_v.at[pl.ds(0, NB)])
    plsc.store_scatter(off_v, [_i32(NB) + iota],
                       jnp.full((L,), NSPLIT - 1, jnp.int32),
                       mask=iota < _i32(2))

    def _base(c):
        return wid * _i32(PER_TILE) + c * _i32(CHUNK)

    def _stage_a(c, q_b, lo_b, row_b):
        pltpu.sync_copy(values_hbm.at[pl.ds(_base(c), CHUNK)], q_b)

        def _sweep0(i, wmax):
            qi = i.astype(jnp.int32) * _i32(L) + iota
            v = plsc.load_gather(q_b, [qi])
            b = v >> _i32(17)
            lo = plsc.load_gather(off_v, [b])
            hi = plsc.load_gather(off_v, [b + _i32(1)])
            plsc.store_scatter(lo_b, [qi], lo)
            plsc.store_scatter(hi_v, [qi], hi)
            return jnp.maximum(wmax, hi - lo)

        wmax = plsc.parallel_loop(
            0, VPC, carry=jnp.zeros((L,), jnp.int32))(_sweep0)
        w0 = jnp.max(wmax)

        def _lvl_body(w):
            @plsc.parallel_loop(0, VPC, unroll=4)
            def _lvl(i):
                qi = i.astype(jnp.int32) * _i32(L) + iota
                v = plsc.load_gather(q_b, [qi])
                lo = plsc.load_gather(lo_b, [qi])
                hi = plsc.load_gather(hi_v, [qi])
                act = hi > lo
                mid = (lo + hi) >> _i32(1)
                t = plsc.load_gather(splitter_v, [mid])
                lt = t < v
                plsc.store_scatter(
                    lo_b, [qi], jnp.where(act & lt, mid + _i32(1), lo))
                plsc.store_scatter(
                    hi_v, [qi], jnp.where(act & (~lt), mid, hi))
            return w >> _i32(1)

        lax.while_loop(lambda w: w > _i32(0), _lvl_body, w0)

        @plsc.parallel_loop(0, VPC, unroll=4)
        def _rows(i):
            qi = i.astype(jnp.int32) * _i32(L) + iota
            s = plsc.load_gather(lo_b, [qi])
            plsc.store_scatter(row_b, [qi], jnp.minimum(s, _i32(MROW)))

    def _dma_start(lo_b, row_b):
        pltpu.async_copy(table2d_hbm.at[lo_b], gbuf_v, sem1)
        pltpu.async_copy(mapping2d_hbm.at[row_b], mbuf_v, sem2)

    def _finish(c, q_b, lo_b, row_b):
        pltpu.make_async_copy(table2d_hbm.at[lo_b], gbuf_v, sem1).wait()
        pltpu.make_async_copy(mapping2d_hbm.at[row_b], mbuf_v, sem2).wait()

        @plsc.parallel_loop(0, VPC, unroll=4)
        def _sweep2(i):
            qi = i.astype(jnp.int32) * _i32(L) + iota
            v = plsc.load_gather(q_b, [qi])
            s = plsc.load_gather(lo_b, [qi])
            o = jnp.zeros((L,), jnp.int32)
            for k in range(3, -1, -1):
                cur = 1 << k
                t = plsc.load_gather(gbuf_v, [qi, o + _i32(cur - 1)])
                o = o + jnp.where(t < v, _i32(cur), _i32(0))
            r = plsc.load_gather(gbuf_v, [qi, o])
            searched = jnp.minimum(s * _i32(16) + o, _i32(ZCH - 1))
            m = plsc.load_gather(mbuf_v, [qi, searched & _i32(15)])
            plsc.store_scatter(hi_v, [qi], jnp.where(r == v, m, _i32(ZCH - 1)))

        pltpu.sync_copy(hi_v, out_hbm.at[pl.ds(_base(c), CHUNK)])

    _stage_a(_i32(0), q0_v, lo0_v, row0_v)
    _dma_start(lo0_v, row0_v)

    @pl.loop(0, (NCHUNK - 1) // 2)
    def _pair(d):
        di = d.astype(jnp.int32)
        c1 = di * _i32(2) + _i32(1)
        c2 = c1 + _i32(1)
        _stage_a(c1, q1_v, lo1_v, row1_v)
        _finish(di * _i32(2), q0_v, lo0_v, row0_v)
        _dma_start(lo1_v, row1_v)
        _stage_a(c2, q0_v, lo0_v, row0_v)
        _finish(c1, q1_v, lo1_v, row1_v)
        _dma_start(lo0_v, row0_v)

    _finish(_i32(NCHUNK - 1), q0_v, lo0_v, row0_v)


def _run(v32, table2d, splitter, mapping2d):
    with jax.enable_x64(False):
        mesh = plsc.VectorSubcoreMesh(core_axis_name="c", subcore_axis_name="s")
        return pl.kernel(
            _body,
            out_type=jax.ShapeDtypeStruct((NUM_IDS,), jnp.int32),
            mesh=mesh,
            scratch_types=[
                pltpu.VMEM((NSPLIT,), jnp.int32),
                pltpu.VMEM((NB + 2,), jnp.int32),
                pltpu.VMEM((EPT,), jnp.int32),
                pltpu.VMEM((CHUNK,), jnp.int32),
                pltpu.VMEM((CHUNK,), jnp.int32),
                pltpu.VMEM((CHUNK,), jnp.int32),
                pltpu.VMEM((CHUNK,), jnp.int32),
                pltpu.VMEM((CHUNK,), jnp.int32),
                pltpu.VMEM((CHUNK,), jnp.int32),
                pltpu.VMEM((CHUNK,), jnp.int32),
                pltpu.VMEM((CHUNK, 16), jnp.int32),
                pltpu.VMEM((CHUNK, 16), jnp.int32),
                pltpu.VMEM_SHARED((NB,), jnp.int32),
                pltpu.SemaphoreType.DMA,
                pltpu.SemaphoreType.DMA,
            ],
            compiler_params=pltpu.CompilerParams(
                needs_layout_passes=False, use_tc_tiling_on_sc=False),
        )(v32, table2d, splitter, mapping2d)


def kernel(values, mch_sorted_raw_ids, mch_remapped_ids_mapping):
    v32 = values.astype(jnp.int32)
    t32 = mch_sorted_raw_ids.astype(jnp.int32)
    m32 = mch_remapped_ids_mapping.astype(jnp.int32)
    pad = jnp.full((PADDED - ZCH,), I32MAX, jnp.int32)
    table2d = jnp.concatenate([t32, pad]).reshape(PADDED // 16, 16)
    splitter = table2d[:, 15]
    mapping2d = m32.reshape(ZCH // 16, 16)
    out32 = _run(v32, table2d, splitter, mapping2d)
    return out32.astype(mch_remapped_ids_mapping.dtype)

# --- scband reference (transcript-rebuilt; emitter-appended) ---
"""Pipeline reference for scband-mchmanaged-collision-module-36507222016744 (READ-ONLY COPY).

The authoritative reference and input builder live on the scoring server;
editing this copy changes nothing except your own understanding.
"""

import jax
jax.config.update('jax_enable_x64', True)
import jax.numpy as jnp
import numpy as np

ZCH_SIZE = 1000000
INPUT_HASH_SIZE = 2000000000
NUM_IDS = 819200


def setup_inputs(seed: int = 0) -> dict:
    key = jax.random.key(seed)
    k1, k2, k3 = jax.random.split(key, 3)
    # incoming raw feature ids (JaggedTensor values)
    values = jax.random.randint(k1, (NUM_IDS,), 0, INPUT_HASH_SIZE, dtype=jnp.int64)
    # module state: sorted raw ids currently held in the managed-collision hash (ZCH)
    mch_sorted_raw_ids = jnp.sort(
        jax.random.randint(k2, (ZCH_SIZE,), 0, INPUT_HASH_SIZE, dtype=jnp.int64)
    )
    # module state: mapping from sorted-raw-id slot -> remapped output id in [0, zch_size)
    mch_remapped_ids_mapping = jax.random.permutation(
        k3, jnp.arange(ZCH_SIZE, dtype=jnp.int64)
    )
    return {
        'values': values,
        'mch_sorted_raw_ids': mch_sorted_raw_ids,
        'mch_remapped_ids_mapping': mch_remapped_ids_mapping,
    }


def reference(values, mch_sorted_raw_ids, mch_remapped_ids_mapping):
    # Faithful port of torchrec _mch_remap (eval/remap path of MCHManagedCollisionModule):
    #   searched_indices = torch.searchsorted(mch_sorted_raw_ids[:-1], values)
    #   retrieved_indices = mch_sorted_raw_ids[searched_indices]
    #   matching -> mch_remapped_ids_mapping[searched_indices]; non-matching -> zch_index
    zch_index = ZCH_SIZE - 1  # reserved collision slot (last zch slot)
    searched_indices = jnp.searchsorted(mch_sorted_raw_ids[:-1], values, side='left')
    retrieved_indices = jnp.take(mch_sorted_raw_ids, searched_indices, axis=0)
    matching = retrieved_indices == values
    remapped = jnp.take(mch_remapped_ids_mapping, searched_indices, axis=0)
    remapped_ids = jnp.where(matching, remapped, jnp.int64(zch_index))
    return remapped_ids

if __name__ == "__main__":
    import jax
    _d = setup_inputs()
    print(jax.jit(kernel)(*tuple(_d.values())))

</pallas_src>

<mosaic_0001>
#map = affine_map<(d0, d1) -> (0)>
#map1 = affine_map<(d0, d1) -> (0, 0)>
module attributes {stable_mosaic.version = 14 : i64} {
  func.func @_body(%arg0: i32, %arg1: i32, %arg2: memref<819200xi32, #tpu.memory_space<hbm>>, %arg3: memref<65536x16xi32, #tpu.memory_space<hbm>>, %arg4: memref<65536xi32, #tpu.memory_space<hbm>>, %arg5: memref<62500x16xi32, #tpu.memory_space<hbm>>, %arg6: memref<819200xi32, #tpu.memory_space<hbm>>, %arg7: memref<65536xi32, #tpu.memory_space<vmem>>, %arg8: memref<16386xi32, #tpu.memory_space<vmem>>, %arg9: memref<1024xi32, #tpu.memory_space<vmem>>, %arg10: memref<1024xi32, #tpu.memory_space<vmem>>, %arg11: memref<1024xi32, #tpu.memory_space<vmem>>, %arg12: memref<1024xi32, #tpu.memory_space<vmem>>, %arg13: memref<1024xi32, #tpu.memory_space<vmem>>, %arg14: memref<1024xi32, #tpu.memory_space<vmem>>, %arg15: memref<1024xi32, #tpu.memory_space<vmem>>, %arg16: memref<1024xi32, #tpu.memory_space<vmem>>, %arg17: memref<1024x16xi32, #tpu.memory_space<vmem>>, %arg18: memref<1024x16xi32, #tpu.memory_space<vmem>>, %arg19: memref<16384xi32, #tpu.memory_space<vmem_shared>>, %arg20: memref<!tpu.dma_semaphore, #tpu.memory_space<semaphore_mem>>, %arg21: memref<!tpu.dma_semaphore, #tpu.memory_space<semaphore_mem>>) attributes {dimension_semantics = [#tpu.dimension_semantics<core_parallel>, #tpu.dimension_semantics<subcore_parallel>], iteration_bounds = array<i64: 2, 16>, scalar_prefetch = 0 : i64, scratch_operands = 15 : i64, tpu.core_type = #tpu.core_type<sc_vector_subcore>, window_params = [{transform_indices = #map}, {transform_indices = #map1}, {transform_indices = #map}, {transform_indices = #map1}, {transform_indices = #map}]} {
    %mul3A = arith.constant 16 : i32
    %mul3A_0 = arith.muli %arg0, %mul3A : i32
    %add3A = arith.addi %mul3A_0, %arg1 : i32
    "tpu.region"() ({
      %run_scoped3A = tpu.sem_alloc : memref<!tpu.dma_semaphore, #tpu.memory_space<semaphore_mem>>
      tpu.enqueue_dma source(%arg4 : memref<65536xi32, #tpu.memory_space<hbm>>) target(%arg7 : memref<65536xi32, #tpu.memory_space<vmem>>) target_semaphore(%run_scoped3A : memref<!tpu.dma_semaphore, #tpu.memory_space<semaphore_mem>>)
      tpu.wait_dma2 semaphore(%run_scoped3A : memref<!tpu.dma_semaphore, #tpu.memory_space<semaphore_mem>>) src(%arg4 : memref<65536xi32, #tpu.memory_space<hbm>>) dst(%arg7 : memref<65536xi32, #tpu.memory_space<vmem>>)
      tpu.yield
    }) : () -> ()
    %iota3A = tpu.iota {dimensions = array<i32: 0>} : vector<16xi32>
    %parallel_loop3A = arith.constant 0 : i32
    %parallel_loop3A_1 = arith.constant 64 : i32
    %parallel_loop3A_2 = arith.constant 1 : i32
    scf.for %parallel_loop3A_56 = %parallel_loop3A to %parallel_loop3A_1 step %parallel_loop3A_2  : i32 {
      %parallel_loop3A_57 = arith.constant 16 : i32
      %parallel_loop3A_58 = arith.muli %parallel_loop3A_56, %parallel_loop3A_57 : i32
      %parallel_loop3A_59 = vector.broadcast %parallel_loop3A_58 : i32 to vector<16xi32>
      %parallel_loop3A_60 = arith.addi %parallel_loop3A_59, %iota3A : vector<16xi32>
      %parallel_loop3A_61 = arith.constant 1024 : i32
      %parallel_loop3A_62 = arith.muli %arg1, %parallel_loop3A_61 : i32
      %parallel_loop3A_63 = vector.broadcast %parallel_loop3A_62 : i32 to vector<16xi32>
      %parallel_loop3A_64 = arith.addi %parallel_loop3A_63, %parallel_loop3A_60 : vector<16xi32>
      %parallel_loop3A_65 = arith.constant 17 : i32
      %parallel_loop3A_66 = vector.broadcast %parallel_loop3A_65 : i32 to vector<16xi32>
      %parallel_loop3A_67 = arith.shli %parallel_loop3A_64, %parallel_loop3A_66 : vector<16xi32>
      %parallel_loop3A_68 = arith.constant 0 : i32
      %parallel_loop3A_69 = vector.broadcast %parallel_loop3A_68 : i32 to vector<16xi32>
      %parallel_loop3A_70 = arith.constant 32767 : i32
      %parallel_loop3A_71 = vector.broadcast %parallel_loop3A_70 : i32 to vector<16xi32>
      %parallel_loop3A_72 = arith.addi %parallel_loop3A_69, %parallel_loop3A_71 : vector<16xi32>
      %parallel_loop3A_73 = tpu.vector_load_idx %arg7[%parallel_loop3A_72] : memref<65536xi32, #tpu.memory_space<vmem>>[vector<16xi32>], vector<16xi32>,
      %parallel_loop3A_74 = arith.cmpi slt, %parallel_loop3A_73, %parallel_loop3A_67 : vector<16xi32>
      %parallel_loop3A_75 = arith.constant 32768 : i32
      %parallel_loop3A_76 = arith.constant 0 : i32
      %parallel_loop3A_77 = vector.broadcast %parallel_loop3A_75 : i32 to vector<16xi32>
      %parallel_loop3A_78 = vector.broadcast %parallel_loop3A_76 : i32 to vector<16xi32>
      %parallel_loop3A_79 = arith.select %parallel_loop3A_74, %parallel_loop3A_77, %parallel_loop3A_78 : vector<16xi1>, vector<16xi32>
      %parallel_loop3A_80 = arith.addi %parallel_loop3A_69, %parallel_loop3A_79 : vector<16xi32>
      %parallel_loop3A_81 = arith.constant 16383 : i32
      %parallel_loop3A_82 = vector.broadcast %parallel_loop3A_81 : i32 to vector<16xi32>
      %parallel_loop3A_83 = arith.addi %parallel_loop3A_80, %parallel_loop3A_82 : vector<16xi32>
      %parallel_loop3A_84 = tpu.vector_load_idx %arg7[%parallel_loop3A_83] : memref<65536xi32, #tpu.memory_space<vmem>>[vector<16xi32>], vector<16xi32>,
      %parallel_loop3A_85 = arith.cmpi slt, %parallel_loop3A_84, %parallel_loop3A_67 : vector<16xi32>
      %parallel_loop3A_86 = arith.constant 16384 : i32
      %parallel_loop3A_87 = arith.constant 0 : i32
      %parallel_loop3A_88 = vector.broadcast %parallel_loop3A_86 : i32 to vector<16xi32>
      %parallel_loop3A_89 = vector.broadcast %parallel_loop3A_87 : i32 to vector<16xi32>
      %parallel_loop3A_90 = arith.select %parallel_loop3A_85, %parallel_loop3A_88, %parallel_loop3A_89 : vector<16xi1>, vector<16xi32>
      %parallel_loop3A_91 = arith.addi %parallel_loop3A_80, %parallel_loop3A_90 : vector<16xi32>
      %parallel_loop3A_92 = arith.constant 8191 : i32
      %parallel_loop3A_93 = vector.broadcast %parallel_loop3A_92 : i32 to vector<16xi32>
      %parallel_loop3A_94 = arith.addi %parallel_loop3A_91, %parallel_loop3A_93 : vector<16xi32>
      %parallel_loop3A_95 = tpu.vector_load_idx %arg7[%parallel_loop3A_94] : memref<65536xi32, #tpu.memory_space<vmem>>[vector<16xi32>], vector<16xi32>,
      %parallel_loop3A_96 = arith.cmpi slt, %parallel_loop3A_95, %parallel_loop3A_67 : vector<16xi32>
      %parallel_loop3A_97 = arith.constant 8192 : i32
      %parallel_loop3A_98 = arith.constant 0 : i32
      %parallel_loop3A_99 = vector.broadcast %parallel_loop3A_97 : i32 to vector<16xi32>
      %parallel_loop3A_100 = vector.broadcast %parallel_loop3A_98 : i32 to vector<16xi32>
      %parallel_loop3A_101 = arith.select %parallel_loop3A_96, %parallel_loop3A_99, %parallel_loop3A_100 : vector<16xi1>, vector<16xi32>
      %parallel_loop3A_102 = arith.addi %parallel_loop3A_91, %parallel_loop3A_101 : vector<16xi32>
      %parallel_loop3A_103 = arith.constant 4095 : i32
      %parallel_loop3A_104 = vector.broadcast %parallel_loop3A_103 : i32 to vector<16xi32>
      %parallel_loop3A_105 = arith.addi %parallel_loop3A_102, %parallel_loop3A_104 : vector<16xi32>
      %parallel_loop3A_106 = tpu.vector_load_idx %arg7[%parallel_loop3A_105] : memref<65536xi32, #tpu.memory_space<vmem>>[vector<16xi32>], vector<16xi32>,
      %parallel_loop3A_107 = arith.cmpi slt, %parallel_loop3A_106, %parallel_loop3A_67 : vector<16xi32>
      %parallel_loop3A_108 = arith.constant 4096 : i32
      %parallel_loop3A_109 = arith.constant 0 : i32
      %parallel_loop3A_110 = vector.broadcast %parallel_loop3A_108 : i32 to vector<16xi32>
      %parallel_loop3A_111 = vector.broadcast %parallel_loop3A_109 : i32 to vector<16xi32>
      %parallel_loop3A_112 = arith.select %parallel_loop3A_107, %parallel_loop3A_110, %parallel_loop3A_111 : vector<16xi1>, vector<16xi32>
      %parallel_loop3A_113 = arith.addi %parallel_loop3A_102, %parallel_loop3A_112 : vector<16xi32>
      %parallel_loop3A_114 = arith.constant 2047 : i32
      %parallel_loop3A_115 = vector.broadcast %parallel_loop3A_114 : i32 to vector<16xi32>
      %parallel_loop3A_116 = arith.addi %parallel_loop3A_113, %parallel_loop3A_115 : vector<16xi32>
      %parallel_loop3A_117 = tpu.vector_load_idx %arg7[%parallel_loop3A_116] : memref<65536xi32, #tpu.memory_space<vmem>>[vector<16xi32>], vector<16xi32>,
      %parallel_loop3A_118 = arith.cmpi slt, %parallel_loop3A_117, %parallel_loop3A_67 : vector<16xi32>
      %parallel_loop3A_119 = arith.constant 2048 : i32
      %parallel_loop3A_120 = arith.constant 0 : i32
      %parallel_loop3A_121 = vector.broadcast %parallel_loop3A_119 : i32 to vector<16xi32>
      %parallel_loop3A_122 = vector.broadcast %parallel_loop3A_120 : i32 to vector<16xi32>
      %parallel_loop3A_123 = arith.select %parallel_loop3A_118, %parallel_loop3A_121, %parallel_loop3A_122 : vector<16xi1>, vector<16xi32>
      %parallel_loop3A_124 = arith.addi %parallel_loop3A_113, %parallel_loop3A_123 : vector<16xi32>
      %parallel_loop3A_125 = arith.constant 1023 : i32
      %parallel_loop3A_126 = vector.broadcast %parallel_loop3A_125 : i32 to vector<16xi32>
      %parallel_loop3A_127 = arith.addi %parallel_loop3A_124, %parallel_loop3A_126 : vector<16xi32>
      %parallel_loop3A_128 = tpu.vector_load_idx %arg7[%parallel_loop3A_127] : memref<65536xi32, #tpu.memory_space<vmem>>[vector<16xi32>], vector<16xi32>,
      %parallel_loop3A_129 = arith.cmpi slt, %parallel_loop3A_128, %parallel_loop3A_67 : vector<16xi32>
      %parallel_loop3A_130 = arith.constant 1024 : i32
      %parallel_loop3A_131 = arith.constant 0 : i32
      %parallel_loop3A_132 = vector.broadcast %parallel_loop3A_130 : i32 to vector<16xi32>
      %parallel_loop3A_133 = vector.broadcast %parallel_loop3A_131 : i32 to vector<16xi32>
      %parallel_loop3A_134 = arith.select %parallel_loop3A_129, %parallel_loop3A_132, %parallel_loop3A_133 : vector<16xi1>, vector<16xi32>
      %parallel_loop3A_135 = arith.addi %parallel_loop3A_124, %parallel_loop3A_134 : vector<16xi32>
      %parallel_loop3A_136 = arith.constant 511 : i32
      %parallel_loop3A_137 = vector.broadcast %parallel_loop3A_136 : i32 to vector<16xi32>
      %parallel_loop3A_138 = arith.addi %parallel_loop3A_135, %parallel_loop3A_137 : vector<16xi32>
      %parallel_loop3A_139 = tpu.vector_load_idx %arg7[%parallel_loop3A_138] : memref<65536xi32, #tpu.memory_space<vmem>>[vector<16xi32>], vector<16xi32>,
      %parallel_loop3A_140 = arith.cmpi slt, %parallel_loop3A_139, %parallel_loop3A_67 : vector<16xi32>
      %parallel_loop3A_141 = arith.constant 512 : i32
      %parallel_loop3A_142 = arith.constant 0 : i32
      %parallel_loop3A_143 = vector.broadcast %parallel_loop3A_141 : i32 to vector<16xi32>
      %parallel_loop3A_144 = vector.broadcast %parallel_loop3A_142 : i32 to vector<16xi32>
      %parallel_loop3A_145 = arith.select %parallel_loop3A_140, %parallel_loop3A_143, %parallel_loop3A_144 : vector<16xi1>, vector<16xi32>
      %parallel_loop3A_146 = arith.addi %parallel_loop3A_135, %parallel_loop3A_145 : vector<16xi32>
      %parallel_loop3A_147 = arith.constant 255 : i32
      %parallel_loop3A_148 = vector.broadcast %parallel_loop3A_147 : i32 to vector<16xi32>
      %parallel_loop3A_149 = arith.addi %parallel_loop3A_146, %parallel_loop3A_148 : vector<16xi32>
      %parallel_loop3A_150 = tpu.vector_load_idx %arg7[%parallel_loop3A_149] : memref<65536xi32, #tpu.memory_space<vmem>>[vector<16xi32>], vector<16xi32>,
      %parallel_loop3A_151 = arith.cmpi slt, %parallel_loop3A_150, %parallel_loop3A_67 : vector<16xi32>
      %parallel_loop3A_152 = arith.constant 256 : i32
      %parallel_loop3A_153 = arith.constant 0 : i32
      %parallel_loop3A_154 = vector.broadcast %parallel_loop3A_152 : i32 to vector<16xi32>
      %parallel_loop3A_155 = vector.broadcast %parallel_loop3A_153 : i32 to vector<16xi32>
      %parallel_loop3A_156 = arith.select %parallel_loop3A_151, %parallel_loop3A_154, %parallel_loop3A_155 : vector<16xi1>, vector<16xi32>
      %parallel_loop3A_157 = arith.addi %parallel_loop3A_146, %parallel_loop3A_156 : vector<16xi32>
      %parallel_loop3A_158 = arith.constant 127 : i32
      %parallel_loop3A_159 = vector.broadcast %parallel_loop3A_158 : i32 to vector<16xi32>
      %parallel_loop3A_160 = arith.addi %parallel_loop3A_157, %parallel_loop3A_159 : vector<16xi32>
      %parallel_loop3A_161 = tpu.vector_load_idx %arg7[%parallel_loop3A_160] : memref<65536xi32, #tpu.memory_space<vmem>>[vector<16xi32>], vector<16xi32>,
      %parallel_loop3A_162 = arith.cmpi slt, %parallel_loop3A_161, %parallel_loop3A_67 : vector<16xi32>
      %parallel_loop3A_163 = arith.constant 128 : i32
      %parallel_loop3A_164 = arith.constant 0 : i32
      %parallel_loop3A_165 = vector.broadcast %parallel_loop3A_163 : i32 to vector<16xi32>
      %parallel_loop3A_166 = vector.broadcast %parallel_loop3A_164 : i32 to vector<16xi32>
      %parallel_loop3A_167 = arith.select %parallel_loop3A_162, %parallel_loop3A_165, %parallel_loop3A_166 : vector<16xi1>, vector<16xi32>
      %parallel_loop3A_168 = arith.addi %parallel_loop3A_157, %parallel_loop3A_167 : vector<16xi32>
      %parallel_loop3A_169 = arith.constant 63 : i32
      %parallel_loop3A_170 = vector.broadcast %parallel_loop3A_169 : i32 to vector<16xi32>
      %parallel_loop3A_171 = arith.addi %parallel_loop3A_168, %parallel_loop3A_170 : vector<16xi32>
      %parallel_loop3A_172 = tpu.vector_load_idx %arg7[%parallel_loop3A_171] : memref<65536xi32, #tpu.memory_space<vmem>>[vector<16xi32>], vector<16xi32>,
      %parallel_loop3A_173 = arith.cmpi slt, %parallel_loop3A_172, %parallel_loop3A_67 : vector<16xi32>
      %parallel_loop3A_174 = arith.constant 64 : i32
      %parallel_loop3A_175 = arith.constant 0 : i32
      %parallel_loop3A_176 = vector.broadcast %parallel_loop3A_174 : i32 to vector<16xi32>
      %parallel_loop3A_177 = vector.broadcast %parallel_loop3A_175 : i32 to vector<16xi32>
      %parallel_loop3A_178 = arith.select %parallel_loop3A_173, %parallel_loop3A_176, %parallel_loop3A_177 : vector<16xi1>, vector<16xi32>
      %parallel_loop3A_179 = arith.addi %parallel_loop3A_168, %parallel_loop3A_178 : vector<16xi32>
      %parallel_loop3A_180 = arith.constant 31 : i32
      %parallel_loop3A_181 = vector.broadcast %parallel_loop3A_180 : i32 to vector<16xi32>
      %parallel_loop3A_182 = arith.addi %parallel_loop3A_179, %parallel_loop3A_181 : vector<16xi32>
      %parallel_loop3A_183 = tpu.vector_load_idx %arg7[%parallel_loop3A_182] : memref<65536xi32, #tpu.memory_space<vmem>>[vector<16xi32>], vector<16xi32>,
      %parallel_loop3A_184 = arith.cmpi slt, %parallel_loop3A_183, %parallel_loop3A_67 : vector<16xi32>
      %parallel_loop3A_185 = arith.constant 32 : i32
      %parallel_loop3A_186 = arith.constant 0 : i32
      %parallel_loop3A_187 = vector.broadcast %parallel_loop3A_185 : i32 to vector<16xi32>
      %parallel_loop3A_188 = vector.broadcast %parallel_loop3A_186 : i32 to vector<16xi32>
      %parallel_loop3A_189 = arith.select %parallel_loop3A_184, %parallel_loop3A_187, %parallel_loop3A_188 : vector<16xi1>, vector<16xi32>
      %parallel_loop3A_190 = arith.addi %parallel_loop3A_179, %parallel_loop3A_189 : vector<16xi32>
      %parallel_loop3A_191 = arith.constant 15 : i32
      %parallel_loop3A_192 = vector.broadcast %parallel_loop3A_191 : i32 to vector<16xi32>
      %parallel_loop3A_193 = arith.addi %parallel_loop3A_190, %parallel_loop3A_192 : vector<16xi32>
      %parallel_loop3A_194 = tpu.vector_load_idx %arg7[%parallel_loop3A_193] : memref<65536xi32, #tpu.memory_space<vmem>>[vector<16xi32>], vector<16xi32>,
      %parallel_loop3A_195 = arith.cmpi slt, %parallel_loop3A_194, %parallel_loop3A_67 : vector<16xi32>
      %parallel_loop3A_196 = arith.constant 16 : i32
      %parallel_loop3A_197 = arith.constant 0 : i32
      %parallel_loop3A_198 = vector.broadcast %parallel_loop3A_196 : i32 to vector<16xi32>
      %parallel_loop3A_199 = vector.broadcast %parallel_loop3A_197 : i32 to vector<16xi32>
      %parallel_loop3A_200 = arith.select %parallel_loop3A_195, %parallel_loop3A_198, %parallel_loop3A_199 : vector<16xi1>, vector<16xi32>
      %parallel_loop3A_201 = arith.addi %parallel_loop3A_190, %parallel_loop3A_200 : vector<16xi32>
      %parallel_loop3A_202 = arith.constant 7 : i32
      %parallel_loop3A_203 = vector.broadcast %parallel_loop3A_202 : i32 to vector<16xi32>
      %parallel_loop3A_204 = arith.addi %parallel_loop3A_201, %parallel_loop3A_203 : vector<16xi32>
      %parallel_loop3A_205 = tpu.vector_load_idx %arg7[%parallel_loop3A_204] : memref<65536xi32, #tpu.memory_space<vmem>>[vector<16xi32>], vector<16xi32>,
      %parallel_loop3A_206 = arith.cmpi slt, %parallel_loop3A_205, %parallel_loop3A_67 : vector<16xi32>
      %parallel_loop3A_207 = arith.constant 8 : i32
      %parallel_loop3A_208 = arith.constant 0 : i32
      %parallel_loop3A_209 = vector.broadcast %parallel_loop3A_207 : i32 to vector<16xi32>
      %parallel_loop3A_210 = vector.broadcast %parallel_loop3A_208 : i32 to vector<16xi32>
      %parallel_loop3A_211 = arith.select %parallel_loop3A_206, %parallel_loop3A_209, %parallel_loop3A_210 : vector<16xi1>, vector<16xi32>
      %parallel_loop3A_212 = arith.addi %parallel_loop3A_201, %parallel_loop3A_211 : vector<16xi32>
      %parallel_loop3A_213 = arith.constant 3 : i32
      %parallel_loop3A_214 = vector.broadcast %parallel_loop3A_213 : i32 to vector<16xi32>
      %parallel_loop3A_215 = arith.addi %parallel_loop3A_212, %parallel_loop3A_214 : vector<16xi32>
      %parallel_loop3A_216 = tpu.vector_load_idx %arg7[%parallel_loop3A_215] : memref<65536xi32, #tpu.memory_space<vmem>>[vector<16xi32>], vector<16xi32>,
      %parallel_loop3A_217 = arith.cmpi slt, %parallel_loop3A_216, %parallel_loop3A_67 : vector<16xi32>
      %parallel_loop3A_218 = arith.constant 4 : i32
      %parallel_loop3A_219 = arith.constant 0 : i32
      %parallel_loop3A_220 = vector.broadcast %parallel_loop3A_218 : i32 to vector<16xi32>
      %parallel_loop3A_221 = vector.broadcast %parallel_loop3A_219 : i32 to vector<16xi32>
      %parallel_loop3A_222 = arith.select %parallel_loop3A_217, %parallel_loop3A_220, %parallel_loop3A_221 : vector<16xi1>, vector<16xi32>
      %parallel_loop3A_223 = arith.addi %parallel_loop3A_212, %parallel_loop3A_222 : vector<16xi32>
      %parallel_loop3A_224 = arith.constant 1 : i32
      %parallel_loop3A_225 = vector.broadcast %parallel_loop3A_224 : i32 to vector<16xi32>
      %parallel_loop3A_226 = arith.addi %parallel_loop3A_223, %parallel_loop3A_225 : vector<16xi32>
      %parallel_loop3A_227 = tpu.vector_load_idx %arg7[%parallel_loop3A_226] : memref<65536xi32, #tpu.memory_space<vmem>>[vector<16xi32>], vector<16xi32>,
      %parallel_loop3A_228 = arith.cmpi slt, %parallel_loop3A_227, %parallel_loop3A_67 : vector<16xi32>
      %parallel_loop3A_229 = arith.constant 2 : i32
      %parallel_loop3A_230 = arith.constant 0 : i32
      %parallel_loop3A_231 = vector.broadcast %parallel_loop3A_229 : i32 to vector<16xi32>
      %parallel_loop3A_232 = vector.broadcast %parallel_loop3A_230 : i32 to vector<16xi32>
      %parallel_loop3A_233 = arith.select %parallel_loop3A_228, %parallel_loop3A_231, %parallel_loop3A_232 : vector<16xi1>, vector<16xi32>
      %parallel_loop3A_234 = arith.addi %parallel_loop3A_223, %parallel_loop3A_233 : vector<16xi32>
      %parallel_loop3A_235 = arith.constant 0 : i32
      %parallel_loop3A_236 = vector.broadcast %parallel_loop3A_235 : i32 to vector<16xi32>
      %parallel_loop3A_237 = arith.addi %parallel_loop3A_234, %parallel_loop3A_236 : vector<16xi32>
      %parallel_loop3A_238 = tpu.vector_load_idx %arg7[%parallel_loop3A_237] : memref<65536xi32, #tpu.memory_space<vmem>>[vector<16xi32>], vector<16xi32>,
      %parallel_loop3A_239 = arith.cmpi slt, %parallel_loop3A_238, %parallel_loop3A_67 : vector<16xi32>
      %parallel_loop3A_240 = arith.constant 1 : i32
      %parallel_loop3A_241 = arith.constant 0 : i32
      %parallel_loop3A_242 = vector.broadcast %parallel_loop3A_240 : i32 to vector<16xi32>
      %parallel_loop3A_243 = vector.broadcast %parallel_loop3A_241 : i32 to vector<16xi32>
      %parallel_loop3A_244 = arith.select %parallel_loop3A_239, %parallel_loop3A_242, %parallel_loop3A_243 : vector<16xi1>, vector<16xi32>
      %parallel_loop3A_245 = arith.addi %parallel_loop3A_234, %parallel_loop3A_244 : vector<16xi32>
      tpu.vector_store_idx %arg9[%parallel_loop3A_60], %parallel_loop3A_245 : memref<1024xi32, #tpu.memory_space<vmem>>[vector<16xi32>], vector<16xi32>,
    } {sc.loop_unroll_factor = 4 : i64, sc.parallel_access}
    %mul3A_3 = arith.constant 1024 : i32
    %mul3A_4 = arith.muli %arg1, %mul3A_3 : i32
    "tpu.region"() ({
      %run_scoped3A = tpu.sem_alloc : memref<!tpu.dma_semaphore, #tpu.memory_space<semaphore_mem>>
      %dma_start3A_56 = tpu.memref_slice %arg19[%mul3A_4] : memref<16384xi32, #tpu.memory_space<vmem_shared>> -> memref<1024xi32, #tpu.memory_space<vmem_shared>>
      %dma_start3A_57 = tpu.memref_slice %arg19[%mul3A_4] : memref<16384xi32, #tpu.memory_space<vmem_shared>> -> memref<1024xi32, #tpu.memory_space<vmem_shared>>
      tpu.enqueue_dma source(%arg9 : memref<1024xi32, #tpu.memory_space<vmem>>) target(%dma_start3A_57 : memref<1024xi32, #tpu.memory_space<vmem_shared>>) target_semaphore(%run_scoped3A : memref<!tpu.dma_semaphore, #tpu.memory_space<semaphore_mem>>)
      %dma_wait3A_58 = tpu.memref_slice %arg19[%mul3A_4] : memref<16384xi32, #tpu.memory_space<vmem_shared>> -> memref<1024xi32, #tpu.memory_space<vmem_shared>>
      %dma_wait3A_59 = tpu.memref_slice %arg19[%mul3A_4] : memref<16384xi32, #tpu.memory_space<vmem_shared>> -> memref<1024xi32, #tpu.memory_space<vmem_shared>>
      tpu.wait_dma2 semaphore(%run_scoped3A : memref<!tpu.dma_semaphore, #tpu.memory_space<semaphore_mem>>) src(%arg9 : memref<1024xi32, #tpu.memory_space<vmem>>) dst(%dma_wait3A_59 : memref<1024xi32, #tpu.memory_space<vmem_shared>>)
      tpu.yield
    }) : () -> ()
    %barrier3A = arith.constant 0 : index
    tpu.barrier barrier_id(%barrier3A)
    "tpu.region"() ({
      %run_scoped3A = tpu.sem_alloc : memref<!tpu.dma_semaphore, #tpu.memory_space<semaphore_mem>>
      %dma_start3A_56 = arith.constant 0 : i32
      %dma_start3A_57 = tpu.memref_slice %arg8[%dma_start3A_56] : memref<16386xi32, #tpu.memory_space<vmem>> -> memref<16384xi32, #tpu.memory_space<vmem>>
      %dma_start3A_58 = arith.constant 0 : i32
      %dma_start3A_59 = tpu.memref_slice %arg8[%dma_start3A_58] : memref<16386xi32, #tpu.memory_space<vmem>> -> memref<16384xi32, #tpu.memory_space<vmem>>
      tpu.enqueue_dma source(%arg19 : memref<16384xi32, #tpu.memory_space<vmem_shared>>) target(%dma_start3A_59 : memref<16384xi32, #tpu.memory_space<vmem>>) target_semaphore(%run_scoped3A : memref<!tpu.dma_semaphore, #tpu.memory_space<semaphore_mem>>)
      %dma_wait3A_60 = arith.constant 0 : i32
      %dma_wait3A_61 = tpu.memref_slice %arg8[%dma_wait3A_60] : memref<16386xi32, #tpu.memory_space<vmem>> -> memref<16384xi32, #tpu.memory_space<vmem>>
      %dma_wait3A_62 = arith.constant 0 : i32
      %dma_wait3A_63 = tpu.memref_slice %arg8[%dma_wait3A_62] : memref<16386xi32, #tpu.memory_space<vmem>> -> memref<16384xi32, #tpu.memory_space<vmem>>
      tpu.wait_dma2 semaphore(%run_scoped3A : memref<!tpu.dma_semaphore, #tpu.memory_space<semaphore_mem>>) src(%arg19 : memref<16384xi32, #tpu.memory_space<vmem_shared>>) dst(%dma_wait3A_63 : memref<16384xi32, #tpu.memory_space<vmem>>)
      tpu.yield
    }) : () -> ()
    %add3A_5 = arith.constant 16384 : i32
    %add3A_6 = vector.broadcast %add3A_5 : i32 to vector<16xi32>
    %add3A_7 = arith.addi %add3A_6, %iota3A : vector<16xi32>
    %broadcast_in_dim3A = arith.constant 65535 : i32
    %broadcast_in_dim3A_8 = vector.broadcast %broadcast_in_dim3A : i32 to vector<16xi32>
    %lt3A = arith.constant 2 : i32
    %lt3A_9 = vector.broadcast %lt3A : i32 to vector<16xi32>
    %lt3A_10 = arith.cmpi slt, %iota3A, %lt3A_9 : vector<16xi32>
    tpu.vector_store_idx %arg8[%add3A_7], %broadcast_in_dim3A_8 masked %lt3A_10 : memref<16386xi32, #tpu.memory_space<vmem>>[vector<16xi32>], vector<16xi32>, vector<16xi1>
    %mul3A_11 = arith.constant 25600 : i32
    %mul3A_12 = arith.muli %add3A, %mul3A_11 : i32
    %mul3A_13 = arith.constant 0 : i32
    %mul3A_14 = arith.constant 1024 : i32
    %mul3A_15 = arith.muli %mul3A_13, %mul3A_14 : i32
    %add3A_16 = arith.addi %mul3A_12, %mul3A_15 : i32
    "tpu.region"() ({
      %run_scoped3A = tpu.sem_alloc : memref<!tpu.dma_semaphore, #tpu.memory_space<semaphore_mem>>
      %dma_start3A_56 = tpu.memref_slice %arg2[%add3A_16] : memref<819200xi32, #tpu.memory_space<hbm>> -> memref<1024xi32, #tpu.memory_space<hbm>>
      %dma_start3A_57 = tpu.memref_slice %arg2[%add3A_16] : memref<819200xi32, #tpu.memory_space<hbm>> -> memref<1024xi32, #tpu.memory_space<hbm>>
      tpu.enqueue_dma source(%dma_start3A_57 : memref<1024xi32, #tpu.memory_space<hbm>>) target(%arg10 : memref<1024xi32, #tpu.memory_space<vmem>>) target_semaphore(%run_scoped3A : memref<!tpu.dma_semaphore, #tpu.memory_space<semaphore_mem>>)
      %dma_wait3A_58 = tpu.memref_slice %arg2[%add3A_16] : memref<819200xi32, #tpu.memory_space<hbm>> -> memref<1024xi32, #tpu.memory_space<hbm>>
      %dma_wait3A_59 = tpu.memref_slice %arg2[%add3A_16] : memref<819200xi32, #tpu.memory_space<hbm>> -> memref<1024xi32, #tpu.memory_space<hbm>>
      tpu.wait_dma2 semaphore(%run_scoped3A : memref<!tpu.dma_semaphore, #tpu.memory_space<semaphore_mem>>) src(%dma_wait3A_59 : memref<1024xi32, #tpu.memory_space<hbm>>) dst(%arg10 : memref<1024xi32, #tpu.memory_space<vmem>>)
      tpu.yield
    }) : () -> ()
    %broadcast_in_dim3A_17 = arith.constant 0 : i32
    %broadcast_in_dim3A_18 = vector.broadcast %broadcast_in_dim3A_17 : i32 to vector<16xi32>
    %parallel_loop3A_19 = arith.constant 0 : i32
    %parallel_loop3A_20 = arith.constant 64 : i32
    %parallel_loop3A_21 = arith.constant 1 : i32
    %parallel_loop3A_22 = scf.for %parallel_loop3A_56 = %parallel_loop3A_19 to %parallel_loop3A_20 step %parallel_loop3A_21 iter_args(%parallel_loop3A_57 = %broadcast_in_dim3A_18) -> (vector<16xi32>)  : i32 {
      %parallel_loop3A_58 = arith.constant 16 : i32
      %parallel_loop3A_59 = arith.muli %parallel_loop3A_56, %parallel_loop3A_58 : i32
      %parallel_loop3A_60 = vector.broadcast %parallel_loop3A_59 : i32 to vector<16xi32>
      %parallel_loop3A_61 = arith.addi %parallel_loop3A_60, %iota3A : vector<16xi32>
      %parallel_loop3A_62 = tpu.vector_load_idx %arg10[%parallel_loop3A_61] : memref<1024xi32, #tpu.memory_space<vmem>>[vector<16xi32>], vector<16xi32>,
      %parallel_loop3A_63 = arith.constant 17 : i32
      %parallel_loop3A_64 = vector.broadcast %parallel_loop3A_63 : i32 to vector<16xi32>
      %parallel_loop3A_65 = arith.shrsi %parallel_loop3A_62, %parallel_loop3A_64 : vector<16xi32>
      %parallel_loop3A_66 = tpu.vector_load_idx %arg8[%parallel_loop3A_65] : memref<16386xi32, #tpu.memory_space<vmem>>[vector<16xi32>], vector<16xi32>,
      %parallel_loop3A_67 = arith.constant 1 : i32
      %parallel_loop3A_68 = vector.broadcast %parallel_loop3A_67 : i32 to vector<16xi32>
      %parallel_loop3A_69 = arith.addi %parallel_loop3A_65, %parallel_loop3A_68 : vector<16xi32>
      %parallel_loop3A_70 = tpu.vector_load_idx %arg8[%parallel_loop3A_69] : memref<16386xi32, #tpu.memory_space<vmem>>[vector<16xi32>], vector<16xi32>,
      tpu.vector_store_idx %arg12[%parallel_loop3A_61], %parallel_loop3A_66 : memref<1024xi32, #tpu.memory_space<vmem>>[vector<16xi32>], vector<16xi32>,
      tpu.vector_store_idx %arg16[%parallel_loop3A_61], %parallel_loop3A_70 : memref<1024xi32, #tpu.memory_space<vmem>>[vector<16xi32>], vector<16xi32>,
      %parallel_loop3A_71 = arith.subi %parallel_loop3A_70, %parallel_loop3A_66 : vector<16xi32>
      %parallel_loop3A_72 = arith.maxsi %parallel_loop3A_57, %parallel_loop3A_71 : vector<16xi32>
      scf.yield %parallel_loop3A_72 : vector<16xi32>
    } {sc.loop_unroll_factor = 1 : i64, sc.parallel_access}
    %reduce_max3A = arith.constant true
    %reduce_max3A_23 = vector.broadcast %reduce_max3A : i1 to vector<16xi1>
    %reduce_max3A_24 = arith.constant -2147483648 : i32
    %reduce_max3A_25 = vector.broadcast %reduce_max3A_24 : i32 to vector<16xi32>
    %reduce_max3A_26 = arith.xori %parallel_loop3A_22, %reduce_max3A_25 : vector<16xi32>
    %reduce_max3A_27 = tpu.scan <max>, %reduce_max3A_26 masked %reduce_max3A_23 : vector<16xi32>, vector<16xi1> -> vector<16xi32>
    %reduce_max3A_28 = arith.xori %reduce_max3A_27, %reduce_max3A_25 : vector<16xi32>
    %reduce_max3A_29 = vector.extract %reduce_max3A_28[15] : i32 from vector<16xi32>
    %while3A = scf.while (%while3A_56 = %reduce_max3A_29) : (i32) -> i32 {
      %gt3A = arith.constant 0 : i32
      %gt3A_57 = arith.cmpi sgt, %while3A_56, %gt3A : i32
      scf.condition(%gt3A_57) %while3A_56 : i32
    } do {
    ^bb0(%while3A_56: i32):
      %parallel_loop3A_57 = arith.constant 0 : i32
      %parallel_loop3A_58 = arith.constant 64 : i32
      %parallel_loop3A_59 = arith.constant 1 : i32
      scf.for %parallel_loop3A_61 = %parallel_loop3A_57 to %parallel_loop3A_58 step %parallel_loop3A_59  : i32 {
        %parallel_loop3A_62 = arith.constant 16 : i32
        %parallel_loop3A_63 = arith.muli %parallel_loop3A_61, %parallel_loop3A_62 : i32
        %parallel_loop3A_64 = vector.broadcast %parallel_loop3A_63 : i32 to vector<16xi32>
        %parallel_loop3A_65 = arith.addi %parallel_loop3A_64, %iota3A : vector<16xi32>
        %parallel_loop3A_66 = tpu.vector_load_idx %arg10[%parallel_loop3A_65] : memref<1024xi32, #tpu.memory_space<vmem>>[vector<16xi32>], vector<16xi32>,
        %parallel_loop3A_67 = tpu.vector_load_idx %arg12[%parallel_loop3A_65] : memref<1024xi32, #tpu.memory_space<vmem>>[vector<16xi32>], vector<16xi32>,
        %parallel_loop3A_68 = tpu.vector_load_idx %arg16[%parallel_loop3A_65] : memref<1024xi32, #tpu.memory_space<vmem>>[vector<16xi32>], vector<16xi32>,
        %parallel_loop3A_69 = arith.cmpi sgt, %parallel_loop3A_68, %parallel_loop3A_67 : vector<16xi32>
        %parallel_loop3A_70 = arith.addi %parallel_loop3A_67, %parallel_loop3A_68 : vector<16xi32>
        %parallel_loop3A_71 = arith.constant 1 : i32
        %parallel_loop3A_72 = vector.broadcast %parallel_loop3A_71 : i32 to vector<16xi32>
        %parallel_loop3A_73 = arith.shrsi %parallel_loop3A_70, %parallel_loop3A_72 : vector<16xi32>
        %parallel_loop3A_74 = tpu.vector_load_idx %arg7[%parallel_loop3A_73] : memref<65536xi32, #tpu.memory_space<vmem>>[vector<16xi32>], vector<16xi32>,
        %parallel_loop3A_75 = arith.cmpi slt, %parallel_loop3A_74, %parallel_loop3A_66 : vector<16xi32>
        %parallel_loop3A_76 = arith.andi %parallel_loop3A_69, %parallel_loop3A_75 : vector<16xi1>
        %parallel_loop3A_77 = arith.constant 1 : i32
        %parallel_loop3A_78 = vector.broadcast %parallel_loop3A_77 : i32 to vector<16xi32>
        %parallel_loop3A_79 = arith.addi %parallel_loop3A_73, %parallel_loop3A_78 : vector<16xi32>
        %parallel_loop3A_80 = arith.select %parallel_loop3A_76, %parallel_loop3A_79, %parallel_loop3A_67 : vector<16xi1>, vector<16xi32>
        tpu.vector_store_idx %arg12[%parallel_loop3A_65], %parallel_loop3A_80 : memref<1024xi32, #tpu.memory_space<vmem>>[vector<16xi32>], vector<16xi32>,
        %parallel_loop3A_81 = arith.constant dense<true> : vector<16xi1>
        %parallel_loop3A_82 = arith.xori %parallel_loop3A_75, %parallel_loop3A_81 : vector<16xi1>
        %parallel_loop3A_83 = arith.andi %parallel_loop3A_69, %parallel_loop3A_82 : vector<16xi1>
        %parallel_loop3A_84 = arith.select %parallel_loop3A_83, %parallel_loop3A_73, %parallel_loop3A_68 : vector<16xi1>, vector<16xi32>
        tpu.vector_store_idx %arg16[%parallel_loop3A_65], %parallel_loop3A_84 : memref<1024xi32, #tpu.memory_space<vmem>>[vector<16xi32>], vector<16xi32>,
      } {sc.loop_unroll_factor = 4 : i64, sc.parallel_access}
      %shift_right_arithmetic3A = arith.constant 1 : i32
      %shift_right_arithmetic3A_60 = arith.shrsi %while3A_56, %shift_right_arithmetic3A : i32
      scf.yield %shift_right_arithmetic3A_60 : i32
    }
    %parallel_loop3A_30 = arith.constant 0 : i32
    %parallel_loop3A_31 = arith.constant 64 : i32
    %parallel_loop3A_32 = arith.constant 1 : i32
    scf.for %parallel_loop3A_56 = %parallel_loop3A_30 to %parallel_loop3A_31 step %parallel_loop3A_32  : i32 {
      %parallel_loop3A_57 = arith.constant 16 : i32
      %parallel_loop3A_58 = arith.muli %parallel_loop3A_56, %parallel_loop3A_57 : i32
      %parallel_loop3A_59 = vector.broadcast %parallel_loop3A_58 : i32 to vector<16xi32>
      %parallel_loop3A_60 = arith.addi %parallel_loop3A_59, %iota3A : vector<16xi32>
      %parallel_loop3A_61 = tpu.vector_load_idx %arg12[%parallel_loop3A_60] : memref<1024xi32, #tpu.memory_space<vmem>>[vector<16xi32>], vector<16xi32>,
      %parallel_loop3A_62 = arith.constant 62499 : i32
      %parallel_loop3A_63 = vector.broadcast %parallel_loop3A_62 : i32 to vector<16xi32>
      %parallel_loop3A_64 = arith.minsi %parallel_loop3A_61, %parallel_loop3A_63 : vector<16xi32>
      tpu.vector_store_idx %arg14[%parallel_loop3A_60], %parallel_loop3A_64 : memref<1024xi32, #tpu.memory_space<vmem>>[vector<16xi32>], vector<16xi32>,
    } {sc.loop_unroll_factor = 4 : i64, sc.parallel_access}
    %dma_start3A = arith.constant 0 : i32
    %dma_start3A_33 = arith.constant 0 : i32
    %dma_start3A_34 = tpu.memref_slice %arg3[%dma_start3A, %dma_start3A_33] : memref<65536x16xi32, #tpu.memory_space<hbm>> -> memref<65536x16xi32, #tpu.memory_space<hbm>>
    tpu.enqueue_indirect_dma source(%dma_start3A_34 : memref<65536x16xi32, #tpu.memory_space<hbm>>) target(%arg17 : memref<1024x16xi32, #tpu.memory_space<vmem>>) offsets(%arg12 : memref<1024xi32, #tpu.memory_space<vmem>>) semaphore(%arg20 : memref<!tpu.dma_semaphore, #tpu.memory_space<semaphore_mem>>)
    %dma_start3A_35 = arith.constant 0 : i32
    %dma_start3A_36 = arith.constant 0 : i32
    %dma_start3A_37 = tpu.memref_slice %arg5[%dma_start3A_35, %dma_start3A_36] : memref<62500x16xi32, #tpu.memory_space<hbm>> -> memref<62500x16xi32, #tpu.memory_space<hbm>>
    tpu.enqueue_indirect_dma source(%dma_start3A_37 : memref<62500x16xi32, #tpu.memory_space<hbm>>) target(%arg18 : memref<1024x16xi32, #tpu.memory_space<vmem>>) offsets(%arg14 : memref<1024xi32, #tpu.memory_space<vmem>>) semaphore(%arg21 : memref<!tpu.dma_semaphore, #tpu.memory_space<semaphore_mem>>)
    %scan3A = arith.constant 0 : i32
    %scan3A_38 = arith.constant 12 : i32
    %scan3A_39 = arith.addi %scan3A, %scan3A_38 : i32
    %scan3A_40 = arith.constant 1 : i32
    scf.for %scan3A_56 = %scan3A to %scan3A_39 step %scan3A_40  : i32 {
      %mul3A_57 = arith.constant 1 : i32
      %mul3A_58 = arith.muli %scan3A_56, %mul3A_57 : i32
      %add3A_59 = arith.constant 0 : i32
      %add3A_60 = arith.addi %add3A_59, %mul3A_58 : i32
      %mul3A_61 = arith.constant 2 : i32
      %mul3A_62 = arith.muli %add3A_60, %mul3A_61 : i32
      %add3A_63 = arith.constant 1 : i32
      %add3A_64 = arith.addi %mul3A_62, %add3A_63 : i32
      %add3A_65 = arith.constant 1 : i32
      %add3A_66 = arith.addi %add3A_64, %add3A_65 : i32
      %mul3A_67 = arith.constant 25600 : i32
      %mul3A_68 = arith.muli %add3A, %mul3A_67 : i32
      %mul3A_69 = arith.constant 1024 : i32
      %mul3A_70 = arith.muli %add3A_64, %mul3A_69 : i32
      %add3A_71 = arith.addi %mul3A_68, %mul3A_70 : i32
      "tpu.region"() ({
        %run_scoped3A = tpu.sem_alloc : memref<!tpu.dma_semaphore, #tpu.memory_space<semaphore_mem>>
        %dma_start3A_155 = tpu.memref_slice %arg2[%add3A_71] : memref<819200xi32, #tpu.memory_space<hbm>> -> memref<1024xi32, #tpu.memory_space<hbm>>
        %dma_start3A_156 = tpu.memref_slice %arg2[%add3A_71] : memref<819200xi32, #tpu.memory_space<hbm>> -> memref<1024xi32, #tpu.memory_space<hbm>>
        tpu.enqueue_dma source(%dma_start3A_156 : memref<1024xi32, #tpu.memory_space<hbm>>) target(%arg11 : memref<1024xi32, #tpu.memory_space<vmem>>) target_semaphore(%run_scoped3A : memref<!tpu.dma_semaphore, #tpu.memory_space<semaphore_mem>>)
        %dma_wait3A_157 = tpu.memref_slice %arg2[%add3A_71] : memref<819200xi32, #tpu.memory_space<hbm>> -> memref<1024xi32, #tpu.memory_space<hbm>>
        %dma_wait3A_158 = tpu.memref_slice %arg2[%add3A_71] : memref<819200xi32, #tpu.memory_space<hbm>> -> memref<1024xi32, #tpu.memory_space<hbm>>
        tpu.wait_dma2 semaphore(%run_scoped3A : memref<!tpu.dma_semaphore, #tpu.memory_space<semaphore_mem>>) src(%dma_wait3A_158 : memref<1024xi32, #tpu.memory_space<hbm>>) dst(%arg11 : memref<1024xi32, #tpu.memory_space<vmem>>)
        tpu.yield
      }) : () -> ()
      %broadcast_in_dim3A_72 = arith.constant 0 : i32
      %broadcast_in_dim3A_73 = vector.broadcast %broadcast_in_dim3A_72 : i32 to vector<16xi32>
      %parallel_loop3A_74 = arith.constant 0 : i32
      %parallel_loop3A_75 = arith.constant 64 : i32
      %parallel_loop3A_76 = arith.constant 1 : i32
      %parallel_loop3A_77 = scf.for %parallel_loop3A_155 = %parallel_loop3A_74 to %parallel_loop3A_75 step %parallel_loop3A_76 iter_args(%parallel_loop3A_156 = %broadcast_in_dim3A_73) -> (vector<16xi32>)  : i32 {
        %parallel_loop3A_157 = arith.constant 16 : i32
        %parallel_loop3A_158 = arith.muli %parallel_loop3A_155, %parallel_loop3A_157 : i32
        %parallel_loop3A_159 = vector.broadcast %parallel_loop3A_158 : i32 to vector<16xi32>
        %parallel_loop3A_160 = arith.addi %parallel_loop3A_159, %iota3A : vector<16xi32>
        %parallel_loop3A_161 = tpu.vector_load_idx %arg11[%parallel_loop3A_160] : memref<1024xi32, #tpu.memory_space<vmem>>[vector<16xi32>], vector<16xi32>,
        %parallel_loop3A_162 = arith.constant 17 : i32
        %parallel_loop3A_163 = vector.broadcast %parallel_loop3A_162 : i32 to vector<16xi32>
        %parallel_loop3A_164 = arith.shrsi %parallel_loop3A_161, %parallel_loop3A_163 : vector<16xi32>
        %parallel_loop3A_165 = tpu.vector_load_idx %arg8[%parallel_loop3A_164] : memref<16386xi32, #tpu.memory_space<vmem>>[vector<16xi32>], vector<16xi32>,
        %parallel_loop3A_166 = arith.constant 1 : i32
        %parallel_loop3A_167 = vector.broadcast %parallel_loop3A_166 : i32 to vector<16xi32>
        %parallel_loop3A_168 = arith.addi %parallel_loop3A_164, %parallel_loop3A_167 : vector<16xi32>
        %parallel_loop3A_169 = tpu.vector_load_idx %arg8[%parallel_loop3A_168] : memref<16386xi32, #tpu.memory_space<vmem>>[vector<16xi32>], vector<16xi32>,
        tpu.vector_store_idx %arg13[%parallel_loop3A_160], %parallel_loop3A_165 : memref<1024xi32, #tpu.memory_space<vmem>>[vector<16xi32>], vector<16xi32>,
        tpu.vector_store_idx %arg16[%parallel_loop3A_160], %parallel_loop3A_169 : memref<1024xi32, #tpu.memory_space<vmem>>[vector<16xi32>], vector<16xi32>,
        %parallel_loop3A_170 = arith.subi %parallel_loop3A_169, %parallel_loop3A_165 : vector<16xi32>
        %parallel_loop3A_171 = arith.maxsi %parallel_loop3A_156, %parallel_loop3A_170 : vector<16xi32>
        scf.yield %parallel_loop3A_171 : vector<16xi32>
      } {sc.loop_unroll_factor = 1 : i64, sc.parallel_access}
      %reduce_max3A_78 = arith.constant true
      %reduce_max3A_79 = vector.broadcast %reduce_max3A_78 : i1 to vector<16xi1>
      %reduce_max3A_80 = arith.constant -2147483648 : i32
      %reduce_max3A_81 = vector.broadcast %reduce_max3A_80 : i32 to vector<16xi32>
      %reduce_max3A_82 = arith.xori %parallel_loop3A_77, %reduce_max3A_81 : vector<16xi32>
      %reduce_max3A_83 = tpu.scan <max>, %reduce_max3A_82 masked %reduce_max3A_79 : vector<16xi32>, vector<16xi1> -> vector<16xi32>
      %reduce_max3A_84 = arith.xori %reduce_max3A_83, %reduce_max3A_81 : vector<16xi32>
      %reduce_max3A_85 = vector.extract %reduce_max3A_84[15] : i32 from vector<16xi32>
      %while3A_86 = scf.while (%while3A_155 = %reduce_max3A_85) : (i32) -> i32 {
        %gt3A = arith.constant 0 : i32
        %gt3A_156 = arith.cmpi sgt, %while3A_155, %gt3A : i32
        scf.condition(%gt3A_156) %while3A_155 : i32
      } do {
      ^bb0(%while3A_155: i32):
        %parallel_loop3A_156 = arith.constant 0 : i32
        %parallel_loop3A_157 = arith.constant 64 : i32
        %parallel_loop3A_158 = arith.constant 1 : i32
        scf.for %parallel_loop3A_160 = %parallel_loop3A_156 to %parallel_loop3A_157 step %parallel_loop3A_158  : i32 {
          %parallel_loop3A_161 = arith.constant 16 : i32
          %parallel_loop3A_162 = arith.muli %parallel_loop3A_160, %parallel_loop3A_161 : i32
          %parallel_loop3A_163 = vector.broadcast %parallel_loop3A_162 : i32 to vector<16xi32>
          %parallel_loop3A_164 = arith.addi %parallel_loop3A_163, %iota3A : vector<16xi32>
          %parallel_loop3A_165 = tpu.vector_load_idx %arg11[%parallel_loop3A_164] : memref<1024xi32, #tpu.memory_space<vmem>>[vector<16xi32>], vector<16xi32>,
          %parallel_loop3A_166 = tpu.vector_load_idx %arg13[%parallel_loop3A_164] : memref<1024xi32, #tpu.memory_space<vmem>>[vector<16xi32>], vector<16xi32>,
          %parallel_loop3A_167 = tpu.vector_load_idx %arg16[%parallel_loop3A_164] : memref<1024xi32, #tpu.memory_space<vmem>>[vector<16xi32>], vector<16xi32>,
          %parallel_loop3A_168 = arith.cmpi sgt, %parallel_loop3A_167, %parallel_loop3A_166 : vector<16xi32>
          %parallel_loop3A_169 = arith.addi %parallel_loop3A_166, %parallel_loop3A_167 : vector<16xi32>
          %parallel_loop3A_170 = arith.constant 1 : i32
          %parallel_loop3A_171 = vector.broadcast %parallel_loop3A_170 : i32 to vector<16xi32>
          %parallel_loop3A_172 = arith.shrsi %parallel_loop3A_169, %parallel_loop3A_171 : vector<16xi32>
          %parallel_loop3A_173 = tpu.vector_load_idx %arg7[%parallel_loop3A_172] : memref<65536xi32, #tpu.memory_space<vmem>>[vector<16xi32>], vector<16xi32>,
          %parallel_loop3A_174 = arith.cmpi slt, %parallel_loop3A_173, %parallel_loop3A_165 : vector<16xi32>
          %parallel_loop3A_175 = arith.andi %parallel_loop3A_168, %parallel_loop3A_174 : vector<16xi1>
          %parallel_loop3A_176 = arith.constant 1 : i32
          %parallel_loop3A_177 = vector.broadcast %parallel_loop3A_176 : i32 to vector<16xi32>
          %parallel_loop3A_178 = arith.addi %parallel_loop3A_172, %parallel_loop3A_177 : vector<16xi32>
          %parallel_loop3A_179 = arith.select %parallel_loop3A_175, %parallel_loop3A_178, %parallel_loop3A_166 : vector<16xi1>, vector<16xi32>
          tpu.vector_store_idx %arg13[%parallel_loop3A_164], %parallel_loop3A_179 : memref<1024xi32, #tpu.memory_space<vmem>>[vector<16xi32>], vector<16xi32>,
          %parallel_loop3A_180 = arith.constant dense<true> : vector<16xi1>
          %parallel_loop3A_181 = arith.xori %parallel_loop3A_174, %parallel_loop3A_180 : vector<16xi1>
          %parallel_loop3A_182 = arith.andi %parallel_loop3A_168, %parallel_loop3A_181 : vector<16xi1>
          %parallel_loop3A_183 = arith.select %parallel_loop3A_182, %parallel_loop3A_172, %parallel_loop3A_167 : vector<16xi1>, vector<16xi32>
          tpu.vector_store_idx %arg16[%parallel_loop3A_164], %parallel_loop3A_183 : memref<1024xi32, #tpu.memory_space<vmem>>[vector<16xi32>], vector<16xi32>,
        } {sc.loop_unroll_factor = 4 : i64, sc.parallel_access}
        %shift_right_arithmetic3A = arith.constant 1 : i32
        %shift_right_arithmetic3A_159 = arith.shrsi %while3A_155, %shift_right_arithmetic3A : i32
        scf.yield %shift_right_arithmetic3A_159 : i32
      }
      %parallel_loop3A_87 = arith.constant 0 : i32
      %parallel_loop3A_88 = arith.constant 64 : i32
      %parallel_loop3A_89 = arith.constant 1 : i32
      scf.for %parallel_loop3A_155 = %parallel_loop3A_87 to %parallel_loop3A_88 step %parallel_loop3A_89  : i32 {
        %parallel_loop3A_156 = arith.constant 16 : i32
        %parallel_loop3A_157 = arith.muli %parallel_loop3A_155, %parallel_loop3A_156 : i32
        %parallel_loop3A_158 = vector.broadcast %parallel_loop3A_157 : i32 to vector<16xi32>
        %parallel_loop3A_159 = arith.addi %parallel_loop3A_158, %iota3A : vector<16xi32>
        %parallel_loop3A_160 = tpu.vector_load_idx %arg13[%parallel_loop3A_159] : memref<1024xi32, #tpu.memory_space<vmem>>[vector<16xi32>], vector<16xi32>,
        %parallel_loop3A_161 = arith.constant 62499 : i32
        %parallel_loop3A_162 = vector.broadcast %parallel_loop3A_161 : i32 to vector<16xi32>
        %parallel_loop3A_163 = arith.minsi %parallel_loop3A_160, %parallel_loop3A_162 : vector<16xi32>
        tpu.vector_store_idx %arg15[%parallel_loop3A_159], %parallel_loop3A_163 : memref<1024xi32, #tpu.memory_space<vmem>>[vector<16xi32>], vector<16xi32>,
      } {sc.loop_unroll_factor = 4 : i64, sc.parallel_access}
      %mul3A_90 = arith.constant 2 : i32
      %mul3A_91 = arith.muli %add3A_60, %mul3A_90 : i32
      %dma_wait3A_92 = arith.constant 0 : i32
      %dma_wait3A_93 = arith.constant 0 : i32
      %dma_wait3A_94 = tpu.memref_slice %arg3[%dma_wait3A_92, %dma_wait3A_93] : memref<65536x16xi32, #tpu.memory_space<hbm>> -> memref<65536x16xi32, #tpu.memory_space<hbm>>
      tpu.wait_indirect_dma semaphore(%arg20 : memref<!tpu.dma_semaphore, #tpu.memory_space<semaphore_mem>>) src(%dma_wait3A_94 : memref<65536x16xi32, #tpu.memory_space<hbm>>) dst(%arg17 : memref<1024x16xi32, #tpu.memory_space<vmem>>)
      %dma_wait3A_95 = arith.constant 0 : i32
      %dma_wait3A_96 = arith.constant 0 : i32
      %dma_wait3A_97 = tpu.memref_slice %arg5[%dma_wait3A_95, %dma_wait3A_96] : memref<62500x16xi32, #tpu.memory_space<hbm>> -> memref<62500x16xi32, #tpu.memory_space<hbm>>
      tpu.wait_indirect_dma semaphore(%arg21 : memref<!tpu.dma_semaphore, #tpu.memory_space<semaphore_mem>>) src(%dma_wait3A_97 : memref<62500x16xi32, #tpu.memory_space<hbm>>) dst(%arg18 : memref<1024x16xi32, #tpu.memory_space<vmem>>)
      %parallel_loop3A_98 = arith.constant 0 : i32
      %parallel_loop3A_99 = arith.constant 64 : i32
      %parallel_loop3A_100 = arith.constant 1 : i32
      scf.for %parallel_loop3A_155 = %parallel_loop3A_98 to %parallel_loop3A_99 step %parallel_loop3A_100  : i32 {
        %parallel_loop3A_156 = arith.constant 16 : i32
        %parallel_loop3A_157 = arith.muli %parallel_loop3A_155, %parallel_loop3A_156 : i32
        %parallel_loop3A_158 = vector.broadcast %parallel_loop3A_157 : i32 to vector<16xi32>
        %parallel_loop3A_159 = arith.addi %parallel_loop3A_158, %iota3A : vector<16xi32>
        %parallel_loop3A_160 = tpu.vector_load_idx %arg10[%parallel_loop3A_159] : memref<1024xi32, #tpu.memory_space<vmem>>[vector<16xi32>], vector<16xi32>,
        %parallel_loop3A_161 = tpu.vector_load_idx %arg12[%parallel_loop3A_159] : memref<1024xi32, #tpu.memory_space<vmem>>[vector<16xi32>], vector<16xi32>,
        %parallel_loop3A_162 = arith.constant 0 : i32
        %parallel_loop3A_163 = vector.broadcast %parallel_loop3A_162 : i32 to vector<16xi32>
        %parallel_loop3A_164 = arith.constant 7 : i32
        %parallel_loop3A_165 = vector.broadcast %parallel_loop3A_164 : i32 to vector<16xi32>
        %parallel_loop3A_166 = arith.addi %parallel_loop3A_163, %parallel_loop3A_165 : vector<16xi32>
        %parallel_loop3A_167 = tpu.vector_load_idx %arg17[%parallel_loop3A_159, %parallel_loop3A_166] : memref<1024x16xi32, #tpu.memory_space<vmem>>[vector<16xi32>, vector<16xi32>], vector<16xi32>,
        %parallel_loop3A_168 = arith.cmpi slt, %parallel_loop3A_167, %parallel_loop3A_160 : vector<16xi32>
        %parallel_loop3A_169 = arith.constant 8 : i32
        %parallel_loop3A_170 = arith.constant 0 : i32
        %parallel_loop3A_171 = vector.broadcast %parallel_loop3A_169 : i32 to vector<16xi32>
        %parallel_loop3A_172 = vector.broadcast %parallel_loop3A_170 : i32 to vector<16xi32>
        %parallel_loop3A_173 = arith.select %parallel_loop3A_168, %parallel_loop3A_171, %parallel_loop3A_172 : vector<16xi1>, vector<16xi32>
        %parallel_loop3A_174 = arith.addi %parallel_loop3A_163, %parallel_loop3A_173 : vector<16xi32>
        %parallel_loop3A_175 = arith.constant 3 : i32
        %parallel_loop3A_176 = vector.broadcast %parallel_loop3A_175 : i32 to vector<16xi32>
        %parallel_loop3A_177 = arith.addi %parallel_loop3A_174, %parallel_loop3A_176 : vector<16xi32>
        %parallel_loop3A_178 = tpu.vector_load_idx %arg17[%parallel_loop3A_159, %parallel_loop3A_177] : memref<1024x16xi32, #tpu.memory_space<vmem>>[vector<16xi32>, vector<16xi32>], vector<16xi32>,
        %parallel_loop3A_179 = arith.cmpi slt, %parallel_loop3A_178, %parallel_loop3A_160 : vector<16xi32>
        %parallel_loop3A_180 = arith.constant 4 : i32
        %parallel_loop3A_181 = arith.constant 0 : i32
        %parallel_loop3A_182 = vector.broadcast %parallel_loop3A_180 : i32 to vector<16xi32>
        %parallel_loop3A_183 = vector.broadcast %parallel_loop3A_181 : i32 to vector<16xi32>
        %parallel_loop3A_184 = arith.select %parallel_loop3A_179, %parallel_loop3A_182, %parallel_loop3A_183 : vector<16xi1>, vector<16xi32>
        %parallel_loop3A_185 = arith.addi %parallel_loop3A_174, %parallel_loop3A_184 : vector<16xi32>
        %parallel_loop3A_186 = arith.constant 1 : i32
        %parallel_loop3A_187 = vector.broadcast %parallel_loop3A_186 : i32 to vector<16xi32>
        %parallel_loop3A_188 = arith.addi %parallel_loop3A_185, %parallel_loop3A_187 : vector<16xi32>
        %parallel_loop3A_189 = tpu.vector_load_idx %arg17[%parallel_loop3A_159, %parallel_loop3A_188] : memref<1024x16xi32, #tpu.memory_space<vmem>>[vector<16xi32>, vector<16xi32>], vector<16xi32>,
        %parallel_loop3A_190 = arith.cmpi slt, %parallel_loop3A_189, %parallel_loop3A_160 : vector<16xi32>
        %parallel_loop3A_191 = arith.constant 2 : i32
        %parallel_loop3A_192 = arith.constant 0 : i32
        %parallel_loop3A_193 = vector.broadcast %parallel_loop3A_191 : i32 to vector<16xi32>
        %parallel_loop3A_194 = vector.broadcast %parallel_loop3A_192 : i32 to vector<16xi32>
        %parallel_loop3A_195 = arith.select %parallel_loop3A_190, %parallel_loop3A_193, %parallel_loop3A_194 : vector<16xi1>, vector<16xi32>
        %parallel_loop3A_196 = arith.addi %parallel_loop3A_185, %parallel_loop3A_195 : vector<16xi32>
        %parallel_loop3A_197 = arith.constant 0 : i32
        %parallel_loop3A_198 = vector.broadcast %parallel_loop3A_197 : i32 to vector<16xi32>
        %parallel_loop3A_199 = arith.addi %parallel_loop3A_196, %parallel_loop3A_198 : vector<16xi32>
        %parallel_loop3A_200 = tpu.vector_load_idx %arg17[%parallel_loop3A_159, %parallel_loop3A_199] : memref<1024x16xi32, #tpu.memory_space<vmem>>[vector<16xi32>, vector<16xi32>], vector<16xi32>,
        %parallel_loop3A_201 = arith.cmpi slt, %parallel_loop3A_200, %parallel_loop3A_160 : vector<16xi32>
        %parallel_loop3A_202 = arith.constant 1 : i32
        %parallel_loop3A_203 = arith.constant 0 : i32
        %parallel_loop3A_204 = vector.broadcast %parallel_loop3A_202 : i32 to vector<16xi32>
        %parallel_loop3A_205 = vector.broadcast %parallel_loop3A_203 : i32 to vector<16xi32>
        %parallel_loop3A_206 = arith.select %parallel_loop3A_201, %parallel_loop3A_204, %parallel_loop3A_205 : vector<16xi1>, vector<16xi32>
        %parallel_loop3A_207 = arith.addi %parallel_loop3A_196, %parallel_loop3A_206 : vector<16xi32>
        %parallel_loop3A_208 = tpu.vector_load_idx %arg17[%parallel_loop3A_159, %parallel_loop3A_207] : memref<1024x16xi32, #tpu.memory_space<vmem>>[vector<16xi32>, vector<16xi32>], vector<16xi32>,
        %parallel_loop3A_209 = arith.constant 16 : i32
        %parallel_loop3A_210 = vector.broadcast %parallel_loop3A_209 : i32 to vector<16xi32>
        %parallel_loop3A_211 = arith.muli %parallel_loop3A_161, %parallel_loop3A_210 : vector<16xi32>
        %parallel_loop3A_212 = arith.addi %parallel_loop3A_211, %parallel_loop3A_207 : vector<16xi32>
        %parallel_loop3A_213 = arith.constant 999999 : i32
        %parallel_loop3A_214 = vector.broadcast %parallel_loop3A_213 : i32 to vector<16xi32>
        %parallel_loop3A_215 = arith.minsi %parallel_loop3A_212, %parallel_loop3A_214 : vector<16xi32>
        %parallel_loop3A_216 = arith.constant 15 : i32
        %parallel_loop3A_217 = vector.broadcast %parallel_loop3A_216 : i32 to vector<16xi32>
        %parallel_loop3A_218 = arith.andi %parallel_loop3A_215, %parallel_loop3A_217 : vector<16xi32>
        %parallel_loop3A_219 = tpu.vector_load_idx %arg18[%parallel_loop3A_159, %parallel_loop3A_218] : memref<1024x16xi32, #tpu.memory_space<vmem>>[vector<16xi32>, vector<16xi32>], vector<16xi32>,
        %parallel_loop3A_220 = arith.cmpi eq, %parallel_loop3A_208, %parallel_loop3A_160 : vector<16xi32>
        %parallel_loop3A_221 = arith.constant 999999 : i32
        %parallel_loop3A_222 = vector.broadcast %parallel_loop3A_221 : i32 to vector<16xi32>
        %parallel_loop3A_223 = arith.select %parallel_loop3A_220, %parallel_loop3A_219, %parallel_loop3A_222 : vector<16xi1>, vector<16xi32>
        tpu.vector_store_idx %arg16[%parallel_loop3A_159], %parallel_loop3A_223 : memref<1024xi32, #tpu.memory_space<vmem>>[vector<16xi32>], vector<16xi32>,
      } {sc.loop_unroll_factor = 4 : i64, sc.parallel_access}
      %mul3A_101 = arith.constant 25600 : i32
      %mul3A_102 = arith.muli %add3A, %mul3A_101 : i32
      %mul3A_103 = arith.constant 1024 : i32
      %mul3A_104 = arith.muli %mul3A_91, %mul3A_103 : i32
      %add3A_105 = arith.addi %mul3A_102, %mul3A_104 : i32
      "tpu.region"() ({
        %run_scoped3A = tpu.sem_alloc : memref<!tpu.dma_semaphore, #tpu.memory_space<semaphore_mem>>
        %dma_start3A_155 = tpu.memref_slice %arg6[%add3A_105] : memref<819200xi32, #tpu.memory_space<hbm>> -> memref<1024xi32, #tpu.memory_space<hbm>>
        %dma_start3A_156 = tpu.memref_slice %arg6[%add3A_105] : memref<819200xi32, #tpu.memory_space<hbm>> -> memref<1024xi32, #tpu.memory_space<hbm>>
        tpu.enqueue_dma source(%arg16 : memref<1024xi32, #tpu.memory_space<vmem>>) target(%dma_start3A_156 : memref<1024xi32, #tpu.memory_space<hbm>>) target_semaphore(%run_scoped3A : memref<!tpu.dma_semaphore, #tpu.memory_space<semaphore_mem>>)
        %dma_wait3A_157 = tpu.memref_slice %arg6[%add3A_105] : memref<819200xi32, #tpu.memory_space<hbm>> -> memref<1024xi32, #tpu.memory_space<hbm>>
        %dma_wait3A_158 = tpu.memref_slice %arg6[%add3A_105] : memref<819200xi32, #tpu.memory_space<hbm>> -> memref<1024xi32, #tpu.memory_space<hbm>>
        tpu.wait_dma2 semaphore(%run_scoped3A : memref<!tpu.dma_semaphore, #tpu.memory_space<semaphore_mem>>) src(%arg16 : memref<1024xi32, #tpu.memory_space<vmem>>) dst(%dma_wait3A_158 : memref<1024xi32, #tpu.memory_space<hbm>>)
        tpu.yield
      }) : () -> ()
      %dma_start3A_106 = arith.constant 0 : i32
      %dma_start3A_107 = arith.constant 0 : i32
      %dma_start3A_108 = tpu.memref_slice %arg3[%dma_start3A_106, %dma_start3A_107] : memref<65536x16xi32, #tpu.memory_space<hbm>> -> memref<65536x16xi32, #tpu.memory_space<hbm>>
      tpu.enqueue_indirect_dma source(%dma_start3A_108 : memref<65536x16xi32, #tpu.memory_space<hbm>>) target(%arg17 : memref<1024x16xi32, #tpu.memory_space<vmem>>) offsets(%arg13 : memref<1024xi32, #tpu.memory_space<vmem>>) semaphore(%arg20 : memref<!tpu.dma_semaphore, #tpu.memory_space<semaphore_mem>>)
      %dma_start3A_109 = arith.constant 0 : i32
      %dma_start3A_110 = arith.constant 0 : i32
      %dma_start3A_111 = tpu.memref_slice %arg5[%dma_start3A_109, %dma_start3A_110] : memref<62500x16xi32, #tpu.memory_space<hbm>> -> memref<62500x16xi32, #tpu.memory_space<hbm>>
      tpu.enqueue_indirect_dma source(%dma_start3A_111 : memref<62500x16xi32, #tpu.memory_space<hbm>>) target(%arg18 : memref<1024x16xi32, #tpu.memory_space<vmem>>) offsets(%arg15 : memref<1024xi32, #tpu.memory_space<vmem>>) semaphore(%arg21 : memref<!tpu.dma_semaphore, #tpu.memory_space<semaphore_mem>>)
      %mul3A_112 = arith.constant 25600 : i32
      %mul3A_113 = arith.muli %add3A, %mul3A_112 : i32
      %mul3A_114 = arith.constant 1024 : i32
      %mul3A_115 = arith.muli %add3A_66, %mul3A_114 : i32
      %add3A_116 = arith.addi %mul3A_113, %mul3A_115 : i32
      "tpu.region"() ({
        %run_scoped3A = tpu.sem_alloc : memref<!tpu.dma_semaphore, #tpu.memory_space<semaphore_mem>>
        %dma_start3A_155 = tpu.memref_slice %arg2[%add3A_116] : memref<819200xi32, #tpu.memory_space<hbm>> -> memref<1024xi32, #tpu.memory_space<hbm>>
        %dma_start3A_156 = tpu.memref_slice %arg2[%add3A_116] : memref<819200xi32, #tpu.memory_space<hbm>> -> memref<1024xi32, #tpu.memory_space<hbm>>
        tpu.enqueue_dma source(%dma_start3A_156 : memref<1024xi32, #tpu.memory_space<hbm>>) target(%arg10 : memref<1024xi32, #tpu.memory_space<vmem>>) target_semaphore(%run_scoped3A : memref<!tpu.dma_semaphore, #tpu.memory_space<semaphore_mem>>)
        %dma_wait3A_157 = tpu.memref_slice %arg2[%add3A_116] : memref<819200xi32, #tpu.memory_space<hbm>> -> memref<1024xi32, #tpu.memory_space<hbm>>
        %dma_wait3A_158 = tpu.memref_slice %arg2[%add3A_116] : memref<819200xi32, #tpu.memory_space<hbm>> -> memref<1024xi32, #tpu.memory_space<hbm>>
        tpu.wait_dma2 semaphore(%run_scoped3A : memref<!tpu.dma_semaphore, #tpu.memory_space<semaphore_mem>>) src(%dma_wait3A_158 : memref<1024xi32, #tpu.memory_space<hbm>>) dst(%arg10 : memref<1024xi32, #tpu.memory_space<vmem>>)
        tpu.yield
      }) : () -> ()
      %broadcast_in_dim3A_117 = arith.constant 0 : i32
      %broadcast_in_dim3A_118 = vector.broadcast %broadcast_in_dim3A_117 : i32 to vector<16xi32>
      %parallel_loop3A_119 = arith.constant 0 : i32
      %parallel_loop3A_120 = arith.constant 64 : i32
      %parallel_loop3A_121 = arith.constant 1 : i32
      %parallel_loop3A_122 = scf.for %parallel_loop3A_155 = %parallel_loop3A_119 to %parallel_loop3A_120 step %parallel_loop3A_121 iter_args(%parallel_loop3A_156 = %broadcast_in_dim3A_118) -> (vector<16xi32>)  : i32 {
        %parallel_loop3A_157 = arith.constant 16 : i32
        %parallel_loop3A_158 = arith.muli %parallel_loop3A_155, %parallel_loop3A_157 : i32
        %parallel_loop3A_159 = vector.broadcast %parallel_loop3A_158 : i32 to vector<16xi32>
        %parallel_loop3A_160 = arith.addi %parallel_loop3A_159, %iota3A : vector<16xi32>
        %parallel_loop3A_161 = tpu.vector_load_idx %arg10[%parallel_loop3A_160] : memref<1024xi32, #tpu.memory_space<vmem>>[vector<16xi32>], vector<16xi32>,
        %parallel_loop3A_162 = arith.constant 17 : i32
        %parallel_loop3A_163 = vector.broadcast %parallel_loop3A_162 : i32 to vector<16xi32>
        %parallel_loop3A_164 = arith.shrsi %parallel_loop3A_161, %parallel_loop3A_163 : vector<16xi32>
        %parallel_loop3A_165 = tpu.vector_load_idx %arg8[%parallel_loop3A_164] : memref<16386xi32, #tpu.memory_space<vmem>>[vector<16xi32>], vector<16xi32>,
        %parallel_loop3A_166 = arith.constant 1 : i32
        %parallel_loop3A_167 = vector.broadcast %parallel_loop3A_166 : i32 to vector<16xi32>
        %parallel_loop3A_168 = arith.addi %parallel_loop3A_164, %parallel_loop3A_167 : vector<16xi32>
        %parallel_loop3A_169 = tpu.vector_load_idx %arg8[%parallel_loop3A_168] : memref<16386xi32, #tpu.memory_space<vmem>>[vector<16xi32>], vector<16xi32>,
        tpu.vector_store_idx %arg12[%parallel_loop3A_160], %parallel_loop3A_165 : memref<1024xi32, #tpu.memory_space<vmem>>[vector<16xi32>], vector<16xi32>,
        tpu.vector_store_idx %arg16[%parallel_loop3A_160], %parallel_loop3A_169 : memref<1024xi32, #tpu.memory_space<vmem>>[vector<16xi32>], vector<16xi32>,
        %parallel_loop3A_170 = arith.subi %parallel_loop3A_169, %parallel_loop3A_165 : vector<16xi32>
        %parallel_loop3A_171 = arith.maxsi %parallel_loop3A_156, %parallel_loop3A_170 : vector<16xi32>
        scf.yield %parallel_loop3A_171 : vector<16xi32>
      } {sc.loop_unroll_factor = 1 : i64, sc.parallel_access}
      %reduce_max3A_123 = arith.constant true
      %reduce_max3A_124 = vector.broadcast %reduce_max3A_123 : i1 to vector<16xi1>
      %reduce_max3A_125 = arith.constant -2147483648 : i32
      %reduce_max3A_126 = vector.broadcast %reduce_max3A_125 : i32 to vector<16xi32>
      %reduce_max3A_127 = arith.xori %parallel_loop3A_122, %reduce_max3A_126 : vector<16xi32>
      %reduce_max3A_128 = tpu.scan <max>, %reduce_max3A_127 masked %reduce_max3A_124 : vector<16xi32>, vector<16xi1> -> vector<16xi32>
      %reduce_max3A_129 = arith.xori %reduce_max3A_128, %reduce_max3A_126 : vector<16xi32>
      %reduce_max3A_130 = vector.extract %reduce_max3A_129[15] : i32 from vector<16xi32>
      %while3A_131 = scf.while (%while3A_155 = %reduce_max3A_130) : (i32) -> i32 {
        %gt3A = arith.constant 0 : i32
        %gt3A_156 = arith.cmpi sgt, %while3A_155, %gt3A : i32
        scf.condition(%gt3A_156) %while3A_155 : i32
      } do {
      ^bb0(%while3A_155: i32):
        %parallel_loop3A_156 = arith.constant 0 : i32
        %parallel_loop3A_157 = arith.constant 64 : i32
        %parallel_loop3A_158 = arith.constant 1 : i32
        scf.for %parallel_loop3A_160 = %parallel_loop3A_156 to %parallel_loop3A_157 step %parallel_loop3A_158  : i32 {
          %parallel_loop3A_161 = arith.constant 16 : i32
          %parallel_loop3A_162 = arith.muli %parallel_loop3A_160, %parallel_loop3A_161 : i32
          %parallel_loop3A_163 = vector.broadcast %parallel_loop3A_162 : i32 to vector<16xi32>
          %parallel_loop3A_164 = arith.addi %parallel_loop3A_163, %iota3A : vector<16xi32>
          %parallel_loop3A_165 = tpu.vector_load_idx %arg10[%parallel_loop3A_164] : memref<1024xi32, #tpu.memory_space<vmem>>[vector<16xi32>], vector<16xi32>,
          %parallel_loop3A_166 = tpu.vector_load_idx %arg12[%parallel_loop3A_164] : memref<1024xi32, #tpu.memory_space<vmem>>[vector<16xi32>], vector<16xi32>,
          %parallel_loop3A_167 = tpu.vector_load_idx %arg16[%parallel_loop3A_164] : memref<1024xi32, #tpu.memory_space<vmem>>[vector<16xi32>], vector<16xi32>,
          %parallel_loop3A_168 = arith.cmpi sgt, %parallel_loop3A_167, %parallel_loop3A_166 : vector<16xi32>
          %parallel_loop3A_169 = arith.addi %parallel_loop3A_166, %parallel_loop3A_167 : vector<16xi32>
          %parallel_loop3A_170 = arith.constant 1 : i32
          %parallel_loop3A_171 = vector.broadcast %parallel_loop3A_170 : i32 to vector<16xi32>
          %parallel_loop3A_172 = arith.shrsi %parallel_loop3A_169, %parallel_loop3A_171 : vector<16xi32>
          %parallel_loop3A_173 = tpu.vector_load_idx %arg7[%parallel_loop3A_172] : memref<65536xi32, #tpu.memory_space<vmem>>[vector<16xi32>], vector<16xi32>,
          %parallel_loop3A_174 = arith.cmpi slt, %parallel_loop3A_173, %parallel_loop3A_165 : vector<16xi32>
          %parallel_loop3A_175 = arith.andi %parallel_loop3A_168, %parallel_loop3A_174 : vector<16xi1>
          %parallel_loop3A_176 = arith.constant 1 : i32
          %parallel_loop3A_177 = vector.broadcast %parallel_loop3A_176 : i32 to vector<16xi32>
          %parallel_loop3A_178 = arith.addi %parallel_loop3A_172, %parallel_loop3A_177 : vector<16xi32>
          %parallel_loop3A_179 = arith.select %parallel_loop3A_175, %parallel_loop3A_178, %parallel_loop3A_166 : vector<16xi1>, vector<16xi32>
          tpu.vector_store_idx %arg12[%parallel_loop3A_164], %parallel_loop3A_179 : memref<1024xi32, #tpu.memory_space<vmem>>[vector<16xi32>], vector<16xi32>,
          %parallel_loop3A_180 = arith.constant dense<true> : vector<16xi1>
          %parallel_loop3A_181 = arith.xori %parallel_loop3A_174, %parallel_loop3A_180 : vector<16xi1>
          %parallel_loop3A_182 = arith.andi %parallel_loop3A_168, %parallel_loop3A_181 : vector<16xi1>
          %parallel_loop3A_183 = arith.select %parallel_loop3A_182, %parallel_loop3A_172, %parallel_loop3A_167 : vector<16xi1>, vector<16xi32>
          tpu.vector_store_idx %arg16[%parallel_loop3A_164], %parallel_loop3A_183 : memref<1024xi32, #tpu.memory_space<vmem>>[vector<16xi32>], vector<16xi32>,
        } {sc.loop_unroll_factor = 4 : i64, sc.parallel_access}
        %shift_right_arithmetic3A = arith.constant 1 : i32
        %shift_right_arithmetic3A_159 = arith.shrsi %while3A_155, %shift_right_arithmetic3A : i32
        scf.yield %shift_right_arithmetic3A_159 : i32
      }
      %parallel_loop3A_132 = arith.constant 0 : i32
      %parallel_loop3A_133 = arith.constant 64 : i32
      %parallel_loop3A_134 = arith.constant 1 : i32
      scf.for %parallel_loop3A_155 = %parallel_loop3A_132 to %parallel_loop3A_133 step %parallel_loop3A_134  : i32 {
        %parallel_loop3A_156 = arith.constant 16 : i32
        %parallel_loop3A_157 = arith.muli %parallel_loop3A_155, %parallel_loop3A_156 : i32
        %parallel_loop3A_158 = vector.broadcast %parallel_loop3A_157 : i32 to vector<16xi32>
        %parallel_loop3A_159 = arith.addi %parallel_loop3A_158, %iota3A : vector<16xi32>
        %parallel_loop3A_160 = tpu.vector_load_idx %arg12[%parallel_loop3A_159] : memref<1024xi32, #tpu.memory_space<vmem>>[vector<16xi32>], vector<16xi32>,
        %parallel_loop3A_161 = arith.constant 62499 : i32
        %parallel_loop3A_162 = vector.broadcast %parallel_loop3A_161 : i32 to vector<16xi32>
        %parallel_loop3A_163 = arith.minsi %parallel_loop3A_160, %parallel_loop3A_162 : vector<16xi32>
        tpu.vector_store_idx %arg14[%parallel_loop3A_159], %parallel_loop3A_163 : memref<1024xi32, #tpu.memory_space<vmem>>[vector<16xi32>], vector<16xi32>,
      } {sc.loop_unroll_factor = 4 : i64, sc.parallel_access}
      %dma_wait3A_135 = arith.constant 0 : i32
      %dma_wait3A_136 = arith.constant 0 : i32
      %dma_wait3A_137 = tpu.memref_slice %arg3[%dma_wait3A_135, %dma_wait3A_136] : memref<65536x16xi32, #tpu.memory_space<hbm>> -> memref<65536x16xi32, #tpu.memory_space<hbm>>
      tpu.wait_indirect_dma semaphore(%arg20 : memref<!tpu.dma_semaphore, #tpu.memory_space<semaphore_mem>>) src(%dma_wait3A_137 : memref<65536x16xi32, #tpu.memory_space<hbm>>) dst(%arg17 : memref<1024x16xi32, #tpu.memory_space<vmem>>)
      %dma_wait3A_138 = arith.constant 0 : i32
      %dma_wait3A_139 = arith.constant 0 : i32
      %dma_wait3A_140 = tpu.memref_slice %arg5[%dma_wait3A_138, %dma_wait3A_139] : memref<62500x16xi32, #tpu.memory_space<hbm>> -> memref<62500x16xi32, #tpu.memory_space<hbm>>
      tpu.wait_indirect_dma semaphore(%arg21 : memref<!tpu.dma_semaphore, #tpu.memory_space<semaphore_mem>>) src(%dma_wait3A_140 : memref<62500x16xi32, #tpu.memory_space<hbm>>) dst(%arg18 : memref<1024x16xi32, #tpu.memory_space<vmem>>)
      %parallel_loop3A_141 = arith.constant 0 : i32
      %parallel_loop3A_142 = arith.constant 64 : i32
      %parallel_loop3A_143 = arith.constant 1 : i32
      scf.for %parallel_loop3A_155 = %parallel_loop3A_141 to %parallel_loop3A_142 step %parallel_loop3A_143  : i32 {
        %parallel_loop3A_156 = arith.constant 16 : i32
        %parallel_loop3A_157 = arith.muli %parallel_loop3A_155, %parallel_loop3A_156 : i32
        %parallel_loop3A_158 = vector.broadcast %parallel_loop3A_157 : i32 to vector<16xi32>
        %parallel_loop3A_159 = arith.addi %parallel_loop3A_158, %iota3A : vector<16xi32>
        %parallel_loop3A_160 = tpu.vector_load_idx %arg11[%parallel_loop3A_159] : memref<1024xi32, #tpu.memory_space<vmem>>[vector<16xi32>], vector<16xi32>,
        %parallel_loop3A_161 = tpu.vector_load_idx %arg13[%parallel_loop3A_159] : memref<1024xi32, #tpu.memory_space<vmem>>[vector<16xi32>], vector<16xi32>,
        %parallel_loop3A_162 = arith.constant 0 : i32
        %parallel_loop3A_163 = vector.broadcast %parallel_loop3A_162 : i32 to vector<16xi32>
        %parallel_loop3A_164 = arith.constant 7 : i32
        %parallel_loop3A_165 = vector.broadcast %parallel_loop3A_164 : i32 to vector<16xi32>
        %parallel_loop3A_166 = arith.addi %parallel_loop3A_163, %parallel_loop3A_165 : vector<16xi32>
        %parallel_loop3A_167 = tpu.vector_load_idx %arg17[%parallel_loop3A_159, %parallel_loop3A_166] : memref<1024x16xi32, #tpu.memory_space<vmem>>[vector<16xi32>, vector<16xi32>], vector<16xi32>,
        %parallel_loop3A_168 = arith.cmpi slt, %parallel_loop3A_167, %parallel_loop3A_160 : vector<16xi32>
        %parallel_loop3A_169 = arith.constant 8 : i32
        %parallel_loop3A_170 = arith.constant 0 : i32
        %parallel_loop3A_171 = vector.broadcast %parallel_loop3A_169 : i32 to vector<16xi32>
        %parallel_loop3A_172 = vector.broadcast %parallel_loop3A_170 : i32 to vector<16xi32>
        %parallel_loop3A_173 = arith.select %parallel_loop3A_168, %parallel_loop3A_171, %parallel_loop3A_172 : vector<16xi1>, vector<16xi32>
        %parallel_loop3A_174 = arith.addi %parallel_loop3A_163, %parallel_loop3A_173 : vector<16xi32>
        %parallel_loop3A_175 = arith.constant 3 : i32
        %parallel_loop3A_176 = vector.broadcast %parallel_loop3A_175 : i32 to vector<16xi32>
        %parallel_loop3A_177 = arith.addi %parallel_loop3A_174, %parallel_loop3A_176 : vector<16xi32>
        %parallel_loop3A_178 = tpu.vector_load_idx %arg17[%parallel_loop3A_159, %parallel_loop3A_177] : memref<1024x16xi32, #tpu.memory_space<vmem>>[vector<16xi32>, vector<16xi32>], vector<16xi32>,
        %parallel_loop3A_179 = arith.cmpi slt, %parallel_loop3A_178, %parallel_loop3A_160 : vector<16xi32>
        %parallel_loop3A_180 = arith.constant 4 : i32
        %parallel_loop3A_181 = arith.constant 0 : i32
        %parallel_loop3A_182 = vector.broadcast %parallel_loop3A_180 : i32 to vector<16xi32>
        %parallel_loop3A_183 = vector.broadcast %parallel_loop3A_181 : i32 to vector<16xi32>
        %parallel_loop3A_184 = arith.select %parallel_loop3A_179, %parallel_loop3A_182, %parallel_loop3A_183 : vector<16xi1>, vector<16xi32>
        %parallel_loop3A_185 = arith.addi %parallel_loop3A_174, %parallel_loop3A_184 : vector<16xi32>
        %parallel_loop3A_186 = arith.constant 1 : i32
        %parallel_loop3A_187 = vector.broadcast %parallel_loop3A_186 : i32 to vector<16xi32>
        %parallel_loop3A_188 = arith.addi %parallel_loop3A_185, %parallel_loop3A_187 : vector<16xi32>
        %parallel_loop3A_189 = tpu.vector_load_idx %arg17[%parallel_loop3A_159, %parallel_loop3A_188] : memref<1024x16xi32, #tpu.memory_space<vmem>>[vector<16xi32>, vector<16xi32>], vector<16xi32>,
        %parallel_loop3A_190 = arith.cmpi slt, %parallel_loop3A_189, %parallel_loop3A_160 : vector<16xi32>
        %parallel_loop3A_191 = arith.constant 2 : i32
        %parallel_loop3A_192 = arith.constant 0 : i32
        %parallel_loop3A_193 = vector.broadcast %parallel_loop3A_191 : i32 to vector<16xi32>
        %parallel_loop3A_194 = vector.broadcast %parallel_loop3A_192 : i32 to vector<16xi32>
        %parallel_loop3A_195 = arith.select %parallel_loop3A_190, %parallel_loop3A_193, %parallel_loop3A_194 : vector<16xi1>, vector<16xi32>
        %parallel_loop3A_196 = arith.addi %parallel_loop3A_185, %parallel_loop3A_195 : vector<16xi32>
        %parallel_loop3A_197 = arith.constant 0 : i32
        %parallel_loop3A_198 = vector.broadcast %parallel_loop3A_197 : i32 to vector<16xi32>
        %parallel_loop3A_199 = arith.addi %parallel_loop3A_196, %parallel_loop3A_198 : vector<16xi32>
        %parallel_loop3A_200 = tpu.vector_load_idx %arg17[%parallel_loop3A_159, %parallel_loop3A_199] : memref<1024x16xi32, #tpu.memory_space<vmem>>[vector<16xi32>, vector<16xi32>], vector<16xi32>,
        %parallel_loop3A_201 = arith.cmpi slt, %parallel_loop3A_200, %parallel_loop3A_160 : vector<16xi32>
        %parallel_loop3A_202 = arith.constant 1 : i32
        %parallel_loop3A_203 = arith.constant 0 : i32
        %parallel_loop3A_204 = vector.broadcast %parallel_loop3A_202 : i32 to vector<16xi32>
        %parallel_loop3A_205 = vector.broadcast %parallel_loop3A_203 : i32 to vector<16xi32>
        %parallel_loop3A_206 = arith.select %parallel_loop3A_201, %parallel_loop3A_204, %parallel_loop3A_205 : vector<16xi1>, vector<16xi32>
        %parallel_loop3A_207 = arith.addi %parallel_loop3A_196, %parallel_loop3A_206 : vector<16xi32>
        %parallel_loop3A_208 = tpu.vector_load_idx %arg17[%parallel_loop3A_159, %parallel_loop3A_207] : memref<1024x16xi32, #tpu.memory_space<vmem>>[vector<16xi32>, vector<16xi32>], vector<16xi32>,
        %parallel_loop3A_209 = arith.constant 16 : i32
        %parallel_loop3A_210 = vector.broadcast %parallel_loop3A_209 : i32 to vector<16xi32>
        %parallel_loop3A_211 = arith.muli %parallel_loop3A_161, %parallel_loop3A_210 : vector<16xi32>
        %parallel_loop3A_212 = arith.addi %parallel_loop3A_211, %parallel_loop3A_207 : vector<16xi32>
        %parallel_loop3A_213 = arith.constant 999999 : i32
        %parallel_loop3A_214 = vector.broadcast %parallel_loop3A_213 : i32 to vector<16xi32>
        %parallel_loop3A_215 = arith.minsi %parallel_loop3A_212, %parallel_loop3A_214 : vector<16xi32>
        %parallel_loop3A_216 = arith.constant 15 : i32
        %parallel_loop3A_217 = vector.broadcast %parallel_loop3A_216 : i32 to vector<16xi32>
        %parallel_loop3A_218 = arith.andi %parallel_loop3A_215, %parallel_loop3A_217 : vector<16xi32>
        %parallel_loop3A_219 = tpu.vector_load_idx %arg18[%parallel_loop3A_159, %parallel_loop3A_218] : memref<1024x16xi32, #tpu.memory_space<vmem>>[vector<16xi32>, vector<16xi32>], vector<16xi32>,
        %parallel_loop3A_220 = arith.cmpi eq, %parallel_loop3A_208, %parallel_loop3A_160 : vector<16xi32>
        %parallel_loop3A_221 = arith.constant 999999 : i32
        %parallel_loop3A_222 = vector.broadcast %parallel_loop3A_221 : i32 to vector<16xi32>
        %parallel_loop3A_223 = arith.select %parallel_loop3A_220, %parallel_loop3A_219, %parallel_loop3A_222 : vector<16xi1>, vector<16xi32>
        tpu.vector_store_idx %arg16[%parallel_loop3A_159], %parallel_loop3A_223 : memref<1024xi32, #tpu.memory_space<vmem>>[vector<16xi32>], vector<16xi32>,
      } {sc.loop_unroll_factor = 4 : i64, sc.parallel_access}
      %mul3A_144 = arith.constant 25600 : i32
      %mul3A_145 = arith.muli %add3A, %mul3A_144 : i32
      %mul3A_146 = arith.constant 1024 : i32
      %mul3A_147 = arith.muli %add3A_64, %mul3A_146 : i32
      %add3A_148 = arith.addi %mul3A_145, %mul3A_147 : i32
      "tpu.region"() ({
        %run_scoped3A = tpu.sem_alloc : memref<!tpu.dma_semaphore, #tpu.memory_space<semaphore_mem>>
        %dma_start3A_155 = tpu.memref_slice %arg6[%add3A_148] : memref<819200xi32, #tpu.memory_space<hbm>> -> memref<1024xi32, #tpu.memory_space<hbm>>
        %dma_start3A_156 = tpu.memref_slice %arg6[%add3A_148] : memref<819200xi32, #tpu.memory_space<hbm>> -> memref<1024xi32, #tpu.memory_space<hbm>>
        tpu.enqueue_dma source(%arg16 : memref<1024xi32, #tpu.memory_space<vmem>>) target(%dma_start3A_156 : memref<1024xi32, #tpu.memory_space<hbm>>) target_semaphore(%run_scoped3A : memref<!tpu.dma_semaphore, #tpu.memory_space<semaphore_mem>>)
        %dma_wait3A_157 = tpu.memref_slice %arg6[%add3A_148] : memref<819200xi32, #tpu.memory_space<hbm>> -> memref<1024xi32, #tpu.memory_space<hbm>>
        %dma_wait3A_158 = tpu.memref_slice %arg6[%add3A_148] : memref<819200xi32, #tpu.memory_space<hbm>> -> memref<1024xi32, #tpu.memory_space<hbm>>
        tpu.wait_dma2 semaphore(%run_scoped3A : memref<!tpu.dma_semaphore, #tpu.memory_space<semaphore_mem>>) src(%arg16 : memref<1024xi32, #tpu.memory_space<vmem>>) dst(%dma_wait3A_158 : memref<1024xi32, #tpu.memory_space<hbm>>)
        tpu.yield
      }) : () -> ()
      %dma_start3A_149 = arith.constant 0 : i32
      %dma_start3A_150 = arith.constant 0 : i32
      %dma_start3A_151 = tpu.memref_slice %arg3[%dma_start3A_149, %dma_start3A_150] : memref<65536x16xi32, #tpu.memory_space<hbm>> -> memref<65536x16xi32, #tpu.memory_space<hbm>>
      tpu.enqueue_indirect_dma source(%dma_start3A_151 : memref<65536x16xi32, #tpu.memory_space<hbm>>) target(%arg17 : memref<1024x16xi32, #tpu.memory_space<vmem>>) offsets(%arg12 : memref<1024xi32, #tpu.memory_space<vmem>>) semaphore(%arg20 : memref<!tpu.dma_semaphore, #tpu.memory_space<semaphore_mem>>)
      %dma_start3A_152 = arith.constant 0 : i32
      %dma_start3A_153 = arith.constant 0 : i32
      %dma_start3A_154 = tpu.memref_slice %arg5[%dma_start3A_152, %dma_start3A_153] : memref<62500x16xi32, #tpu.memory_space<hbm>> -> memref<62500x16xi32, #tpu.memory_space<hbm>>
      tpu.enqueue_indirect_dma source(%dma_start3A_154 : memref<62500x16xi32, #tpu.memory_space<hbm>>) target(%arg18 : memref<1024x16xi32, #tpu.memory_space<vmem>>) offsets(%arg14 : memref<1024xi32, #tpu.memory_space<vmem>>) semaphore(%arg21 : memref<!tpu.dma_semaphore, #tpu.memory_space<semaphore_mem>>)
    }
    %scan3A_41 = arith.constant 12 : i32
    %dma_wait3A = arith.constant 0 : i32
    %dma_wait3A_42 = arith.constant 0 : i32
    %dma_wait3A_43 = tpu.memref_slice %arg3[%dma_wait3A, %dma_wait3A_42] : memref<65536x16xi32, #tpu.memory_space<hbm>> -> memref<65536x16xi32, #tpu.memory_space<hbm>>
    tpu.wait_indirect_dma semaphore(%arg20 : memref<!tpu.dma_semaphore, #tpu.memory_space<semaphore_mem>>) src(%dma_wait3A_43 : memref<65536x16xi32, #tpu.memory_space<hbm>>) dst(%arg17 : memref<1024x16xi32, #tpu.memory_space<vmem>>)
    %dma_wait3A_44 = arith.constant 0 : i32
    %dma_wait3A_45 = arith.constant 0 : i32
    %dma_wait3A_46 = tpu.memref_slice %arg5[%dma_wait3A_44, %dma_wait3A_45] : memref<62500x16xi32, #tpu.memory_space<hbm>> -> memref<62500x16xi32, #tpu.memory_space<hbm>>
    tpu.wait_indirect_dma semaphore(%arg21 : memref<!tpu.dma_semaphore, #tpu.memory_space<semaphore_mem>>) src(%dma_wait3A_46 : memref<62500x16xi32, #tpu.memory_space<hbm>>) dst(%arg18 : memref<1024x16xi32, #tpu.memory_space<vmem>>)
    %parallel_loop3A_47 = arith.constant 0 : i32
    %parallel_loop3A_48 = arith.constant 64 : i32
    %parallel_loop3A_49 = arith.constant 1 : i32
    scf.for %parallel_loop3A_56 = %parallel_loop3A_47 to %parallel_loop3A_48 step %parallel_loop3A_49  : i32 {
      %parallel_loop3A_57 = arith.constant 16 : i32
      %parallel_loop3A_58 = arith.muli %parallel_loop3A_56, %parallel_loop3A_57 : i32
      %parallel_loop3A_59 = vector.broadcast %parallel_loop3A_58 : i32 to vector<16xi32>
      %parallel_loop3A_60 = arith.addi %parallel_loop3A_59, %iota3A : vector<16xi32>
      %parallel_loop3A_61 = tpu.vector_load_idx %arg10[%parallel_loop3A_60] : memref<1024xi32, #tpu.memory_space<vmem>>[vector<16xi32>], vector<16xi32>,
      %parallel_loop3A_62 = tpu.vector_load_idx %arg12[%parallel_loop3A_60] : memref<1024xi32, #tpu.memory_space<vmem>>[vector<16xi32>], vector<16xi32>,
      %parallel_loop3A_63 = arith.constant 0 : i32
      %parallel_loop3A_64 = vector.broadcast %parallel_loop3A_63 : i32 to vector<16xi32>
      %parallel_loop3A_65 = arith.constant 7 : i32
      %parallel_loop3A_66 = vector.broadcast %parallel_loop3A_65 : i32 to vector<16xi32>
      %parallel_loop3A_67 = arith.addi %parallel_loop3A_64, %parallel_loop3A_66 : vector<16xi32>
      %parallel_loop3A_68 = tpu.vector_load_idx %arg17[%parallel_loop3A_60, %parallel_loop3A_67] : memref<1024x16xi32, #tpu.memory_space<vmem>>[vector<16xi32>, vector<16xi32>], vector<16xi32>,
      %parallel_loop3A_69 = arith.cmpi slt, %parallel_loop3A_68, %parallel_loop3A_61 : vector<16xi32>
      %parallel_loop3A_70 = arith.constant 8 : i32
      %parallel_loop3A_71 = arith.constant 0 : i32
      %parallel_loop3A_72 = vector.broadcast %parallel_loop3A_70 : i32 to vector<16xi32>
      %parallel_loop3A_73 = vector.broadcast %parallel_loop3A_71 : i32 to vector<16xi32>
      %parallel_loop3A_74 = arith.select %parallel_loop3A_69, %parallel_loop3A_72, %parallel_loop3A_73 : vector<16xi1>, vector<16xi32>
      %parallel_loop3A_75 = arith.addi %parallel_loop3A_64, %parallel_loop3A_74 : vector<16xi32>
      %parallel_loop3A_76 = arith.constant 3 : i32
      %parallel_loop3A_77 = vector.broadcast %parallel_loop3A_76 : i32 to vector<16xi32>
      %parallel_loop3A_78 = arith.addi %parallel_loop3A_75, %parallel_loop3A_77 : vector<16xi32>
      %parallel_loop3A_79 = tpu.vector_load_idx %arg17[%parallel_loop3A_60, %parallel_loop3A_78] : memref<1024x16xi32, #tpu.memory_space<vmem>>[vector<16xi32>, vector<16xi32>], vector<16xi32>,
      %parallel_loop3A_80 = arith.cmpi slt, %parallel_loop3A_79, %parallel_loop3A_61 : vector<16xi32>
      %parallel_loop3A_81 = arith.constant 4 : i32
      %parallel_loop3A_82 = arith.constant 0 : i32
      %parallel_loop3A_83 = vector.broadcast %parallel_loop3A_81 : i32 to vector<16xi32>
      %parallel_loop3A_84 = vector.broadcast %parallel_loop3A_82 : i32 to vector<16xi32>
      %parallel_loop3A_85 = arith.select %parallel_loop3A_80, %parallel_loop3A_83, %parallel_loop3A_84 : vector<16xi1>, vector<16xi32>
      %parallel_loop3A_86 = arith.addi %parallel_loop3A_75, %parallel_loop3A_85 : vector<16xi32>
      %parallel_loop3A_87 = arith.constant 1 : i32
      %parallel_loop3A_88 = vector.broadcast %parallel_loop3A_87 : i32 to vector<16xi32>
      %parallel_loop3A_89 = arith.addi %parallel_loop3A_86, %parallel_loop3A_88 : vector<16xi32>
      %parallel_loop3A_90 = tpu.vector_load_idx %arg17[%parallel_loop3A_60, %parallel_loop3A_89] : memref<1024x16xi32, #tpu.memory_space<vmem>>[vector<16xi32>, vector<16xi32>], vector<16xi32>,
      %parallel_loop3A_91 = arith.cmpi slt, %parallel_loop3A_90, %parallel_loop3A_61 : vector<16xi32>
      %parallel_loop3A_92 = arith.constant 2 : i32
      %parallel_loop3A_93 = arith.constant 0 : i32
      %parallel_loop3A_94 = vector.broadcast %parallel_loop3A_92 : i32 to vector<16xi32>
      %parallel_loop3A_95 = vector.broadcast %parallel_loop3A_93 : i32 to vector<16xi32>
      %parallel_loop3A_96 = arith.select %parallel_loop3A_91, %parallel_loop3A_94, %parallel_loop3A_95 : vector<16xi1>, vector<16xi32>
      %parallel_loop3A_97 = arith.addi %parallel_loop3A_86, %parallel_loop3A_96 : vector<16xi32>
      %parallel_loop3A_98 = arith.constant 0 : i32
      %parallel_loop3A_99 = vector.broadcast %parallel_loop3A_98 : i32 to vector<16xi32>
      %parallel_loop3A_100 = arith.addi %parallel_loop3A_97, %parallel_loop3A_99 : vector<16xi32>
      %parallel_loop3A_101 = tpu.vector_load_idx %arg17[%parallel_loop3A_60, %parallel_loop3A_100] : memref<1024x16xi32, #tpu.memory_space<vmem>>[vector<16xi32>, vector<16xi32>], vector<16xi32>,
      %parallel_loop3A_102 = arith.cmpi slt, %parallel_loop3A_101, %parallel_loop3A_61 : vector<16xi32>
      %parallel_loop3A_103 = arith.constant 1 : i32
      %parallel_loop3A_104 = arith.constant 0 : i32
      %parallel_loop3A_105 = vector.broadcast %parallel_loop3A_103 : i32 to vector<16xi32>
      %parallel_loop3A_106 = vector.broadcast %parallel_loop3A_104 : i32 to vector<16xi32>
      %parallel_loop3A_107 = arith.select %parallel_loop3A_102, %parallel_loop3A_105, %parallel_loop3A_106 : vector<16xi1>, vector<16xi32>
      %parallel_loop3A_108 = arith.addi %parallel_loop3A_97, %parallel_loop3A_107 : vector<16xi32>
      %parallel_loop3A_109 = tpu.vector_load_idx %arg17[%parallel_loop3A_60, %parallel_loop3A_108] : memref<1024x16xi32, #tpu.memory_space<vmem>>[vector<16xi32>, vector<16xi32>], vector<16xi32>,
      %parallel_loop3A_110 = arith.constant 16 : i32
      %parallel_loop3A_111 = vector.broadcast %parallel_loop3A_110 : i32 to vector<16xi32>
      %parallel_loop3A_112 = arith.muli %parallel_loop3A_62, %parallel_loop3A_111 : vector<16xi32>
      %parallel_loop3A_113 = arith.addi %parallel_loop3A_112, %parallel_loop3A_108 : vector<16xi32>
      %parallel_loop3A_114 = arith.constant 999999 : i32
      %parallel_loop3A_115 = vector.broadcast %parallel_loop3A_114 : i32 to vector<16xi32>
      %parallel_loop3A_116 = arith.minsi %parallel_loop3A_113, %parallel_loop3A_115 : vector<16xi32>
      %parallel_loop3A_117 = arith.constant 15 : i32
      %parallel_loop3A_118 = vector.broadcast %parallel_loop3A_117 : i32 to vector<16xi32>
      %parallel_loop3A_119 = arith.andi %parallel_loop3A_116, %parallel_loop3A_118 : vector<16xi32>
      %parallel_loop3A_120 = tpu.vector_load_idx %arg18[%parallel_loop3A_60, %parallel_loop3A_119] : memref<1024x16xi32, #tpu.memory_space<vmem>>[vector<16xi32>, vector<16xi32>], vector<16xi32>,
      %parallel_loop3A_121 = arith.cmpi eq, %parallel_loop3A_109, %parallel_loop3A_61 : vector<16xi32>
      %parallel_loop3A_122 = arith.constant 999999 : i32
      %parallel_loop3A_123 = vector.broadcast %parallel_loop3A_122 : i32 to vector<16xi32>
      %parallel_loop3A_124 = arith.select %parallel_loop3A_121, %parallel_loop3A_120, %parallel_loop3A_123 : vector<16xi1>, vector<16xi32>
      tpu.vector_store_idx %arg16[%parallel_loop3A_60], %parallel_loop3A_124 : memref<1024xi32, #tpu.memory_space<vmem>>[vector<16xi32>], vector<16xi32>,
    } {sc.loop_unroll_factor = 4 : i64, sc.parallel_access}
    %mul3A_50 = arith.constant 25600 : i32
    %mul3A_51 = arith.muli %add3A, %mul3A_50 : i32
    %mul3A_52 = arith.constant 24 : i32
    %mul3A_53 = arith.constant 1024 : i32
    %mul3A_54 = arith.muli %mul3A_52, %mul3A_53 : i32
    %add3A_55 = arith.addi %mul3A_51, %mul3A_54 : i32
    "tpu.region"() ({
      %run_scoped3A = tpu.sem_alloc : memref<!tpu.dma_semaphore, #tpu.memory_space<semaphore_mem>>
      %dma_start3A_56 = tpu.memref_slice %arg6[%add3A_55] : memref<819200xi32, #tpu.memory_space<hbm>> -> memref<1024xi32, #tpu.memory_space<hbm>>
      %dma_start3A_57 = tpu.memref_slice %arg6[%add3A_55] : memref<819200xi32, #tpu.memory_space<hbm>> -> memref<1024xi32, #tpu.memory_space<hbm>>
      tpu.enqueue_dma source(%arg16 : memref<1024xi32, #tpu.memory_space<vmem>>) target(%dma_start3A_57 : memref<1024xi32, #tpu.memory_space<hbm>>) target_semaphore(%run_scoped3A : memref<!tpu.dma_semaphore, #tpu.memory_space<semaphore_mem>>)
      %dma_wait3A_58 = tpu.memref_slice %arg6[%add3A_55] : memref<819200xi32, #tpu.memory_space<hbm>> -> memref<1024xi32, #tpu.memory_space<hbm>>
      %dma_wait3A_59 = tpu.memref_slice %arg6[%add3A_55] : memref<819200xi32, #tpu.memory_space<hbm>> -> memref<1024xi32, #tpu.memory_space<hbm>>
      tpu.wait_dma2 semaphore(%run_scoped3A : memref<!tpu.dma_semaphore, #tpu.memory_space<semaphore_mem>>) src(%arg16 : memref<1024xi32, #tpu.memory_space<vmem>>) dst(%dma_wait3A_59 : memref<1024xi32, #tpu.memory_space<hbm>>)
      tpu.yield
    }) : () -> ()
    return
  }
}

</mosaic_0001>

<sc_bundles>
// kernel: kernel.3.cloned.1.call-start
scs
__scs_entry_jumppad:
0x0: {  	(pc) =	sbr.rel $0x88, $3  }
0x1: {  	(tag) =	ssettag $0x0;
	lr =	simm.s32 $0x1  }
0x2: {  	[smem:$0x3F9E] =	sst lr;
	_ =	strace $0xD0000000  }
0x3: {  	_ = 	snop  }
0x4: {  	_ = 	snop  }
0x5: {  	_ = 	snop  }
0x6: {  	_ = 	snop  }
0x7: {  	_ = 	snop  }
__scs_overlays_trampoline_lowered:
0x8: {  	[smem:$0x3FAD] =	sst s0  }
0x9: {  	[smem:$0x3FAE] =	sst s1  }
0xa: {  	[smem:$0x3FAF] =	sst s2  }
0xb: {  	[smem:$0x3FB0] =	sst s3  }
0xc: {  	[smem:$0x3FB1] =	sst s4  }
0xd: {  	[smem:$0x3FB2] =	sst s5  }
0xe: {  	[smem:$0x3FB3] =	sst s6  }
0xf: {  	[smem:$0x3FB4] =	sst s7  }
0x10: {  	[smem:$0x3FB5] =	sst s8  }
0x11: {  	[smem:$0x3FB6] =	sst s9;
	s0 =	simm.s32 @!p0 $0x0  }
0x12: {  	s1 =	sld [smem:$0x3F9C];
	s0 =	simm.s32 @p0 $0x1  }
0x13: {  	[smem:$0x3FB7] =	sst s0;
	s0 =	simm.s32 @!p1 $0x0  }
0x14: {  	s2 =	sld [smem:$0x3F9B];
	s0 =	simm.s32 @p1 $0x1  }
0x15: {  	[smem:$0x3FB8] =	sst s0;
	s0 =	simm.s32 @!p2 $0x0  }
0x16: {  	s3 =	sld [smem:$0x3FDB];
	s0 =	simm.s32 @p2 $0x1  }
0x17: {  	s4 =	simm.s32 $0x1BF5;
	[smem:$0x3FBA] =	sst s0  }
0x18: {  	s0 =	sld [smem:$0x3F9D];
	_ =	swait.ge [sflag:s4], $0x0  }
0x19: {  	s7 =	sld [smem:$0x3F9E]  }
0x1a: {  	s8 =	sadd.s32 $0xFFFFE003, lr  }
0x1b: {  	s9 =	sadd.s32 $0xFFFFFEF7, lr;
	s5 =	simm.s32 $0xFFFFFFFF;
	p2 =	slt.u32 s8, $0xFFFFF086  }
0x1c: {  	p1 =	slt.u32 s9, $0xF7A;
	s5 =	simm.s32 @!p2 $0x0  }
0x1d: {  	s5 =	simm.s32 @p1 $0x1;
	p0 =	seq.s32 s7, s2  }
0x1e: {  	s7 =	smul.u32 @!p0 $0xF7A, s2;
	p2 =	seq.s32 @!p0 s5, $0x0  }
0x1f: {  	s9 =	smul.u32 $0xF7A, s1;
	s8 =	simm.s32 @!p0 $0x1BF5;
	p2 =	por !p2, p0  }
0x20: {  	[sflag:s8] =	ssyncset.s32 @!p0 $0xFFFFF086;
	s6 =	sadd.s32 @!p0 s3, s7;
	s7 =	simm.s32 @!p0 $0x108  }
0x21: {  	s3 =	sadd.s32 s3, s9;
	s6 =	sadd.s32 @!p0 $0x88, s6;
	s7 =	simm.s32 @p2 $0x1082  }
0x22: {  	[simem:s7], [sflag:s8] =	dma.local @!p0 [hbm:s6], $0xF7A  }
0x23: {  	s9 =	sor.u32 $0xD0000000, s2;
	s6 =	simm.s32 $0x108;
	_ =	swait.ge @!p0 [sflag:s8], $0x0  }
0x24: {  	s3 =	sadd.s32 $0x88, s3;
	s6 =	simm.s32 @!p1 $0x1082;
	[sflag:s4] =	ssyncset.s32 $0xFFFFF086  }
0x25: {  	[simem:s6], [sflag:s4] =	dma.local [hbm:s3], $0xF7A  }
0x26: {  	[smem:$0x3F9E] =	sst s1;
	(tag) =	ssettag s2;
	_ =	strace s9  }
0x27: {  	s1 =	sld [smem:$0x3FAE]  }
0x28: {  	s2 =	sld [smem:$0x3FAF]  }
0x29: {  	s4 =	sld [smem:$0x3FB1]  }
0x2a: {  	p0 =	seq.s32 s5, $0x0;
	s5 =	sld [smem:$0x3FB2]  }
0x2b: {  	s6 =	sld [smem:$0x3FB3]  }
0x2c: {  	s7 =	sld [smem:$0x3FB4]  }
0x2d: {  	s3 =	simm.s32 $0x108;
	s8 =	sld [smem:$0x3FB5]  }
0x2e: {  	s3 =	simm.s32 @!p0 $0x1082;
	s9 =	sld [smem:$0x3FB6]  }
0x2f: {  	lr =	sadd.s32 s0, s3;
	s0 =	sld [smem:$0x3FAD]  }
0x30: {  	s3 =	sld [smem:$0x3FB0]  }
0x31: {  	[smem:$0x3FB9] =	sst s10  }
0x32: {  	s10 =	sld [smem:$0x3FB7];
	_ =	sdelay $0x3  }
0x33: {  	p0 =	seq.s32 s10, $0x1;
	s10 =	sld [smem:$0x3FB9];
	_ =	sdelay $0x3  }
0x34: {  	[smem:$0x3FB9] =	sst s10  }
0x35: {  	s10 =	sld [smem:$0x3FB8];
	_ =	sdelay $0x3  }
0x36: {  	p1 =	seq.s32 s10, $0x1;
	s10 =	sld [smem:$0x3FB9];
	_ =	sdelay $0x3  }
0x37: {  	[smem:$0x3FB9] =	sst s10  }
0x38: {  	s10 =	sld [smem:$0x3FBA]  }
0x39: {  	_ = 	snop;
	(pc) =	sbr.ind lr, $3  }
0x3a: {  	_ = 	snop  }
0x3b: {  	_ = 	snop  }
0x3c: {  	p2 =	seq.s32 s10, $0x1;
	s10 =	sld [smem:$0x3FB9]  }
0x3d: {  	_ =	shalt  }
0x3e: {  	_ =	shalt  }
0x3f: {  	_ =	shalt  }
0x40: {  	_ =	shalt  }
0x41: {  	_ =	shalt  }
0x42: {  	_ =	shalt  }
0x43: {  	_ =	shalt  }
0x44: {  	_ =	shalt  }
0x45: {  	_ =	shalt  }
0x46: {  	_ =	shalt  }
0x47: {  	_ =	shalt  }
0x48: {  	_ =	shalt  }
0x49: {  	_ =	shalt  }
0x4a: {  	_ =	shalt  }
0x4b: {  	_ =	shalt  }
0x4c: {  	_ =	shalt  }
0x4d: {  	_ =	shalt  }
0x4e: {  	_ =	shalt  }
0x4f: {  	_ =	shalt  }
0x50: {  	_ =	shalt  }
0x51: {  	_ =	shalt  }
0x52: {  	_ =	shalt  }
0x53: {  	_ =	shalt  }
0x54: {  	_ =	shalt  }
0x55: {  	_ =	shalt  }
0x56: {  	_ =	shalt  }
0x57: {  	_ =	shalt  }
0x58: {  	_ =	shalt  }
0x59: {  	_ =	shalt  }
0x5a: {  	_ =	shalt  }
0x5b: {  	_ =	shalt  }
0x5c: {  	_ =	shalt  }
0x5d: {  	_ =	shalt  }
0x5e: {  	_ =	shalt  }
0x5f: {  	_ =	shalt  }
0x60: {  	_ =	shalt  }
0x61: {  	_ =	shalt  }
0x62: {  	_ =	shalt  }
0x63: {  	_ =	shalt  }
0x64: {  	_ =	shalt  }
0x65: {  	_ =	shalt  }
0x66: {  	_ =	shalt  }
0x67: {  	_ =	shalt  }
0x68: {  	_ =	shalt  }
0x69: {  	_ =	shalt  }
0x6a: {  	_ =	shalt  }
0x6b: {  	_ =	shalt  }
0x6c: {  	_ =	shalt  }
0x6d: {  	_ =	shalt  }
0x6e: {  	_ =	shalt  }
0x6f: {  	_ =	shalt  }
0x70: {  	_ =	shalt  }
0x71: {  	_ =	shalt  }
0x72: {  	_ =	shalt  }
0x73: {  	_ =	shalt  }
0x74: {  	_ =	shalt  }
0x75: {  	_ =	shalt  }
0x76: {  	_ =	shalt  }
0x77: {  	_ =	shalt  }
0x78: {  	_ =	shalt  }
0x79: {  	_ =	shalt  }
0x7a: {  	_ =	shalt  }
0x7b: {  	_ =	shalt  }
0x7c: {  	_ =	shalt  }
0x7d: {  	_ =	shalt  }
0x7e: {  	_ =	shalt  }
0x7f: {  	_ =	shalt  }
0x80: {  	_ =	shalt  }
0x81: {  	_ =	shalt  }
0x82: {  	_ =	shalt  }
0x83: {  	_ =	shalt  }
0x84: {  	_ =	shalt  }
0x85: {  	_ =	shalt  }
0x86: {  	_ =	shalt  }
0x87: {  	_ =	shalt  }
.Lfunc_end0:
.L_simem_size_0:
called_computation_lowered:
.L_overlay_start_0:
0x88: {  	s2 =	sld [smem:$0x3FD9]  }
0x89: {  	s3 =	sld [smem:$0x3FFE];
	_ =	sdelay $0x1  }
0x8a: {  	s1 =	srdreg.scid  }
0x8b: {  	s0 =	sand.u32 $0x1, s1  }
0x8c: {  	s17 =	sshll.u32 s0, $0xA;
	s2 =	sadd.s32 s3, s2  }
0x8d: {  	s2 =	sadd.s32 s2, s17  }
0x8e: {  	[smem:$0x3FC5] =	sst s2  }
0x8f: {  	_ = 	snop  }
0x90: {  	s2 =	sld [smem:$0x3FD0];
	(tm) =	ssettm $0x1  }
0x91: {  	s18 =	sld [smem:$0x3FFB];
	_ =	sdelay $0x3  }
0x92: {  	_ =	strace s18  }
0x93: {  	s3 =	sld [smem:$0x3FFC];
	_ =	sdelay $0x3  }
0x94: {  	_ =	strace s3  }
0x95: {  	s3 =	sld [smem:$0x3FFD];
	_ =	sdelay $0x3  }
0x96: {  	_ =	strace s3  }
0x97: {  	_ =	strace $0x8FFFFFFF  }
0x98: {  	s19 =	sld [smem:$0x3FDB];
	_ =	sdelay $0x1  }
0x99: {  	s4 =	simm.s32 $_scs_section_size  }
0x9a: {  	s5 =	simm.s32 $_size__tile_overlayer_lowered;
	s6 =	simm.s32 $_tile_overlayer_lowered  }
0x9b: {  	s22 =	simm.s32 $0x1BFF;
	s21 =	sshll.u32 s6, $0x1;
	s3 =	sadd.s32 s4, s19  }
0x9c: {  	s7 =	simm.s32 $0x0;
	s20 =	sshll.u32 s5, $0x1;
	s5 =	sadd.s32 s21, s3  }
0x9d: {  	[timem:s7], [sflag:s22] =	dma.local [hbm:s5], s20  }
0x9e: {  	_ =	swait.ge [sflag:s22], s20  }
0x9f: {  	s4 =	ssub.s32 $0x0, s20;
	[sflag:s22] =	ssyncset.done $0x0  }
0xa0: {  	[sflag:s22] =	ssyncadd.s32 s4;
	_ =	sdelay $0x1  }
0xa1: {  	s23 =	simm.s32 $0x1B8B  }
0xa2: {  	_ =	swait.ge [sflag:s23], $0x1  }
0xa3: {  	[sflag:s23] =	ssyncset.done $0x0  }
0xa4: {  	s25 =	simm.s32 $0x1B8E;
	s24 =	sld [smem:$0x3FFE];
	[sflag:s23] =	ssyncadd.s32 $0xFFFFFFFF  }
0xa5: {  	s26 =	simm.s32 $execute0_lowered;
	[smem:$0x3FD2] =	sst s25  }
0xa6: {  	s5 =	sshll.u32 s26, $0x1;
	_ =	strace $0x80000046;
	[dreg:$0x1] =	wrdreg $0xFFFFFFFF  }
0xa7: {  	s28 =	simm.s32 $_size_execute0_lowered;
	s3 =	sadd.s32 s3, s5;
	[dreg:$0x0] =	wrdreg $0x0  }
0xa8: {  	s5 =	sshll.u32 s28, $0x1;
	[dreg:$0x2] =	wrdreg s3  }
0xa9: {  	[dreg:$0x3] =	wrdreg s5  }
0xaa: {  	[dreg:$0x4] =	wrdreg $0xC0  }
0xab: {  	_ =	task [dreg:s7], $0x5FFFF  }
0xac: {  	[dreg:$0x1] =	wrdreg $0xFFFFFFFF  }
0xad: {  	[dreg:$0x0] =	wrdreg $0x60  }
0xae: {  	[dreg:$0x2] =	wrdreg s24  }
0xaf: {  	[dreg:$0x3] =	wrdreg s2  }
0xb0: {  	[dreg:$0x4] =	wrdreg $0x1E0080  }
0xb1: {  	[dreg:$0x5] =	wrdreg $0x9  }
0xb2: {  	_ =	task.clear_ibuf [dreg:s7], $0x6FFFF;
	_ =	strace $0x90000046  }
0xb3: {  	s29 =	simm.s32 $0x9;
	_ =	strace $0x80000048  }
0xb4: {  	_ =	swait.ge [sflag:s29], $0x1  }
0xb5: {  	[sflag:s29] =	ssyncadd.s32 $0xFFFFFFFF  }
0xb6: {  	_ =	strace $0x90000048  }
0xb7: {  	_ =	sfence  }
0xb8: {  	s30 =	sld [smem:$0x0];
	_ =	sdelay $0x2  }
0xb9: {  	s31 =	sshll.u32 s1, $0xD;
	s1 =	sshrl.u32 s1, $0x2  }
0xba: {  	s3 =	sand.u32 $0x4000, s31;
	s1 =	sadd.s32 s1, s30  }
0xbb: {  	s0 =	sor.u32 s3, s0;
	s1 =	sshll.u32 s1, $0x11  }
0xbc: {  	s0 =	sor.u32 s1, s0  }
0xbd: {  	s0 =	sadd.s32 $0x8F2B, s0  }
0xbe: {  	[sflag:s0] =	ssyncadd.remote.s32 $0x1  }
0xbf: {  	_ =	sfence.sel $0xFFFF  }
0xc0: {  	[dreg:$0x0] =	wrdreg $0xFFFFFFFF;
	(pc) =	sbr.abs _section_cstart, $3  }
0xc1: {  	[dreg:$0x1] =	wrdreg $0xFFFFFFFF  }
0xc2: {  	_ =	task.clear_ibuf [dreg:s7], $0x2FFFF;
	_ =	strace $0x9FFFFFFF  }
0xc3: {  	(tm) =	ssettm $0x7FFFFFFF  }
tec
execute0_lowered:
.L_overlay_start_1:
0x0: {  	(tag) =	ssettag $0x1  }
0x1: {  	s0 =	rddreg [dreg:$0x0]  }
0x2: {  	s1 =	rddreg [dreg:$0x1]  }
0x3: {  	s10 =	rddreg [dreg:$0x2]  }
0x4: {  	s2 =	srdreg.scid;
	s4 =	simm.s32 $0x0;
	s6 =	stileid.u32  }
0x5: {  	s16 =	simm.s32 $0x3;
	s17 =	simm.s32 $0x14008;
	s18 =	simm.s32 $0x10000  }
0x6: {  	s19 =	simm.s32 $0x14408;
	s20 =	simm.s32 $0x14C08;
	s28 =	simm.s32 $0x15008  }
0x7: {  	s29 =	simm.s32 $0x15808;
	s30 =	simm.s32 $0x1;
	s2 =	sand.u32 $0x1, s2  }
0x8: {  	[smem:$0x7FF] =	sst s4;
	s5 =	sadd.s32 $0x1EE00, s0;
	s7 =	sadd.s32 $0x100400, s0  }
0x9: {  	s8 =	sadd.s32 $0x400, s0;
	s9 =	sadd.s32 $0x37E00, s0;
	s15 =	sshll.u32 s6, $0xA  }
0xa: {  	s3 =	sshll.u32 s2, $0x4;
	_ =	strace $0x80000047;
	s14 =	ssub.s32 $0x2, s2  }
0xb: {  	[dreg:$0x4] =	wrdreg s7;
	s3 =	sor.u32 s6, s3;
	s2 =	sshrl.u32 s14, $0x1  }
0xc: {  	s22 =	sadd.s32 s15, s10;
	s7 =	smul.u32 $0x6400, s3;
	s0 =	ssub.s32 s14, s2  }
0xd: {  	v0 =	vlaneseq.u32;
	s31 =	simm.s32 $0x2;
	[dreg:$0x5] =	wrdreg s22;
	s0 =	smax.u32 s0, $0x1  }
0xe: {  	v61 =	vor.u32 $0xFFFFFFE8, v0;
	s22 =	simm.s32 $0x15408;
	s24 =	sadd.s32 $0x400, s7;
	[dreg:$0xa] =	wrdreg s0  }
0xf: {  	v7 =	vimm.s32 $0x7FFF;
	v62 =	vor.u32 $0xFFFFFFF8, v0;
	[tilespmem:$0x1FFC0] =	vst v61;
	s21 =	sshrl.u32 s7, $0x3;
	s25 =	sadd.s32 $0x800, s7;
	[dreg:$0x7] =	wrdreg s24  }
0x10: {  	v60 =	vor.u32 $0xFFFFFFD8, v0;
	[tilespmem:$0x1FFD0] =	vst v62;
	s23 =	sadd.s32 s5, s21;
	[dreg:$0x8] =	wrdreg s25;
	s26 =	sadd.s32 s9, s21  }
0x11: {  	v63 =	vor.u32 $0xFFFFFFC8, v0;
	[tilespmem:$0x1FFE0] =	vst v60;
	s21 =	simm.s32 $0x15C08;
	s24 =	simm.s32 $0x16008;
	s25 =	simm.s32 $0x1A008  }
0x12: {  	v3 =	vor.u32 s15, v0;
	[tilespmem:$0x1FFF0] =	vst v63;
	[dreg:$0x6] =	wrdreg s23;
	s2 =	sadd.s32 $0xC00, s26;
	s23 =	simm.s32 $0x400  }
0x13: {  	v59 =	vimm.s32 $0x0;
	[tilespmem:$0x1FFB0] =	vst v3;
	s26 =	simm.s32 $0x14808;
	[dreg:$0x9] =	wrdreg s2;
	s2 =	simm.s32 $0x0  }
.LBB2_1:
0x14: {  	[dreg:$0xb] =	wrdreg s2  }
0x15: {  	s0 =	rddreg [dreg:$0x4]  }
0x16: {  	[tilespmem:s4], [sflag:$0x3] =	stream.linear.gather [hbm4b:s0+s4], $0x10000, $0x38;
	[tilespmem:$0x1E408] =	vst v63  }
0x17: {  	_ =	swait.ge [sflag:s16], $0x10000  }
0x18: {  	[sflag:s16] =	ssyncset.done $0x0  }
0x19: {  	[sflag:s16] =	ssyncadd.s32 $0xFFFF0000  }
0x1a: {  	v1 =	vld.idx.msk [tilespmem:v7+s4+$0x0], $0xffff;
	_ =	sdelay $0x1  }
0x1b: {  	s3 =	simm.s32 $0x30  }
0x1c: {  	v2 =	vor.u32 s3, v3  }
0x1d: {  	v21 =	vshll.u32 v2, $0x11  }
0x1e: {  	vm0 =	vlt.s32 v1, v21  }
0x1f: {  	v2 =	vsel vm0, $0x8000, v59  }
0x20: {  	v4 =	vor.u32 $0x3FFF, v2;
	_ =	sdelay $0x4  }
0x21: {  	v4 =	vld.idx.msk [tilespmem:v4+s4+$0x0], $0xffff;
	_ =	sdelay $0x1  }
0x22: {  	s10 =	simm.s32 $0x0  }
0x23: {  	v5 =	vor.u32 s10, v3  }
0x24: {  	s0 =	simm.s32 $0x10;
	v32 =	vshll.u32 v5, $0x11  }
0x25: {  	v5 =	vor.u32 s0, v3;
	vm0 =	vlt.s32 v1, v32;
	vm1 =	vlt.s32 v4, v21  }
0x26: {  	v31 =	vshll.u32 v5, $0x11;
	v4 =	vsel vm0, $0x8000, v59;
	v5 =	vsel vm1, $0x4000, v59  }
0x27: {  	vm0 =	vlt.s32 v1, v31;
	v6 =	vor.u32 $0x3FFF, v4;
	v2 =	vor.u32 v2, v5  }
0x28: {  	s11 =	simm.s32 $0x20;
	v5 =	vsel vm0, $0x8000, v59;
	v8 =	vor.u32 $0x1FFF, v2  }
0x29: {  	v9 =	vor.u32 s11, v3;
	v10 =	vor.u32 $0x3FFF, v5  }
0x2a: {  	v30 =	vshll.u32 v9, $0x11  }
0x2b: {  	vm0 =	vlt.s32 v1, v30  }
0x2c: {  	v1 =	vsel vm0, $0x8000, v59;
	v6 =	vld.idx.msk [tilespmem:v6+s4+$0x0], $0xffff  }
0x2d: {  	v9 =	vor.u32 $0x3FFF, v1;
	v8 =	vld.idx.msk [tilespmem:v8+s4+$0x0], $0xffff  }
0x2e: {  	v10 =	vld.idx.msk [tilespmem:v10+s4+$0x0], $0xffff;
	_ =	sdelay $0x2  }
0x2f: {  	vm0 =	vlt.s32 v6, v32  }
0x30: {  	v6 =	vld.idx.msk [tilespmem:v9+s4+$0x0], $0xffff;
	v9 =	vsel vm0, $0x4000, v59;
	vm0 =	vlt.s32 v8, v21  }
0x31: {  	vm1 =	vlt.s32 v10, v31;
	v4 =	vor.u32 v4, v9;
	v8 =	vsel vm0, $0x2000, v59  }
0x32: {  	v9 =	vsel vm1, $0x4000, v59;
	v10 =	vor.u32 $0x1FFF, v4;
	v2 =	vor.u32 v8, v2  }
0x33: {  	v5 =	vor.u32 v5, v9;
	v8 =	vor.u32 $0xFFF, v2  }
0x34: {  	v9 =	vor.u32 $0x1FFF, v5  }
0x35: {  	vm0 =	vlt.s32 v6, v30  }
0x36: {  	v6 =	vsel vm0, $0x4000, v59  }
0x37: {  	v1 =	vor.u32 v1, v6;
	v6 =	vld.idx.msk [tilespmem:v10+s4+$0x0], $0xffff  }
0x38: {  	v10 =	vor.u32 $0x1FFF, v1;
	v8 =	vld.idx.msk [tilespmem:v8+s4+$0x0], $0xffff  }
0x39: {  	v9 =	vld.idx.msk [tilespmem:v9+s4+$0x0], $0xffff;
	_ =	sdelay $0x2  }
0x3a: {  	vm0 =	vlt.s32 v6, v32  }
0x3b: {  	v6 =	vld.idx.msk [tilespmem:v10+s4+$0x0], $0xffff;
	v10 =	vsel vm0, $0x2000, v59;
	vm0 =	vlt.s32 v8, v21  }
0x3c: {  	vm1 =	vlt.s32 v9, v31;
	v4 =	vor.u32 v10, v4;
	v8 =	vsel vm0, $0x1000, v59  }
0x3d: {  	v9 =	vsel vm1, $0x2000, v59;
	v10 =	vor.u32 $0xFFF, v4;
	v2 =	vor.u32 v8, v2  }
0x3e: {  	v5 =	vor.u32 v9, v5;
	v8 =	vor.u32 $0x7FF, v2  }
0x3f: {  	v9 =	vor.u32 $0xFFF, v5  }
0x40: {  	vm0 =	vlt.s32 v6, v30  }
0x41: {  	v6 =	vsel vm0, $0x2000, v59  }
0x42: {  	v1 =	vor.u32 v6, v1;
	v6 =	vld.idx.msk [tilespmem:v10+s4+$0x0], $0xffff  }
0x43: {  	v10 =	vor.u32 $0xFFF, v1;
	v8 =	vld.idx.msk [tilespmem:v8+s4+$0x0], $0xffff  }
0x44: {  	v9 =	vld.idx.msk [tilespmem:v9+s4+$0x0], $0xffff;
	_ =	sdelay $0x2  }
0x45: {  	vm0 =	vlt.s32 v6, v32  }
0x46: {  	v6 =	vld.idx.msk [tilespmem:v10+s4+$0x0], $0xffff;
	v10 =	vsel vm0, $0x1000, v59;
	vm0 =	vlt.s32 v8, v21  }
0x47: {  	vm1 =	vlt.s32 v9, v31;
	v4 =	vor.u32 v10, v4;
	v8 =	vsel vm0, $0x800, v59  }
0x48: {  	v9 =	vsel vm1, $0x1000, v59;
	v10 =	vor.u32 $0x7FF, v4;
	v2 =	vor.u32 v8, v2  }
0x49: {  	v5 =	vor.u32 v9, v5;
	v8 =	vor.u32 $0x3FF, v2  }
0x4a: {  	v9 =	vor.u32 $0x7FF, v5  }
0x4b: {  	vm0 =	vlt.s32 v6, v30  }
0x4c: {  	v6 =	vsel vm0, $0x1000, v59  }
0x4d: {  	v1 =	vor.u32 v6, v1;
	v6 =	vld.idx.msk [tilespmem:v10+s4+$0x0], $0xffff  }
0x4e: {  	v10 =	vor.u32 $0x7FF, v1;
	v8 =	vld.idx.msk [tilespmem:v8+s4+$0x0], $0xffff  }
0x4f: {  	v9 =	vld.idx.msk [tilespmem:v9+s4+$0x0], $0xffff;
	_ =	sdelay $0x2  }
0x50: {  	vm0 =	vlt.s32 v6, v32  }
0x51: {  	v6 =	vld.idx.msk [tilespmem:v10+s4+$0x0], $0xffff;
	v10 =	vsel vm0, $0x800, v59;
	vm0 =	vlt.s32 v8, v21  }
0x52: {  	vm1 =	vlt.s32 v9, v31;
	v4 =	vor.u32 v10, v4;
	v8 =	vsel vm0, $0x400, v59  }
0x53: {  	v9 =	vsel vm1, $0x800, v59;
	v10 =	vor.u32 $0x3FF, v4;
	v2 =	vor.u32 v8, v2  }
0x54: {  	v5 =	vor.u32 v9, v5;
	v8 =	vor.u32 $0x1FF, v2  }
0x55: {  	v9 =	vor.u32 $0x3FF, v5  }
0x56: {  	vm0 =	vlt.s32 v6, v30  }
0x57: {  	v6 =	vsel vm0, $0x800, v59  }
0x58: {  	v1 =	vor.u32 v6, v1;
	v6 =	vld.idx.msk [tilespmem:v10+s4+$0x0], $0xffff  }
0x59: {  	v10 =	vor.u32 $0x3FF, v1;
	v8 =	vld.idx.msk [tilespmem:v8+s4+$0x0], $0xffff  }
0x5a: {  	v9 =	vld.idx.msk [tilespmem:v9+s4+$0x0], $0xffff;
	_ =	sdelay $0x2  }
0x5b: {  	vm0 =	vlt.s32 v6, v32;
	v6 =	vld.idx.msk [tilespmem:v7+s4+$0x0], $0xffff  }
0x5c: {  	v10 =	vld.idx.msk [tilespmem:v10+s4+$0x0], $0xffff;
	v11 =	vsel vm0, $0x400, v59;
	vm0 =	vlt.s32 v8, v21  }
0x5d: {  	s6 =	simm.s32 $0x70;
	vm1 =	vlt.s32 v9, v31;
	v4 =	vor.u32 v11, v4;
	v8 =	vsel vm0, $0x200, v59  }
0x5e: {  	v11 =	vor.u32 s6, v3;
	v9 =	vor.u32 $0x1FF, v4;
	v2 =	vor.u32 v8, v2  }
0x5f: {  	v33 =	vshll.u32 v11, $0x11;
	v8 =	vsel vm1, $0x400, v59;
	v11 =	vadd.s32 $0xFF, v2  }
0x60: {  	v5 =	vor.u32 v8, v5;
	vm0 =	vlt.s32 v6, v33  }
0x61: {  	vm1 =	vlt.s32 v10, v30;
	v8 =	vor.u32 $0x1FF, v5;
	v12 =	vsel vm0, $0x8000, v59  }
0x62: {  	s14 =	simm.s32 $0x40;
	v10 =	vsel vm1, $0x400, v59;
	v13 =	vor.u32 $0x3FFF, v12  }
0x63: {  	s15 =	simm.s32 $0x50;
	v1 =	vor.u32 v10, v1;
	v14 =	vld.idx.msk [tilespmem:v9+s4+$0x0], $0xffff;
	v9 =	vor.u32 s14, v3  }
0x64: {  	s12 =	simm.s32 $0x60;
	v16 =	vor.u32 s15, v3;
	v15 =	vor.u32 $0x1FF, v1;
	v10 =	vshll.u32 v9, $0x11;
	v17 =	vld.idx.msk [tilespmem:v11+s4+$0x0], $0xffff  }
0x65: {  	v9 =	vor.u32 s12, v3;
	v11 =	vshll.u32 v16, $0x11;
	vm0 =	vlt.s32 v6, v10  }
0x66: {  	v9 =	vshll.u32 v9, $0x11;
	v8 =	vld.idx.msk [tilespmem:v8+s4+$0x0], $0xffff;
	v16 =	vsel vm0, $0x8000, v59;
	vm0 =	vlt.s32 v6, v11  }
0x67: {  	vm1 =	vlt.s32 v6, v9;
	v6 =	vor.u32 $0x3FFF, v16;
	v18 =	vsel vm0, $0x8000, v59;
	v13 =	vld.idx.msk [tilespmem:v13+s4+$0x0], $0xffff  }
0x68: {  	v19 =	vsel vm1, $0x8000, v59;
	v20 =	vor.u32 $0x3FFF, v18;
	vm0 =	vlt.s32 v14, v32  }
0x69: {  	v14 =	vld.idx.msk [tilespmem:v15+s4+$0x0], $0xffff;
	v15 =	vor.u32 $0x3FFF, v19;
	v22 =	vsel vm0, $0x200, v59;
	vm0 =	vlt.s32 v17, v21  }
0x6a: {  	v4 =	vor.u32 v22, v4;
	v17 =	vsel vm0, $0x100, v59  }
0x6b: {  	vm0 =	vlt.s32 v8, v31;
	v8 =	vadd.s32 $0xFF, v4;
	v2 =	vadd.s32 v17, v2  }
0x6c: {  	v17 =	vsel vm0, $0x200, v59;
	v6 =	vld.idx.msk [tilespmem:v6+s4+$0x0], $0xffff;
	vm0 =	vlt.s32 v13, v33;
	v13 =	vadd.s32 $0x7F, v2  }
0x6d: {  	v5 =	vor.u32 v17, v5;
	v17 =	vld.idx.msk [tilespmem:v20+s4+$0x0], $0xffff;
	v20 =	vsel vm0, $0x4000, v59  }
0x6e: {  	vm0 =	vlt.s32 v14, v30;
	v15 =	vld.idx.msk [tilespmem:v15+s4+$0x0], $0xffff;
	v14 =	vadd.s32 $0xFF, v5;
	v12 =	vor.u32 v12, v20  }
0x6f: {  	v20 =	vsel vm0, $0x200, v59;
	v22 =	vor.u32 $0x1FFF, v12  }
0x70: {  	v1 =	vor.u32 v20, v1;
	v8 =	vld.idx.msk [tilespmem:v8+s4+$0x0], $0xffff  }
0x71: {  	v20 =	vadd.s32 $0xFF, v1;
	vm0 =	vlt.s32 v6, v10;
	v6 =	vld.idx.msk [tilespmem:v13+s4+$0x0], $0xffff  }
0x72: {  	v13 =	vsel vm0, $0x4000, v59;
	vm0 =	vlt.s32 v17, v11  }
0x73: {  	v14 =	vld.idx.msk [tilespmem:v14+s4+$0x0], $0xffff;
	v13 =	vor.u32 v16, v13;
	v16 =	vsel vm0, $0x4000, v59;
	vm0 =	vlt.s32 v15, v9  }
0x74: {  	v15 =	vor.u32 $0x1FFF, v13;
	v16 =	vor.u32 v18, v16;
	v17 =	vsel vm0, $0x4000, v59;
	v18 =	vld.idx.msk [tilespmem:v22+s4+$0x0], $0xffff  }
0x75: {  	v22 =	vor.u32 $0x1FFF, v16;
	v17 =	vor.u32 v19, v17  }
0x76: {  	v19 =	vld.idx.msk [tilespmem:v20+s4+$0x0], $0xffff;
	vm0 =	vlt.s32 v8, v32;
	v20 =	vor.u32 $0x1FFF, v17;
	vm1 =	vlt.s32 v6, v21  }
0x77: {  	v6 =	vsel vm0, $0x100, v59;
	v8 =	vsel vm1, $0x80, v59  }
0x78: {  	v4 =	vadd.s32 v6, v4;
	vm0 =	vlt.s32 v14, v31;
	v2 =	vadd.s32 v8, v2  }
0x79: {  	v6 =	vld.idx.msk [tilespmem:v15+s4+$0x0], $0xffff;
	v8 =	vsel vm0, $0x100, v59;
	vm0 =	vlt.s32 v18, v33;
	v14 =	vadd.s32 $0x3F, v2  }
0x7a: {  	v15 =	vld.idx.msk [tilespmem:v22+s4+$0x0], $0xffff;
	v5 =	vadd.s32 v8, v5;
	v8 =	vadd.s32 $0x7F, v4;
	v18 =	vsel vm0, $0x2000, v59  }
0x7b: {  	vm0 =	vlt.s32 v19, v30;
	v19 =	vld.idx.msk [tilespmem:v20+s4+$0x0], $0xffff;
	v20 =	vadd.s32 $0x7F, v5;
	v12 =	vor.u32 v18, v12  }
0x7c: {  	v18 =	vsel vm0, $0x100, v59;
	v22 =	vor.u32 $0xFFF, v12  }
0x7d: {  	v1 =	vadd.s32 v18, v1  }
0x7e: {  	v18 =	vadd.s32 $0x7F, v1;
	vm0 =	vlt.s32 v6, v10;
	v6 =	vld.idx.msk [tilespmem:v14+s4+$0x0], $0xffff  }
0x7f: {  	v14 =	vsel vm0, $0x2000, v59;
	vm0 =	vlt.s32 v15, v11;
	v8 =	vld.idx.msk [tilespmem:v8+s4+$0x0], $0xffff  }
0x80: {  	v15 =	vsel vm0, $0x2000, v59;
	vm0 =	vlt.s32 v19, v9;
	v19 =	vld.idx.msk [tilespmem:v20+s4+$0x0], $0xffff;
	v13 =	vor.u32 v14, v13  }
0x81: {  	v14 =	vsel vm0, $0x2000, v59;
	v20 =	vor.u32 $0xFFF, v13;
	v15 =	vor.u32 v15, v16;
	v16 =	vld.idx.msk [tilespmem:v22+s4+$0x0], $0xffff  }
0x82: {  	v14 =	vor.u32 v14, v17;
	v17 =	vor.u32 $0xFFF, v15  }
0x83: {  	v18 =	vld.idx.msk [tilespmem:v18+s4+$0x0], $0xffff;
	v22 =	vor.u32 $0xFFF, v14;
	vm0 =	vlt.s32 v6, v21  }
0x84: {  	vm1 =	vlt.s32 v8, v32;
	v6 =	vsel vm0, $0x40, v59  }
0x85: {  	v8 =	vsel vm1, $0x80, v59;
	v2 =	vadd.s32 v6, v2  }
0x86: {  	vm0 =	vlt.s32 v19, v31;
	v6 =	vld.idx.msk [tilespmem:v20+s4+$0x0], $0xffff;
	vm1 =	vlt.s32 v16, v33;
	v16 =	vadd.s32 $0x1F, v2  }
0x87: {  	v4 =	vadd.s32 v8, v4;
	v8 =	vsel vm0, $0x80, v59;
	v17 =	vld.idx.msk [tilespmem:v17+s4+$0x0], $0xffff;
	v19 =	vsel vm1, $0x1000, v59  }
0x88: {  	vm0 =	vlt.s32 v18, v30;
	v20 =	vadd.s32 $0x3F, v4;
	v18 =	vld.idx.msk [tilespmem:v22+s4+$0x0], $0xffff;
	v12 =	vor.u32 v19, v12  }
0x89: {  	v5 =	vadd.s32 v8, v5;
	v8 =	vsel vm0, $0x80, v59;
	v19 =	vor.u32 $0x7FF, v12  }
0x8a: {  	v1 =	vadd.s32 v8, v1;
	v8 =	vadd.s32 $0x3F, v5  }
0x8b: {  	v22 =	vadd.s32 $0x3F, v1;
	vm0 =	vlt.s32 v6, v10;
	v6 =	vld.idx.msk [tilespmem:v16+s4+$0x0], $0xffff  }
0x8c: {  	v16 =	vsel vm0, $0x1000, v59;
	vm0 =	vlt.s32 v17, v11  }
0x8d: {  	v17 =	vld.idx.msk [tilespmem:v20+s4+$0x0], $0xffff;
	v13 =	vor.u32 v16, v13;
	v16 =	vsel vm0, $0x1000, v59;
	vm0 =	vlt.s32 v18, v9  }
0x8e: {  	v18 =	vor.u32 $0x7FF, v13;
	v15 =	vor.u32 v16, v15;
	v16 =	vsel vm0, $0x1000, v59;
	v19 =	vld.idx.msk [tilespmem:v19+s4+$0x0], $0xffff  }
0x8f: {  	v8 =	vld.idx.msk [tilespmem:v8+s4+$0x0], $0xffff;
	v20 =	vor.u32 $0x7FF, v15;
	v14 =	vor.u32 v16, v14  }
0x90: {  	v16 =	vld.idx.msk [tilespmem:v22+s4+$0x0], $0xffff;
	v22 =	vor.u32 $0x7FF, v14;
	vm0 =	vlt.s32 v6, v21  }
0x91: {  	v6 =	vsel vm0, $0x20, v59  }
0x92: {  	v2 =	vadd.s32 v6, v2  }
0x93: {  	vm0 =	vlt.s32 v17, v32;
	v6 =	vld.idx.msk [tilespmem:v18+s4+$0x0], $0xffff;
	vm1 =	vlt.s32 v19, v33;
	v17 =	vadd.s32 $0xF, v2  }
0x94: {  	v18 =	vsel vm0, $0x40, v59;
	v19 =	vld.idx.msk [tilespmem:v20+s4+$0x0], $0xffff;
	v20 =	vsel vm1, $0x800, v59  }
0x95: {  	vm0 =	vlt.s32 v8, v31;
	vm1 =	vlt.s32 v16, v30;
	v8 =	vld.idx.msk [tilespmem:v22+s4+$0x0], $0xffff;
	v16 =	vor.u32 v20, v12  }
0x96: {  	v4 =	vadd.s32 v18, v4;
	v12 =	vsel vm0, $0x40, v59;
	v22 =	vor.u32 $0x3FF, v16  }
0x97: {  	v20 =	vsel vm1, $0x40, v59;
	v5 =	vadd.s32 v12, v5;
	v12 =	vadd.s32 $0x1F, v4  }
0x98: {  	v1 =	vadd.s32 v20, v1;
	v18 =	vadd.s32 $0x1F, v5;
	vm0 =	vlt.s32 v6, v10;
	v6 =	vld.idx.msk [tilespmem:v17+s4+$0x0], $0xffff  }
0x99: {  	v17 =	vadd.s32 $0x1F, v1;
	v20 =	vsel vm0, $0x800, v59;
	vm0 =	vlt.s32 v19, v11  }
0x9a: {  	v19 =	vor.u32 v20, v13;
	v13 =	vsel vm0, $0x800, v59;
	vm0 =	vlt.s32 v8, v9  }
0x9b: {  	v8 =	vor.u32 $0x3FF, v19;
	v15 =	vor.u32 v13, v15;
	v13 =	vsel vm0, $0x800, v59;
	v20 =	vld.idx.msk [tilespmem:v22+s4+$0x0], $0xffff  }
0x9c: {  	v25 =	vor.u32 s11, v0;
	v23 =	vld.idx.msk [tilespmem:v12+s4+$0x0], $0xffff;
	v22 =	vor.u32 $0x3FF, v15;
	v14 =	vor.u32 v13, v14  }
0x9d: {  	v27 =	vor.u32 s12, v0;
	v24 =	vor.u32 $0x3FF, v14;
	vm0 =	vlt.s32 v6, v21  }
0x9e: {  	v18 =	vld.idx.msk [tilespmem:v18+s4+$0x0], $0xffff;
	v13 =	vor.u32 s0, v0;
	v6 =	vor.u32 s10, v0;
	v12 =	vsel vm0, $0x10, v59  }
0x9f: {  	v13 =	vand.u32 v60, v13;
	v17 =	vld.idx.msk [tilespmem:v17+s4+$0x0], $0xffff;
	v34 =	vand.u32 v63, v6;
	v2 =	vadd.s32 v12, v2  }
0xa0: {  	v6 =	vld.idx.msk [tilespmem:v8+s4+$0x0], $0xffff;
	vm0 =	vlt.s32 v20, v33;
	v12 =	vand.u32 v61, v25;
	v8 =	vadd.s32 $0x7, v2  }
0xa1: {  	v25 =	vor.u32 s14, v0;
	v20 =	vld.idx.msk [tilespmem:v22+s4+$0x0], $0xffff;
	v22 =	vsel vm0, $0x400, v59;
	vm0 =	vlt.s32 v23, v32  }
0xa2: {  	v24 =	vld.idx.msk [tilespmem:v24+s4+$0x0], $0xffff;
	v22 =	vor.u32 v22, v16;
	v16 =	vor.u32 s15, v0;
	v23 =	vsel vm0, $0x20, v59  }
0xa3: {  	vm0 =	vlt.s32 v18, v31;
	v26 =	vor.u32 $0x1FF, v22;
	v4 =	vadd.s32 v23, v4  }
0xa4: {  	s15 =	simm.s32 $0xA0;
	v18 =	vsel vm0, $0x20, v59;
	vm0 =	vlt.s32 v17, v30;
	v16 =	vand.u32 v60, v16  }
0xa5: {  	v38 =	vor.u32 s15, v3;
	v5 =	vadd.s32 v18, v5;
	vm1 =	vlt.s32 v6, v10;
	v6 =	vld.idx.msk [tilespmem:v8+s4+$0x0], $0xffff  }
0xa6: {  	v8 =	vsel vm0, $0x20, v59;
	v17 =	vsel vm1, $0x400, v59;
	vm0 =	vlt.s32 v20, v11  }
0xa7: {  	v18 =	vsel vm0, $0x400, v59;
	vm0 =	vlt.s32 v24, v9;
	v23 =	vor.u32 v17, v19  }
0xa8: {  	s2 =	simm.s32 $0xB0;
	v24 =	vor.u32 v18, v15;
	v15 =	vsel vm0, $0x400, v59;
	v17 =	vld.idx.msk [tilespmem:v26+s4+$0x0], $0xffff;
	v18 =	vor.u32 $0x1FF, v23  }
0xa9: {  	v20 =	vor.u32 s2, v3;
	v19 =	vor.u32 $0x1FF, v24;
	v26 =	vor.u32 v15, v14  }
0xaa: {  	v35 =	vld.idx.msk [tilespmem:v7+s4+$0x0], $0xffff;
	v1 =	vadd.s32 v8, v1;
	v8 =	vor.u32 $0x1FF, v26;
	vm0 =	vlt.s32 v6, v21  }
0xab: {  	v28 =	vadd.s32 $0xF, v5;
	v20 =	vshll.u32 v20, $0x11;
	v14 =	vsel vm0, $0x8, v59  }
0xac: {  	v29 =	vadd.s32 $0xF, v1;
	v15 =	vand.u32 v63, v25;
	v2 =	vadd.s32 v14, v2  }
0xad: {  	s14 =	simm.s32 $0x90;
	vm0 =	vlt.s32 v17, v33;
	v14 =	vand.u32 v61, v27;
	v27 =	vld.idx.msk [tilespmem:v18+s4+$0x0], $0xffff;
	v25 =	vadd.s32 $0x3, v2  }
0xae: {  	s13 =	simm.s32 $0x80;
	v6 =	vadd.s32 $0xF, v4;
	v17 =	vsel vm0, $0x200, v59;
	v36 =	vld.idx.msk [tilespmem:v19+s4+$0x0], $0xffff;
	v19 =	vor.u32 s14, v3  }
0xaf: {  	vm0 =	vlt.s32 v35, v20;
	v22 =	vor.u32 v17, v22;
	v17 =	vor.u32 s13, v3;
	v8 =	vld.idx.msk [tilespmem:v8+s4+$0x0], $0xffff  }
0xb0: {  	v39 =	vsel vm0, $0x8000, v59;
	v37 =	vadd.s32 $0xFF, v22;
	v18 =	vshll.u32 v17, $0x11  }
0xb1: {  	v28 =	vld.idx.msk [tilespmem:v28+s4+$0x0], $0xffff;
	v17 =	vshll.u32 v19, $0x11;
	v19 =	vshll.u32 v38, $0x11;
	v49 =	vor.u32 $0x3FFF, v39  }
0xb2: {  	vm0 =	vlt.s32 v35, v18;
	vm1 =	vlt.s32 v35, v17;
	vm2 =	vlt.s32 v35, v19;
	v25 =	vld.idx.msk [tilespmem:v25+s4+$0x0], $0xffff  }
0xb3: {  	v50 =	vsel vm0, $0x8000, v59;
	v40 =	vsel vm1, $0x8000, v59;
	v41 =	vsel vm2, $0x8000, v59  }
0xb4: {  	vm0 =	vlt.s32 v27, v10;
	v42 =	vor.u32 $0x3FFF, v50;
	vm2 =	vlt.s32 v8, v9;
	v8 =	vld.idx.msk [tilespmem:v29+s4+$0x0], $0xffff  }
0xb5: {  	v43 =	vor.u32 $0x3FFF, v40;
	vm1 =	vlt.s32 v36, v11;
	v27 =	vsel vm0, $0x200, v59;
	v37 =	vld.idx.msk [tilespmem:v37+s4+$0x0], $0xffff  }
0xb6: {  	v44 =	vor.u32 $0x3FFF, v41;
	v29 =	vsel vm1, $0x200, v59;
	v23 =	vor.u32 v27, v23;
	v38 =	vld.idx.msk [tilespmem:v49+s4+$0x0], $0xffff  }
0xb7: {  	v6 =	vld.idx.msk [tilespmem:v6+s4+$0x0], $0xffff;
	vm1 =	vlt.s32 v28, v31;
	v51 =	vsel vm2, $0x200, v59;
	vm0 =	vlt.s32 v25, v21  }
0xb8: {  	v24 =	vor.u32 v29, v24;
	v27 =	vadd.s32 $0xFF, v23;
	v25 =	vsel vm0, $0x4, v59  }
0xb9: {  	v56 =	vsel vm1, $0x10, v59;
	v26 =	vor.u32 v51, v26;
	v29 =	vld.idx.msk [tilespmem:v42+s4+$0x0], $0xffff;
	v2 =	vadd.s32 v25, v2  }
0xba: {  	v54 =	vadd.s32 $0xFF, v26;
	vm0 =	vlt.s32 v37, v33;
	v53 =	vadd.s32 $0x1, v2  }
0xbb: {  	v52 =	vld.idx.msk [tilespmem:v43+s4+$0x0], $0xffff;
	v25 =	vadd.s32 $0xFF, v24;
	vm3 =	vlt.s32 v38, v20;
	v55 =	vsel vm0, $0x100, v59  }
0xbc: {  	v44 =	vld.idx.msk [tilespmem:v44+s4+$0x0], $0xffff;
	vm0 =	vlt.s32 v6, v32;
	v28 =	vsel vm3, $0x4000, v59;
	v6 =	vadd.s32 v55, v22  }
0xbd: {  	vm2 =	vlt.s32 v8, v30;
	v28 =	vor.u32 v39, v28;
	v8 =	vadd.s32 $0x7F, v6  }
0xbe: {  	v27 =	vld.idx.msk [tilespmem:v27+s4+$0x0], $0xffff;
	v22 =	vsel vm0, $0x10, v59;
	vm0 =	vlt.s32 v29, v18;
	v45 =	vor.u32 $0x1FFF, v28  }
0xbf: {  	v5 =	vadd.s32 v56, v5;
	v57 =	vsel vm2, $0x10, v59;
	v58 =	vsel vm0, $0x4000, v59;
	v29 =	vld.idx.msk [tilespmem:v53+s4+$0x0], $0xffff  }
0xc0: {  	v4 =	vadd.s32 v22, v4;
	vm0 =	vlt.s32 v52, v17;
	v25 =	vld.idx.msk [tilespmem:v25+s4+$0x0], $0xffff;
	v35 =	vor.u32 v50, v58  }
0xc1: {  	v47 =	vld.idx.msk [tilespmem:v54+s4+$0x0], $0xffff;
	v46 =	vsel vm0, $0x4000, v59;
	vm0 =	vlt.s32 v44, v19;
	v48 =	vor.u32 $0x1FFF, v35  }
0xc2: {  	v51 =	vadd.s32 $0x7, v4;
	v37 =	vor.u32 v40, v46;
	v49 =	vsel vm0, $0x4000, v59;
	v8 =	vld.idx.msk [tilespmem:v8+s4+$0x0], $0xffff  }
0xc3: {  	vm0 =	vlt.s32 v27, v10;
	v22 =	vor.u32 $0x1FFF, v37;
	v40 =	vor.u32 v41, v49;
	v36 =	vld.idx.msk [tilespmem:v45+s4+$0x0], $0xffff  }
0xc4: {  	v27 =	vsel vm0, $0x100, v59;
	v50 =	vor.u32 $0x1FFF, v40;
	vm0 =	vlt.s32 v29, v21  }
0xc5: {  	v23 =	vadd.s32 v27, v23;
	vm1 =	vlt.s32 v25, v11;
	v25 =	vsel vm0, $0x2, v59  }
0xc6: {  	v27 =	vld.idx.msk [tilespmem:v48+s4+$0x0], $0xffff;
	v29 =	vsel vm1, $0x100, v59;
	vm0 =	vlt.s32 v47, v9;
	v2 =	vadd.s32 v25, v2  }
0xc7: {  	v24 =	vadd.s32 v29, v24;
	vm1 =	vlt.s32 v8, v33;
	v8 =	vsel vm0, $0x100, v59  }
0xc8: {  	v22 =	vld.idx.msk [tilespmem:v22+s4+$0x0], $0xffff;
	v25 =	vadd.s32 $0x7F, v23;
	vm0 =	vlt.s32 v36, v20;
	v29 =	vsel vm1, $0x80, v59  }
0xc9: {  	v38 =	vld.idx.msk [tilespmem:v50+s4+$0x0], $0xffff;
	v8 =	vadd.s32 v8, v26;
	v26 =	vadd.s32 $0x7F, v24;
	v6 =	vadd.s32 v29, v6  }
0xca: {  	v1 =	vadd.s32 v57, v1;
	v53 =	vld.idx.msk [tilespmem:v51+s4+$0x0], $0xffff;
	v55 =	vsel vm0, $0x2000, v59;
	v52 =	vadd.s32 $0x3F, v6  }
0xcb: {  	v29 =	vadd.s32 $0x7F, v8;
	vm0 =	vlt.s32 v27, v18;
	v27 =	vor.u32 v55, v28;
	v56 =	vld.idx.msk [tilespmem:v2+s4+$0x0], $0xffff  }
0xcc: {  	v54 =	vadd.s32 $0x7, v5;
	v43 =	vadd.s32 $0x7, v1;
	v28 =	vor.u32 $0xFFF, v27  }
0xcd: {  	v58 =	vor.u32 s3, v0;
	vm1 =	vlt.s32 v22, v17;
	v22 =	vsel vm0, $0x2000, v59;
	v25 =	vld.idx.msk [tilespmem:v25+s4+$0x0], $0xffff  }
0xce: {  	v57 =	vsel vm1, $0x2000, v59;
	vm0 =	vlt.s32 v38, v19;
	v22 =	vor.u32 v22, v35;
	v26 =	vld.idx.msk [tilespmem:v26+s4+$0x0], $0xffff  }
0xcf: {  	vm1 =	vlt.s32 v53, v32;
	v45 =	vsel vm0, $0x2000, v59;
	v37 =	vor.u32 v57, v37;
	v46 =	vld.idx.msk [tilespmem:v52+s4+$0x0], $0xffff  }
0xd0: {  	v48 =	vor.u32 $0xFFF, v22;
	v40 =	vor.u32 v45, v40;
	v29 =	vld.idx.msk [tilespmem:v29+s4+$0x0], $0xffff;
	vm0 =	vlt.s32 v56, v21  }
0xd1: {  	v42 =	vor.u32 $0xFFF, v37;
	v45 =	vor.u32 $0xFFF, v40;
	v21 =	vld.idx.msk [tilespmem:v28+s4+$0x0], $0xffff;
	v28 =	vsel vm0, $0x1, v59  }
0xd2: {  	vm0 =	vlt.s32 v25, v10;
	v25 =	vsel vm1, $0x8, v59;
	v36 =	vadd.s32 v28, v2  }
0xd3: {  	v49 =	vld.idx.msk [tilespmem:v54+s4+$0x0], $0xffff;
	v2 =	vsel vm0, $0x80, v59;
	vm0 =	vlt.s32 v26, v11;
	v4 =	vadd.s32 v25, v4  }
0xd4: {  	v26 =	vld.idx.msk [tilespmem:v43+s4+$0x0], $0xffff;
	v25 =	vsel vm0, $0x80, v59;
	vm0 =	vlt.s32 v46, v33;
	v2 =	vadd.s32 v2, v23  }
0xd5: {  	v28 =	vld.idx.msk [tilespmem:v48+s4+$0x0], $0xffff;
	v23 =	vadd.s32 v25, v24;
	v24 =	vsel vm0, $0x40, v59;
	vm0 =	vlt.s32 v29, v9  }
0xd6: {  	v25 =	vld.idx.msk [tilespmem:v42+s4+$0x0], $0xffff;
	v29 =	vadd.s32 $0x3F, v2;
	v6 =	vadd.s32 v24, v6;
	v50 =	vsel vm0, $0x80, v59  }
0xd7: {  	vm0 =	vlt.s32 v21, v20;
	v52 =	vadd.s32 $0x3F, v23;
	v21 =	vadd.s32 $0x1F, v6  }
0xd8: {  	v24 =	vld.idx.msk [tilespmem:v45+s4+$0x0], $0xffff;
	v8 =	vadd.s32 v50, v8;
	v51 =	vsel vm0, $0x1000, v59;
	vm0 =	vlt.s32 v49, v31  }
0xd9: {  	v53 =	vadd.s32 $0x3F, v8;
	v27 =	vor.u32 v51, v27;
	vm1 =	vlt.s32 v26, v30  }
0xda: {  	vm2 =	vlt.s32 v28, v18;
	v28 =	vsel vm0, $0x8, v59;
	v26 =	vor.u32 $0x7FF, v27  }
0xdb: {  	v54 =	vsel vm2, $0x1000, v59;
	v5 =	vadd.s32 v28, v5;
	vm0 =	vlt.s32 v25, v17;
	v25 =	vld.idx.msk [tilespmem:v29+s4+$0x0], $0xffff  }
0xdc: {  	v35 =	vand.u32 v62, v58;
	v22 =	vor.u32 v54, v22;
	v50 =	vadd.s32 $0x3, v5;
	v56 =	vld.idx.msk [tilespmem:v52+s4+$0x0], $0xffff  }
0xdd: {  	v29 =	vsel vm0, $0x1000, v59;
	vm0 =	vlt.s32 v24, v19;
	v24 =	vor.u32 $0x7FF, v22;
	v21 =	vld.idx.msk [tilespmem:v21+s4+$0x0], $0xffff  }
0xde: {  	v43 =	vor.u32 s13, v0;
	v29 =	vor.u32 v29, v37;
	v55 =	vsel vm0, $0x1000, v59;
	v48 =	vld.idx.msk [tilespmem:v53+s4+$0x0], $0xffff  }
0xdf: {  	v57 =	vsel vm1, $0x8, v59;
	v58 =	vor.u32 $0x7FF, v29;
	v37 =	vor.u32 v55, v40;
	v26 =	vld.idx.msk [tilespmem:v26+s4+$0x0], $0xffff  }
0xe0: {  	v1 =	vadd.s32 v57, v1;
	v28 =	vor.u32 $0x7FF, v37;
	vm0 =	vlt.s32 v25, v10  }
0xe1: {  	v49 =	vadd.s32 $0x3, v4;
	v25 =	vadd.s32 $0x3, v1;
	v39 =	vld.idx.msk [tilespmem:v50+s4+$0x0], $0xffff;
	v51 =	vsel vm0, $0x40, v59  }
0xe2: {  	v24 =	vld.idx.msk [tilespmem:v24+s4+$0x0], $0xffff;
	vm1 =	vlt.s32 v56, v11;
	vm0 =	vlt.s32 v21, v33;
	v2 =	vadd.s32 v51, v2  }
0xe3: {  	v53 =	vsel vm1, $0x40, v59;
	v52 =	vsel vm0, $0x20, v59;
	vm0 =	vlt.s32 v48, v9  }
0xe4: {  	v21 =	vld.idx.msk [tilespmem:v58+s4+$0x0], $0xffff;
	v23 =	vadd.s32 v53, v23;
	v6 =	vadd.s32 v52, v6;
	vm1 =	vlt.s32 v26, v20  }
0xe5: {  	v28 =	vld.idx.msk [tilespmem:v28+s4+$0x0], $0xffff;
	v26 =	vsel vm0, $0x40, v59;
	v56 =	vadd.s32 $0x1F, v23;
	v38 =	vadd.s32 $0xF, v6  }
0xe6: {  	v54 =	vsel vm1, $0x800, v59;
	v8 =	vadd.s32 v26, v8;
	vm1 =	vlt.s32 v39, v31  }
0xe7: {  	v55 =	vld.idx.msk [tilespmem:v49+s4+$0x0], $0xffff;
	v26 =	vor.u32 v54, v27;
	v27 =	vadd.s32 $0x1F, v2;
	vm0 =	vlt.s32 v24, v18  }
0xe8: {  	v25 =	vld.idx.msk [tilespmem:v25+s4+$0x0], $0xffff;
	v57 =	vadd.s32 $0x1F, v8;
	v39 =	vsel vm1, $0x4, v59;
	v24 =	vor.u32 $0x3FF, v26  }
0xe9: {  	v58 =	vsel vm0, $0x800, v59;
	v5 =	vadd.s32 v39, v5;
	vm0 =	vlt.s32 v21, v17  }
0xea: {  	v22 =	vor.u32 v58, v22;
	v48 =	vsel vm0, $0x800, v59;
	vm0 =	vlt.s32 v28, v19;
	v28 =	vld.idx.msk [tilespmem:v38+s4+$0x0], $0xffff  }
0xeb: {  	v42 =	vor.u32 s15, v0;
	v52 =	vadd.s32 $0x1, v5;
	v44 =	vor.u32 $0x3FF, v22;
	v40 =	vld.idx.msk [tilespmem:v56+s4+$0x0], $0xffff  }
0xec: {  	v29 =	vor.u32 v48, v29;
	v49 =	vsel vm0, $0x800, v59;
	vm0 =	vlt.s32 v55, v32;
	v27 =	vld.idx.msk [tilespmem:v27+s4+$0x0], $0xffff  }
0xed: {  	vm2 =	vlt.s32 v25, v30;
	v45 =	vor.u32 $0x3FF, v29;
	v37 =	vor.u32 v49, v37;
	v24 =	vld.idx.msk [tilespmem:v24+s4+$0x0], $0xffff  }
0xee: {  	v25 =	vsel vm0, $0x4, v59;
	v50 =	vsel vm2, $0x4, v59;
	v38 =	vor.u32 $0x3FF, v37  }
0xef: {  	v4 =	vadd.s32 v25, v4;
	v25 =	vld.idx.msk [tilespmem:v57+s4+$0x0], $0xffff;
	v1 =	vadd.s32 v50, v1;
	vm0 =	vlt.s32 v28, v33  }
0xf0: {  	v21 =	vor.u32 s14, v0;
	v54 =	vadd.s32 $0x1, v1;
	v51 =	vld.idx.msk [tilespmem:v44+s4+$0x0], $0xffff;
	v53 =	vsel vm0, $0x10, v59  }
0xf1: {  	v58 =	vld.idx.msk [tilespmem:v52+s4+$0x0], $0xffff;
	v28 =	vadd.s32 $0x1, v4;
	vm0 =	vlt.s32 v27, v10;
	v6 =	vadd.s32 v53, v6  }
0xf2: {  	v45 =	vld.idx.msk [tilespmem:v45+s4+$0x0], $0xffff;
	vm1 =	vlt.s32 v24, v20;
	v24 =	vsel vm0, $0x20, v59;
	vm0 =	vlt.s32 v40, v11  }
0xf3: {  	v55 =	vadd.s32 $0x7, v6;
	v56 =	vsel vm1, $0x400, v59;
	v2 =	vadd.s32 v24, v2  }
0xf4: {  	s15 =	simm.s32 $0xE0;
	v27 =	vld.idx.msk [tilespmem:v38+s4+$0x0], $0xffff;
	v24 =	vor.u32 v56, v26;
	v26 =	vsel vm0, $0x20, v59;
	vm0 =	vlt.s32 v25, v9  }
0xf5: {  	vm1 =	vlt.s32 v51, v18;
	v47 =	vadd.s32 $0xF, v2;
	v56 =	vor.u32 s15, v3  }
0xf6: {  	v25 =	vld.idx.msk [tilespmem:v28+s4+$0x0], $0xffff;
	v28 =	vor.u32 $0x1FF, v24;
	v57 =	vsel vm0, $0x20, v59;
	v52 =	vsel vm1, $0x400, v59  }
0xf7: {  	v44 =	vadd.s32 v26, v23;
	v23 =	vld.idx.msk [tilespmem:v54+s4+$0x0], $0xffff;
	vm1 =	vlt.s32 v58, v31;
	vm0 =	vlt.s32 v45, v17  }
0xf8: {  	v45 =	vor.u32 v52, v22;
	v8 =	vadd.s32 v57, v8;
	v48 =	vadd.s32 $0xF, v44;
	v26 =	vld.idx.msk [tilespmem:v55+s4+$0x0], $0xffff  }
0xf9: {  	v22 =	vsel vm0, $0x400, v59;
	vm0 =	vlt.s32 v27, v19;
	v27 =	vor.u32 $0x1FF, v45  }
0xfa: {  	v49 =	vadd.s32 $0xF, v8;
	v38 =	vor.u32 v22, v29;
	v22 =	vsel vm0, $0x400, v59  }
0xfb: {  	v53 =	vor.u32 $0x1FF, v38;
	v37 =	vor.u32 v22, v37;
	v22 =	vld.idx.msk [tilespmem:v28+s4+$0x0], $0xffff;
	vm0 =	vlt.s32 v25, v32  }
0xfc: {  	v54 =	vor.u32 $0x1FF, v37;
	v28 =	vsel vm1, $0x2, v59;
	v25 =	vsel vm0, $0x2, v59  }
0xfd: {  	vm0 =	vlt.s32 v23, v30;
	v28 =	vadd.s32 v28, v5;
	vm1 =	vlt.s32 v26, v33  }
0xfe: {  	s13 =	simm.s32 $0xD0;
	v55 =	vld.idx.msk [tilespmem:v7+s4+$0x0], $0xffff;
	v41 =	vadd.s32 v25, v4;
	v4 =	vsel vm0, $0x2, v59;
	v23 =	vsel vm1, $0x8, v59  }
0xff: {  	v29 =	vadd.s32 v4, v1;
	v26 =	vor.u32 s13, v3;
	v1 =	vadd.s32 v23, v6  }
0x100: {  	s3 =	simm.s32 $0xF0;
	v23 =	vand.u32 v63, v43;
	vm0 =	vlt.s32 v22, v20;
	v22 =	vand.u32 v60, v21  }
0x101: {  	v58 =	vld.idx.msk [tilespmem:v27+s4+$0x0], $0xffff;
	v21 =	vand.u32 v61, v42;
	v6 =	vor.u32 s3, v3;
	v5 =	vsel vm0, $0x200, v59  }
0x102: {  	s12 =	simm.s32 $0xC0;
	v39 =	vld.idx.msk [tilespmem:v54+s4+$0x0], $0xffff;
	v4 =	vadd.s32 $0x3, v1;
	v27 =	vshll.u32 v6, $0x11;
	v5 =	vor.u32 v5, v24  }
0x103: {  	v24 =	vor.u32 s12, v3;
	vm0 =	vlt.s32 v55, v27;
	v6 =	vadd.s32 $0xFF, v5  }
0x104: {  	v42 =	vld.idx.msk [tilespmem:v48+s4+$0x0], $0xffff;
	v25 =	vshll.u32 v24, $0x11;
	v24 =	vshll.u32 v26, $0x11;
	v50 =	vsel vm0, $0x8000, v59  }
0x105: {  	v43 =	vld.idx.msk [tilespmem:v53+s4+$0x0], $0xffff;
	v26 =	vshll.u32 v56, $0x11;
	vm0 =	vlt.s32 v55, v25;
	v57 =	vor.u32 $0x3FFF, v50  }
0x106: {  	v40 =	vld.idx.msk [tilespmem:v47+s4+$0x0], $0xffff;
	vm1 =	vlt.s32 v55, v26;
	v51 =	vsel vm0, $0x8000, v59;
	vm0 =	vlt.s32 v55, v24  }
0x107: {  	v53 =	vsel vm1, $0x8000, v59;
	vm1 =	vlt.s32 v39, v19;
	v4 =	vld.idx.msk [tilespmem:v4+s4+$0x0], $0xffff;
	v47 =	vor.u32 $0x3FFF, v51  }
0x108: {  	v39 =	vld.idx.msk [tilespmem:v49+s4+$0x0], $0xffff;
	v52 =	vsel vm0, $0x8000, v59;
	v55 =	vor.u32 $0x3FFF, v53;
	vm0 =	vlt.s32 v58, v18  }
0x109: {  	v56 =	vsel vm1, $0x200, v59;
	vm1 =	vlt.s32 v42, v11;
	v54 =	vor.u32 $0x3FFF, v52;
	v6 =	vld.idx.msk [tilespmem:v6+s4+$0x0], $0xffff  }
0x10a: {  	v58 =	vsel vm0, $0x200, v59;
	vm0 =	vlt.s32 v43, v17;
	v37 =	vor.u32 v56, v37  }
0x10b: {  	v43 =	vsel vm0, $0x200, v59;
	v45 =	vor.u32 v58, v45;
	v49 =	vadd.s32 $0xFF, v37  }
0x10c: {  	v38 =	vor.u32 v43, v38;
	v46 =	vadd.s32 $0xFF, v45;
	vm0 =	vlt.s32 v4, v33;
	v4 =	vld.idx.msk [tilespmem:v57+s4+$0x0], $0xffff  }
0x10d: {  	vm2 =	vlt.s32 v39, v9;
	v43 =	vld.idx.msk [tilespmem:v47+s4+$0x0], $0xffff;
	v47 =	vadd.s32 $0xFF, v38;
	v57 =	vsel vm0, $0x4, v59  }
0x10e: {  	v48 =	vld.idx.msk [tilespmem:v54+s4+$0x0], $0xffff;
	v54 =	vsel vm1, $0x10, v59;
	v1 =	vadd.s32 v57, v1;
	vm0 =	vlt.s32 v6, v20  }
0x10f: {  	v44 =	vadd.s32 v54, v44;
	v6 =	vadd.s32 $0x1, v1;
	v58 =	vsel vm0, $0x100, v59  }
0x110: {  	vm0 =	vlt.s32 v40, v10;
	v40 =	vld.idx.msk [tilespmem:v55+s4+$0x0], $0xffff;
	v55 =	vadd.s32 $0x7, v44;
	v5 =	vadd.s32 v58, v5  }
0x111: {  	v39 =	vsel vm0, $0x10, v59;
	v58 =	vsel vm2, $0x10, v59;
	vm3 =	vlt.s32 v4, v27  }
0x112: {  	v46 =	vld.idx.msk [tilespmem:v46+s4+$0x0], $0xffff;
	v4 =	vadd.s32 $0x7F, v5;
	vm0 =	vlt.s32 v43, v25;
	v57 =	vsel vm3, $0x4000, v59  }
0x113: {  	v2 =	vadd.s32 v39, v2;
	v47 =	vld.idx.msk [tilespmem:v47+s4+$0x0], $0xffff;
	v8 =	vadd.s32 v58, v8;
	v42 =	vor.u32 v50, v57  }
0x114: {  	v56 =	vsel vm0, $0x4000, v59;
	vm0 =	vlt.s32 v48, v24;
	v6 =	vld.idx.msk [tilespmem:v6+s4+$0x0], $0xffff;
	v43 =	vor.u32 $0x1FFF, v42  }
0x115: {  	v39 =	vor.u32 v51, v56;
	v48 =	vsel vm0, $0x4000, v59;
	vm0 =	vlt.s32 v40, v26  }
0x116: {  	v40 =	vld.idx.msk [tilespmem:v49+s4+$0x0], $0xffff;
	v49 =	vor.u32 $0x1FFF, v39;
	v48 =	vor.u32 v52, v48;
	v57 =	vsel vm0, $0x4000, v59  }
0x117: {  	v51 =	vor.u32 $0x1FFF, v48;
	vm0 =	vlt.s32 v46, v18;
	v4 =	vld.idx.msk [tilespmem:v4+s4+$0x0], $0xffff;
	v50 =	vor.u32 v53, v57  }
0x118: {  	v58 =	vsel vm0, $0x100, v59;
	vm1 =	vlt.s32 v47, v17;
	v47 =	vld.idx.msk [tilespmem:v28+s4+$0x0], $0xffff;
	v52 =	vor.u32 $0x1FFF, v50  }
0x119: {  	v54 =	vadd.s32 $0x7, v2;
	vm0 =	vlt.s32 v6, v33;
	v6 =	vld.idx.msk [tilespmem:v43+s4+$0x0], $0xffff;
	v43 =	vadd.s32 v58, v45  }
0x11a: {  	v46 =	vld.idx.msk [tilespmem:v41+s4+$0x0], $0xffff;
	v58 =	vsel vm1, $0x100, v59;
	v45 =	vor.u32 s6, v0;
	v57 =	vsel vm0, $0x2, v59  }
0x11b: {  	vm0 =	vlt.s32 v40, v19;
	v40 =	vld.idx.msk [tilespmem:v49+s4+$0x0], $0xffff;
	v38 =	vadd.s32 v58, v38;
	v49 =	vadd.s32 $0x7F, v43  }
0x11c: {  	v1 =	vadd.s32 v57, v1;
	v56 =	vsel vm0, $0x100, v59;
	vm0 =	vlt.s32 v4, v20;
	v4 =	vld.idx.msk [tilespmem:v51+s4+$0x0], $0xffff  }
0x11d: {  	v45 =	vand.u32 v62, v45;
	vm1 =	vlt.s32 v47, v31;
	v57 =	vsel vm0, $0x80, v59;
	v51 =	vld.idx.msk [tilespmem:v52+s4+$0x0], $0xffff  }
0x11e: {  	v37 =	vadd.s32 v56, v37;
	v52 =	vadd.s32 $0x7F, v38;
	v5 =	vadd.s32 v57, v5  }
0x11f: {  	v31 =	vld.idx.msk [tilespmem:v54+s4+$0x0], $0xffff;
	v53 =	vadd.s32 $0x7F, v37;
	vm0 =	vlt.s32 v6, v27;
	v6 =	vadd.s32 $0x3F, v5  }
0x120: {  	v58 =	vsel vm0, $0x2000, v59;
	vm0 =	vlt.s32 v46, v32;
	vm2 =	vlt.s32 v40, v25;
	v47 =	vld.idx.msk [tilespmem:v49+s4+$0x0], $0xffff  }
0x121: {  	v32 =	vadd.s32 $0x7, v8;
	v42 =	vor.u32 v58, v42;
	v46 =	vld.idx.msk [tilespmem:v1+s4+$0x0], $0xffff;
	v40 =	vsel vm2, $0x2000, v59  }
0x122: {  	v56 =	vld.idx.msk [tilespmem:v29+s4+$0x0], $0xffff;
	vm2 =	vlt.s32 v4, v24;
	v4 =	vor.u32 $0xFFF, v42;
	vm3 =	vlt.s32 v51, v26  }
0x123: {  	v39 =	vor.u32 v40, v39;
	v57 =	vsel vm2, $0x2000, v59;
	v51 =	vld.idx.msk [tilespmem:v52+s4+$0x0], $0xffff;
	v58 =	vsel vm3, $0x2000, v59  }
0x124: {  	v40 =	vor.u32 v57, v48;
	v48 =	vor.u32 $0xFFF, v39;
	vm3 =	vlt.s32 v31, v10;
	v6 =	vld.idx.msk [tilespmem:v6+s4+$0x0], $0xffff  }
0x125: {  	v49 =	vor.u32 v58, v50;
	v50 =	vld.idx.msk [tilespmem:v53+s4+$0x0], $0xffff;
	v52 =	vor.u32 $0xFFF, v40;
	v58 =	vsel vm3, $0x8, v59  }
0x126: {  	v57 =	vor.u32 $0xFFF, v49;
	vm4 =	vlt.s32 v47, v18;
	vm2 =	vlt.s32 v46, v33  }
0x127: {  	v2 =	vadd.s32 v58, v2;
	v32 =	vld.idx.msk [tilespmem:v32+s4+$0x0], $0xffff;
	v31 =	vsel vm2, $0x1, v59;
	vm2 =	vlt.s32 v56, v30  }
0x128: {  	v4 =	vld.idx.msk [tilespmem:v4+s4+$0x0], $0xffff;
	vm3 =	vlt.s32 v51, v17;
	v30 =	vadd.s32 v31, v1;
	v31 =	vsel vm4, $0x80, v59  }
0x129: {  	v1 =	vld.idx.msk [tilespmem:v55+s4+$0x0], $0xffff;
	v33 =	vsel vm2, $0x1, v59;
	v43 =	vadd.s32 v31, v43;
	v31 =	vsel vm3, $0x80, v59  }
0x12a: {  	vm3 =	vlt.s32 v6, v20;
	v6 =	vld.idx.msk [tilespmem:v48+s4+$0x0], $0xffff;
	vm14 =	vlt.s32 v50, v19;
	v38 =	vadd.s32 v31, v38  }
0x12b: {  	v46 =	vld.idx.msk [tilespmem:v52+s4+$0x0], $0xffff;
	v31 =	vsel vm3, $0x40, v59;
	v52 =	vadd.s32 $0x3F, v43;
	v53 =	vsel vm14, $0x80, v59  }
0x12c: {  	vm15 =	vlt.s32 v32, v9;
	v5 =	vadd.s32 v31, v5;
	v31 =	vld.idx.msk [tilespmem:v57+s4+$0x0], $0xffff;
	v57 =	vadd.s32 $0x3F, v38  }
0x12d: {  	vm3 =	vlt.s32 v4, v27;
	v4 =	vadd.s32 v53, v37;
	v54 =	vadd.s32 $0x1F, v5  }
0x12e: {  	v56 =	vsel vm3, $0x1000, v59;
	v58 =	vadd.s32 $0x3F, v4;
	vm3 =	vlt.s32 v1, v11  }
0x12f: {  	v37 =	vor.u32 v56, v42;
	vm5 =	vlt.s32 v6, v25;
	v6 =	vsel vm3, $0x8, v59  }
0x130: {  	vm3 =	vlt.s32 v46, v24;
	v1 =	vor.u32 $0x7FF, v37;
	v55 =	vsel vm5, $0x1000, v59;
	v46 =	vld.idx.msk [tilespmem:v52+s4+$0x0], $0xffff  }
0x131: {  	v42 =	vsel vm15, $0x8, v59;
	v56 =	vsel vm3, $0x1000, v59;
	v39 =	vor.u32 v55, v39;
	v48 =	vld.idx.msk [tilespmem:v57+s4+$0x0], $0xffff  }
0x132: {  	vm3 =	vlt.s32 v31, v26;
	v40 =	vor.u32 v56, v40;
	v47 =	vld.idx.msk [tilespmem:v54+s4+$0x0], $0xffff;
	v51 =	vor.u32 $0x7FF, v39  }
0x133: {  	v8 =	vadd.s32 v42, v8;
	v31 =	vsel vm3, $0x1000, v59;
	v57 =	vor.u32 $0x7FF, v40  }
0x134: {  	v6 =	vadd.s32 v6, v44;
	v54 =	vadd.s32 $0x3, v8;
	v49 =	vor.u32 v31, v49;
	v44 =	vld.idx.msk [tilespmem:v58+s4+$0x0], $0xffff  }
0x135: {  	v32 =	vsel vm1, $0x1, v59;
	v42 =	vadd.s32 $0x3, v6;
	v50 =	vor.u32 $0x7FF, v49;
	v1 =	vld.idx.msk [tilespmem:v1+s4+$0x0], $0xffff  }
0x136: {  	v55 =	vsel vm0, $0x1, v59;
	v58 =	vadd.s32 $0x3, v2;
	vm0 =	vlt.s32 v46, v18  }
0x137: {  	v46 =	vsel vm0, $0x40, v59;
	vm1 =	vlt.s32 v48, v17;
	vm0 =	vlt.s32 v47, v20;
	v47 =	vld.idx.msk [tilespmem:v51+s4+$0x0], $0xffff  }
0x138: {  	v31 =	vor.u32 s12, v0;
	v43 =	vadd.s32 v46, v43;
	v48 =	vld.idx.msk [tilespmem:v57+s4+$0x0], $0xffff;
	v57 =	vsel vm1, $0x40, v59  }
0x139: {  	v52 =	vld.idx.msk [tilespmem:v54+s4+$0x0], $0xffff;
	v56 =	vsel vm0, $0x20, v59;
	vm0 =	vlt.s32 v44, v19;
	v53 =	vadd.s32 v57, v38  }
0x13a: {  	v38 =	vadd.s32 $0x1F, v43;
	v5 =	vadd.s32 v56, v5;
	v44 =	vld.idx.msk [tilespmem:v50+s4+$0x0], $0xffff;
	vm1 =	vlt.s32 v1, v27  }
0x13b: {  	v50 =	vld.idx.msk [tilespmem:v58+s4+$0x0], $0xffff;
	v1 =	vsel vm0, $0x40, v59;
	v46 =	vadd.s32 $0xF, v5;
	v58 =	vsel vm1, $0x800, v59  }
0x13c: {  	v51 =	vadd.s32 $0x1F, v53;
	v4 =	vadd.s32 v1, v4;
	v1 =	vld.idx.msk [tilespmem:v42+s4+$0x0], $0xffff;
	v42 =	vor.u32 v58, v37  }
0x13d: {  	vm0 =	vlt.s32 v47, v25;
	v54 =	vadd.s32 $0x1F, v4;
	v37 =	vor.u32 s13, v0  }
0x13e: {  	v47 =	vor.u32 $0x3FF, v42;
	v56 =	vsel vm0, $0x800, v59;
	vm0 =	vlt.s32 v48, v24  }
0x13f: {  	vm2 =	vlt.s32 v52, v9;
	v48 =	vor.u32 v56, v39;
	v56 =	vsel vm0, $0x800, v59  }
0x140: {  	vm0 =	vlt.s32 v44, v26;
	v44 =	vld.idx.msk [tilespmem:v46+s4+$0x0], $0xffff;
	v46 =	vor.u32 $0x3FF, v48;
	v56 =	vor.u32 v56, v40  }
0x141: {  	v51 =	vld.idx.msk [tilespmem:v51+s4+$0x0], $0xffff;
	v39 =	vsel vm0, $0x800, v59;
	vm0 =	vlt.s32 v50, v10;
	v57 =	vor.u32 $0x3FF, v56  }
0x142: {  	v58 =	vor.u32 v39, v49;
	v49 =	vld.idx.msk [tilespmem:v38+s4+$0x0], $0xffff;
	vm1 =	vlt.s32 v1, v11;
	v38 =	vsel vm0, $0x4, v59  }
0x143: {  	v50 =	vor.u32 $0x3FF, v58;
	v39 =	vsel vm1, $0x4, v59;
	v52 =	vadd.s32 v38, v2;
	v1 =	vld.idx.msk [tilespmem:v47+s4+$0x0], $0xffff  }
0x144: {  	v2 =	vld.idx.msk [tilespmem:v54+s4+$0x0], $0xffff;
	v38 =	vor.u32 s15, v0;
	v54 =	vadd.s32 v55, v41;
	v47 =	vsel vm2, $0x4, v59  }
0x145: {  	v40 =	vadd.s32 v39, v6;
	v6 =	vadd.s32 $0x1, v52;
	vm0 =	vlt.s32 v44, v20  }
0x146: {  	v39 =	vadd.s32 v47, v8;
	v47 =	vadd.s32 $0x1, v40;
	v46 =	vld.idx.msk [tilespmem:v46+s4+$0x0], $0xffff;
	v8 =	vsel vm0, $0x10, v59  }
0x147: {  	vm0 =	vlt.s32 v49, v18;
	v44 =	vadd.s32 v8, v5;
	v5 =	vld.idx.msk [tilespmem:v57+s4+$0x0], $0xffff;
	v8 =	vadd.s32 $0x1, v39  }
0x148: {  	v49 =	vld.idx.msk [tilespmem:v50+s4+$0x0], $0xffff;
	vm1 =	vlt.s32 v1, v27;
	v1 =	vsel vm0, $0x20, v59;
	v50 =	vadd.s32 $0x7, v44  }
0x149: {  	vm0 =	vlt.s32 v51, v17;
	v57 =	vsel vm1, $0x400, v59;
	v41 =	vadd.s32 v1, v43  }
0x14a: {  	v1 =	vsel vm0, $0x20, v59;
	vm0 =	vlt.s32 v2, v19;
	v51 =	vor.u32 v57, v42  }
0x14b: {  	v6 =	vld.idx.msk [tilespmem:v6+s4+$0x0], $0xffff;
	vm1 =	vlt.s32 v46, v25;
	v2 =	vsel vm0, $0x20, v59;
	v42 =	vadd.s32 v1, v53  }
0x14c: {  	v57 =	vld.idx.msk [tilespmem:v47+s4+$0x0], $0xffff;
	v55 =	vor.u32 $0x1FF, v51;
	v47 =	vsel vm1, $0x400, v59;
	v43 =	vadd.s32 v2, v4  }
0x14d: {  	vm0 =	vlt.s32 v5, v24;
	v5 =	vld.idx.msk [tilespmem:v8+s4+$0x0], $0xffff;
	v46 =	vor.u32 v47, v48;
	v47 =	vadd.s32 $0xF, v42  }
0x14e: {  	v1 =	vsel vm0, $0x400, v59;
	vm0 =	vlt.s32 v49, v26;
	v8 =	vld.idx.msk [tilespmem:v50+s4+$0x0], $0xffff;
	v53 =	vor.u32 $0x1FF, v46  }
0x14f: {  	[tilespmem:v35+s17+$0x0] =	vst.idx.msk $0xffff, v36;
	v36 =	vadd.s32 $0xF, v43;
	v49 =	vor.u32 v1, v56;
	v56 =	vsel vm0, $0x400, v59  }
0x150: {  	[tilespmem:v45+s17+$0x0] =	vst.idx.msk $0xffff, v30;
	v50 =	vadd.s32 $0xF, v41;
	v1 =	vor.u32 $0x1FF, v49;
	v48 =	vor.u32 v56, v58  }
0x151: {  	vm0 =	vlt.s32 v6, v10;
	vm1 =	vlt.s32 v57, v11;
	v2 =	vor.u32 $0x1FF, v48;
	v4 =	vld.idx.msk [tilespmem:v55+s4+$0x0], $0xffff  }
0x152: {  	[tilespmem:v34+s17+$0x0] =	vst.idx.msk $0xffff, v54;
	v6 =	vsel vm0, $0x2, v59;
	v35 =	vsel vm1, $0x2, v59;
	vm1 =	vlt.s32 v5, v9  }
0x153: {  	s10 =	simm.s32 $0xC;
	s6 =	simm.s32 $0xF0;
	v30 =	vadd.s32 v6, v52;
	v45 =	vld.idx.msk [tilespmem:v53+s4+$0x0], $0xffff;
	vm0 =	vlt.s32 v8, v20;
	v34 =	vsel vm1, $0x2, v59  }
.LBB2_2:
0x154: {  	v5 =	vld.idx.msk [tilespmem:v7+s4+$0x0], $0xffff;
	s10 =	sadd.s32 $0x4, s10;
	v6 =	vsel vm0, $0x8, v59;
	v8 =	vadd.s32 v35, v40;
	v35 =	vadd.s32 v34, v39  }
0x155: {  	v32 =	vadd.s32 v32, v28;
	v33 =	vadd.s32 v33, v29;
	p0 =	slt.u32 s10, $0x3C;
	v1 =	vld.idx.msk [tilespmem:v1+s4+$0x0], $0xffff;
	v6 =	vadd.s32 v6, v44  }
0x156: {  	v34 =	vand.u32 v63, v31;
	vm0 =	vlt.s32 v4, v27;
	v28 =	vmovc v8;
	v2 =	vld.idx.msk [tilespmem:v2+s4+$0x0], $0xffff;
	v4 =	vadd.s32 $0x3, v6  }
0x157: {  	v31 =	vand.u32 v61, v38;
	s3 =	sadd.s32 $0x40, s3;
	v8 =	vand.u32 v60, v37;
	v29 =	vmovc v35;
	v37 =	vsel vm0, $0x200, v59;
	v40 =	vld.idx.msk [tilespmem:v50+s4+$0x0], $0xffff  }
0x158: {  	s15 =	sadd.s32 $0xFFFFFFD0, s3;
	s14 =	sadd.s32 $0xFFFFFFE0, s3;
	s11 =	sadd.s32 $0xFFFFFFF0, s3;
	v35 =	vor.u32 s3, v3;
	v37 =	vor.u32 v37, v51;
	v44 =	vld.idx.msk [tilespmem:v47+s4+$0x0], $0xffff;
	[tilespmem:v13+s17+$0x0] =	vst.idx.msk $0xffff, v32;
	v13 =	vmov v16  }
0x159: {  	v38 =	vor.u32 s15, v3;
	v32 =	vshll.u32 v35, $0x11;
	v35 =	vadd.s32 $0xFF, v37;
	v16 =	vmovc v22;
	v47 =	vld.idx.msk [tilespmem:v36+s4+$0x0], $0xffff;
	[tilespmem:v12+s17+$0x0] =	vst.idx.msk $0xffff, v33  }
0x15a: {  	v50 =	vor.u32 s11, v3;
	v22 =	vmovc v8;
	v33 =	vor.u32 s14, v3;
	vm0 =	vlt.s32 v5, v32;
	v12 =	vmovc v14;
	v39 =	vld.idx.msk [tilespmem:v30+s4+$0x0], $0xffff  }
0x15b: {  	v38 =	vshll.u32 v38, $0x11;
	v14 =	vmovc v21;
	v21 =	vmovc v31;
	v36 =	vshll.u32 v33, $0x11;
	v8 =	vsel vm0, $0x8000, v59;
	v4 =	vld.idx.msk [tilespmem:v4+s4+$0x0], $0xffff  }
0x15c: {  	v31 =	vshll.u32 v50, $0x11;
	vm0 =	vlt.s32 v5, v38;
	v50 =	vor.u32 $0x3FFF, v8;
	v51 =	vld.idx.msk [tilespmem:v28+s4+$0x0], $0xffff  }
0x15d: {  	vm1 =	vlt.s32 v5, v31;
	v52 =	vsel vm0, $0x8000, v59;
	vm0 =	vlt.s32 v5, v36;
	v33 =	vld.idx.msk [tilespmem:v29+s4+$0x0], $0xffff  }
0x15e: {  	v54 =	vsel vm1, $0x8000, v59;
	v5 =	vor.u32 $0x3FFF, v52;
	v53 =	vsel vm0, $0x8000, v59;
	v35 =	vld.idx.msk [tilespmem:v35+s4+$0x0], $0xffff  }
0x15f: {  	v56 =	vor.u32 $0x3FFF, v54;
	vm0 =	vlt.s32 v45, v25;
	v55 =	vor.u32 $0x3FFF, v53  }
0x160: {  	vm1 =	vlt.s32 v2, v26;
	v45 =	vsel vm0, $0x200, v59;
	vm0 =	vlt.s32 v1, v24  }
0x161: {  	v2 =	vsel vm0, $0x200, v59;
	vm0 =	vlt.s32 v4, v20;
	v1 =	vld.idx.msk [tilespmem:v50+s4+$0x0], $0xffff;
	v50 =	vsel vm1, $0x200, v59  }
0x162: {  	v2 =	vor.u32 v2, v49;
	v4 =	vor.u32 v45, v46;
	v45 =	vsel vm0, $0x4, v59  }
0x163: {  	v46 =	vadd.s32 $0xFF, v4;
	v48 =	vor.u32 v50, v48;
	v6 =	vadd.s32 v45, v6;
	v5 =	vld.idx.msk [tilespmem:v5+s4+$0x0], $0xffff  }
0x164: {  	v49 =	vadd.s32 $0xFF, v2;
	vm0 =	vlt.s32 v35, v27;
	v35 =	vadd.s32 $0x1, v6;
	v45 =	vld.idx.msk [tilespmem:v55+s4+$0x0], $0xffff  }
0x165: {  	v55 =	vadd.s32 $0xFF, v48;
	v50 =	vld.idx.msk [tilespmem:v56+s4+$0x0], $0xffff;
	v56 =	vsel vm0, $0x100, v59;
	vm0 =	vlt.s32 v40, v18  }
0x166: {  	vm2 =	vlt.s32 v47, v19;
	vm1 =	vlt.s32 v44, v17;
	v40 =	vadd.s32 v56, v37  }
0x167: {  	vm3 =	vlt.s32 v1, v32;
	v37 =	vsel vm0, $0x10, v59;
	v1 =	vadd.s32 $0x7F, v40  }
0x168: {  	v47 =	vsel vm1, $0x10, v59;
	v56 =	vsel vm2, $0x10, v59;
	v44 =	vsel vm3, $0x4000, v59;
	v46 =	vld.idx.msk [tilespmem:v46+s4+$0x0], $0xffff  }
0x169: {  	vm0 =	vlt.s32 v5, v38;
	v5 =	vor.u32 v8, v44;
	v8 =	vadd.s32 v37, v41;
	v41 =	vld.idx.msk [tilespmem:v35+s4+$0x0], $0xffff  }
0x16a: {  	v35 =	vsel vm0, $0x4000, v59;
	vm0 =	vlt.s32 v45, v36;
	v44 =	vor.u32 $0x1FFF, v5;
	v45 =	vld.idx.msk [tilespmem:v49+s4+$0x0], $0xffff  }
0x16b: {  	v49 =	vor.u32 v52, v35;
	v35 =	vsel vm0, $0x4000, v59;
	vm0 =	vlt.s32 v50, v31;
	v50 =	vld.idx.msk [tilespmem:v55+s4+$0x0], $0xffff  }
0x16c: {  	v52 =	vor.u32 $0x1FFF, v49;
	v53 =	vor.u32 v53, v35;
	v35 =	vsel vm0, $0x4000, v59;
	v1 =	vld.idx.msk [tilespmem:v1+s4+$0x0], $0xffff  }
0x16d: {  	v37 =	vadd.s32 v47, v42;
	v55 =	vor.u32 $0x1FFF, v53;
	v54 =	vor.u32 v54, v35  }
0x16e: {  	v35 =	vadd.s32 v56, v43;
	v42 =	vor.u32 $0x1FFF, v54;
	vm0 =	vlt.s32 v46, v25  }
0x16f: {  	v46 =	vadd.s32 $0x7, v8;
	v43 =	vld.idx.msk [tilespmem:v44+s4+$0x0], $0xffff;
	v44 =	vsel vm0, $0x100, v59;
	vm0 =	vlt.s32 v41, v20  }
0x170: {  	vm1 =	vlt.s32 v45, v24;
	v4 =	vadd.s32 v44, v4;
	v41 =	vsel vm0, $0x2, v59  }
0x171: {  	v45 =	vsel vm1, $0x100, v59;
	vm0 =	vlt.s32 v50, v26;
	v44 =	vld.idx.msk [tilespmem:v52+s4+$0x0], $0xffff;
	v6 =	vadd.s32 v41, v6  }
0x172: {  	v2 =	vadd.s32 v45, v2;
	v45 =	vsel vm0, $0x100, v59;
	vm0 =	vlt.s32 v1, v27;
	v41 =	vld.idx.msk [tilespmem:v55+s4+$0x0], $0xffff  }
0x173: {  	v45 =	vadd.s32 v45, v48;
	v47 =	vsel vm0, $0x80, v59;
	v1 =	vld.idx.msk [tilespmem:v42+s4+$0x0], $0xffff;
	v42 =	vadd.s32 $0x7F, v4  }
0x174: {  	v48 =	vadd.s32 $0x7F, v2;
	v50 =	vadd.s32 $0x7F, v45;
	v40 =	vadd.s32 v47, v40;
	v46 =	vld.idx.msk [tilespmem:v46+s4+$0x0], $0xffff  }
0x175: {  	v47 =	vadd.s32 $0x7, v37;
	vm0 =	vlt.s32 v43, v32;
	v43 =	vadd.s32 $0x3F, v40  }
0x176: {  	v55 =	vadd.s32 $0x7, v35;
	v52 =	vsel vm0, $0x2000, v59;
	vm0 =	vlt.s32 v39, v10;
	v10 =	vmovc v18;
	v18 =	vmovc v25;
	v56 =	vld.idx.msk [tilespmem:v6+s4+$0x0], $0xffff  }
0x177: {  	vm1 =	vlt.s32 v51, v11;
	v25 =	vmovc v38;
	vm2 =	vlt.s32 v44, v38;
	v5 =	vor.u32 v52, v5  }
0x178: {  	v11 =	vmovc v17;
	v17 =	vmovc v24;
	v38 =	vsel vm2, $0x2000, v59;
	vm2 =	vlt.s32 v41, v36;
	v39 =	vor.u32 $0xFFF, v5;
	v41 =	vld.idx.msk [tilespmem:v42+s4+$0x0], $0xffff  }
0x179: {  	v24 =	vmovc v36;
	v44 =	vor.u32 s2, v0;
	s2 =	smov.u32 s6;
	s6 =	smov.u32 s3;
	v42 =	vsel vm2, $0x2000, v59;
	vm2 =	vlt.s32 v1, v31;
	v1 =	vld.idx.msk [tilespmem:v48+s4+$0x0], $0xffff  }
0x17a: {  	v44 =	vand.u32 v62, v44;
	v38 =	vor.u32 v38, v49;
	v36 =	vsel vm2, $0x2000, v59;
	v43 =	vld.idx.msk [tilespmem:v43+s4+$0x0], $0xffff  }
0x17b: {  	v48 =	vor.u32 $0xFFF, v38;
	v42 =	vor.u32 v42, v53;
	v49 =	vor.u32 v36, v54;
	v50 =	vld.idx.msk [tilespmem:v50+s4+$0x0], $0xffff  }
0x17c: {  	v51 =	vor.u32 $0xFFF, v42;
	v52 =	vor.u32 $0xFFF, v49;
	vm2 =	vlt.s32 v56, v20;
	v20 =	vmovc v27;
	v27 =	vmovc v32;
	v47 =	vld.idx.msk [tilespmem:v47+s4+$0x0], $0xffff  }
0x17d: {  	vm3 =	vlt.s32 v46, v10;
	v36 =	vsel vm2, $0x1, v59;
	vm2 =	vlt.s32 v33, v9;
	v9 =	vmovc v19;
	v32 =	vld.idx.msk [tilespmem:v39+s4+$0x0], $0xffff  }
0x17e: {  	v33 =	vsel vm3, $0x8, v59;
	v19 =	vmovc v26;
	vm4 =	vlt.s32 v41, v18;
	v6 =	vadd.s32 v36, v6;
	v39 =	vld.idx.msk [tilespmem:v55+s4+$0x0], $0xffff  }
0x17f: {  	v36 =	vadd.s32 v33, v8;
	v41 =	vsel vm4, $0x80, v59;
	vm3 =	vlt.s32 v1, v17;
	[tilespmem:v44+s17+$0x0] =	vst.idx.msk $0xffff, v6  }
0x180: {  	v26 =	vmovc v31;
	v4 =	vadd.s32 v41, v4;
	v6 =	vsel vm3, $0x80, v59;
	vm3 =	vlt.s32 v43, v20;
	v1 =	vld.idx.msk [tilespmem:v48+s4+$0x0], $0xffff  }
0x181: {  	v2 =	vadd.s32 v6, v2;
	vm4 =	vlt.s32 v50, v19;
	v6 =	vsel vm3, $0x40, v59;
	v8 =	vld.idx.msk [tilespmem:v51+s4+$0x0], $0xffff  }
0x182: {  	v33 =	vadd.s32 $0x3F, v4;
	v41 =	vsel vm4, $0x80, v59;
	v6 =	vadd.s32 v6, v40;
	v31 =	vld.idx.msk [tilespmem:v52+s4+$0x0], $0xffff  }
0x183: {  	vm3 =	vlt.s32 v32, v27;
	v40 =	vadd.s32 v41, v45;
	v32 =	vadd.s32 $0x1F, v6  }
0x184: {  	v43 =	vadd.s32 $0x3F, v2;
	v41 =	vsel vm3, $0x1000, v59;
	v44 =	vadd.s32 $0x3F, v40  }
0x185: {  	vm3 =	vlt.s32 v47, v11;
	vm4 =	vlt.s32 v39, v9;
	v5 =	vor.u32 v41, v5  }
0x186: {  	v39 =	vsel vm3, $0x8, v59;
	vm5 =	vlt.s32 v1, v25;
	v1 =	vor.u32 $0x7FF, v5  }
0x187: {  	v41 =	vsel vm5, $0x1000, v59;
	vm3 =	vlt.s32 v8, v24;
	v8 =	vld.idx.msk [tilespmem:v33+s4+$0x0], $0xffff;
	v33 =	vsel vm4, $0x8, v59  }
0x188: {  	v38 =	vor.u32 v41, v38;
	v41 =	vsel vm3, $0x1000, v59;
	vm3 =	vlt.s32 v31, v26;
	v45 =	vld.idx.msk [tilespmem:v32+s4+$0x0], $0xffff  }
0x189: {  	v46 =	vor.u32 $0x7FF, v38;
	v41 =	vor.u32 v41, v42;
	v31 =	vsel vm3, $0x1000, v59;
	v42 =	vld.idx.msk [tilespmem:v43+s4+$0x0], $0xffff  }
0x18a: {  	v39 =	vadd.s32 v39, v37;
	v43 =	vor.u32 $0x7FF, v41;
	v47 =	vor.u32 v31, v49;
	v44 =	vld.idx.msk [tilespmem:v44+s4+$0x0], $0xffff  }
0x18b: {  	v48 =	vadd.s32 $0x3, v36;
	v35 =	vadd.s32 v33, v35;
	v37 =	vor.u32 $0x7FF, v47;
	v1 =	vld.idx.msk [tilespmem:v1+s4+$0x0], $0xffff  }
0x18c: {  	v51 =	vsel vm0, $0x1, v59;
	v49 =	vadd.s32 $0x3, v39;
	v50 =	vadd.s32 $0x3, v35  }
0x18d: {  	v32 =	vsel vm1, $0x1, v59;
	v33 =	vsel vm2, $0x1, v59;
	vm0 =	vlt.s32 v8, v18  }
0x18e: {  	v31 =	vor.u32 s15, v0;
	v8 =	vld.idx.msk [tilespmem:v46+s4+$0x0], $0xffff;
	v46 =	vsel vm0, $0x40, v59;
	vm0 =	vlt.s32 v45, v20  }
0x18f: {  	vm1 =	vlt.s32 v42, v17;
	v43 =	vld.idx.msk [tilespmem:v43+s4+$0x0], $0xffff;
	v4 =	vadd.s32 v46, v4;
	v42 =	vsel vm0, $0x20, v59  }
0x190: {  	vm0 =	vlt.s32 v44, v19;
	v45 =	vld.idx.msk [tilespmem:v37+s4+$0x0], $0xffff;
	v37 =	vsel vm1, $0x40, v59;
	v6 =	vadd.s32 v42, v6  }
0x191: {  	vm1 =	vlt.s32 v1, v27;
	v1 =	vsel vm0, $0x40, v59;
	v42 =	vadd.s32 $0xF, v6;
	v44 =	vld.idx.msk [tilespmem:v48+s4+$0x0], $0xffff  }
0x192: {  	v46 =	vsel vm1, $0x800, v59;
	v2 =	vadd.s32 v37, v2;
	v52 =	vadd.s32 v1, v40;
	v1 =	vld.idx.msk [tilespmem:v49+s4+$0x0], $0xffff  }
0x193: {  	v40 =	vadd.s32 $0x1F, v4;
	v5 =	vor.u32 v46, v5;
	v46 =	vadd.s32 $0x1F, v2;
	v48 =	vld.idx.msk [tilespmem:v50+s4+$0x0], $0xffff  }
0x194: {  	v49 =	vadd.s32 $0x1F, v52;
	vm0 =	vlt.s32 v8, v25;
	v8 =	vor.u32 $0x3FF, v5  }
0x195: {  	v37 =	vor.u32 s14, v0;
	v50 =	vsel vm0, $0x800, v59;
	vm0 =	vlt.s32 v43, v24  }
0x196: {  	v43 =	vor.u32 v50, v38;
	v38 =	vsel vm0, $0x800, v59;
	vm0 =	vlt.s32 v45, v26;
	v42 =	vld.idx.msk [tilespmem:v42+s4+$0x0], $0xffff  }
0x197: {  	v45 =	vor.u32 $0x3FF, v43;
	v50 =	vor.u32 v38, v41;
	v38 =	vsel vm0, $0x800, v59  }
0x198: {  	vm0 =	vlt.s32 v44, v10;
	v41 =	vor.u32 $0x3FF, v50;
	v47 =	vor.u32 v38, v47;
	v53 =	vld.idx.msk [tilespmem:v40+s4+$0x0], $0xffff  }
0x199: {  	vm1 =	vlt.s32 v1, v11;
	v44 =	vor.u32 $0x3FF, v47;
	vm2 =	vlt.s32 v48, v9;
	v8 =	vld.idx.msk [tilespmem:v8+s4+$0x0], $0xffff  }
0x19a: {  	v38 =	vsel vm0, $0x4, v59;
	v40 =	vsel vm1, $0x4, v59;
	v1 =	vld.idx.msk [tilespmem:v46+s4+$0x0], $0xffff;
	v46 =	vsel vm2, $0x4, v59  }
0x19b: {  	v54 =	vadd.s32 v38, v36;
	v40 =	vadd.s32 v40, v39;
	v48 =	vld.idx.msk [tilespmem:v49+s4+$0x0], $0xffff;
	v39 =	vadd.s32 v46, v35  }
0x19c: {  	v36 =	vadd.s32 $0x1, v54;
	vm0 =	vlt.s32 v42, v20;
	v42 =	vadd.s32 $0x1, v40;
	v35 =	vld.idx.msk [tilespmem:v45+s4+$0x0], $0xffff  }
0x19d: {  	v38 =	vor.u32 s11, v0;
	v46 =	vadd.s32 $0x1, v39;
	v45 =	vld.idx.msk [tilespmem:v41+s4+$0x0], $0xffff;
	v41 =	vsel vm0, $0x10, v59  }
0x19e: {  	vm0 =	vlt.s32 v53, v18;
	v49 =	vld.idx.msk [tilespmem:v44+s4+$0x0], $0xffff;
	v44 =	vadd.s32 v41, v6;
	v6 =	vadd.s32 v51, v30  }
0x19f: {  	vm1 =	vlt.s32 v8, v27;
	v8 =	vsel vm0, $0x20, v59;
	v30 =	vadd.s32 $0x7, v44;
	[tilespmem:v15+s17+$0x0] =	vst.idx.msk $0xffff, v6;
	v15 =	vmovc v23  }
0x1a0: {  	v6 =	vsel vm1, $0x400, v59;
	v41 =	vadd.s32 v8, v4;
	vm0 =	vlt.s32 v1, v17;
	v23 =	vmovc v34  }
0x1a1: {  	v51 =	vor.u32 v6, v5;
	v1 =	vsel vm0, $0x20, v59;
	vm0 =	vlt.s32 v48, v19;
	v5 =	vld.idx.msk [tilespmem:v36+s4+$0x0], $0xffff  }
0x1a2: {  	vm1 =	vlt.s32 v35, v25;
	v4 =	vor.u32 $0x1FF, v51;
	v6 =	vsel vm0, $0x20, v59;
	v8 =	vld.idx.msk [tilespmem:v42+s4+$0x0], $0xffff  }
0x1a3: {  	v34 =	vsel vm1, $0x400, v59;
	vm0 =	vlt.s32 v45, v24;
	v42 =	vadd.s32 v1, v2;
	v45 =	vld.idx.msk [tilespmem:v46+s4+$0x0], $0xffff  }
0x1a4: {  	v46 =	vor.u32 v34, v43;
	v1 =	vsel vm0, $0x400, v59;
	vm0 =	vlt.s32 v49, v26;
	v30 =	vld.idx.msk [tilespmem:v30+s4+$0x0], $0xffff  }
0x1a5: {  	v34 =	vor.u32 $0x1FF, v46;
	v49 =	vor.u32 v1, v50;
	v2 =	vsel vm0, $0x400, v59  }
.Ltmp0:
0x1a6: {  	v43 =	vadd.s32 v6, v52;
	v1 =	vor.u32 $0x1FF, v49;
	v48 =	vor.u32 v2, v47;
	(pc) =	sbr.rel @p0 .LBB2_2-.Ltmp0, $4  }
0x1a7: {  	v50 =	vadd.s32 $0xF, v41;
	v47 =	vadd.s32 $0xF, v42;
	v2 =	vor.u32 $0x1FF, v48;
	v4 =	vld.idx.msk [tilespmem:v4+s4+$0x0], $0xffff  }
0x1a8: {  	v36 =	vadd.s32 $0xF, v43;
	vm0 =	vlt.s32 v5, v10;
	vm1 =	vlt.s32 v8, v11  }
0x1a9: {  	v5 =	vsel vm0, $0x2, v59;
	v35 =	vsel vm1, $0x2, v59;
	vm1 =	vlt.s32 v45, v9  }
0x1aa: {  	vm0 =	vlt.s32 v30, v20;
	v30 =	vadd.s32 v5, v54;
	v45 =	vld.idx.msk [tilespmem:v34+s4+$0x0], $0xffff;
	v34 =	vsel vm1, $0x2, v59  }
0x1ab: {  	_ =	sdelay $0x3  }
0x1ac: {  	v1 =	vld.idx.msk [tilespmem:v1+s4+$0x0], $0xffff;
	vm1 =	vlt.s32 v4, v27  }
0x1ad: {  	v2 =	vld.idx.msk [tilespmem:v2+s4+$0x0], $0xffff;
	v4 =	vsel vm1, $0x200, v59  }
0x1ae: {  	v4 =	vor.u32 v4, v51  }
0x1af: {  	v5 =	vadd.s32 $0xFF, v4  }
0x1b0: {  	vm4 =	vlt.s32 v45, v25  }
0x1b1: {  	v6 =	vsel vm4, $0x200, v59;
	vm5 =	vlt.s32 v1, v24  }
0x1b2: {  	vm2 =	vlt.s32 v2, v26;
	v1 =	vsel vm5, $0x200, v59;
	v2 =	vor.u32 v6, v46  }
0x1b3: {  	v6 =	vsel vm2, $0x200, v59;
	v1 =	vor.u32 v1, v49;
	v8 =	vadd.s32 $0xFF, v2  }
0x1b4: {  	v6 =	vor.u32 v6, v48;
	v51 =	vadd.s32 $0xFF, v1;
	v5 =	vld.idx.msk [tilespmem:v5+s4+$0x0], $0xffff  }
0x1b5: {  	v52 =	vadd.s32 $0xFF, v6;
	_ =	sdelay $0x2  }
0x1b6: {  	v8 =	vld.idx.msk [tilespmem:v8+s4+$0x0], $0xffff  }
0x1b7: {  	vm6 =	vlt.s32 v5, v27;
	v5 =	vld.idx.msk [tilespmem:v51+s4+$0x0], $0xffff  }
0x1b8: {  	v46 =	vld.idx.msk [tilespmem:v52+s4+$0x0], $0xffff;
	v53 =	vsel vm6, $0x100, v59  }
0x1b9: {  	v4 =	vadd.s32 v53, v4  }
0x1ba: {  	v45 =	vadd.s32 $0x7F, v4  }
0x1bb: {  	vm7 =	vlt.s32 v8, v25  }
0x1bc: {  	v8 =	vsel vm7, $0x100, v59;
	vm8 =	vlt.s32 v5, v24  }
0x1bd: {  	vm9 =	vlt.s32 v46, v26;
	v2 =	vadd.s32 v8, v2;
	v5 =	vsel vm8, $0x100, v59  }
0x1be: {  	v8 =	vadd.s32 $0x7F, v2;
	v1 =	vadd.s32 v5, v1;
	v5 =	vsel vm9, $0x100, v59  }
0x1bf: {  	v45 =	vld.idx.msk [tilespmem:v45+s4+$0x0], $0xffff;
	v5 =	vadd.s32 v5, v6;
	v6 =	vadd.s32 $0x7F, v1  }
0x1c0: {  	v54 =	vadd.s32 $0x7F, v5;
	_ =	sdelay $0x2  }
0x1c1: {  	v8 =	vld.idx.msk [tilespmem:v8+s4+$0x0], $0xffff  }
0x1c2: {  	vm10 =	vlt.s32 v45, v27;
	v6 =	vld.idx.msk [tilespmem:v6+s4+$0x0], $0xffff  }
0x1c3: {  	v45 =	vsel vm10, $0x80, v59;
	v46 =	vld.idx.msk [tilespmem:v54+s4+$0x0], $0xffff  }
0x1c4: {  	v4 =	vadd.s32 v45, v4  }
0x1c5: {  	v45 =	vadd.s32 $0x3F, v4  }
0x1c6: {  	vm11 =	vlt.s32 v8, v25  }
0x1c7: {  	v8 =	vsel vm11, $0x80, v59;
	vm12 =	vlt.s32 v6, v24  }
0x1c8: {  	v2 =	vadd.s32 v8, v2;
	v6 =	vsel vm12, $0x80, v59;
	vm13 =	vlt.s32 v46, v26  }
0x1c9: {  	v1 =	vadd.s32 v6, v1;
	v6 =	vadd.s32 $0x3F, v2;
	v8 =	vsel vm13, $0x80, v59  }
0x1ca: {  	v45 =	vld.idx.msk [tilespmem:v45+s4+$0x0], $0xffff;
	v5 =	vadd.s32 v8, v5;
	v8 =	vadd.s32 $0x3F, v1  }
0x1cb: {  	v55 =	vadd.s32 $0x3F, v5;
	_ =	sdelay $0x2  }
0x1cc: {  	v6 =	vld.idx.msk [tilespmem:v6+s4+$0x0], $0xffff  }
0x1cd: {  	vm14 =	vlt.s32 v45, v27;
	v8 =	vld.idx.msk [tilespmem:v8+s4+$0x0], $0xffff  }
0x1ce: {  	v45 =	vsel vm14, $0x40, v59;
	v46 =	vld.idx.msk [tilespmem:v55+s4+$0x0], $0xffff  }
0x1cf: {  	v4 =	vadd.s32 v45, v4  }
0x1d0: {  	v45 =	vadd.s32 $0x1F, v4  }
0x1d1: {  	vm15 =	vlt.s32 v6, v25  }
0x1d2: {  	v6 =	vsel vm15, $0x40, v59;
	vm4 =	vlt.s32 v8, v24  }
0x1d3: {  	v2 =	vadd.s32 v6, v2;
	v6 =	vsel vm4, $0x40, v59;
	vm5 =	vlt.s32 v46, v26  }
0x1d4: {  	v8 =	vsel vm5, $0x40, v59;
	v1 =	vadd.s32 v6, v1;
	v6 =	vadd.s32 $0x1F, v2  }
0x1d5: {  	v45 =	vld.idx.msk [tilespmem:v45+s4+$0x0], $0xffff;
	v5 =	vadd.s32 v8, v5;
	v8 =	vadd.s32 $0x1F, v1  }
0x1d6: {  	v56 =	vadd.s32 $0x1F, v5;
	_ =	sdelay $0x2  }
0x1d7: {  	v6 =	vld.idx.msk [tilespmem:v6+s4+$0x0], $0xffff  }
0x1d8: {  	vm6 =	vlt.s32 v45, v27;
	v8 =	vld.idx.msk [tilespmem:v8+s4+$0x0], $0xffff  }
0x1d9: {  	v45 =	vsel vm6, $0x20, v59;
	v46 =	vld.idx.msk [tilespmem:v56+s4+$0x0], $0xffff  }
0x1da: {  	v4 =	vadd.s32 v45, v4  }
0x1db: {  	v45 =	vadd.s32 $0xF, v4  }
0x1dc: {  	v57 =	vld.idx.msk [tilespmem:v50+s4+$0x0], $0xffff;
	vm7 =	vlt.s32 v6, v25  }
0x1dd: {  	v6 =	vld.idx.msk [tilespmem:v47+s4+$0x0], $0xffff;
	v58 =	vsel vm7, $0x20, v59;
	vm8 =	vlt.s32 v8, v24  }
0x1de: {  	v8 =	vld.idx.msk [tilespmem:v36+s4+$0x0], $0xffff;
	v2 =	vadd.s32 v58, v2;
	v49 =	vsel vm8, $0x20, v59;
	vm9 =	vlt.s32 v46, v26  }
0x1df: {  	v46 =	vsel vm9, $0x20, v59;
	v1 =	vadd.s32 v49, v1;
	v50 =	vadd.s32 $0xF, v2  }
0x1e0: {  	v45 =	vld.idx.msk [tilespmem:v45+s4+$0x0], $0xffff;
	v5 =	vadd.s32 v46, v5;
	v51 =	vadd.s32 $0xF, v1  }
0x1e1: {  	vm10 =	vlt.s32 v57, v18;
	v52 =	vadd.s32 $0xF, v5  }
0x1e2: {  	vm11 =	vlt.s32 v6, v17;
	v6 =	vsel vm10, $0x10, v59  }
0x1e3: {  	vm12 =	vlt.s32 v8, v19;
	v8 =	vsel vm11, $0x10, v59;
	v6 =	vadd.s32 v6, v41  }
0x1e4: {  	v53 =	vsel vm12, $0x10, v59;
	v8 =	vadd.s32 v8, v42;
	v54 =	vadd.s32 $0x7, v6;
	v36 =	vld.idx.msk [tilespmem:v50+s4+$0x0], $0xffff  }
0x1e5: {  	v41 =	vadd.s32 v53, v43;
	v55 =	vadd.s32 $0x7, v8;
	vm13 =	vlt.s32 v45, v27;
	v56 =	vld.idx.msk [tilespmem:v51+s4+$0x0], $0xffff  }
0x1e6: {  	v57 =	vadd.s32 $0x7, v41;
	v58 =	vsel vm13, $0x10, v59;
	v47 =	vld.idx.msk [tilespmem:v52+s4+$0x0], $0xffff  }
0x1e7: {  	v4 =	vadd.s32 v58, v4  }
0x1e8: {  	v48 =	vadd.s32 $0x7, v4  }
0x1e9: {  	v42 =	vld.idx.msk [tilespmem:v54+s4+$0x0], $0xffff;
	vm14 =	vlt.s32 v36, v25  }
0x1ea: {  	v36 =	vld.idx.msk [tilespmem:v55+s4+$0x0], $0xffff;
	vm15 =	vlt.s32 v56, v24;
	v51 =	vsel vm14, $0x10, v59  }
0x1eb: {  	v45 =	vld.idx.msk [tilespmem:v57+s4+$0x0], $0xffff;
	vm4 =	vlt.s32 v47, v26;
	v52 =	vsel vm15, $0x10, v59;
	v2 =	vadd.s32 v51, v2  }
0x1ec: {  	v53 =	vsel vm4, $0x10, v59;
	v1 =	vadd.s32 v52, v1;
	v54 =	vadd.s32 $0x7, v2  }
0x1ed: {  	v55 =	vsel vm0, $0x8, v59;
	v48 =	vld.idx.msk [tilespmem:v48+s4+$0x0], $0xffff;
	v5 =	vadd.s32 v53, v5;
	v56 =	vadd.s32 $0x7, v1  }
0x1ee: {  	v44 =	vadd.s32 v55, v44;
	v57 =	vadd.s32 $0x7, v5  }
0x1ef: {  	v58 =	vadd.s32 $0x3, v44;
	vm5 =	vlt.s32 v42, v18  }
0x1f0: {  	v42 =	vsel vm5, $0x8, v59;
	vm6 =	vlt.s32 v36, v17;
	vm7 =	vlt.s32 v45, v19  }
0x1f1: {  	v6 =	vadd.s32 v42, v6;
	v36 =	vsel vm6, $0x8, v59;
	v52 =	vsel vm7, $0x8, v59;
	v53 =	vld.idx.msk [tilespmem:v54+s4+$0x0], $0xffff  }
0x1f2: {  	v8 =	vadd.s32 v36, v8;
	v54 =	vadd.s32 $0x3, v6;
	vm8 =	vlt.s32 v48, v27;
	v43 =	vld.idx.msk [tilespmem:v56+s4+$0x0], $0xffff  }
0x1f3: {  	v41 =	vadd.s32 v52, v41;
	v55 =	vadd.s32 $0x3, v8;
	v56 =	vsel vm8, $0x8, v59;
	v47 =	vld.idx.msk [tilespmem:v57+s4+$0x0], $0xffff  }
0x1f4: {  	v57 =	vadd.s32 $0x3, v41;
	v4 =	vadd.s32 v56, v4  }
0x1f5: {  	v58 =	vld.idx.msk [tilespmem:v58+s4+$0x0], $0xffff;
	v52 =	vadd.s32 $0x3, v4  }
0x1f6: {  	vm9 =	vlt.s32 v53, v25  }
0x1f7: {  	v36 =	vld.idx.msk [tilespmem:v54+s4+$0x0], $0xffff;
	v45 =	vsel vm9, $0x8, v59;
	vm10 =	vlt.s32 v43, v24  }
0x1f8: {  	v42 =	vld.idx.msk [tilespmem:v55+s4+$0x0], $0xffff;
	v2 =	vadd.s32 v45, v2;
	vm11 =	vlt.s32 v47, v26;
	v43 =	vsel vm10, $0x8, v59  }
0x1f9: {  	v53 =	vld.idx.msk [tilespmem:v57+s4+$0x0], $0xffff;
	v47 =	vsel vm11, $0x8, v59;
	v1 =	vadd.s32 v43, v1;
	v54 =	vadd.s32 $0x3, v2  }
0x1fa: {  	vm12 =	vlt.s32 v58, v20;
	v55 =	vld.idx.msk [tilespmem:v52+s4+$0x0], $0xffff;
	v5 =	vadd.s32 v47, v5;
	v56 =	vadd.s32 $0x3, v1  }
0x1fb: {  	v57 =	vsel vm12, $0x4, v59;
	v58 =	vadd.s32 $0x3, v5  }
0x1fc: {  	v44 =	vadd.s32 v57, v44  }
0x1fd: {  	v48 =	vadd.s32 $0x1, v44  }
0x1fe: {  	v35 =	vadd.s32 v35, v40;
	vm13 =	vlt.s32 v36, v18;
	v50 =	vld.idx.msk [tilespmem:v54+s4+$0x0], $0xffff  }
0x1ff: {  	vm14 =	vlt.s32 v42, v17;
	vm15 =	vlt.s32 v53, v19;
	vm3 =	vlt.s32 v55, v27;
	v54 =	vld.idx.msk [tilespmem:v56+s4+$0x0], $0xffff  }
0x200: {  	v51 =	vsel vm15, $0x4, v59;
	v55 =	vsel vm13, $0x4, v59;
	v57 =	vsel vm3, $0x4, v59;
	v58 =	vld.idx.msk [tilespmem:v58+s4+$0x0], $0xffff  }
0x201: {  	v56 =	vsel vm14, $0x4, v59;
	v41 =	vadd.s32 v51, v41;
	v4 =	vadd.s32 v57, v4  }
0x202: {  	v52 =	vld.idx.msk [tilespmem:v48+s4+$0x0], $0xffff;
	v6 =	vadd.s32 v55, v6;
	v8 =	vadd.s32 v56, v8;
	v53 =	vadd.s32 $0x1, v4  }
0x203: {  	v36 =	vadd.s32 $0x1, v41;
	v45 =	vadd.s32 $0x1, v6;
	vm5 =	vlt.s32 v50, v25  }
0x204: {  	v47 =	vadd.s32 $0x1, v8;
	vm6 =	vlt.s32 v54, v24;
	v54 =	vsel vm5, $0x4, v59  }
0x205: {  	v40 =	vld.idx.msk [tilespmem:v35+s4+$0x0], $0xffff;
	vm7 =	vlt.s32 v58, v26;
	v55 =	vsel vm6, $0x4, v59;
	v2 =	vadd.s32 v54, v2  }
0x206: {  	v48 =	vld.idx.msk [tilespmem:v30+s4+$0x0], $0xffff;
	v56 =	vsel vm7, $0x4, v59;
	v1 =	vadd.s32 v55, v1;
	v57 =	vadd.s32 $0x1, v2  }
0x207: {  	vm8 =	vlt.s32 v52, v20;
	v58 =	vld.idx.msk [tilespmem:v53+s4+$0x0], $0xffff;
	v5 =	vadd.s32 v56, v5;
	v52 =	vadd.s32 $0x1, v1  }
0x208: {  	v45 =	vld.idx.msk [tilespmem:v45+s4+$0x0], $0xffff;
	v53 =	vsel vm8, $0x2, v59;
	v54 =	vadd.s32 $0x1, v5  }
0x209: {  	v47 =	vld.idx.msk [tilespmem:v47+s4+$0x0], $0xffff;
	v44 =	vadd.s32 v53, v44  }
0x20a: {  	v34 =	vadd.s32 v34, v39;
	v28 =	vadd.s32 v32, v28;
	v29 =	vadd.s32 v33, v29;
	v55 =	vld.idx.msk [tilespmem:v36+s4+$0x0], $0xffff  }
0x20b: {  	v31 =	vand.u32 v63, v31;
	v33 =	vand.u32 v60, v37;
	vm1 =	vlt.s32 v48, v10;
	v10 =	vld.idx.msk [tilespmem:v57+s4+$0x0], $0xffff  }
0x20c: {  	vm9 =	vlt.s32 v40, v11;
	v11 =	vor.u32 s2, v0;
	vm10 =	vlt.s32 v58, v27;
	v56 =	vld.idx.msk [tilespmem:v52+s4+$0x0], $0xffff  }
0x20d: {  	v11 =	vand.u32 v62, v11;
	vm11 =	vlt.s32 v45, v18;
	v57 =	vsel vm10, $0x2, v59;
	v58 =	vld.idx.msk [tilespmem:v54+s4+$0x0], $0xffff  }
0x20e: {  	vm12 =	vlt.s32 v47, v17;
	v46 =	vsel vm11, $0x2, v59;
	v45 =	vld.idx.msk [tilespmem:v44+s4+$0x0], $0xffff;
	v4 =	vadd.s32 v57, v4  }
0x20f: {  	v47 =	vld.idx.msk [tilespmem:v34+s4+$0x0], $0xffff;
	vm13 =	vlt.s32 v55, v19;
	v48 =	vsel vm12, $0x2, v59;
	v6 =	vadd.s32 v46, v6  }
0x210: {  	v32 =	vsel vm13, $0x2, v59;
	v8 =	vadd.s32 v48, v8;
	vm14 =	vlt.s32 v10, v25  }
0x211: {  	v10 =	vadd.s32 v32, v41;
	vm15 =	vlt.s32 v56, v24;
	v49 =	vsel vm14, $0x2, v59  }
0x212: {  	[tilespmem:v13+s17+$0x0] =	vst.idx.msk $0xffff, v28;
	v13 =	vsel vm15, $0x2, v59;
	vm6 =	vlt.s32 v58, v26;
	v2 =	vadd.s32 v49, v2  }
0x213: {  	vm7 =	vlt.s32 v45, v20;
	v50 =	vld.idx.msk [tilespmem:v4+s4+$0x0], $0xffff;
	v51 =	vsel vm6, $0x2, v59;
	v1 =	vadd.s32 v13, v1  }
0x214: {  	vm8 =	vlt.s32 v47, v9;
	v9 =	vld.idx.msk [tilespmem:v6+s4+$0x0], $0xffff;
	v13 =	vsel vm7, $0x1, v59;
	v5 =	vadd.s32 v51, v5  }
0x215: {  	[tilespmem:v12+s17+$0x0] =	vst.idx.msk $0xffff, v29;
	v53 =	vor.u32 s6, v0;
	v52 =	vld.idx.msk [tilespmem:v8+s4+$0x0], $0xffff;
	v12 =	vadd.s32 v13, v44;
	v13 =	vsel vm1, $0x1, v59  }
0x216: {  	[tilespmem:v11+s17+$0x0] =	vst.idx.msk $0xffff, v12;
	v11 =	vadd.s32 v13, v30;
	v12 =	vld.idx.msk [tilespmem:v10+s4+$0x0], $0xffff;
	v13 =	vand.u32 v62, v53  }
0x217: {  	v55 =	vsel vm9, $0x1, v59;
	v54 =	vand.u32 v61, v38;
	v56 =	vsel vm8, $0x1, v59;
	[tilespmem:v15+s17+$0x0] =	vst.idx.msk $0xffff, v11;
	v11 =	vld.idx.msk [tilespmem:v2+s4+$0x0], $0xffff  }
0x218: {  	v57 =	vadd.s32 v56, v34;
	v15 =	vadd.s32 v55, v35;
	vm9 =	vlt.s32 v50, v27;
	v58 =	vld.idx.msk [tilespmem:v1+s4+$0x0], $0xffff  }
0x219: {  	[tilespmem:v16+s17+$0x0] =	vst.idx.msk $0xffff, v15;
	vm10 =	vlt.s32 v9, v18;
	v9 =	vsel vm9, $0x1, v59;
	v15 =	vld.idx.msk [tilespmem:v5+s4+$0x0], $0xffff  }
0x21a: {  	[tilespmem:v14+s17+$0x0] =	vst.idx.msk $0xffff, v57;
	vm11 =	vlt.s32 v52, v17;
	v4 =	vadd.s32 v9, v4;
	v9 =	vsel vm10, $0x1, v59  }
0x21b: {  	vm12 =	vlt.s32 v12, v19;
	[tilespmem:v13+s17+$0x0] =	vst.idx.msk $0xffff, v4;
	v4 =	vsel vm11, $0x1, v59;
	v6 =	vadd.s32 v9, v6  }
0x21c: {  	v9 =	vsel vm12, $0x1, v59;
	[tilespmem:v23+s17+$0x0] =	vst.idx.msk $0xffff, v6;
	v4 =	vadd.s32 v4, v8;
	vm13 =	vlt.s32 v11, v25  }
0x21d: {  	v6 =	vadd.s32 v9, v10;
	[tilespmem:v22+s17+$0x0] =	vst.idx.msk $0xffff, v4;
	vm14 =	vlt.s32 v58, v24;
	v4 =	vsel vm13, $0x1, v59  }
0x21e: {  	[tilespmem:v21+s17+$0x0] =	vst.idx.msk $0xffff, v6;
	vm15 =	vlt.s32 v15, v26;
	v6 =	vsel vm14, $0x1, v59;
	v2 =	vadd.s32 v4, v2  }
0x21f: {  	v4 =	vsel vm15, $0x1, v59;
	[tilespmem:v31+s17+$0x0] =	vst.idx.msk $0xffff, v2;
	v1 =	vadd.s32 v6, v1  }
0x220: {  	v2 =	vadd.s32 v4, v5;
	[tilespmem:v33+s17+$0x0] =	vst.idx.msk $0xffff, v1  }
0x221: {  	[tilespmem:v54+s17+$0x0] =	vst.idx.msk $0xffff, v2  }
0x222: {  	s0 =	rddreg [dreg:$0x5]  }
0x223: {  	[spmem:s0] =	stream.linear.scatter [tilespmem:s17], [sflag:$0x3], $0x400, $0x38;
	[tilespmem:$0x1E408] =	vst v63  }
0x224: {  	_ =	swait.ge [sflag:s16], $0x400  }
0x225: {  	[sflag:s16] =	ssyncset.done $0x0  }
0x226: {  	[sflag:s16] =	ssyncadd.s32 $0xFFFFFC00  }
0x227: {  	[bflag:$0x0] =	sbarrier.arrive $0xFFFF  }
0x228: {  	v1 =	vor.u32 $0x4000, v0;
	s10 =	rddreg [dreg:$0x2]  }
0x229: {  	[tilespmem:s18], [sflag:$0x3] =	stream.linear.gather [spmem:s10], $0x4000, $0x38;
	[tilespmem:$0x1E408] =	vst v63  }
0x22a: {  	_ =	swait.ge [sflag:s16], $0x4000  }
0x22b: {  	[sflag:s16] =	ssyncset.done $0x0  }
0x22c: {  	s11 =	simm.s32 $0x0;
	v2 =	vimm.s32 $0xFFFF;
	[sflag:s16] =	ssyncadd.s32 $0xFFFFC000  }
0x22d: {  	s12 =	rddreg [dreg:$0x6];
	[tilespmem:v1+s18+$0x0] =	vst.idx.msk $0x3, v2;
	v1 =	vor.u32 s11, v0  }
0x22e: {  	[tilespmem:s19], [sflag:$0x3] =	stream.linear.gather [hbm4b:s12+s11], $0x400, $0x38;
	[tilespmem:$0x1E408] =	vst v63  }
0x22f: {  	_ =	swait.ge [sflag:s16], $0x400  }
0x230: {  	[sflag:s16] =	ssyncset.done $0x0  }
0x231: {  	s13 =	simm.s32 $0x10;
	[sflag:s16] =	ssyncadd.s32 $0xFFFFFC00  }
0x232: {  	v9 =	vor.u32 s13, v0;
	v4 =	vld.idx.msk [tilespmem:v1+s19+$0x0], $0xffff;
	_ =	sdelay $0x2  }
0x233: {  	s14 =	simm.s32 $0x20  }
0x234: {  	v2 =	vor.u32 s14, v0  }
0x235: {  	v5 =	vld.idx.msk [tilespmem:v9+s19+$0x0], $0xffff;
	v4 =	vshra.s32 v4, $0x11  }
0x236: {  	v6 =	vadd.s32 $0x1, v4;
	_ =	sdelay $0x1  }
0x237: {  	s15 =	simm.s32 $0x30  }
0x238: {  	v8 =	vor.u32 s15, v0;
	v13 =	vld.idx.msk [tilespmem:v2+s19+$0x0], $0xffff  }
0x239: {  	v5 =	vshra.s32 v5, $0x11;
	v10 =	vld.idx.msk [tilespmem:v4+s18+$0x0], $0xffff  }
0x23a: {  	v11 =	vld.idx.msk [tilespmem:v6+s18+$0x0], $0xffff;
	v6 =	vadd.s32 $0x1, v5;
	_ =	sdelay $0x2  }
0x23b: {  	s0 =	simm.s32 $0x40;
	v12 =	vld.idx.msk [tilespmem:v8+s19+$0x0], $0xffff;
	v4 =	vimm.s32 $0x0  }
.LBB2_4:
0x23c: {  	v14 =	vor.u32 s0, v0;
	[tilespmem:v1+s20+$0x0] =	vst.idx.msk $0xffff, v10;
	v15 =	vmov v10;
	v10 =	vld.idx.msk [tilespmem:v5+s18+$0x0], $0xffff;
	p0 =	sne.s32 s0, $0x3F0  }
.Ltmp1:
0x23d: {  	v5 =	vshra.s32 v13, $0x11;
	[tilespmem:v1+s21+$0x0] =	vst.idx.msk $0xffff, v11;
	v13 =	vsub.s32 v11, v15;
	v11 =	vld.idx.msk [tilespmem:v6+s18+$0x0], $0xffff;
	v1 =	vmov v9;
	(pc) =	sbr.rel @p0 .LBB2_4-.Ltmp1, $3  }
0x23e: {  	s0 =	sadd.s32 $0x10, s0;
	v6 =	vadd.s32 $0x1, v5;
	v9 =	vmovc v2;
	v2 =	vmovc v8;
	v8 =	vmov v14;
	vm0 =	vgt.s32 v4, v13  }
0x23f: {  	v4 =	vsel vm0, v4, v13;
	_ =	sdelay $0x1  }
0x240: {  	v13 =	vmov v12;
	v12 =	vld.idx.msk [tilespmem:v14+s19+$0x0], $0xffff  }
0x241: {  	_ =	sdelay $0x1  }
0x242: {  	v13 =	vshra.s32 v13, $0x11  }
0x243: {  	v14 =	vadd.s32 $0x1, v13  }
0x244: {  	v12 =	vshra.s32 v12, $0x11  }
0x245: {  	v5 =	vld.idx.msk [tilespmem:v5+s18+$0x0], $0xffff;
	v15 =	vadd.s32 $0x1, v12  }
0x246: {  	v6 =	vld.idx.msk [tilespmem:v6+s18+$0x0], $0xffff  }
0x247: {  	v13 =	vld.idx.msk [tilespmem:v13+s18+$0x0], $0xffff  }
0x248: {  	v14 =	vld.idx.msk [tilespmem:v14+s18+$0x0], $0xffff  }
0x249: {  	v16 =	vsub.s32 v11, v10;
	v12 =	vld.idx.msk [tilespmem:v12+s18+$0x0], $0xffff  }
0x24a: {  	vm0 =	vgt.s32 v4, v16;
	v15 =	vld.idx.msk [tilespmem:v15+s18+$0x0], $0xffff  }
0x24b: {  	v4 =	vsel vm0, v4, v16;
	v56 =	vsub.s32 v6, v5  }
0x24c: {  	vm0 =	vgt.s32 v4, v56  }
0x24d: {  	v4 =	vsel vm0, v4, v56;
	v57 =	vsub.s32 v14, v13  }
0x24e: {  	vm0 =	vgt.s32 v4, v57  }
0x24f: {  	v4 =	vsel vm0, v4, v57;
	v58 =	vsub.s32 v15, v12  }
0x250: {  	vm0 =	vgt.s32 v4, v58  }
0x251: {  	v4 =	vsel vm0, v4, v58  }
0x252: {  	v4 =	vxor.u32 $0x80000000, v4  }
0x253: {  	(xrf0) =	vmax.scan.msk.u32 $0xffff, v4;
	_ =	sdelay $0x5  }
0x254: {  	v4, _, _ =	vpop (xrf0)  }
0x255: {  	(v2sf) =	vpush v4, $0xF;
	_ =	sdelay $0xe  }
0x256: {  	[tilespmem:v1+s20+$0x0] =	vst.idx.msk $0xffff, v10;
	s0 =	spop (v2sf)  }
0x257: {  	[tilespmem:v1+s21+$0x0] =	vst.idx.msk $0xffff, v11;
	s2 =	sxor.u32 $0x80000000, s0  }
0x258: {  	[tilespmem:v9+s20+$0x0] =	vst.idx.msk $0xffff, v5;
	p0 =	slt.s32 s2, $0x1  }
.Ltmp2:
0x259: {  	[tilespmem:v9+s21+$0x0] =	vst.idx.msk $0xffff, v6;
	(pc) =	sbr.rel @p0 .LBB2_9-.Ltmp2, $4  }
0x25a: {  	[tilespmem:v2+s20+$0x0] =	vst.idx.msk $0xffff, v13  }
0x25b: {  	[tilespmem:v2+s21+$0x0] =	vst.idx.msk $0xffff, v14  }
0x25c: {  	[tilespmem:v8+s20+$0x0] =	vst.idx.msk $0xffff, v12  }
0x25d: {  	[tilespmem:v8+s21+$0x0] =	vst.idx.msk $0xffff, v15  }
.LBB2_6:
0x25e: {  	s0 =	simm.s32 $0x30  }
0x25f: {  	v1 =	vor.u32 s0, v0  }
0x260: {  	s15 =	simm.s32 $0x10  }
0x261: {  	s3 =	simm.s32 $0x20;
	v15 =	vor.u32 s15, v0  }
0x262: {  	v4 =	vor.u32 s3, v0;
	_ =	sdelay $0x1  }
0x263: {  	s6 =	simm.s32 $0x0;
	v2 =	vld.idx.msk [tilespmem:v1+s21+$0x0], $0xffff  }
0x264: {  	v18 =	vor.u32 s6, v0;
	v5 =	vld.idx.msk [tilespmem:v1+s20+$0x0], $0xffff  }
0x265: {  	v6 =	vld.idx.msk [tilespmem:v15+s20+$0x0], $0xffff  }
0x266: {  	v8 =	vld.idx.msk [tilespmem:v4+s21+$0x0], $0xffff  }
0x267: {  	v16 =	vld.idx.msk [tilespmem:v4+s20+$0x0], $0xffff  }
0x268: {  	s10 =	simm.s32 $0x70;
	v38 =	vld.idx.msk [tilespmem:v15+s21+$0x0], $0xffff  }
0x269: {  	v11 =	vor.u32 s10, v0;
	v20 =	vld.idx.msk [tilespmem:v18+s21+$0x0], $0xffff  }
0x26a: {  	v28 =	vld.idx.msk [tilespmem:v18+s20+$0x0], $0xffff;
	v9 =	vadd.s32 v5, v2  }
0x26b: {  	s11 =	simm.s32 $0x50;
	v19 =	vld.idx.msk [tilespmem:v1+s19+$0x0], $0xffff;
	v21 =	vshra.s32 v9, $0x1  }
0x26c: {  	v30 =	vld.idx.msk [tilespmem:v15+s19+$0x0], $0xffff;
	v10 =	vadd.s32 v16, v8;
	v9 =	vor.u32 s11, v0  }
0x26d: {  	v31 =	vld.idx.msk [tilespmem:v4+s19+$0x0], $0xffff;
	v29 =	vshra.s32 v10, $0x1  }
0x26e: {  	v25 =	vld.idx.msk [tilespmem:v11+s21+$0x0], $0xffff;
	v12 =	vadd.s32 v6, v38  }
0x26f: {  	s12 =	simm.s32 $0x60;
	v35 =	vld.idx.msk [tilespmem:v11+s20+$0x0], $0xffff;
	v43 =	vshra.s32 v12, $0x1  }
0x270: {  	v17 =	vor.u32 s12, v0;
	v23 =	vld.idx.msk [tilespmem:v21+s4+$0x0], $0xffff  }
0x271: {  	v13 =	vld.idx.msk [tilespmem:v9+s20+$0x0], $0xffff  }
0x272: {  	s13 =	simm.s32 $0x40;
	v14 =	vadd.s32 v28, v20;
	v32 =	vld.idx.msk [tilespmem:v29+s4+$0x0], $0xffff  }
0x273: {  	v10 =	vor.u32 s13, v0;
	v34 =	vshra.s32 v14, $0x1;
	v14 =	vld.idx.msk [tilespmem:v9+s21+$0x0], $0xffff  }
0x274: {  	vm0 =	vgt.s32 v2, v5;
	v37 =	vld.idx.msk [tilespmem:v43+s4+$0x0], $0xffff  }
0x275: {  	v22 =	vld.idx.msk [tilespmem:v17+s21+$0x0], $0xffff;
	vm3 =	vgt.s32 v8, v16;
	vm2 =	vgt.s32 v38, v6;
	vm1 =	vlt.s32 v23, v19  }
0x276: {  	v27 =	vld.idx.msk [tilespmem:v17+s20+$0x0], $0xffff;
	v24 =	vadd.s32 $0x1, v21;
	v42 =	vadd.s32 $0x1, v34;
	vm1 =	vmand vm0, vm1  }
0x277: {  	v33 =	vld.idx.msk [tilespmem:v18+s19+$0x0], $0xffff;
	v5 =	vsel vm1, v24, v5;
	vm1 =	vge.s32 v23, v19;
	v23 =	vadd.s32 v35, v25  }
0x278: {  	v44 =	vadd.s32 $0x1, v43;
	v12 =	vld.idx.msk [tilespmem:v10+s21+$0x0], $0xffff;
	vm4 =	vge.s32 v32, v31;
	v26 =	vshra.s32 v23, $0x1  }
0x279: {  	s0 =	simm.s32 $0xB0;
	v58 =	vadd.s32 v13, v14;
	vm6 =	vlt.s32 v37, v30;
	v19 =	vld.idx.msk [tilespmem:v10+s20+$0x0], $0xffff;
	vm1 =	vmand vm0, vm1  }
0x27a: {  	v24 =	vor.u32 s0, v0;
	vm0 =	vgt.s32 v25, v35;
	v23 =	vld.idx.msk [tilespmem:v34+s4+$0x0], $0xffff;
	v2 =	vsel vm1, v21, v2  }
0x27b: {  	v39 =	vld.idx.msk [tilespmem:v11+s19+$0x0], $0xffff;
	vm1 =	vlt.s32 v32, v31;
	v21 =	vadd.s32 $0x1, v29;
	v45 =	vadd.s32 $0x1, v26  }
0x27c: {  	s14 =	simm.s32 $0x90;
	v36 =	vld.idx.msk [tilespmem:v17+s19+$0x0], $0xffff;
	[tilespmem:v1+s20+$0x0] =	vst.idx.msk $0xffff, v5;
	v31 =	vadd.s32 v27, v22;
	vm1 =	vmand vm3, vm1;
	vm3 =	vmand vm3, vm4  }
0x27d: {  	s6 =	simm.s32 $0xA0;
	v41 =	vsel vm1, v21, v16;
	vm1 =	vgt.s32 v20, v28;
	v21 =	vor.u32 s14, v0;
	v40 =	vld.idx.msk [tilespmem:v26+s4+$0x0], $0xffff  }
0x27e: {  	v32 =	vld.idx.msk [tilespmem:v9+s19+$0x0], $0xffff;
	[tilespmem:v1+s21+$0x0] =	vst.idx.msk $0xffff, v2;
	v16 =	vor.u32 s6, v0;
	v8 =	vsel vm3, v29, v8;
	v29 =	vshra.s32 v31, $0x1  }
0x27f: {  	vm3 =	vge.s32 v37, v30;
	v46 =	vadd.s32 v19, v12;
	v31 =	vld.idx.msk [tilespmem:v24+s21+$0x0], $0xffff;
	vm5 =	vlt.s32 v23, v33  }
0x280: {  	s15 =	simm.s32 $0x80;
	[tilespmem:v4+s20+$0x0] =	vst.idx.msk $0xffff, v41;
	vm3 =	vmand vm2, vm3;
	v37 =	vld.idx.msk [tilespmem:v24+s20+$0x0], $0xffff;
	vm2 =	vmand vm2, vm6;
	vm5 =	vmand vm1, vm5  }
0x281: {  	vm14 =	vge.s32 v23, v33;
	v23 =	vor.u32 s15, v0;
	[tilespmem:v4+s21+$0x0] =	vst.idx.msk $0xffff, v8;
	v1 =	vsel vm5, v42, v28  }
0x282: {  	v30 =	vld.idx.msk [tilespmem:v21+s20+$0x0], $0xffff;
	[tilespmem:v18+s20+$0x0] =	vst.idx.msk $0xffff, v1;
	v1 =	vsel vm2, v44, v6;
	vm7 =	vlt.s32 v40, v39  }
0x283: {  	v33 =	vshra.s32 v58, $0x1;
	vm1 =	vmand vm1, vm14;
	v41 =	vld.idx.msk [tilespmem:v29+s4+$0x0], $0xffff;
	[tilespmem:v15+s20+$0x0] =	vst.idx.msk $0xffff, v1;
	vm15 =	vmand vm0, vm7  }
0x284: {  	s3 =	simm.s32 $0x8;
	v28 =	vld.idx.msk [tilespmem:v16+s21+$0x0], $0xffff;
	v1 =	vsel vm3, v43, v38;
	v38 =	vmovc v10;
	v42 =	vsel vm15, v45, v35;
	v35 =	vshra.s32 v46, $0x1  }
.LBB2_7:
0x285: {  	s3 =	sadd.s32 $0x4, s3;
	v2 =	vld.idx.msk [tilespmem:v21+s21+$0x0], $0xffff;
	vm2 =	vge.s32 v40, v39;
	v4 =	vsel vm1, v34, v20;
	[tilespmem:v15+s21+$0x0] =	vst.idx.msk $0xffff, v1  }
0x286: {  	v20 =	vmovc v12;
	v1 =	vmov v24;
	v15 =	vmov v9;
	p0 =	slt.u32 s3, $0x3C;
	vm1 =	vmand vm0, vm2;
	[tilespmem:v18+s21+$0x0] =	vst.idx.msk $0xffff, v4;
	v12 =	vld.idx.msk [tilespmem:v23+s21+$0x0], $0xffff  }
0x287: {  	vm0 =	vgt.s32 v31, v37;
	v3 =	vadd.s32 v37, v31;
	v4 =	vld.idx.msk [tilespmem:v23+s20+$0x0], $0xffff;
	[tilespmem:v11+s20+$0x0] =	vst.idx.msk $0xffff, v42  }
0x288: {  	v9 =	vmovc v21;
	v5 =	vmovc v32;
	v18 =	vmov v10;
	v8 =	vsel vm1, v26, v25;
	v26 =	vshra.s32 v3, $0x1;
	v6 =	vld.idx.msk [tilespmem:v16+s20+$0x0], $0xffff  }
0x289: {  	vm3 =	vgt.s32 v22, v27;
	v43 =	vmovc v33;
	v10 =	vmov v23;
	vm1 =	vlt.s32 v41, v36;
	v42 =	vld.idx.msk [tilespmem:v33+s4+$0x0], $0xffff  }
0x28a: {  	v21 =	vadd.s32 $0x1, v29;
	v46 =	vmovc v13;
	v45 =	vmovc v37;
	v25 =	vmov v31;
	vm1 =	vmand vm3, vm1;
	v44 =	vld.idx.msk [tilespmem:v35+s4+$0x0], $0xffff  }
0x28b: {  	vm2 =	vgt.s32 v14, v46;
	v13 =	vmovc v30;
	v21 =	vsel vm1, v21, v27;
	v37 =	vld.idx.msk [tilespmem:v38+s19+$0x0], $0xffff;
	v38 =	vmov v23  }
0x28c: {  	s0 =	sadd.s32 $0x40, s0;
	v47 =	vadd.s32 $0x1, v35;
	v34 =	vmovc v35;
	v48 =	vadd.s32 $0x1, v43;
	vm1 =	vgt.s32 v20, v19;
	v39 =	vld.idx.msk [tilespmem:v24+s19+$0x0], $0xffff  }
0x28d: {  	s6 =	sadd.s32 $0xFFFFFFD0, s0;
	s10 =	sadd.s32 $0xFFFFFFE0, s0;
	s11 =	sadd.s32 $0xFFFFFFF0, s0;
	v49 =	vadd.s32 $0x1, v26;
	vm4 =	vge.s32 v41, v36;
	v24 =	vor.u32 s0, v0;
	v40 =	vld.idx.msk [tilespmem:v26+s4+$0x0], $0xffff;
	[tilespmem:v17+s20+$0x0] =	vst.idx.msk $0xffff, v21  }
0x28e: {  	v30 =	vor.u32 s11, v0;
	vm3 =	vmand vm3, vm4;
	v21 =	vor.u32 s10, v0;
	v27 =	vmovc v6  }
0x28f: {  	v22 =	vsel vm3, v29, v22;
	v6 =	vadd.s32 v13, v2;
	v23 =	vadd.s32 v27, v28;
	v32 =	vld.idx.msk [tilespmem:v9+s19+$0x0], $0xffff  }
0x290: {  	v35 =	vadd.s32 v4, v12;
	vm3 =	vge.s32 v42, v5;
	v29 =	vshra.s32 v23, $0x1;
	[tilespmem:v17+s21+$0x0] =	vst.idx.msk $0xffff, v22  }
0x291: {  	v33 =	vshra.s32 v6, $0x1;
	v23 =	vor.u32 s6, v0;
	vm4 =	vge.s32 v44, v37;
	v17 =	vmovc v16;
	v36 =	vld.idx.msk [tilespmem:v16+s19+$0x0], $0xffff;
	v16 =	vmovc v30  }
.Ltmp3:
0x292: {  	vm6 =	vlt.s32 v42, v5;
	vm3 =	vmand vm2, vm3;
	vm5 =	vlt.s32 v44, v37;
	v22 =	vmovc v28;
	v31 =	vld.idx.msk [tilespmem:v24+s21+$0x0], $0xffff;
	(pc) =	sbr.rel @p0 .LBB2_7-.Ltmp3, $4  }
0x293: {  	vm2 =	vmand vm2, vm6;
	vm5 =	vmand vm1, vm5;
	vm7 =	vlt.s32 v40, v39;
	v37 =	vld.idx.msk [tilespmem:v24+s20+$0x0], $0xffff;
	[tilespmem:v11+s21+$0x0] =	vst.idx.msk $0xffff, v8  }
0x294: {  	v35 =	vshra.s32 v35, $0x1;
	v5 =	vsel vm5, v47, v19;
	v19 =	vmovc v4;
	vm6 =	vmand vm0, vm7;
	v11 =	vmovc v1;
	v30 =	vld.idx.msk [tilespmem:v21+s20+$0x0], $0xffff  }
0x295: {  	v1 =	vsel vm2, v48, v46;
	v42 =	vsel vm6, v49, v45;
	v41 =	vld.idx.msk [tilespmem:v29+s4+$0x0], $0xffff;
	[tilespmem:v18+s20+$0x0] =	vst.idx.msk $0xffff, v5  }
0x296: {  	vm1 =	vmand vm1, vm4;
	v28 =	vld.idx.msk [tilespmem:v16+s21+$0x0], $0xffff;
	[tilespmem:v15+s20+$0x0] =	vst.idx.msk $0xffff, v1;
	v1 =	vsel vm3, v43, v14;
	v14 =	vmov v2  }
0x297: {  	_ =	sdelay $0x3  }
0x298: {  	v2 =	vld.idx.msk [tilespmem:v21+s21+$0x0], $0xffff  }
0x299: {  	v4 =	vld.idx.msk [tilespmem:v23+s21+$0x0], $0xffff  }
0x29a: {  	v6 =	vld.idx.msk [tilespmem:v16+s20+$0x0], $0xffff  }
0x29b: {  	v8 =	vld.idx.msk [tilespmem:v23+s20+$0x0], $0xffff;
	vm2 =	vge.s32 v40, v39  }
0x29c: {  	v48 =	vld.idx.msk [tilespmem:v33+s4+$0x0], $0xffff;
	v20 =	vsel vm1, v34, v20;
	vm9 =	vgt.s32 v22, v27;
	v53 =	vadd.s32 $0x1, v29  }
0x29d: {  	v49 =	vld.idx.msk [tilespmem:v35+s4+$0x0], $0xffff;
	vm11 =	vgt.s32 v14, v13;
	vm12 =	vgt.s32 v12, v19;
	v55 =	vadd.s32 $0x1, v35  }
0x29e: {  	v50 =	vld.idx.msk [tilespmem:v38+s19+$0x0], $0xffff;
	v56 =	vadd.s32 $0x1, v33;
	v5 =	vadd.s32 v37, v31;
	vm8 =	vmand vm0, vm2  }
0x29f: {  	v51 =	vld.idx.msk [tilespmem:v24+s19+$0x0], $0xffff;
	vm0 =	vgt.s32 v31, v37;
	v5 =	vshra.s32 v5, $0x1;
	v25 =	vsel vm8, v26, v25  }
0x2a0: {  	[tilespmem:v15+s21+$0x0] =	vst.idx.msk $0xffff, v1;
	vm10 =	vlt.s32 v41, v36;
	vm4 =	vge.s32 v41, v36;
	v7 =	vadd.s32 $0x1, v5  }
0x2a1: {  	v40 =	vld.idx.msk [tilespmem:v16+s19+$0x0], $0xffff;
	[tilespmem:v11+s20+$0x0] =	vst.idx.msk $0xffff, v42;
	vm3 =	vmand vm9, vm10;
	vm2 =	vmand vm9, vm4;
	v52 =	vadd.s32 v6, v28  }
0x2a2: {  	[tilespmem:v18+s21+$0x0] =	vst.idx.msk $0xffff, v20;
	v1 =	vsel vm3, v53, v27;
	v57 =	vadd.s32 v8, v4;
	v36 =	vshra.s32 v52, $0x1  }
0x2a3: {  	v44 =	vld.idx.msk [tilespmem:v21+s19+$0x0], $0xffff;
	v58 =	vsel vm2, v29, v22;
	vm13 =	vge.s32 v48, v32;
	vm14 =	vge.s32 v49, v50  }
0x2a4: {  	vm5 =	vlt.s32 v49, v50;
	[tilespmem:v17+s20+$0x0] =	vst.idx.msk $0xffff, v1;
	v1 =	vadd.s32 v30, v2;
	v20 =	vshra.s32 v57, $0x1  }
0x2a5: {  	vm7 =	vlt.s32 v48, v32;
	vm9 =	vgt.s32 v2, v30;
	v54 =	vld.idx.msk [tilespmem:v5+s4+$0x0], $0xffff;
	v1 =	vshra.s32 v1, $0x1  }
0x2a6: {  	[tilespmem:v11+s21+$0x0] =	vst.idx.msk $0xffff, v25;
	v50 =	vld.idx.msk [tilespmem:v23+s19+$0x0], $0xffff;
	vm5 =	vmand vm12, vm5;
	vm7 =	vmand vm11, vm7;
	vm1 =	vmand vm11, vm13  }
0x2a7: {  	vm11 =	vgt.s32 v4, v8;
	[tilespmem:v17+s21+$0x0] =	vst.idx.msk $0xffff, v58;
	v45 =	vsel vm5, v55, v19;
	v43 =	vld.idx.msk [tilespmem:v36+s4+$0x0], $0xffff  }
0x2a8: {  	vm15 =	vmand vm12, vm14;
	v47 =	vsel vm7, v56, v13;
	v49 =	vsel vm1, v33, v14;
	[tilespmem:v10+s20+$0x0] =	vst.idx.msk $0xffff, v45  }
0x2a9: {  	v52 =	vsel vm15, v35, v12;
	v53 =	vadd.s32 $0x1, v36;
	[tilespmem:v9+s20+$0x0] =	vst.idx.msk $0xffff, v47;
	v56 =	vadd.s32 $0x1, v1;
	v48 =	vld.idx.msk [tilespmem:v20+s4+$0x0], $0xffff  }
0x2aa: {  	[tilespmem:v9+s21+$0x0] =	vst.idx.msk $0xffff, v49;
	vm6 =	vlt.s32 v54, v51;
	vm5 =	vge.s32 v54, v51;
	v51 =	vld.idx.msk [tilespmem:v1+s4+$0x0], $0xffff  }
0x2ab: {  	[tilespmem:v10+s21+$0x0] =	vst.idx.msk $0xffff, v52;
	v54 =	vadd.s32 $0x1, v20;
	vm6 =	vmand vm0, vm6;
	vm0 =	vmand vm0, vm5  }
0x2ac: {  	v46 =	vsel vm6, v7, v37;
	vm6 =	vgt.s32 v28, v6;
	vm7 =	vlt.s32 v43, v40  }
0x2ad: {  	v5 =	vsel vm0, v5, v31;
	[tilespmem:v24+s20+$0x0] =	vst.idx.msk $0xffff, v46;
	vm10 =	vge.s32 v43, v40;
	vm8 =	vmand vm6, vm7  }
0x2ae: {  	s2 =	sshrl.u32 s2, $0x1;
	vm12 =	vlt.s32 v48, v50;
	[tilespmem:v24+s21+$0x0] =	vst.idx.msk $0xffff, v5;
	vm1 =	vmand vm6, vm10;
	v6 =	vsel vm8, v53, v6  }
0x2af: {  	p0 =	sne.s32 s2, $0x0;
	vm13 =	vlt.s32 v51, v44;
	v55 =	vsel vm1, v36, v28;
	vm1 =	vmand vm11, vm12;
	[tilespmem:v16+s20+$0x0] =	vst.idx.msk $0xffff, v6  }
.Ltmp4:
0x2b0: {  	vm14 =	vge.s32 v51, v44;
	vm3 =	vmand vm9, vm13;
	v57 =	vsel vm1, v54, v8;
	[tilespmem:v16+s21+$0x0] =	vst.idx.msk $0xffff, v55;
	(pc) =	sbr.rel @p0 .LBB2_6-.Ltmp4, $4  }
0x2b1: {  	vm15 =	vge.s32 v48, v50;
	vm2 =	vmand vm9, vm14;
	v58 =	vsel vm3, v56, v30;
	[tilespmem:v23+s20+$0x0] =	vst.idx.msk $0xffff, v57  }
0x2b2: {  	vm0 =	vmand vm11, vm15;
	v1 =	vsel vm2, v1, v2;
	[tilespmem:v21+s20+$0x0] =	vst.idx.msk $0xffff, v58  }
0x2b3: {  	v2 =	vsel vm0, v20, v4;
	[tilespmem:v21+s21+$0x0] =	vst.idx.msk $0xffff, v1  }
0x2b4: {  	[tilespmem:v23+s21+$0x0] =	vst.idx.msk $0xffff, v2  }
.LBB2_9:
0x2b5: {  	s0 =	simm.s32 $0x30  }
0x2b6: {  	s2 =	simm.s32 $0x20;
	v5 =	vor.u32 s0, v0  }
0x2b7: {  	s10 =	simm.s32 $0x0;
	v10 =	vor.u32 s2, v0  }
0x2b8: {  	s11 =	simm.s32 $0x10;
	v11 =	vor.u32 s10, v0  }
0x2b9: {  	v1 =	vor.u32 s11, v0;
	_ =	sdelay $0x1  }
0x2ba: {  	s12 =	simm.s32 $0x70;
	v4 =	vld.idx.msk [tilespmem:v5+s20+$0x0], $0xffff  }
0x2bb: {  	s13 =	simm.s32 $0x60;
	v2 =	vor.u32 s12, v0;
	v6 =	vld.idx.msk [tilespmem:v10+s20+$0x0], $0xffff  }
0x2bc: {  	s15 =	simm.s32 $0x40;
	v9 =	vor.u32 s13, v0;
	v13 =	vld.idx.msk [tilespmem:v11+s20+$0x0], $0xffff  }
0x2bd: {  	s14 =	simm.s32 $0x50;
	v12 =	vor.u32 s15, v0;
	v14 =	vld.idx.msk [tilespmem:v1+s20+$0x0], $0xffff  }
0x2be: {  	v8 =	vor.u32 s14, v0  }
0x2bf: {  	vm0 =	vlt.s32 v4, $0xF423  }
0x2c0: {  	v15 =	vld.idx.msk [tilespmem:v2+s20+$0x0], $0xffff;
	vm1 =	vlt.s32 v6, $0xF423;
	v17 =	vnsel vm0, $0xF423, v4  }
0x2c1: {  	s0 =	simm.s32 $0x4;
	s2 =	simm.s32 $0xB0;
	v16 =	vld.idx.msk [tilespmem:v9+s20+$0x0], $0xffff;
	vm0 =	vlt.s32 v13, $0xF423;
	v4 =	vnsel vm1, $0xF423, v6;
	[tilespmem:v5+s22+$0x0] =	vst.idx.msk $0xffff, v17  }
.LBB2_10:
0x2c2: {  	s3 =	sadd.s32 $0xFFFFFFE0, s2;
	s6 =	sadd.s32 $0xFFFFFFF0, s2;
	v5 =	vor.u32 s2, v0;
	s0 =	sadd.s32 $0x4, s0;
	v6 =	vnsel vm0, $0xF423, v13;
	v13 =	vld.idx.msk [tilespmem:v12+s20+$0x0], $0xffff;
	vm0 =	vlt.s32 v14, $0xF423;
	[tilespmem:v10+s22+$0x0] =	vst.idx.msk $0xffff, v4;
	v10 =	vmovc v9  }
0x2c3: {  	s10 =	sadd.s32 $0xFFFFFFD0, s2;
	v4 =	vor.u32 s3, v0;
	v9 =	vor.u32 s6, v0;
	p0 =	slt.u32 s0, $0x3C;
	[tilespmem:v11+s22+$0x0] =	vst.idx.msk $0xffff, v6;
	v6 =	vnsel vm0, $0xF423, v14;
	v14 =	vld.idx.msk [tilespmem:v8+s20+$0x0], $0xffff;
	v11 =	vmovc v12  }
.Ltmp5:
0x2c4: {  	v12 =	vor.u32 s10, v0;
	[tilespmem:v1+s22+$0x0] =	vst.idx.msk $0xffff, v6;
	v1 =	vmov v8;
	v8 =	vmov v4;
	(pc) =	sbr.rel @p0 .LBB2_10-.Ltmp5, $4  }
0x2c5: {  	_ = 	snop  }
0x2c6: {  	vm0 =	vlt.s32 v15, $0xF423  }
0x2c7: {  	vm1 =	vlt.s32 v16, $0xF423;
	v6 =	vnsel vm0, $0xF423, v15;
	v15 =	vld.idx.msk [tilespmem:v5+s20+$0x0], $0xffff  }
0x2c8: {  	s2 =	sadd.s32 $0x40, s2;
	vm0 =	vlt.s32 v13, $0xF423;
	v4 =	vnsel vm1, $0xF423, v16;
	v16 =	vld.idx.msk [tilespmem:v9+s20+$0x0], $0xffff;
	[tilespmem:v2+s22+$0x0] =	vst.idx.msk $0xffff, v6;
	v2 =	vmov v5  }
0x2c9: {  	_ =	sdelay $0x3  }
0x2ca: {  	v5 =	vld.idx.msk [tilespmem:v12+s20+$0x0], $0xffff  }
0x2cb: {  	v6 =	vld.idx.msk [tilespmem:v8+s20+$0x0], $0xffff  }
0x2cc: {  	[tilespmem:v10+s22+$0x0] =	vst.idx.msk $0xffff, v4;
	v56 =	vnsel vm0, $0xF423, v13;
	vm12 =	vlt.s32 v14, $0xF423  }
0x2cd: {  	[tilespmem:v11+s22+$0x0] =	vst.idx.msk $0xffff, v56;
	v57 =	vnsel vm12, $0xF423, v14;
	vm13 =	vlt.s32 v15, $0xF423  }
0x2ce: {  	[tilespmem:v1+s22+$0x0] =	vst.idx.msk $0xffff, v57;
	vm1 =	vlt.s32 v16, $0xF423;
	v1 =	vnsel vm13, $0xF423, v15  }
0x2cf: {  	vm14 =	vlt.s32 v5, $0xF423;
	v58 =	vnsel vm1, $0xF423, v16;
	[tilespmem:v2+s22+$0x0] =	vst.idx.msk $0xffff, v1  }
0x2d0: {  	vm15 =	vlt.s32 v6, $0xF423;
	v1 =	vnsel vm14, $0xF423, v5;
	[tilespmem:v9+s22+$0x0] =	vst.idx.msk $0xffff, v58  }
0x2d1: {  	[tilespmem:v12+s22+$0x0] =	vst.idx.msk $0xffff, v1;
	v1 =	vnsel vm15, $0xF423, v6  }
0x2d2: {  	[tilespmem:v8+s22+$0x0] =	vst.idx.msk $0xffff, v1  }
0x2d3: {  	[tilespmem:s24], [sflag:$0x1] =	stream.indirect.gather [hbm4b:s1+s23], $0x10, s20, s23, $0xb8;
	[tilespmem:$0x1E408] =	vst v63  }
0x2d4: {  	s3 =	simm.s32 $0x0;
	s2 =	simm.s32 $0x0  }
0x2d5: {  	[tilespmem:s25], [sflag:$0x2] =	stream.indirect.gather [hbm4b:s8+s23], $0x10, s22, s23, $0xb8;
	[tilespmem:$0x1E408] =	vst v63  }
.LBB2_12:
0x2d6: {  	s10 =	sshll.u32 s2, $0xB;
	s0 =	rddreg [dreg:$0x7]  }
0x2d7: {  	s0 =	sadd.s32 s10, s0  }
0x2d8: {  	s6 =	sshrl.u32 s0, $0x3  }
0x2d9: {  	v1 =	vor.u32 s3, v0;
	s0 =	sadd.s32 s5, s6  }
0x2da: {  	[tilespmem:s26], [sflag:$0x3] =	stream.linear.gather [hbm4b:s0+s3], $0x400, $0x38;
	[tilespmem:$0x1E408] =	vst v63  }
0x2db: {  	_ =	swait.ge [sflag:s16], $0x400  }
0x2dc: {  	[sflag:s16] =	ssyncset.done $0x0  }
0x2dd: {  	s13 =	simm.s32 $0x10;
	[sflag:s16] =	ssyncadd.s32 $0xFFFFFC00  }
0x2de: {  	v9 =	vor.u32 s13, v0;
	v4 =	vld.idx.msk [tilespmem:v1+s26+$0x0], $0xffff;
	_ =	sdelay $0x2  }
0x2df: {  	s14 =	simm.s32 $0x20  }
0x2e0: {  	v2 =	vor.u32 s14, v0  }
0x2e1: {  	v5 =	vld.idx.msk [tilespmem:v9+s26+$0x0], $0xffff;
	v4 =	vshra.s32 v4, $0x11  }
0x2e2: {  	v6 =	vadd.s32 $0x1, v4;
	_ =	sdelay $0x1  }
0x2e3: {  	s15 =	simm.s32 $0x30  }
0x2e4: {  	v8 =	vor.u32 s15, v0;
	v13 =	vld.idx.msk [tilespmem:v2+s26+$0x0], $0xffff  }
0x2e5: {  	v5 =	vshra.s32 v5, $0x11;
	v10 =	vld.idx.msk [tilespmem:v4+s18+$0x0], $0xffff  }
0x2e6: {  	v11 =	vld.idx.msk [tilespmem:v6+s18+$0x0], $0xffff;
	v6 =	vadd.s32 $0x1, v5;
	_ =	sdelay $0x2  }
0x2e7: {  	s0 =	simm.s32 $0x40;
	v12 =	vld.idx.msk [tilespmem:v8+s26+$0x0], $0xffff;
	v4 =	vimm.s32 $0x0  }
.LBB2_13:
0x2e8: {  	v14 =	vor.u32 s0, v0;
	[tilespmem:v1+s28+$0x0] =	vst.idx.msk $0xffff, v10;
	v15 =	vmov v10;
	v10 =	vld.idx.msk [tilespmem:v5+s18+$0x0], $0xffff;
	p0 =	sne.s32 s0, $0x3F0  }
.Ltmp6:
0x2e9: {  	v5 =	vshra.s32 v13, $0x11;
	[tilespmem:v1+s21+$0x0] =	vst.idx.msk $0xffff, v11;
	v13 =	vsub.s32 v11, v15;
	v11 =	vld.idx.msk [tilespmem:v6+s18+$0x0], $0xffff;
	v1 =	vmov v9;
	(pc) =	sbr.rel @p0 .LBB2_13-.Ltmp6, $3  }
0x2ea: {  	s0 =	sadd.s32 $0x10, s0;
	v6 =	vadd.s32 $0x1, v5;
	v9 =	vmovc v2;
	v2 =	vmovc v8;
	v8 =	vmov v14;
	vm0 =	vgt.s32 v4, v13  }
0x2eb: {  	v4 =	vsel vm0, v4, v13;
	_ =	sdelay $0x1  }
0x2ec: {  	v13 =	vmov v12;
	v12 =	vld.idx.msk [tilespmem:v14+s26+$0x0], $0xffff  }
0x2ed: {  	_ =	sdelay $0x1  }
0x2ee: {  	v13 =	vshra.s32 v13, $0x11  }
0x2ef: {  	v14 =	vadd.s32 $0x1, v13  }
0x2f0: {  	v12 =	vshra.s32 v12, $0x11  }
0x2f1: {  	v5 =	vld.idx.msk [tilespmem:v5+s18+$0x0], $0xffff;
	v15 =	vadd.s32 $0x1, v12  }
0x2f2: {  	v6 =	vld.idx.msk [tilespmem:v6+s18+$0x0], $0xffff  }
0x2f3: {  	v13 =	vld.idx.msk [tilespmem:v13+s18+$0x0], $0xffff  }
0x2f4: {  	v14 =	vld.idx.msk [tilespmem:v14+s18+$0x0], $0xffff  }
0x2f5: {  	v16 =	vsub.s32 v11, v10;
	v12 =	vld.idx.msk [tilespmem:v12+s18+$0x0], $0xffff  }
0x2f6: {  	vm0 =	vgt.s32 v4, v16;
	v15 =	vld.idx.msk [tilespmem:v15+s18+$0x0], $0xffff  }
0x2f7: {  	v4 =	vsel vm0, v4, v16;
	v56 =	vsub.s32 v6, v5  }
0x2f8: {  	vm0 =	vgt.s32 v4, v56  }
0x2f9: {  	v4 =	vsel vm0, v4, v56;
	v57 =	vsub.s32 v14, v13  }
0x2fa: {  	vm0 =	vgt.s32 v4, v57  }
0x2fb: {  	v4 =	vsel vm0, v4, v57;
	v58 =	vsub.s32 v15, v12  }
0x2fc: {  	vm0 =	vgt.s32 v4, v58  }
0x2fd: {  	v4 =	vsel vm0, v4, v58  }
0x2fe: {  	v4 =	vxor.u32 $0x80000000, v4  }
0x2ff: {  	(xrf0) =	vmax.scan.msk.u32 $0xffff, v4;
	_ =	sdelay $0x5  }
0x300: {  	v4, _, _ =	vpop (xrf0)  }
0x301: {  	(v2sf) =	vpush v4, $0xF;
	_ =	sdelay $0xe  }
0x302: {  	[tilespmem:v1+s28+$0x0] =	vst.idx.msk $0xffff, v10;
	s0 =	spop (v2sf)  }
0x303: {  	[tilespmem:v1+s21+$0x0] =	vst.idx.msk $0xffff, v11;
	s11 =	sxor.u32 $0x80000000, s0  }
0x304: {  	[tilespmem:v9+s28+$0x0] =	vst.idx.msk $0xffff, v5;
	p0 =	slt.s32 s11, $0x1  }
.Ltmp7:
0x305: {  	[tilespmem:v9+s21+$0x0] =	vst.idx.msk $0xffff, v6;
	(pc) =	sbr.rel @p0 .LBB2_18-.Ltmp7, $4  }
0x306: {  	[tilespmem:v2+s28+$0x0] =	vst.idx.msk $0xffff, v13  }
0x307: {  	[tilespmem:v2+s21+$0x0] =	vst.idx.msk $0xffff, v14  }
0x308: {  	[tilespmem:v8+s28+$0x0] =	vst.idx.msk $0xffff, v12  }
0x309: {  	[tilespmem:v8+s21+$0x0] =	vst.idx.msk $0xffff, v15  }
.LBB2_15:
0x30a: {  	s0 =	simm.s32 $0x30  }
0x30b: {  	v1 =	vor.u32 s0, v0  }
0x30c: {  	s15 =	simm.s32 $0x10  }
0x30d: {  	s14 =	simm.s32 $0x20;
	v15 =	vor.u32 s15, v0  }
0x30e: {  	v4 =	vor.u32 s14, v0;
	_ =	sdelay $0x1  }
0x30f: {  	s12 =	simm.s32 $0x0;
	v2 =	vld.idx.msk [tilespmem:v1+s21+$0x0], $0xffff  }
0x310: {  	v18 =	vor.u32 s12, v0;
	v5 =	vld.idx.msk [tilespmem:v1+s28+$0x0], $0xffff  }
0x311: {  	v6 =	vld.idx.msk [tilespmem:v15+s28+$0x0], $0xffff  }
0x312: {  	v8 =	vld.idx.msk [tilespmem:v4+s21+$0x0], $0xffff  }
0x313: {  	v16 =	vld.idx.msk [tilespmem:v4+s28+$0x0], $0xffff  }
0x314: {  	s13 =	simm.s32 $0x70;
	v38 =	vld.idx.msk [tilespmem:v15+s21+$0x0], $0xffff  }
0x315: {  	v11 =	vor.u32 s13, v0;
	v20 =	vld.idx.msk [tilespmem:v18+s21+$0x0], $0xffff  }
0x316: {  	v28 =	vld.idx.msk [tilespmem:v18+s28+$0x0], $0xffff;
	v9 =	vadd.s32 v5, v2  }
0x317: {  	s14 =	simm.s32 $0x50;
	v19 =	vld.idx.msk [tilespmem:v1+s26+$0x0], $0xffff;
	v21 =	vshra.s32 v9, $0x1  }
0x318: {  	v30 =	vld.idx.msk [tilespmem:v15+s26+$0x0], $0xffff;
	v10 =	vadd.s32 v16, v8;
	v9 =	vor.u32 s14, v0  }
0x319: {  	v31 =	vld.idx.msk [tilespmem:v4+s26+$0x0], $0xffff;
	v29 =	vshra.s32 v10, $0x1  }
0x31a: {  	v25 =	vld.idx.msk [tilespmem:v11+s21+$0x0], $0xffff;
	v12 =	vadd.s32 v6, v38  }
0x31b: {  	v35 =	vld.idx.msk [tilespmem:v11+s28+$0x0], $0xffff;
	v43 =	vshra.s32 v12, $0x1  }
0x31c: {  	s15 =	simm.s32 $0x60;
	v23 =	vld.idx.msk [tilespmem:v21+s4+$0x0], $0xffff  }
0x31d: {  	v17 =	vor.u32 s15, v0;
	v13 =	vld.idx.msk [tilespmem:v9+s28+$0x0], $0xffff  }
0x31e: {  	s12 =	simm.s32 $0x40;
	v14 =	vadd.s32 v28, v20;
	v32 =	vld.idx.msk [tilespmem:v29+s4+$0x0], $0xffff  }
0x31f: {  	v10 =	vor.u32 s12, v0;
	v34 =	vshra.s32 v14, $0x1;
	v14 =	vld.idx.msk [tilespmem:v9+s21+$0x0], $0xffff  }
0x320: {  	vm0 =	vgt.s32 v2, v5;
	v37 =	vld.idx.msk [tilespmem:v43+s4+$0x0], $0xffff  }
0x321: {  	v33 =	vld.idx.msk [tilespmem:v18+s26+$0x0], $0xffff;
	vm3 =	vgt.s32 v8, v16;
	vm2 =	vgt.s32 v38, v6;
	vm1 =	vlt.s32 v23, v19  }
0x322: {  	v22 =	vld.idx.msk [tilespmem:v17+s21+$0x0], $0xffff;
	v24 =	vadd.s32 $0x1, v21;
	v42 =	vadd.s32 $0x1, v34;
	vm1 =	vmand vm0, vm1  }
0x323: {  	v27 =	vld.idx.msk [tilespmem:v17+s28+$0x0], $0xffff;
	v5 =	vsel vm1, v24, v5;
	vm1 =	vge.s32 v23, v19;
	v23 =	vadd.s32 v35, v25  }
0x324: {  	v44 =	vadd.s32 $0x1, v43;
	v12 =	vld.idx.msk [tilespmem:v10+s21+$0x0], $0xffff;
	vm4 =	vge.s32 v32, v31;
	v26 =	vshra.s32 v23, $0x1  }
0x325: {  	s0 =	simm.s32 $0xB0;
	v58 =	vadd.s32 v13, v14;
	vm6 =	vlt.s32 v37, v30;
	v19 =	vld.idx.msk [tilespmem:v10+s28+$0x0], $0xffff;
	vm1 =	vmand vm0, vm1  }
0x326: {  	v24 =	vor.u32 s0, v0;
	vm0 =	vgt.s32 v25, v35;
	v23 =	vld.idx.msk [tilespmem:v34+s4+$0x0], $0xffff;
	v2 =	vsel vm1, v21, v2  }
0x327: {  	v39 =	vld.idx.msk [tilespmem:v11+s26+$0x0], $0xffff;
	vm1 =	vlt.s32 v32, v31;
	v21 =	vadd.s32 $0x1, v29;
	v45 =	vadd.s32 $0x1, v26  }
0x328: {  	s13 =	simm.s32 $0x90;
	v36 =	vld.idx.msk [tilespmem:v17+s26+$0x0], $0xffff;
	[tilespmem:v1+s28+$0x0] =	vst.idx.msk $0xffff, v5;
	v31 =	vadd.s32 v27, v22;
	vm1 =	vmand vm3, vm1;
	vm3 =	vmand vm3, vm4  }
0x329: {  	s15 =	simm.s32 $0xA0;
	v41 =	vsel vm1, v21, v16;
	vm1 =	vgt.s32 v20, v28;
	v21 =	vor.u32 s13, v0;
	v40 =	vld.idx.msk [tilespmem:v26+s4+$0x0], $0xffff  }
0x32a: {  	v32 =	vld.idx.msk [tilespmem:v9+s26+$0x0], $0xffff;
	[tilespmem:v1+s21+$0x0] =	vst.idx.msk $0xffff, v2;
	v16 =	vor.u32 s15, v0;
	v8 =	vsel vm3, v29, v8;
	v29 =	vshra.s32 v31, $0x1  }
0x32b: {  	vm3 =	vge.s32 v37, v30;
	v46 =	vadd.s32 v19, v12;
	v31 =	vld.idx.msk [tilespmem:v24+s21+$0x0], $0xffff;
	vm5 =	vlt.s32 v23, v33  }
0x32c: {  	s15 =	simm.s32 $0x80;
	[tilespmem:v4+s28+$0x0] =	vst.idx.msk $0xffff, v41;
	vm3 =	vmand vm2, vm3;
	v37 =	vld.idx.msk [tilespmem:v24+s28+$0x0], $0xffff;
	vm2 =	vmand vm2, vm6;
	vm5 =	vmand vm1, vm5  }
0x32d: {  	vm14 =	vge.s32 v23, v33;
	v23 =	vor.u32 s15, v0;
	[tilespmem:v4+s21+$0x0] =	vst.idx.msk $0xffff, v8;
	v1 =	vsel vm5, v42, v28  }
0x32e: {  	v30 =	vld.idx.msk [tilespmem:v21+s28+$0x0], $0xffff;
	[tilespmem:v18+s28+$0x0] =	vst.idx.msk $0xffff, v1;
	v1 =	vsel vm2, v44, v6;
	vm7 =	vlt.s32 v40, v39  }
0x32f: {  	v33 =	vshra.s32 v58, $0x1;
	vm1 =	vmand vm1, vm14;
	v41 =	vld.idx.msk [tilespmem:v29+s4+$0x0], $0xffff;
	[tilespmem:v15+s28+$0x0] =	vst.idx.msk $0xffff, v1;
	vm15 =	vmand vm0, vm7  }
0x330: {  	s14 =	simm.s32 $0x8;
	v28 =	vld.idx.msk [tilespmem:v16+s21+$0x0], $0xffff;
	v1 =	vsel vm3, v43, v38;
	v38 =	vmovc v10;
	v42 =	vsel vm15, v45, v35;
	v35 =	vshra.s32 v46, $0x1  }
.LBB2_16:
0x331: {  	s14 =	sadd.s32 $0x4, s14;
	v2 =	vld.idx.msk [tilespmem:v21+s21+$0x0], $0xffff;
	vm2 =	vge.s32 v40, v39;
	v4 =	vsel vm1, v34, v20;
	[tilespmem:v15+s21+$0x0] =	vst.idx.msk $0xffff, v1  }
0x332: {  	v20 =	vmovc v12;
	v1 =	vmov v24;
	v15 =	vmov v9;
	p0 =	slt.u32 s14, $0x3C;
	vm1 =	vmand vm0, vm2;
	[tilespmem:v18+s21+$0x0] =	vst.idx.msk $0xffff, v4;
	v12 =	vld.idx.msk [tilespmem:v23+s21+$0x0], $0xffff  }
0x333: {  	vm0 =	vgt.s32 v31, v37;
	v3 =	vadd.s32 v37, v31;
	v4 =	vld.idx.msk [tilespmem:v23+s28+$0x0], $0xffff;
	[tilespmem:v11+s28+$0x0] =	vst.idx.msk $0xffff, v42  }
0x334: {  	v9 =	vmovc v21;
	v5 =	vmovc v32;
	v18 =	vmov v10;
	v8 =	vsel vm1, v26, v25;
	v26 =	vshra.s32 v3, $0x1;
	v6 =	vld.idx.msk [tilespmem:v16+s28+$0x0], $0xffff  }
0x335: {  	vm3 =	vgt.s32 v22, v27;
	v43 =	vmovc v33;
	v10 =	vmov v23;
	vm1 =	vlt.s32 v41, v36;
	v42 =	vld.idx.msk [tilespmem:v33+s4+$0x0], $0xffff  }
0x336: {  	v21 =	vadd.s32 $0x1, v29;
	v46 =	vmovc v13;
	v45 =	vmovc v37;
	v25 =	vmov v31;
	vm1 =	vmand vm3, vm1;
	v44 =	vld.idx.msk [tilespmem:v35+s4+$0x0], $0xffff  }
0x337: {  	vm2 =	vgt.s32 v14, v46;
	v13 =	vmovc v30;
	v21 =	vsel vm1, v21, v27;
	v37 =	vld.idx.msk [tilespmem:v38+s26+$0x0], $0xffff;
	v38 =	vmov v23  }
0x338: {  	s0 =	sadd.s32 $0x40, s0;
	v47 =	vadd.s32 $0x1, v35;
	v34 =	vmovc v35;
	v48 =	vadd.s32 $0x1, v43;
	vm1 =	vgt.s32 v20, v19;
	v39 =	vld.idx.msk [tilespmem:v24+s26+$0x0], $0xffff  }
0x339: {  	s15 =	sadd.s32 $0xFFFFFFD0, s0;
	s12 =	sadd.s32 $0xFFFFFFE0, s0;
	s13 =	sadd.s32 $0xFFFFFFF0, s0;
	v49 =	vadd.s32 $0x1, v26;
	vm4 =	vge.s32 v41, v36;
	v24 =	vor.u32 s0, v0;
	v40 =	vld.idx.msk [tilespmem:v26+s4+$0x0], $0xffff;
	[tilespmem:v17+s28+$0x0] =	vst.idx.msk $0xffff, v21  }
0x33a: {  	v30 =	vor.u32 s13, v0;
	vm3 =	vmand vm3, vm4;
	v21 =	vor.u32 s12, v0;
	v27 =	vmovc v6  }
0x33b: {  	v22 =	vsel vm3, v29, v22;
	v6 =	vadd.s32 v13, v2;
	v23 =	vadd.s32 v27, v28;
	v32 =	vld.idx.msk [tilespmem:v9+s26+$0x0], $0xffff  }
0x33c: {  	v35 =	vadd.s32 v4, v12;
	vm3 =	vge.s32 v42, v5;
	v29 =	vshra.s32 v23, $0x1;
	[tilespmem:v17+s21+$0x0] =	vst.idx.msk $0xffff, v22  }
0x33d: {  	v33 =	vshra.s32 v6, $0x1;
	v23 =	vor.u32 s15, v0;
	vm4 =	vge.s32 v44, v37;
	v17 =	vmovc v16;
	v36 =	vld.idx.msk [tilespmem:v16+s26+$0x0], $0xffff;
	v16 =	vmovc v30  }
.Ltmp8:
0x33e: {  	vm6 =	vlt.s32 v42, v5;
	vm3 =	vmand vm2, vm3;
	vm5 =	vlt.s32 v44, v37;
	v22 =	vmovc v28;
	v31 =	vld.idx.msk [tilespmem:v24+s21+$0x0], $0xffff;
	(pc) =	sbr.rel @p0 .LBB2_16-.Ltmp8, $4  }
0x33f: {  	vm2 =	vmand vm2, vm6;
	vm5 =	vmand vm1, vm5;
	vm7 =	vlt.s32 v40, v39;
	v37 =	vld.idx.msk [tilespmem:v24+s28+$0x0], $0xffff;
	[tilespmem:v11+s21+$0x0] =	vst.idx.msk $0xffff, v8  }
0x340: {  	v35 =	vshra.s32 v35, $0x1;
	v5 =	vsel vm5, v47, v19;
	v19 =	vmovc v4;
	vm6 =	vmand vm0, vm7;
	v11 =	vmovc v1;
	v30 =	vld.idx.msk [tilespmem:v21+s28+$0x0], $0xffff  }
0x341: {  	v1 =	vsel vm2, v48, v46;
	v42 =	vsel vm6, v49, v45;
	v41 =	vld.idx.msk [tilespmem:v29+s4+$0x0], $0xffff;
	[tilespmem:v18+s28+$0x0] =	vst.idx.msk $0xffff, v5  }
0x342: {  	vm1 =	vmand vm1, vm4;
	v28 =	vld.idx.msk [tilespmem:v16+s21+$0x0], $0xffff;
	[tilespmem:v15+s28+$0x0] =	vst.idx.msk $0xffff, v1;
	v1 =	vsel vm3, v43, v14;
	v14 =	vmov v2  }
0x343: {  	_ =	sdelay $0x3  }
0x344: {  	v2 =	vld.idx.msk [tilespmem:v21+s21+$0x0], $0xffff  }
0x345: {  	v4 =	vld.idx.msk [tilespmem:v23+s21+$0x0], $0xffff  }
0x346: {  	v6 =	vld.idx.msk [tilespmem:v16+s28+$0x0], $0xffff  }
0x347: {  	v8 =	vld.idx.msk [tilespmem:v23+s28+$0x0], $0xffff;
	vm2 =	vge.s32 v40, v39  }
0x348: {  	v48 =	vld.idx.msk [tilespmem:v33+s4+$0x0], $0xffff;
	v20 =	vsel vm1, v34, v20;
	vm9 =	vgt.s32 v22, v27;
	v53 =	vadd.s32 $0x1, v29  }
0x349: {  	v49 =	vld.idx.msk [tilespmem:v35+s4+$0x0], $0xffff;
	vm11 =	vgt.s32 v14, v13;
	vm12 =	vgt.s32 v12, v19;
	v55 =	vadd.s32 $0x1, v35  }
0x34a: {  	v50 =	vld.idx.msk [tilespmem:v38+s26+$0x0], $0xffff;
	v56 =	vadd.s32 $0x1, v33;
	v5 =	vadd.s32 v37, v31;
	vm8 =	vmand vm0, vm2  }
0x34b: {  	v51 =	vld.idx.msk [tilespmem:v24+s26+$0x0], $0xffff;
	vm0 =	vgt.s32 v31, v37;
	v5 =	vshra.s32 v5, $0x1;
	v25 =	vsel vm8, v26, v25  }
0x34c: {  	[tilespmem:v15+s21+$0x0] =	vst.idx.msk $0xffff, v1;
	vm10 =	vlt.s32 v41, v36;
	vm4 =	vge.s32 v41, v36;
	v7 =	vadd.s32 $0x1, v5  }
0x34d: {  	v40 =	vld.idx.msk [tilespmem:v16+s26+$0x0], $0xffff;
	[tilespmem:v11+s28+$0x0] =	vst.idx.msk $0xffff, v42;
	vm3 =	vmand vm9, vm10;
	vm2 =	vmand vm9, vm4;
	v52 =	vadd.s32 v6, v28  }
0x34e: {  	[tilespmem:v18+s21+$0x0] =	vst.idx.msk $0xffff, v20;
	v1 =	vsel vm3, v53, v27;
	v57 =	vadd.s32 v8, v4;
	v36 =	vshra.s32 v52, $0x1  }
0x34f: {  	v44 =	vld.idx.msk [tilespmem:v21+s26+$0x0], $0xffff;
	v58 =	vsel vm2, v29, v22;
	vm13 =	vge.s32 v48, v32;
	vm14 =	vge.s32 v49, v50  }
0x350: {  	vm5 =	vlt.s32 v49, v50;
	[tilespmem:v17+s28+$0x0] =	vst.idx.msk $0xffff, v1;
	v1 =	vadd.s32 v30, v2;
	v20 =	vshra.s32 v57, $0x1  }
0x351: {  	vm7 =	vlt.s32 v48, v32;
	vm9 =	vgt.s32 v2, v30;
	v54 =	vld.idx.msk [tilespmem:v5+s4+$0x0], $0xffff;
	v1 =	vshra.s32 v1, $0x1  }
0x352: {  	[tilespmem:v11+s21+$0x0] =	vst.idx.msk $0xffff, v25;
	v50 =	vld.idx.msk [tilespmem:v23+s26+$0x0], $0xffff;
	vm5 =	vmand vm12, vm5;
	vm7 =	vmand vm11, vm7;
	vm1 =	vmand vm11, vm13  }
0x353: {  	vm11 =	vgt.s32 v4, v8;
	[tilespmem:v17+s21+$0x0] =	vst.idx.msk $0xffff, v58;
	v45 =	vsel vm5, v55, v19;
	v43 =	vld.idx.msk [tilespmem:v36+s4+$0x0], $0xffff  }
0x354: {  	vm15 =	vmand vm12, vm14;
	v47 =	vsel vm7, v56, v13;
	v49 =	vsel vm1, v33, v14;
	[tilespmem:v10+s28+$0x0] =	vst.idx.msk $0xffff, v45  }
0x355: {  	v52 =	vsel vm15, v35, v12;
	v53 =	vadd.s32 $0x1, v36;
	[tilespmem:v9+s28+$0x0] =	vst.idx.msk $0xffff, v47;
	v56 =	vadd.s32 $0x1, v1;
	v48 =	vld.idx.msk [tilespmem:v20+s4+$0x0], $0xffff  }
0x356: {  	[tilespmem:v9+s21+$0x0] =	vst.idx.msk $0xffff, v49;
	vm6 =	vlt.s32 v54, v51;
	vm5 =	vge.s32 v54, v51;
	v51 =	vld.idx.msk [tilespmem:v1+s4+$0x0], $0xffff  }
0x357: {  	[tilespmem:v10+s21+$0x0] =	vst.idx.msk $0xffff, v52;
	v54 =	vadd.s32 $0x1, v20;
	vm6 =	vmand vm0, vm6;
	vm0 =	vmand vm0, vm5  }
0x358: {  	v46 =	vsel vm6, v7, v37;
	vm6 =	vgt.s32 v28, v6;
	vm7 =	vlt.s32 v43, v40  }
0x359: {  	v5 =	vsel vm0, v5, v31;
	[tilespmem:v24+s28+$0x0] =	vst.idx.msk $0xffff, v46;
	vm10 =	vge.s32 v43, v40;
	vm8 =	vmand vm6, vm7  }
0x35a: {  	s11 =	sshrl.u32 s11, $0x1;
	vm12 =	vlt.s32 v48, v50;
	[tilespmem:v24+s21+$0x0] =	vst.idx.msk $0xffff, v5;
	vm1 =	vmand vm6, vm10;
	v6 =	vsel vm8, v53, v6  }
0x35b: {  	p0 =	sne.s32 s11, $0x0;
	vm13 =	vlt.s32 v51, v44;
	v55 =	vsel vm1, v36, v28;
	vm1 =	vmand vm11, vm12;
	[tilespmem:v16+s28+$0x0] =	vst.idx.msk $0xffff, v6  }
.Ltmp9:
0x35c: {  	vm14 =	vge.s32 v51, v44;
	vm3 =	vmand vm9, vm13;
	v57 =	vsel vm1, v54, v8;
	[tilespmem:v16+s21+$0x0] =	vst.idx.msk $0xffff, v55;
	(pc) =	sbr.rel @p0 .LBB2_15-.Ltmp9, $4  }
0x35d: {  	vm15 =	vge.s32 v48, v50;
	vm2 =	vmand vm9, vm14;
	v58 =	vsel vm3, v56, v30;
	[tilespmem:v23+s28+$0x0] =	vst.idx.msk $0xffff, v57  }
0x35e: {  	vm0 =	vmand vm11, vm15;
	v1 =	vsel vm2, v1, v2;
	[tilespmem:v21+s28+$0x0] =	vst.idx.msk $0xffff, v58  }
0x35f: {  	v2 =	vsel vm0, v20, v4;
	[tilespmem:v21+s21+$0x0] =	vst.idx.msk $0xffff, v1  }
0x360: {  	[tilespmem:v23+s21+$0x0] =	vst.idx.msk $0xffff, v2  }
.LBB2_18:
0x361: {  	s0 =	simm.s32 $0x30  }
0x362: {  	s11 =	simm.s32 $0x20;
	v5 =	vor.u32 s0, v0  }
0x363: {  	s15 =	simm.s32 $0x0;
	v8 =	vor.u32 s11, v0  }
0x364: {  	v11 =	vor.u32 s15, v0;
	s11 =	simm.s32 $0x10  }
0x365: {  	v1 =	vor.u32 s11, v0;
	_ =	sdelay $0x1  }
0x366: {  	s12 =	simm.s32 $0x70;
	v4 =	vld.idx.msk [tilespmem:v5+s28+$0x0], $0xffff  }
0x367: {  	s13 =	simm.s32 $0x60;
	v2 =	vor.u32 s12, v0;
	v6 =	vld.idx.msk [tilespmem:v8+s28+$0x0], $0xffff  }
0x368: {  	v10 =	vor.u32 s13, v0;
	s15 =	simm.s32 $0x40;
	v15 =	vld.idx.msk [tilespmem:v11+s28+$0x0], $0xffff  }
0x369: {  	s14 =	simm.s32 $0x50;
	v12 =	vor.u32 s15, v0;
	v13 =	vld.idx.msk [tilespmem:v1+s28+$0x0], $0xffff  }
0x36a: {  	v9 =	vor.u32 s14, v0  }
0x36b: {  	vm0 =	vlt.s32 v4, $0xF423  }
0x36c: {  	v14 =	vld.idx.msk [tilespmem:v2+s28+$0x0], $0xffff;
	vm1 =	vlt.s32 v6, $0xF423;
	v17 =	vnsel vm0, $0xF423, v4  }
0x36d: {  	s0 =	simm.s32 $0x4;
	s11 =	simm.s32 $0xB0;
	v16 =	vld.idx.msk [tilespmem:v10+s28+$0x0], $0xffff;
	vm0 =	vlt.s32 v15, $0xF423;
	v4 =	vnsel vm1, $0xF423, v6;
	[tilespmem:v5+s29+$0x0] =	vst.idx.msk $0xffff, v17  }
.LBB2_19:
0x36e: {  	s12 =	sadd.s32 $0xFFFFFFE0, s11;
	s13 =	sadd.s32 $0xFFFFFFF0, s11;
	v5 =	vor.u32 s11, v0;
	s0 =	sadd.s32 $0x4, s0;
	v6 =	vnsel vm0, $0xF423, v15;
	v15 =	vld.idx.msk [tilespmem:v12+s28+$0x0], $0xffff;
	vm0 =	vlt.s32 v13, $0xF423;
	[tilespmem:v8+s29+$0x0] =	vst.idx.msk $0xffff, v4;
	v8 =	vmovc v10  }
0x36f: {  	s14 =	sadd.s32 $0xFFFFFFD0, s11;
	v4 =	vor.u32 s12, v0;
	v10 =	vor.u32 s13, v0;
	p0 =	slt.u32 s0, $0x3C;
	[tilespmem:v11+s29+$0x0] =	vst.idx.msk $0xffff, v6;
	v6 =	vnsel vm0, $0xF423, v13;
	v13 =	vld.idx.msk [tilespmem:v9+s28+$0x0], $0xffff;
	v11 =	vmovc v12  }
.Ltmp10:
0x370: {  	v12 =	vor.u32 s14, v0;
	[tilespmem:v1+s29+$0x0] =	vst.idx.msk $0xffff, v6;
	v1 =	vmov v9;
	v9 =	vmov v4;
	(pc) =	sbr.rel @p0 .LBB2_19-.Ltmp10, $4  }
0x371: {  	_ = 	snop  }
0x372: {  	vm0 =	vlt.s32 v14, $0xF423  }
0x373: {  	vm1 =	vlt.s32 v16, $0xF423;
	v6 =	vnsel vm0, $0xF423, v14;
	v14 =	vld.idx.msk [tilespmem:v5+s28+$0x0], $0xffff  }
0x374: {  	s11 =	sadd.s32 $0x40, s11;
	vm0 =	vlt.s32 v15, $0xF423;
	v4 =	vnsel vm1, $0xF423, v16;
	v16 =	vld.idx.msk [tilespmem:v10+s28+$0x0], $0xffff;
	[tilespmem:v2+s29+$0x0] =	vst.idx.msk $0xffff, v6;
	v2 =	vmov v5  }
0x375: {  	_ =	sdelay $0x3  }
0x376: {  	v5 =	vld.idx.msk [tilespmem:v12+s28+$0x0], $0xffff  }
0x377: {  	v6 =	vld.idx.msk [tilespmem:v9+s28+$0x0], $0xffff  }
0x378: {  	v15 =	vnsel vm0, $0xF423, v15;
	vm11 =	vlt.s32 v13, $0xF423;
	[tilespmem:v8+s29+$0x0] =	vst.idx.msk $0xffff, v4  }
0x379: {  	[tilespmem:v11+s29+$0x0] =	vst.idx.msk $0xffff, v15;
	v4 =	vnsel vm11, $0xF423, v13;
	vm12 =	vlt.s32 v14, $0xF423  }
0x37a: {  	[tilespmem:v1+s29+$0x0] =	vst.idx.msk $0xffff, v4;
	vm1 =	vlt.s32 v16, $0xF423;
	v1 =	vnsel vm12, $0xF423, v14  }
0x37b: {  	vm13 =	vlt.s32 v5, $0xF423;
	v4 =	vnsel vm1, $0xF423, v16;
	[tilespmem:v2+s29+$0x0] =	vst.idx.msk $0xffff, v1  }
0x37c: {  	vm14 =	vlt.s32 v6, $0xF423;
	v1 =	vnsel vm13, $0xF423, v5;
	[tilespmem:v10+s29+$0x0] =	vst.idx.msk $0xffff, v4  }
0x37d: {  	[tilespmem:v12+s29+$0x0] =	vst.idx.msk $0xffff, v1;
	v1 =	vnsel vm14, $0xF423, v6  }
0x37e: {  	s0 =	simm.s32 $0x20;
	[tilespmem:v9+s29+$0x0] =	vst.idx.msk $0xffff, v1  }
0x37f: {  	v1 =	vor.u32 s0, v0;
	_ =	swait.ge [sflag:s30], $0x4000  }
0x380: {  	v10 =	vand.u32 v61, v1;
	v25 =	vshll.u32 v1, $0x4;
	[sflag:s30] =	ssyncset.done $0x0  }
0x381: {  	v1 =	vor.u32 $0x7, v25;
	[sflag:s30] =	ssyncadd.s32 $0xFFFFC000  }
0x382: {  	s15 =	simm.s32 $0x0;
	_ =	swait.ge [sflag:s31], $0x4000  }
0x383: {  	v2 =	vor.u32 s15, v0;
	[sflag:s31] =	ssyncset.done $0x0  }
0x384: {  	v34 =	vshll.u32 v2, $0x4;
	[sflag:s31] =	ssyncadd.s32 $0xFFFFC000  }
0x385: {  	s11 =	simm.s32 $0x10;
	v5 =	vor.u32 $0x7, v34;
	v24 =	vld.idx.msk [tilespmem:v10+s19+$0x0], $0xffff;
	[tilespmem:$0x1FFA0] =	vst v10  }
0x386: {  	s12 =	simm.s32 $0x30;
	v4 =	vor.u32 s11, v0;
	v3 =	vand.u32 v63, v2;
	v1 =	vld.idx.msk [tilespmem:v1+s24+$0x0], $0xffff  }
0x387: {  	v8 =	vor.u32 s12, v0;
	v38 =	vshll.u32 v4, $0x4;
	v7 =	vand.u32 v60, v4  }
0x388: {  	v39 =	vshll.u32 v8, $0x4;
	v6 =	vor.u32 $0x7, v38  }
0x389: {  	v2 =	vor.u32 $0x7, v39  }
0x38a: {  	v9 =	vand.u32 v62, v8;
	v4 =	vld.idx.msk [tilespmem:v5+s24+$0x0], $0xffff  }
0x38b: {  	v18 =	vld.idx.msk [tilespmem:v3+s19+$0x0], $0xffff;
	vm15 =	vlt.s32 v1, v24  }
0x38c: {  	v21 =	vld.idx.msk [tilespmem:v7+s19+$0x0], $0xffff;
	v5 =	vsel vm15, $0x8, v59  }
0x38d: {  	v1 =	vld.idx.msk [tilespmem:v6+s24+$0x0], $0xffff;
	v6 =	vor.u32 v25, v5  }
0x38e: {  	v2 =	vld.idx.msk [tilespmem:v2+s24+$0x0], $0xffff;
	v8 =	vor.u32 $0x3, v6  }
0x38f: {  	v22 =	vld.idx.msk [tilespmem:v9+s19+$0x0], $0xffff;
	_ =	sdelay $0x2  }
0x390: {  	vm4 =	vlt.s32 v4, v18  }
0x391: {  	v35 =	vsel vm4, $0x8, v59;
	vm5 =	vlt.s32 v1, v21;
	v4 =	vld.idx.msk [tilespmem:v8+s24+$0x0], $0xffff  }
0x392: {  	vm6 =	vlt.s32 v2, v22;
	v1 =	vor.u32 v34, v35;
	v41 =	vsel vm5, $0x8, v59  }
0x393: {  	v40 =	vsel vm6, $0x8, v59;
	v2 =	vor.u32 v38, v41;
	v8 =	vor.u32 $0x3, v1  }
0x394: {  	v17 =	vor.u32 v39, v40;
	v44 =	vor.u32 $0x3, v2  }
0x395: {  	v45 =	vor.u32 $0x3, v17  }
0x396: {  	vm7 =	vlt.s32 v4, v24  }
0x397: {  	v4 =	vsel vm7, $0x4, v59  }
0x398: {  	v8 =	vld.idx.msk [tilespmem:v8+s24+$0x0], $0xffff;
	v46 =	vor.u32 v4, v6  }
0x399: {  	v12 =	vld.idx.msk [tilespmem:v44+s24+$0x0], $0xffff;
	v14 =	vor.u32 $0x1, v46  }
0x39a: {  	v13 =	vld.idx.msk [tilespmem:v45+s24+$0x0], $0xffff;
	_ =	sdelay $0x2  }
0x39b: {  	vm8 =	vlt.s32 v8, v18  }
0x39c: {  	vm9 =	vlt.s32 v12, v21;
	v15 =	vsel vm8, $0x4, v59;
	v8 =	vld.idx.msk [tilespmem:v14+s24+$0x0], $0xffff  }
0x39d: {  	vm10 =	vlt.s32 v13, v22;
	v16 =	vsel vm9, $0x4, v59;
	v47 =	vor.u32 v15, v1  }
0x39e: {  	v26 =	vsel vm10, $0x4, v59;
	v48 =	vor.u32 v16, v2;
	v12 =	vor.u32 $0x1, v47  }
0x39f: {  	s13 =	simm.s32 $0x60;
	v49 =	vor.u32 v26, v17;
	v13 =	vor.u32 $0x1, v48;
	[tilespmem:$0x1FED0] =	vst v3  }
0x3a0: {  	v20 =	vor.u32 s13, v0;
	v14 =	vor.u32 $0x1, v49;
	v27 =	vld.idx.msk [tilespmem:v3+s20+$0x0], $0xffff;
	[tilespmem:$0x1FEE0] =	vst v7  }
0x3a1: {  	v44 =	vshll.u32 v20, $0x4;
	v3 =	vand.u32 v61, v20;
	vm11 =	vlt.s32 v8, v24;
	v8 =	vld.idx.msk [tilespmem:v7+s20+$0x0], $0xffff;
	[tilespmem:$0x1FEF0] =	vst v9  }
0x3a2: {  	s14 =	simm.s32 $0x40;
	s15 =	simm.s32 $0x50;
	v29 =	vor.u32 $0x7, v44;
	v28 =	vld.idx.msk [tilespmem:v9+s20+$0x0], $0xffff  }
0x3a3: {  	v23 =	vor.u32 s14, v0;
	v50 =	vor.u32 s15, v0;
	v30 =	vld.idx.msk [tilespmem:v12+s24+$0x0], $0xffff  }
0x3a4: {  	v56 =	vshll.u32 v23, $0x4;
	s11 =	simm.s32 $0x70;
	v7 =	vand.u32 v60, v50;
	v32 =	vld.idx.msk [tilespmem:v13+s24+$0x0], $0xffff  }
0x3a5: {  	v33 =	vor.u32 $0x7, v56;
	v51 =	vor.u32 s11, v0;
	v20 =	vsel vm11, $0x2, v59;
	v36 =	vld.idx.msk [tilespmem:v14+s24+$0x0], $0xffff  }
0x3a6: {  	v45 =	vld.idx.msk [tilespmem:v3+s19+$0x0], $0xffff;
	v9 =	vand.u32 v62, v51;
	v4 =	vor.u32 v4, v20  }
0x3a7: {  	v13 =	vshll.u32 v50, $0x4;
	v29 =	vld.idx.msk [tilespmem:v29+s24+$0x0], $0xffff;
	v6 =	vor.u32 v6, v4  }
0x3a8: {  	v55 =	vld.idx.msk [tilespmem:v10+s20+$0x0], $0xffff;
	v37 =	vor.u32 $0x7, v13  }
0x3a9: {  	v20 =	vmov v3;
	v3 =	vand.u32 v63, v23;
	v23 =	vshll.u32 v51, $0x4;
	v11 =	vld.idx.msk [tilespmem:v7+s19+$0x0], $0xffff  }
0x3aa: {  	v42 =	vor.u32 $0x7, v23;
	vm12 =	vlt.s32 v30, v18;
	v30 =	vld.idx.msk [tilespmem:v33+s24+$0x0], $0xffff  }
0x3ab: {  	v27 =	vshll.u32 v27, $0x4;
	v8 =	vshll.u32 v8, $0x4;
	v12 =	vld.idx.msk [tilespmem:v9+s19+$0x0], $0xffff  }
0x3ac: {  	vm13 =	vlt.s32 v32, v21;
	vm14 =	vlt.s32 v36, v22;
	vm15 =	vlt.s32 v29, v45;
	v6 =	vld.idx.msk [tilespmem:v6+s24+$0x0], $0xffff  }
0x3ad: {  	s13 =	simm.s32 $0x80;
	v49 =	vshll.u32 v28, $0x4;
	v28 =	vshll.u32 v55, $0x4;
	v52 =	vsel vm12, $0x2, v59;
	v53 =	vld.idx.msk [tilespmem:v37+s24+$0x0], $0xffff  }
0x3ae: {  	v55 =	vor.u32 s13, v0;
	v54 =	vsel vm13, $0x2, v59;
	v37 =	vor.u32 v15, v52;
	v10 =	vld.idx.msk [tilespmem:v3+s19+$0x0], $0xffff  }
0x3af: {  	v46 =	vsel vm15, $0x8, v59;
	v36 =	vor.u32 v16, v54;
	v1 =	vor.u32 v1, v37;
	v29 =	vld.idx.msk [tilespmem:v42+s24+$0x0], $0xffff  }
0x3b0: {  	v43 =	vsel vm14, $0x2, v59;
	v48 =	vor.u32 v44, v46;
	v2 =	vor.u32 v2, v36  }
0x3b1: {  	v26 =	vor.u32 v26, v43;
	v58 =	vor.u32 $0x3, v48;
	vm4 =	vlt.s32 v6, v24  }
0x3b2: {  	s15 =	simm.s32 $0xB0;
	vm6 =	vlt.s32 v53, v11;
	v6 =	vor.u32 v17, v26;
	v57 =	vsel vm4, $0x1, v59  }
0x3b3: {  	v33 =	vsel vm6, $0x8, v59;
	v17 =	vmovc v62;
	v62 =	vor.u32 s15, v0;
	v42 =	vor.u32 v57, v5  }
0x3b4: {  	v1 =	vld.idx.msk [tilespmem:v1+s24+$0x0], $0xffff;
	vm5 =	vlt.s32 v30, v10;
	vm7 =	vlt.s32 v29, v12;
	v4 =	vor.u32 v4, v42  }
0x3b5: {  	v2 =	vld.idx.msk [tilespmem:v2+s24+$0x0], $0xffff;
	v51 =	vor.u32 v13, v33;
	v43 =	vsel vm7, $0x8, v59;
	v30 =	vor.u32 v28, v4  }
0x3b6: {  	v4 =	vand.u32 $0x7, v4;
	v52 =	vor.u32 v23, v43;
	vm2 =	vlt.s32 v30, $0xF423F  }
0x3b7: {  	v29 =	vld.idx.msk [tilespmem:v58+s24+$0x0], $0xffff;
	v4 =	vor.u32 v4, v25;
	v53 =	vor.u32 $0x3, v52;
	v30 =	vnsel vm2, $0xF423F, v30  }
0x3b8: {  	v28 =	vsel vm5, $0x8, v59;
	v6 =	vld.idx.msk [tilespmem:v6+s24+$0x0], $0xffff;
	v4 =	vor.u32 v5, v4;
	v5 =	vand.u32 $0xF, v30  }
0x3b9: {  	v42 =	vor.u32 v56, v28;
	vm8 =	vlt.s32 v1, v18;
	v5 =	vor.u32 v25, v5  }
0x3ba: {  	[tilespmem:$0x1FF00] =	vst v3;
	vm9 =	vlt.s32 v2, v21;
	v1 =	vsel vm8, $0x1, v59;
	v25 =	vor.u32 $0x3, v42  }
0x3bb: {  	s14 =	simm.s32 $0x90;
	v14 =	vor.u32 $0x3, v51;
	v30 =	vld.idx.msk [tilespmem:v3+s20+$0x0], $0xffff;
	[tilespmem:$0x1FF10] =	vst v18;
	v2 =	vsel vm9, $0x1, v59;
	v1 =	vor.u32 v1, v35  }
0x3bc: {  	vm11 =	vlt.s32 v29, v45;
	v3 =	vor.u32 s14, v0;
	v1 =	vor.u32 v37, v1;
	v37 =	vld.idx.msk [tilespmem:v53+s24+$0x0], $0xffff  }
0x3bd: {  	v2 =	vor.u32 v2, v41;
	v29 =	vsel vm11, $0x4, v59;
	vm10 =	vlt.s32 v6, v22;
	v4 =	vld.idx.msk [tilespmem:v4+s24+$0x0], $0xffff  }
0x3be: {  	v32 =	vshll.u32 v3, $0x4;
	v15 =	vor.u32 v29, v48;
	v6 =	vsel vm10, $0x1, v59;
	v5 =	vld.idx.msk [tilespmem:v5+s25+$0x0], $0xffff  }
0x3bf: {  	v27 =	vor.u32 v27, v1;
	v1 =	vand.u32 $0x7, v1;
	v6 =	vor.u32 v6, v40;
	v25 =	vld.idx.msk [tilespmem:v25+s24+$0x0], $0xffff  }
0x3c0: {  	v47 =	vshll.u32 v30, $0x4;
	v30 =	vor.u32 $0x1, v15;
	v6 =	vor.u32 v26, v6;
	v26 =	vld.idx.msk [tilespmem:v14+s24+$0x0], $0xffff  }
0x3c1: {  	v50 =	vmovc v63;
	v2 =	vor.u32 v36, v2;
	vm12 =	vlt.s32 v27, $0xF423F;
	v31 =	vor.u32 v1, v34  }
0x3c2: {  	v15 =	vand.u32 v50, v55;
	vm6 =	vlt.s32 v37, v12;
	vm13 =	veq.s32 v4, v24  }
0x3c3: {  	v4 =	vor.u32 v49, v6;
	v54 =	vsel vm6, $0x4, v59;
	v18 =	vnsel vm13, $0xF423F, v5  }
0x3c4: {  	v5 =	vand.u32 $0x7, v6;
	vm3 =	vlt.s32 v25, v10;
	v6 =	vnsel vm12, $0xF423F, v27  }
0x3c5: {  	v24 =	vld.idx.msk [tilespmem:v30+s24+$0x0], $0xffff;
	vm5 =	vlt.s32 v26, v11;
	v27 =	vor.u32 v54, v52;
	v49 =	vsel vm3, $0x4, v59  }
0x3c6: {  	s12 =	simm.s32 $0xA0;
	v53 =	vsel vm5, $0x4, v59;
	v27 =	vor.u32 $0x1, v27;
	v25 =	vor.u32 v49, v42  }
0x3c7: {  	v30 =	vor.u32 s12, v0;
	v26 =	vor.u32 v53, v51;
	v1 =	vor.u32 $0x1, v25  }
0x3c8: {  	v36 =	vshll.u32 v62, $0x4;
	v14 =	vmovc v60;
	v37 =	vshll.u32 v30, $0x4;
	v26 =	vor.u32 $0x1, v26  }
0x3c9: {  	v8 =	vor.u32 v8, v2;
	v16 =	vand.u32 v14, v3;
	v57 =	vor.u32 $0x7, v37  }
0x3ca: {  	v14 =	vand.u32 v17, v62;
	v62 =	vor.u32 v35, v31;
	v35 =	vld.idx.msk [tilespmem:v15+s19+$0x0], $0xffff;
	vm7 =	vlt.s32 v24, v45  }
0x3cb: {  	v2 =	vand.u32 $0x7, v2;
	v24 =	vand.u32 v61, v30;
	v30 =	vsel vm7, $0x2, v59;
	v63 =	vld.idx.msk [tilespmem:v27+s24+$0x0], $0xffff  }
0x3cc: {  	v58 =	vor.u32 v29, v30;
	v30 =	vshll.u32 v55, $0x4;
	v55 =	vor.u32 $0x7, v36;
	v59 =	vld.idx.msk [tilespmem:v1+s24+$0x0], $0xffff  }
0x3cd: {  	vm14 =	vlt.s32 v8, $0xF423F;
	v2 =	vor.u32 v2, v38;
	v48 =	vor.u32 v48, v58;
	v60 =	vld.idx.msk [tilespmem:v26+s24+$0x0], $0xffff  }
0x3ce: {  	v8 =	vnsel vm14, $0xF423F, v8;
	v6 =	vand.u32 $0xF, v6;
	v57 =	vld.idx.msk [tilespmem:v57+s24+$0x0], $0xffff;
	v61 =	vor.u32 $0x7, v30  }
0x3cf: {  	v8 =	vand.u32 $0xF, v8;
	v1 =	vor.u32 $0x7, v32;
	v26 =	vor.u32 v34, v6;
	v34 =	vld.idx.msk [tilespmem:v14+s19+$0x0], $0xffff  }
0x3d0: {  	v19 =	vmovc v21;
	v21 =	vor.u32 v41, v2;
	v3 =	vor.u32 v38, v8;
	vm15 =	vlt.s32 v4, $0xF423F;
	v29 =	vld.idx.msk [tilespmem:v24+s19+$0x0], $0xffff  }
0x3d1: {  	v25 =	vimm.s32 $0x0;
	vm10 =	vlt.s32 v63, v12;
	v63 =	vld.idx.msk [tilespmem:v55+s24+$0x0], $0xffff;
	vm8 =	vlt.s32 v59, v10  }
0x3d2: {  	v5 =	vor.u32 v5, v39;
	v41 =	vld.idx.msk [tilespmem:v48+s24+$0x0], $0xffff;
	vm9 =	vlt.s32 v60, v11;
	v31 =	vsel vm8, $0x2, v25  }
0x3d3: {  	v17 =	vor.u32 v40, v5;
	v40 =	vld.idx.msk [tilespmem:v61+s24+$0x0], $0xffff;
	v48 =	vor.u32 v49, v31;
	v31 =	vsel vm9, $0x2, v25  }
0x3d4: {  	v4 =	vnsel vm15, $0xF423F, v4;
	v1 =	vld.idx.msk [tilespmem:v1+s24+$0x0], $0xffff;
	v59 =	vor.u32 v42, v48;
	v53 =	vor.u32 v53, v31  }
0x3d5: {  	v4 =	vand.u32 $0xF, v4;
	v49 =	vld.idx.msk [tilespmem:v20+s20+$0x0], $0xffff;
	v31 =	vsel vm10, $0x2, v25;
	v60 =	vor.u32 v51, v53  }
0x3d6: {  	v8 =	vor.u32 v39, v4;
	vm11 =	vlt.s32 v57, v29;
	v61 =	vor.u32 v54, v31;
	v31 =	vld.idx.msk [tilespmem:v16+s19+$0x0], $0xffff  }
0x3d7: {  	v42 =	vsel vm11, $0x8, v25;
	vm12 =	vlt.s32 v41, v45;
	v52 =	vor.u32 v52, v61  }
0x3d8: {  	vm4 =	vlt.s32 v63, v34;
	v51 =	vor.u32 v37, v42;
	v41 =	vsel vm12, $0x1, v25  }
0x3d9: {  	vm13 =	vlt.s32 v40, v35;
	v39 =	vor.u32 $0x3, v51;
	v4 =	vor.u32 v41, v46;
	v57 =	vld.idx.msk [tilespmem:v59+s24+$0x0], $0xffff  }
0x3da: {  	v38 =	vsel vm4, $0x8, v25;
	v4 =	vor.u32 v58, v4;
	v59 =	vshll.u32 v49, $0x4;
	v49 =	vld.idx.msk [tilespmem:v60+s24+$0x0], $0xffff;
	[tilespmem:$0x1FF20] =	vst v7  }
0x3db: {  	v60 =	vor.u32 v59, v4;
	vm14 =	vlt.s32 v1, v31;
	v1 =	vand.u32 $0x7, v4;
	v4 =	vld.idx.msk [tilespmem:v7+s20+$0x0], $0xffff  }
0x3dc: {  	v41 =	vsel vm13, $0x8, v25;
	vm15 =	vlt.s32 v60, $0xF423F;
	v1 =	vor.u32 v1, v44;
	v58 =	vld.idx.msk [tilespmem:v52+s24+$0x0], $0xffff;
	[tilespmem:$0x1FF30] =	vst v9  }
0x3dd: {  	v55 =	vor.u32 v30, v41;
	v40 =	vnsel vm15, $0xF423F, v60;
	v1 =	vor.u32 v46, v1;
	v46 =	vld.idx.msk [tilespmem:v9+s20+$0x0], $0xffff  }
0x3de: {  	v52 =	vor.u32 v36, v38;
	v39 =	vld.idx.msk [tilespmem:v39+s24+$0x0], $0xffff;
	[tilespmem:$0x1FF40] =	vst v15;
	v63 =	vand.u32 $0xF, v40;
	v40 =	vsel vm14, $0x8, v25  }
0x3df: {  	v59 =	vld.idx.msk [tilespmem:v15+s20+$0x0], $0xffff;
	[tilespmem:$0x1FF50] =	vst v10;
	v44 =	vor.u32 v44, v63;
	v54 =	vor.u32 v32, v40  }
0x3e0: {  	[tilespmem:$0x1FF60] =	vst v11;
	vm5 =	vlt.s32 v57, v10;
	v57 =	vor.u32 $0x3, v55;
	vm6 =	vlt.s32 v49, v11  }
0x3e1: {  	[tilespmem:$0x1FF70] =	vst v16;
	v50 =	vsel vm5, $0x1, v25;
	v15 =	vsel vm6, $0x1, v25;
	vm7 =	vlt.s32 v58, v12  }
0x3e2: {  	v49 =	vld.idx.msk [tilespmem:v16+s20+$0x0], $0xffff;
	[tilespmem:$0x1FF80] =	vst v12;
	v50 =	vor.u32 v50, v28;
	v4 =	vshll.u32 v4, $0x4;
	v12 =	vor.u32 v15, v33  }
0x3e3: {  	v6 =	vld.idx.msk [tilespmem:v1+s24+$0x0], $0xffff;
	[tilespmem:$0x1FF90] =	vst v14;
	v48 =	vor.u32 v48, v50;
	v1 =	vor.u32 $0x3, v54;
	v15 =	vor.u32 $0x3, v52  }
0x3e4: {  	vm8 =	vlt.s32 v39, v29;
	v58 =	vsel vm7, $0x1, v25;
	v14 =	vld.idx.msk [tilespmem:v14+s20+$0x0], $0xffff;
	v53 =	vor.u32 v53, v12  }
0x3e5: {  	v2 =	vshll.u32 v46, $0x4;
	v39 =	vor.u32 v58, v43;
	v5 =	vld.idx.msk [tilespmem:v44+s25+$0x0], $0xffff;
	v4 =	vor.u32 v4, v53  }
0x3e6: {  	v58 =	vsel vm8, $0x4, v25;
	v44 =	vshll.u32 v59, $0x4;
	v59 =	vld.idx.msk [tilespmem:v57+s24+$0x0], $0xffff;
	vm11 =	vlt.s32 v4, $0xF423F  }
0x3e7: {  	v12 =	vor.u32 v47, v48;
	v39 =	vor.u32 v61, v39;
	v63 =	vnsel vm11, $0xF423F, v4;
	v4 =	vld [tilespmem:$0x1FFA0]  }
0x3e8: {  	vm10 =	vlt.s32 v12, $0xF423F;
	v46 =	vshll.u32 v49, $0x4;
	v2 =	vor.u32 v2, v39;
	v1 =	vld.idx.msk [tilespmem:v1+s24+$0x0], $0xffff  }
0x3e9: {  	v9 =	vand.u32 $0x7, v39;
	vm9 =	veq.s32 v6, v45;
	v45 =	vshll.u32 v14, $0x4;
	v14 =	vld.idx.msk [tilespmem:v15+s24+$0x0], $0xffff  }
0x3ea: {  	v57 =	vnsel vm10, $0xF423F, v12;
	vm12 =	vlt.s32 v2, $0xF423F;
	v6 =	vor.u32 v58, v51  }
0x3eb: {  	v47 =	vld.idx.msk [tilespmem:v62+s24+$0x0], $0xffff;
	v2 =	vnsel vm12, $0xF423F, v2;
	v7 =	vor.u32 $0x1, v6;
	v15 =	vand.u32 $0x7, v48  }
0x3ec: {  	v49 =	vld.idx.msk [tilespmem:v17+s24+$0x0], $0xffff;
	v6 =	vand.u32 $0x7, v53;
	v50 =	vnsel vm9, $0xF423F, v5;
	vm13 =	vlt.s32 v59, v35  }
0x3ed: {  	v39 =	vld.idx.msk [tilespmem:v3+s25+$0x0], $0xffff;
	v62 =	vor.u32 v15, v56;
	v59 =	vsel vm13, $0x4, v25;
	vm14 =	vlt.s32 v1, v31  }
0x3ee: {  	v48 =	vld.idx.msk [tilespmem:v21+s24+$0x0], $0xffff;
	v1 =	vor.u32 v59, v55;
	v60 =	vsel vm14, $0x4, v25;
	vm15 =	vlt.s32 v14, v34  }
0x3ef: {  	v53 =	vld.idx.msk [tilespmem:v26+s25+$0x0], $0xffff;
	[tilespmem:v4+s21+$0x0] =	vst.idx.msk $0xffff, v18;
	v4 =	vor.u32 $0x1, v1;
	v1 =	vor.u32 v60, v54;
	v61 =	vsel vm15, $0x4, v25  }
0x3f0: {  	v27 =	vmovc v56;
	v56 =	vld.idx.msk [tilespmem:v8+s25+$0x0], $0xffff;
	v8 =	vor.u32 v6, v13;
	v5 =	vor.u32 $0x1, v1;
	v1 =	vor.u32 v61, v52  }
0x3f1: {  	s11 =	simm.s32 $0x8;
	s14 =	simm.s32 $0xF0;
	v21 =	vmov v13;
	[tilespmem:v20+s21+$0x0] =	vst.idx.msk $0xffff, v50;
	v50 =	vld.idx.msk [tilespmem:v7+s24+$0x0], $0xffff;
	v6 =	vor.u32 $0x1, v1;
	v1 =	vor.u32 v9, v23  }
.LBB2_21:
0x3f2: {  	_ = 	snop  }
0x3f3: {  	v10 =	vld [tilespmem:$0x1FFC0]  }
0x3f4: {  	v4 =	vld.idx.msk [tilespmem:v4+s24+$0x0], $0xffff  }
0x3f5: {  	v5 =	vld.idx.msk [tilespmem:v5+s24+$0x0], $0xffff  }
0x3f6: {  	v17 =	vld [tilespmem:$0x1FFF0]  }
0x3f7: {  	v7 =	vor.u32 s14, v0;
	v3 =	vand.u32 $0xF, v57;
	v63 =	vand.u32 $0xF, v63;
	v18 =	vld [tilespmem:$0x1FFE0]  }
0x3f8: {  	s0 =	sadd.s32 $0xFFFFFFD0, s14;
	s12 =	sadd.s32 $0xFFFFFFE0, s14;
	v20 =	vld [tilespmem:$0x1FFD0];
	v8 =	vor.u32 v33, v8;
	v1 =	vor.u32 v43, v1;
	v2 =	vand.u32 $0xF, v2  }
0x3f9: {  	s13 =	sadd.s32 $0xFFFFFFF0, s14;
	v6 =	vld.idx.msk [tilespmem:v6+s24+$0x0], $0xffff;
	vm1 =	veq.s32 v49, v22;
	v57 =	vor.u32 s0, v0;
	v11 =	vor.u32 s12, v0  }
0x3fa: {  	v9 =	vor.u32 s13, v0;
	v16 =	vshll.u32 v7, $0x4;
	v13 =	vshll.u32 v11, $0x4  }
0x3fb: {  	v43 =	vor.u32 v23, v2;
	v2 =	vld [tilespmem:$0x1FF10];
	v15 =	vor.u32 $0x7, v13;
	vm0 =	vlt.s32 v50, v29  }
0x3fc: {  	v50 =	vand.u32 v10, v9;
	v10 =	vsel vm0, $0x2, v25;
	v17 =	vand.u32 v17, v57  }
0x3fd: {  	v11 =	vand.u32 v18, v11;
	v7 =	vand.u32 v20, v7;
	vm8 =	vlt.s32 v4, v35  }
0x3fe: {  	vm9 =	vlt.s32 v5, v31;
	vm10 =	vlt.s32 v6, v34;
	v10 =	vor.u32 v58, v10  }
0x3ff: {  	v22 =	vld [tilespmem:$0x1FED0];
	v20 =	vmovc v30;
	v58 =	vshll.u32 v57, $0x4;
	v4 =	vsel vm8, $0x2, v25;
	v26 =	vsel vm9, $0x2, v25  }
0x400: {  	vm11 =	veq.s32 v47, v2;
	v14 =	vor.u32 $0x7, v58;
	v30 =	vmovc v58;
	v58 =	vor.u32 v60, v26;
	v6 =	vld.idx.msk [tilespmem:v15+s24+$0x0], $0xffff  }
0x401: {  	v33 =	vmovc v40;
	v4 =	vor.u32 v59, v4;
	v60 =	vsel vm10, $0x2, v25;
	v40 =	vor.u32 v54, v58;
	v54 =	vld.idx.msk [tilespmem:v24+s20+$0x0], $0xffff  }
0x402: {  	v59 =	vor.u32 v61, v60;
	v60 =	vor.u32 v21, v63;
	v21 =	vnsel vm11, $0xF423F, v53;
	v53 =	vld [tilespmem:$0x1FEF0]  }
0x403: {  	v18 =	vor.u32 $0x7, v16;
	v63 =	vld [tilespmem:$0x1FF30]  }
0x404: {  	v62 =	vor.u32 v28, v62;
	v28 =	vmov v41;
	v41 =	vor.u32 v52, v59;
	v52 =	vld [tilespmem:$0x1FEE0]  }
0x405: {  	v51 =	vor.u32 v51, v10;
	v57 =	vld.idx.msk [tilespmem:v50+s19+$0x0], $0xffff  }
0x406: {  	v61 =	vld.idx.msk [tilespmem:v17+s19+$0x0], $0xffff  }
0x407: {  	v9 =	vshll.u32 v9, $0x4;
	v2 =	vld.idx.msk [tilespmem:v11+s19+$0x0], $0xffff  }
0x408: {  	v12 =	vor.u32 $0x7, v9;
	v47 =	vld.idx.msk [tilespmem:v18+s24+$0x0], $0xffff  }
0x409: {  	v15 =	vor.u32 v55, v4;
	v18 =	vld.idx.msk [tilespmem:v7+s19+$0x0], $0xffff  }
0x40a: {  	v5 =	vld.idx.msk [tilespmem:v51+s24+$0x0], $0xffff  }
0x40b: {  	v14 =	vld.idx.msk [tilespmem:v14+s24+$0x0], $0xffff  }
0x40c: {  	[tilespmem:v22+s21+$0x0] =	vst.idx.msk $0xffff, v21;
	v21 =	vld [tilespmem:$0x1FF40]  }
0x40d: {  	v12 =	vld.idx.msk [tilespmem:v12+s24+$0x0], $0xffff  }
0x40e: {  	v15 =	vld.idx.msk [tilespmem:v15+s24+$0x0], $0xffff  }
0x40f: {  	vm12 =	veq.s32 v48, v19;
	v22 =	vnsel vm1, $0xF423F, v56;
	vm4 =	vlt.s32 v47, v18;
	v47 =	vld.idx.msk [tilespmem:v62+s24+$0x0], $0xffff  }
0x410: {  	[tilespmem:v53+s21+$0x0] =	vst.idx.msk $0xffff, v22;
	v22 =	vld [tilespmem:$0x1FF00];
	vm3 =	vlt.s32 v5, v29;
	v5 =	vnsel vm12, $0xF423F, v39  }
0x411: {  	v3 =	vor.u32 v27, v3;
	v21 =	vmov v21;
	v49 =	vld.idx.msk [tilespmem:v1+s24+$0x0], $0xffff;
	[tilespmem:v52+s21+$0x0] =	vst.idx.msk $0xffff, v5  }
0x412: {  	v26 =	vmovc v32;
	vm14 =	vlt.s32 v6, v2;
	vm2 =	vlt.s32 v12, v57;
	v19 =	vsel vm3, $0x1, v25;
	[tilespmem:$0x1FF00] =	vst v21;
	v21 =	vld [tilespmem:$0x1FF70]  }
0x413: {  	v32 =	vmovc v13;
	v13 =	vsel vm2, $0x8, v25;
	vm13 =	vlt.s32 v14, v61;
	v19 =	vor.u32 v19, v42;
	v39 =	vld.idx.msk [tilespmem:v40+s24+$0x0], $0xffff  }
0x414: {  	v51 =	vor.u32 v9, v13;
	v48 =	vld.idx.msk [tilespmem:v8+s24+$0x0], $0xffff;
	v27 =	vor.u32 v10, v19;
	v19 =	vshll.u32 v54, $0x4  }
0x415: {  	vm5 =	vlt.s32 v15, v35;
	v10 =	vmov v17;
	v54 =	vor.u32 v19, v27;
	v19 =	vld.idx.msk [tilespmem:v41+s24+$0x0], $0xffff  }
0x416: {  	v23 =	vmovc v36;
	v5 =	vor.u32 $0x3, v51;
	v40 =	vsel vm14, $0x8, v25;
	v1 =	vsel vm5, $0x1, v25;
	[tilespmem:$0x1FF40] =	vst v10;
	v10 =	vld.idx.msk [tilespmem:v11+s20+$0x0], $0xffff  }
0x417: {  	v36 =	vmovc v16;
	v1 =	vor.u32 v1, v28;
	v16 =	vmovc v22;
	v6 =	vand.u32 $0x7, v27;
	v41 =	vsel vm13, $0x8, v25;
	v22 =	vld [tilespmem:$0x1FF20]  }
0x418: {  	v56 =	vmovc v11;
	v11 =	vsel vm4, $0x8, v25;
	v1 =	vor.u32 v4, v1;
	[tilespmem:$0x1FED0] =	vst v16;
	v16 =	vld.idx.msk [tilespmem:v17+s20+$0x0], $0xffff;
	vm15 =	vlt.s32 v54, $0xF423F  }
0x419: {  	v8 =	vmovc v7;
	v6 =	vor.u32 v6, v37;
	v52 =	vor.u32 v36, v11;
	v27 =	vnsel vm15, $0xF423F, v54;
	v17 =	vmovc v21;
	v21 =	vld [tilespmem:$0x1FF90]  }
0x41a: {  	v6 =	vor.u32 v42, v6;
	v54 =	vor.u32 v32, v40;
	[tilespmem:$0x1FF20] =	vst v17;
	v17 =	vld.idx.msk [tilespmem:v7+s20+$0x0], $0xffff;
	v55 =	vand.u32 $0xF, v27  }
0x41b: {  	[tilespmem:$0x1FF90] =	vst v8;
	vm6 =	vlt.s32 v39, v31;
	v12 =	vor.u32 v37, v55;
	vm7 =	vlt.s32 v19, v34;
	v19 =	vld [tilespmem:$0x1FF50]  }
0x41c: {  	v5 =	vld.idx.msk [tilespmem:v5+s24+$0x0], $0xffff;
	v37 =	vmovc v9;
	v9 =	vmovc v63;
	v55 =	vor.u32 v30, v41;
	v7 =	vsel vm6, $0x1, v25;
	v8 =	vsel vm7, $0x1, v25  }
0x41d: {  	v62 =	vld [tilespmem:$0x1FF80];
	[tilespmem:$0x1FEF0] =	vst v9;
	v9 =	vor.u32 $0x3, v55;
	v7 =	vor.u32 v7, v33;
	v8 =	vor.u32 v8, v38  }
0x41e: {  	v42 =	vor.u32 $0x3, v54;
	v22 =	vmovc v22;
	v4 =	vor.u32 v58, v7;
	v7 =	vor.u32 v59, v8;
	v8 =	vld [tilespmem:$0x1FF60]  }
0x41f: {  	[tilespmem:$0x1FEE0] =	vst v22;
	v22 =	vor.u32 $0x3, v52;
	v6 =	vld.idx.msk [tilespmem:v6+s24+$0x0], $0xffff  }
0x420: {  	[tilespmem:$0x1FF70] =	vst v56;
	v56 =	vmov v35;
	v35 =	vmov v61;
	v12 =	vld.idx.msk [tilespmem:v12+s25+$0x0], $0xffff;
	v53 =	vmov v19  }
0x421: {  	v61 =	vor.u32 v44, v1;
	v1 =	vand.u32 $0x7, v1;
	vm8 =	vlt.s32 v5, v57;
	[tilespmem:$0x1FF10] =	vst v53;
	v53 =	vld.idx.msk [tilespmem:v3+s25+$0x0], $0xffff  }
0x422: {  	vm9 =	vlt.s32 v61, $0xF423F;
	v63 =	vmovc v34;
	v5 =	vshll.u32 v16, $0x4;
	v58 =	vsel vm8, $0x4, v25;
	v3 =	vld.idx.msk [tilespmem:v9+s24+$0x0], $0xffff  }
0x423: {  	v16 =	vor.u32 v46, v4;
	v9 =	vshll.u32 v10, $0x4;
	v10 =	vor.u32 v58, v51;
	v19 =	vmovc v8;
	v8 =	vld.idx.msk [tilespmem:v42+s24+$0x0], $0xffff  }
0x424: {  	[tilespmem:$0x1FF50] =	vst v56;
	v14 =	vshll.u32 v17, $0x4;
	v59 =	vmovc v31;
	v31 =	vmovc v2;
	vm11 =	vlt.s32 v16, $0xF423F;
	v2 =	vor.u32 $0x1, v10;
	v10 =	vld.idx.msk [tilespmem:v22+s24+$0x0], $0xffff  }
0x425: {  	v39 =	vld.idx.msk [tilespmem:v60+s25+$0x0], $0xffff;
	[tilespmem:$0x1FF80] =	vst v63;
	v63 =	vnsel vm11, $0xF423F, v16;
	vm10 =	veq.s32 v6, v29;
	v29 =	vmovc v57;
	v57 =	vnsel vm9, $0xF423F, v61  }
0x426: {  	s11 =	sadd.s32 $0x4, s11;
	v22 =	vmovc v62;
	v62 =	vor.u32 v1, v20;
	v42 =	vmovc v13;
	v13 =	vor.u32 v45, v7;
	v7 =	vand.u32 $0x7, v7  }
0x427: {  	p0 =	slt.u32 s11, $0x3C;
	v56 =	vld.idx.msk [tilespmem:v43+s25+$0x0], $0xffff;
	v34 =	vmovc v18;
	v43 =	vmovc v38;
	v6 =	vnsel vm10, $0xF423F, v12;
	v12 =	vand.u32 $0x7, v4;
	vm13 =	vlt.s32 v3, v35  }
.Ltmp11:
0x428: {  	v27 =	vmovc v20;
	v21 =	vmovc v21;
	[tilespmem:$0x1FF60] =	vst v59;
	vm12 =	vlt.s32 v13, $0xF423F;
	v59 =	vsel vm13, $0x4, v25;
	vm14 =	vlt.s32 v8, v31;
	(pc) =	sbr.rel @p0 .LBB2_21-.Ltmp11, $4  }
0x429: {  	v38 =	vmovc v11;
	[tilespmem:$0x1FF30] =	vst v21;
	vm15 =	vlt.s32 v10, v34;
	v1 =	vor.u32 v59, v55;
	v60 =	vsel vm14, $0x4, v25  }
0x42a: {  	v44 =	vmovc v5;
	[tilespmem:v24+s21+$0x0] =	vst.idx.msk $0xffff, v6;
	v61 =	vsel vm15, $0x4, v25;
	v4 =	vor.u32 $0x1, v1;
	v1 =	vor.u32 v60, v54  }
0x42b: {  	v21 =	vmovc v26;
	v24 =	vmovc v50;
	v50 =	vld.idx.msk [tilespmem:v2+s24+$0x0], $0xffff;
	v2 =	vnsel vm12, $0xF423F, v13;
	v5 =	vor.u32 $0x1, v1;
	v1 =	vor.u32 v61, v52  }
0x42c: {  	s14 =	sadd.s32 $0x40, s14;
	v46 =	vmovc v9;
	v45 =	vmovc v14;
	v8 =	vor.u32 v12, v26;
	v6 =	vor.u32 $0x1, v1;
	v1 =	vor.u32 v7, v23  }
0x42d: {  	_ =	sdelay $0x3  }
0x42e: {  	v4 =	vld.idx.msk [tilespmem:v4+s24+$0x0], $0xffff;
	vm0 =	vlt.s32 v50, v29  }
0x42f: {  	v6 =	vld.idx.msk [tilespmem:v6+s24+$0x0], $0xffff;
	v3 =	vsel vm0, $0x2, v25  }
0x430: {  	v5 =	vld.idx.msk [tilespmem:v5+s24+$0x0], $0xffff;
	v3 =	vor.u32 v58, v3  }
0x431: {  	v7 =	vor.u32 v51, v3;
	_ =	sdelay $0x1  }
0x432: {  	vm9 =	vlt.s32 v4, v35  }
0x433: {  	vm11 =	vlt.s32 v6, v34;
	v4 =	vsel vm9, $0x2, v25  }
0x434: {  	vm10 =	vlt.s32 v5, v31;
	v9 =	vsel vm11, $0x2, v25;
	v4 =	vor.u32 v59, v4  }
0x435: {  	v9 =	vor.u32 v61, v9;
	v6 =	vor.u32 v55, v4;
	v5 =	vld.idx.msk [tilespmem:v7+s24+$0x0], $0xffff;
	v7 =	vsel vm10, $0x2, v25  }
0x436: {  	v12 =	vor.u32 v52, v9;
	v7 =	vor.u32 v60, v7  }
0x437: {  	v10 =	vor.u32 v54, v7;
	_ =	sdelay $0x2  }
0x438: {  	v6 =	vld.idx.msk [tilespmem:v6+s24+$0x0], $0xffff  }
0x439: {  	v12 =	vld.idx.msk [tilespmem:v12+s24+$0x0], $0xffff  }
0x43a: {  	v10 =	vld.idx.msk [tilespmem:v10+s24+$0x0], $0xffff;
	_ =	sdelay $0x1  }
0x43b: {  	v15 =	vor.u32 v28, v62  }
0x43c: {  	v11 =	vld.idx.msk [tilespmem:v24+s20+$0x0], $0xffff  }
0x43d: {  	vm7 =	veq.s32 v48, v19;
	vm12 =	vlt.s32 v5, v29;
	vm14 =	vlt.s32 v6, v35  }
0x43e: {  	vm15 =	vlt.s32 v12, v34;
	vm1 =	vlt.s32 v10, v31;
	v10 =	vsel vm14, $0x1, v25  }
0x43f: {  	v19 =	vld [tilespmem:$0x1FED0];
	v14 =	vsel vm12, $0x1, v25;
	v12 =	vsel vm15, $0x1, v25;
	v10 =	vor.u32 v10, v41  }
0x440: {  	v14 =	vor.u32 v14, v42;
	v4 =	vor.u32 v4, v10;
	v10 =	vor.u32 v12, v38;
	v12 =	vld.idx.msk [tilespmem:v15+s24+$0x0], $0xffff  }
0x441: {  	v11 =	vshll.u32 v11, $0x4;
	v3 =	vor.u32 v3, v14;
	v15 =	vld [tilespmem:$0x1FF10]  }
0x442: {  	v11 =	vor.u32 v11, v3  }
0x443: {  	vm13 =	vlt.s32 v11, $0xF423F  }
0x444: {  	v3 =	vand.u32 $0x7, v3;
	v11 =	vnsel vm13, $0xF423F, v11  }
0x445: {  	v3 =	vor.u32 v3, v37;
	v11 =	vand.u32 $0xF, v11  }
0x446: {  	v6 =	vor.u32 v37, v11;
	v11 =	vsel vm1, $0x1, v25;
	vm6 =	veq.s32 v47, v15  }
0x447: {  	v18 =	vld [tilespmem:$0x1FFE0];
	v3 =	vor.u32 v42, v3;
	v11 =	vor.u32 v11, v40;
	v15 =	vnsel vm6, $0xF423F, v53  }
0x448: {  	v17 =	vld [tilespmem:$0x1FFF0];
	v7 =	vor.u32 v7, v11;
	v11 =	vor.u32 v44, v4;
	[tilespmem:v19+s21+$0x0] =	vst.idx.msk $0xffff, v15  }
0x449: {  	vm4 =	vlt.s32 v11, $0xF423F;
	v19 =	vld [tilespmem:$0x1FEE0]  }
0x44a: {  	v11 =	vnsel vm4, $0xF423F, v11  }
0x44b: {  	v11 =	vand.u32 $0xF, v11  }
0x44c: {  	v3 =	vld.idx.msk [tilespmem:v3+s24+$0x0], $0xffff;
	v11 =	vor.u32 v30, v11;
	_ =	sdelay $0x3  }
0x44d: {  	v16 =	vnsel vm7, $0xF423F, v39  }
0x44e: {  	vm9 =	veq.s32 v3, v29;
	v3 =	vld.idx.msk [tilespmem:v11+s25+$0x0], $0xffff;
	[tilespmem:v19+s21+$0x0] =	vst.idx.msk $0xffff, v16  }
0x44f: {  	v11 =	vld [tilespmem:$0x1FEF0];
	_ =	sdelay $0x2  }
0x450: {  	v8 =	vor.u32 v33, v8;
	v6 =	vld.idx.msk [tilespmem:v6+s25+$0x0], $0xffff;
	_ =	sdelay $0x2  }
0x451: {  	vm8 =	veq.s32 v49, v22  }
0x452: {  	v15 =	vnsel vm8, $0xF423F, v56  }
0x453: {  	v8 =	vld.idx.msk [tilespmem:v8+s24+$0x0], $0xffff;
	v6 =	vnsel vm9, $0xF423F, v6;
	[tilespmem:v11+s21+$0x0] =	vst.idx.msk $0xffff, v15  }
0x454: {  	v1 =	vor.u32 v43, v1;
	v11 =	vld [tilespmem:$0x1FF50];
	[tilespmem:v24+s21+$0x0] =	vst.idx.msk $0xffff, v6  }
0x455: {  	v6 =	vld [tilespmem:$0x1FF60];
	_ =	sdelay $0x3  }
0x456: {  	v1 =	vld.idx.msk [tilespmem:v1+s24+$0x0], $0xffff  }
0x457: {  	vm11 =	veq.s32 v8, v6;
	v8 =	vld [tilespmem:$0x1FF80]  }
0x458: {  	v5 =	vand.u32 $0xF, v57  }
0x459: {  	v5 =	vor.u32 v27, v5;
	_ =	sdelay $0x2  }
0x45a: {  	vm12 =	veq.s32 v1, v8;
	v8 =	vld [tilespmem:$0x1FF00];
	_ =	sdelay $0x1  }
0x45b: {  	v5 =	vld.idx.msk [tilespmem:v5+s25+$0x0], $0xffff;
	_ =	sdelay $0x2  }
0x45c: {  	v13 =	vand.u32 $0xF, v63  }
0x45d: {  	v13 =	vor.u32 v21, v13;
	vm10 =	veq.s32 v12, v11  }
0x45e: {  	v5 =	vnsel vm10, $0xF423F, v5  }
0x45f: {  	[tilespmem:v8+s21+$0x0] =	vst.idx.msk $0xffff, v5  }
0x460: {  	v5 =	vld [tilespmem:$0x1FF20];
	_ =	sdelay $0x1  }
0x461: {  	v13 =	vld.idx.msk [tilespmem:v13+s25+$0x0], $0xffff;
	_ =	sdelay $0x2  }
0x462: {  	v2 =	vand.u32 $0xF, v2;
	v4 =	vand.u32 $0x7, v4  }
0x463: {  	v2 =	vor.u32 v23, v2;
	v4 =	vor.u32 v4, v30  }
0x464: {  	v4 =	vor.u32 v41, v4;
	v1 =	vnsel vm11, $0xF423F, v13  }
0x465: {  	[tilespmem:v5+s21+$0x0] =	vst.idx.msk $0xffff, v1  }
0x466: {  	v1 =	vld [tilespmem:$0x1FF30];
	_ =	sdelay $0x1  }
0x467: {  	v2 =	vld.idx.msk [tilespmem:v2+s25+$0x0], $0xffff  }
0x468: {  	v4 =	vld.idx.msk [tilespmem:v4+s24+$0x0], $0xffff;
	_ =	sdelay $0x3  }
0x469: {  	v2 =	vnsel vm12, $0xF423F, v2  }
0x46a: {  	vm13 =	veq.s32 v4, v35;
	[tilespmem:v1+s21+$0x0] =	vst.idx.msk $0xffff, v2  }
0x46b: {  	v1 =	vnsel vm13, $0xF423F, v3;
	v3 =	vld [tilespmem:$0x1FF40];
	_ =	sdelay $0x1  }
0x46c: {  	v9 =	vor.u32 v9, v10;
	v10 =	vor.u32 v46, v7  }
0x46d: {  	v7 =	vand.u32 $0x7, v7;
	vm5 =	vlt.s32 v10, $0xF423F  }
0x46e: {  	v7 =	vor.u32 v7, v32;
	v10 =	vnsel vm5, $0xF423F, v10  }
0x46f: {  	v7 =	vor.u32 v40, v7;
	v10 =	vand.u32 $0xF, v10  }
0x470: {  	v10 =	vor.u32 v32, v10;
	_ =	sdelay $0x1  }
0x471: {  	[tilespmem:v3+s21+$0x0] =	vst.idx.msk $0xffff, v1  }
0x472: {  	v3 =	vld [tilespmem:$0x1FF70]  }
0x473: {  	v7 =	vld.idx.msk [tilespmem:v7+s24+$0x0], $0xffff  }
0x474: {  	v14 =	vor.u32 v45, v9;
	v10 =	vld.idx.msk [tilespmem:v10+s25+$0x0], $0xffff  }
0x475: {  	v9 =	vand.u32 $0x7, v9;
	vm2 =	vlt.s32 v14, $0xF423F  }
0x476: {  	v9 =	vor.u32 v9, v36;
	v14 =	vnsel vm2, $0xF423F, v14  }
0x477: {  	v9 =	vor.u32 v38, v9;
	v14 =	vand.u32 $0xF, v14  }
0x478: {  	v14 =	vor.u32 v36, v14;
	vm14 =	veq.s32 v7, v31  }
0x479: {  	v2 =	vnsel vm14, $0xF423F, v10  }
0x47a: {  	[tilespmem:v3+s21+$0x0] =	vst.idx.msk $0xffff, v2  }
0x47b: {  	v2 =	vld [tilespmem:$0x1FF90]  }
0x47c: {  	v9 =	vld.idx.msk [tilespmem:v9+s24+$0x0], $0xffff  }
0x47d: {  	v6 =	vld.idx.msk [tilespmem:v14+s25+$0x0], $0xffff;
	_ =	sdelay $0x3  }
0x47e: {  	s0 =	sadd.s32 s7, s10;
	vm15 =	veq.s32 v9, v34  }
0x47f: {  	s0 =	sshrl.u32 s0, $0x3;
	v1 =	vnsel vm15, $0xF423F, v6  }
0x480: {  	s11 =	simm.s32 $0x0;
	s0 =	sadd.s32 s9, s0;
	[tilespmem:v2+s21+$0x0] =	vst.idx.msk $0xffff, v1  }
0x481: {  	[hbm4b:s0+s11] =	stream.linear.scatter [tilespmem:s21], [sflag:$0x3], $0x400, $0x38;
	[tilespmem:$0x1E408] =	vst v63  }
0x482: {  	_ =	swait.ge [sflag:s16], $0x400  }
0x483: {  	[sflag:s16] =	ssyncset.done $0x0;
	s12 =	rddreg [dreg:$0x8]  }
0x484: {  	[sflag:s16] =	ssyncadd.s32 $0xFFFFFC00;
	s0 =	sadd.s32 s10, s12  }
0x485: {  	[tilespmem:s24], [sflag:$0x1] =	stream.indirect.gather [hbm4b:s1+s23], $0x10, s28, s23, $0xb8;
	[tilespmem:$0x1E408] =	vst v63  }
0x486: {  	s0 =	sshrl.u32 s0, $0x3  }
0x487: {  	[tilespmem:s25], [sflag:$0x2] =	stream.indirect.gather [hbm4b:s8+s23], $0x10, s29, s23, $0xb8;
	[tilespmem:$0x1E408] =	vst v63  }
0x488: {  	v1 =	vor.u32 s11, v0;
	s0 =	sadd.s32 s5, s0  }
0x489: {  	[tilespmem:s19], [sflag:$0x3] =	stream.linear.gather [hbm4b:s0+s11], $0x400, $0x38;
	[tilespmem:$0x1E408] =	vst v63  }
0x48a: {  	_ =	swait.ge [sflag:s16], $0x400  }
0x48b: {  	[sflag:s16] =	ssyncset.done $0x0  }
0x48c: {  	s13 =	simm.s32 $0x10;
	[sflag:s16] =	ssyncadd.s32 $0xFFFFFC00  }
0x48d: {  	v9 =	vor.u32 s13, v0;
	v3 =	vld.idx.msk [tilespmem:v1+s19+$0x0], $0xffff;
	_ =	sdelay $0x2  }
0x48e: {  	s14 =	simm.s32 $0x20  }
0x48f: {  	v2 =	vor.u32 s14, v0  }
0x490: {  	v4 =	vld.idx.msk [tilespmem:v9+s19+$0x0], $0xffff;
	v3 =	vshra.s32 v3, $0x11  }
0x491: {  	v6 =	vadd.s32 $0x1, v3;
	_ =	sdelay $0x1  }
0x492: {  	s15 =	simm.s32 $0x30  }
0x493: {  	v8 =	vor.u32 s15, v0;
	v13 =	vld.idx.msk [tilespmem:v2+s19+$0x0], $0xffff  }
0x494: {  	v5 =	vshra.s32 v4, $0x11;
	v10 =	vld.idx.msk [tilespmem:v3+s18+$0x0], $0xffff  }
0x495: {  	v11 =	vld.idx.msk [tilespmem:v6+s18+$0x0], $0xffff;
	v6 =	vadd.s32 $0x1, v5;
	_ =	sdelay $0x2  }
0x496: {  	v50 =	vimm.s32 $0x0;
	s0 =	simm.s32 $0x40;
	v12 =	vld.idx.msk [tilespmem:v8+s19+$0x0], $0xffff;
	v4 =	vimm.s32 $0x0  }
.LBB2_23:
0x497: {  	v3 =	vor.u32 s0, v0;
	[tilespmem:v1+s20+$0x0] =	vst.idx.msk $0xffff, v10;
	v7 =	vmov v10;
	v10 =	vld.idx.msk [tilespmem:v5+s18+$0x0], $0xffff;
	p0 =	sne.s32 s0, $0x3F0  }
.Ltmp12:
0x498: {  	v5 =	vshra.s32 v13, $0x11;
	[tilespmem:v1+s21+$0x0] =	vst.idx.msk $0xffff, v11;
	v7 =	vsub.s32 v11, v7;
	v11 =	vld.idx.msk [tilespmem:v6+s18+$0x0], $0xffff;
	v1 =	vmov v9;
	(pc) =	sbr.rel @p0 .LBB2_23-.Ltmp12, $3  }
0x499: {  	s0 =	sadd.s32 $0x10, s0;
	v6 =	vadd.s32 $0x1, v5;
	v9 =	vmovc v2;
	v2 =	vmovc v8;
	v8 =	vmov v3;
	vm0 =	vgt.s32 v4, v7  }
0x49a: {  	v4 =	vsel vm0, v4, v7;
	_ =	sdelay $0x1  }
0x49b: {  	v13 =	vmov v12;
	v12 =	vld.idx.msk [tilespmem:v3+s19+$0x0], $0xffff  }
0x49c: {  	_ =	sdelay $0x1  }
0x49d: {  	v3 =	vshra.s32 v13, $0x11  }
0x49e: {  	v7 =	vadd.s32 $0x1, v3  }
0x49f: {  	v12 =	vshra.s32 v12, $0x11  }
0x4a0: {  	v5 =	vld.idx.msk [tilespmem:v5+s18+$0x0], $0xffff;
	v60 =	vadd.s32 $0x1, v12  }
0x4a1: {  	v6 =	vld.idx.msk [tilespmem:v6+s18+$0x0], $0xffff  }
0x4a2: {  	v3 =	vld.idx.msk [tilespmem:v3+s18+$0x0], $0xffff  }
0x4a3: {  	v7 =	vld.idx.msk [tilespmem:v7+s18+$0x0], $0xffff  }
0x4a4: {  	v14 =	vsub.s32 v11, v10;
	v12 =	vld.idx.msk [tilespmem:v12+s18+$0x0], $0xffff  }
0x4a5: {  	vm0 =	vgt.s32 v4, v14;
	v13 =	vld.idx.msk [tilespmem:v60+s18+$0x0], $0xffff  }
0x4a6: {  	v4 =	vsel vm0, v4, v14;
	v61 =	vsub.s32 v6, v5  }
0x4a7: {  	vm0 =	vgt.s32 v4, v61  }
0x4a8: {  	v4 =	vsel vm0, v4, v61;
	v62 =	vsub.s32 v7, v3  }
0x4a9: {  	vm0 =	vgt.s32 v4, v62  }
0x4aa: {  	v4 =	vsel vm0, v4, v62;
	v63 =	vsub.s32 v13, v12  }
0x4ab: {  	vm0 =	vgt.s32 v4, v63  }
0x4ac: {  	v4 =	vsel vm0, v4, v63  }
0x4ad: {  	v4 =	vxor.u32 $0x80000000, v4  }
0x4ae: {  	(xrf0) =	vmax.scan.msk.u32 $0xffff, v4;
	_ =	sdelay $0x5  }
0x4af: {  	v4, _, _ =	vpop (xrf0)  }
0x4b0: {  	(v2sf) =	vpush v4, $0xF;
	_ =	sdelay $0xc  }
0x4b1: {  	[tilespmem:v1+s20+$0x0] =	vst.idx.msk $0xffff, v10  }
0x4b2: {  	[tilespmem:v1+s21+$0x0] =	vst.idx.msk $0xffff, v11  }
0x4b3: {  	[tilespmem:v9+s20+$0x0] =	vst.idx.msk $0xffff, v5;
	s0 =	spop (v2sf)  }
0x4b4: {  	[tilespmem:v9+s21+$0x0] =	vst.idx.msk $0xffff, v6;
	s10 =	sxor.u32 $0x80000000, s0  }
0x4b5: {  	[tilespmem:v2+s20+$0x0] =	vst.idx.msk $0xffff, v3;
	p0 =	slt.s32 s10, $0x1  }
.Ltmp13:
0x4b6: {  	[tilespmem:v2+s21+$0x0] =	vst.idx.msk $0xffff, v7;
	(pc) =	sbr.rel @p0 .LBB2_28-.Ltmp13, $4  }
0x4b7: {  	[tilespmem:v8+s20+$0x0] =	vst.idx.msk $0xffff, v12  }
0x4b8: {  	[tilespmem:v8+s21+$0x0] =	vst.idx.msk $0xffff, v13  }
0x4b9: {  	v61 =	vld [tilespmem:$0x1FFC0]  }
0x4ba: {  	v48 =	vmov v17;
	v56 =	vmov v18;
	v62 =	vld [tilespmem:$0x1FFD0]  }
.LBB2_25:
0x4bb: {  	s0 =	simm.s32 $0x30  }
0x4bc: {  	v1 =	vor.u32 s0, v0  }
0x4bd: {  	s13 =	simm.s32 $0x10  }
0x4be: {  	s11 =	simm.s32 $0x20;
	v15 =	vor.u32 s13, v0  }
0x4bf: {  	v3 =	vor.u32 s11, v0;
	_ =	sdelay $0x1  }
0x4c0: {  	s14 =	simm.s32 $0x0;
	v2 =	vld.idx.msk [tilespmem:v1+s21+$0x0], $0xffff  }
0x4c1: {  	v18 =	vor.u32 s14, v0;
	v4 =	vld.idx.msk [tilespmem:v1+s20+$0x0], $0xffff  }
0x4c2: {  	v5 =	vld.idx.msk [tilespmem:v15+s20+$0x0], $0xffff  }
0x4c3: {  	v6 =	vld.idx.msk [tilespmem:v3+s21+$0x0], $0xffff  }
0x4c4: {  	v8 =	vld.idx.msk [tilespmem:v3+s20+$0x0], $0xffff  }
0x4c5: {  	s15 =	simm.s32 $0x70;
	v38 =	vld.idx.msk [tilespmem:v15+s21+$0x0], $0xffff  }
0x4c6: {  	v11 =	vor.u32 s15, v0;
	v20 =	vld.idx.msk [tilespmem:v18+s21+$0x0], $0xffff  }
0x4c7: {  	v28 =	vld.idx.msk [tilespmem:v18+s20+$0x0], $0xffff  }
0x4c8: {  	v16 =	vld.idx.msk [tilespmem:v1+s19+$0x0], $0xffff;
	v7 =	vadd.s32 v4, v2  }
0x4c9: {  	s11 =	simm.s32 $0x50;
	v30 =	vld.idx.msk [tilespmem:v15+s19+$0x0], $0xffff;
	v7 =	vshra.s32 v7, $0x1  }
0x4ca: {  	v9 =	vor.u32 s11, v0;
	v21 =	vld.idx.msk [tilespmem:v3+s19+$0x0], $0xffff  }
0x4cb: {  	v25 =	vld.idx.msk [tilespmem:v11+s21+$0x0], $0xffff;
	v10 =	vadd.s32 v8, v6  }
0x4cc: {  	v35 =	vld.idx.msk [tilespmem:v11+s20+$0x0], $0xffff;
	v14 =	vadd.s32 v28, v20;
	v23 =	vshra.s32 v10, $0x1  }
0x4cd: {  	v33 =	vld.idx.msk [tilespmem:v18+s19+$0x0], $0xffff;
	v12 =	vadd.s32 v5, v38;
	v34 =	vshra.s32 v14, $0x1  }
0x4ce: {  	v43 =	vshra.s32 v12, $0x1;
	v19 =	vld.idx.msk [tilespmem:v7+s4+$0x0], $0xffff  }
0x4cf: {  	s12 =	simm.s32 $0x60;
	v13 =	vld.idx.msk [tilespmem:v9+s20+$0x0], $0xffff  }
0x4d0: {  	v17 =	vor.u32 s12, v0;
	v14 =	vld.idx.msk [tilespmem:v9+s21+$0x0], $0xffff  }
0x4d1: {  	v29 =	vld.idx.msk [tilespmem:v23+s4+$0x0], $0xffff  }
0x4d2: {  	s13 =	simm.s32 $0x40;
	vm0 =	vgt.s32 v2, v4;
	vm3 =	vgt.s32 v6, v8;
	v31 =	vld.idx.msk [tilespmem:v34+s4+$0x0], $0xffff  }
0x4d3: {  	vm2 =	vgt.s32 v38, v5;
	v10 =	vor.u32 s13, v0;
	v60 =	vld.idx.msk [tilespmem:v43+s4+$0x0], $0xffff;
	vm1 =	vlt.s32 v19, v16  }
0x4d4: {  	v24 =	vadd.s32 $0x1, v7;
	v41 =	vadd.s32 $0x1, v34;
	vm1 =	vmand vm0, vm1  }
0x4d5: {  	v22 =	vld.idx.msk [tilespmem:v17+s21+$0x0], $0xffff;
	v4 =	vsel vm1, v24, v4;
	vm1 =	vge.s32 v19, v16;
	v16 =	vadd.s32 v35, v25  }
0x4d6: {  	v27 =	vld.idx.msk [tilespmem:v17+s20+$0x0], $0xffff;
	v44 =	vadd.s32 $0x1, v43;
	v63 =	vadd.s32 v13, v14;
	v26 =	vshra.s32 v16, $0x1  }
0x4d7: {  	s0 =	simm.s32 $0xB0;
	v39 =	vld.idx.msk [tilespmem:v11+s19+$0x0], $0xffff;
	vm4 =	vge.s32 v29, v21;
	vm14 =	vge.s32 v31, v33;
	vm5 =	vlt.s32 v31, v33  }
0x4d8: {  	v36 =	vld.idx.msk [tilespmem:v17+s19+$0x0], $0xffff;
	v33 =	vshra.s32 v63, $0x1;
	vm6 =	vlt.s32 v60, v30;
	v24 =	vor.u32 s0, v0  }
0x4d9: {  	v32 =	vld.idx.msk [tilespmem:v9+s19+$0x0], $0xffff;
	vm1 =	vmand vm0, vm1;
	vm0 =	vgt.s32 v25, v35;
	v16 =	vadd.s32 $0x1, v23  }
0x4da: {  	s14 =	simm.s32 $0x90;
	v12 =	vld.idx.msk [tilespmem:v10+s21+$0x0], $0xffff;
	v2 =	vsel vm1, v7, v2;
	vm1 =	vlt.s32 v29, v21;
	v42 =	vadd.s32 $0x1, v26  }
0x4db: {  	v21 =	vor.u32 s14, v0;
	v29 =	vadd.s32 v27, v22;
	vm1 =	vmand vm3, vm1;
	v40 =	vld.idx.msk [tilespmem:v26+s4+$0x0], $0xffff  }
0x4dc: {  	s12 =	simm.s32 $0xA0;
	v19 =	vld.idx.msk [tilespmem:v10+s20+$0x0], $0xffff;
	[tilespmem:v1+s20+$0x0] =	vst.idx.msk $0xffff, v4;
	vm3 =	vmand vm3, vm4;
	v29 =	vshra.s32 v29, $0x1;
	v8 =	vsel vm1, v16, v8  }
0x4dd: {  	s15 =	simm.s32 $0x80;
	[tilespmem:v1+s21+$0x0] =	vst.idx.msk $0xffff, v2;
	vm1 =	vgt.s32 v20, v28;
	v16 =	vor.u32 s12, v0;
	v6 =	vsel vm3, v23, v6  }
0x4de: {  	vm3 =	vge.s32 v60, v30;
	v23 =	vor.u32 s15, v0;
	[tilespmem:v3+s20+$0x0] =	vst.idx.msk $0xffff, v8;
	v31 =	vld.idx.msk [tilespmem:v24+s21+$0x0], $0xffff;
	vm5 =	vmand vm1, vm5  }
0x4df: {  	vm3 =	vmand vm2, vm3;
	v37 =	vld.idx.msk [tilespmem:v24+s20+$0x0], $0xffff;
	vm2 =	vmand vm2, vm6;
	[tilespmem:v3+s21+$0x0] =	vst.idx.msk $0xffff, v6;
	v1 =	vsel vm5, v41, v28  }
0x4e0: {  	v30 =	vld.idx.msk [tilespmem:v21+s20+$0x0], $0xffff;
	[tilespmem:v18+s20+$0x0] =	vst.idx.msk $0xffff, v1;
	v1 =	vsel vm2, v44, v5;
	vm7 =	vlt.s32 v40, v39  }
0x4e1: {  	v45 =	vadd.s32 v19, v12;
	vm1 =	vmand vm1, vm14;
	v41 =	vld.idx.msk [tilespmem:v29+s4+$0x0], $0xffff;
	[tilespmem:v15+s20+$0x0] =	vst.idx.msk $0xffff, v1;
	vm15 =	vmand vm0, vm7  }
0x4e2: {  	s11 =	simm.s32 $0x8;
	v1 =	vsel vm3, v43, v38;
	v38 =	vmovc v10;
	v28 =	vld.idx.msk [tilespmem:v16+s21+$0x0], $0xffff;
	v42 =	vsel vm15, v42, v35;
	v35 =	vshra.s32 v45, $0x1  }
.LBB2_26:
0x4e3: {  	s11 =	sadd.s32 $0x4, s11;
	v2 =	vld.idx.msk [tilespmem:v21+s21+$0x0], $0xffff;
	vm2 =	vge.s32 v40, v39;
	v3 =	vsel vm1, v34, v20;
	[tilespmem:v15+s21+$0x0] =	vst.idx.msk $0xffff, v1  }
0x4e4: {  	v20 =	vmovc v12;
	v1 =	vmov v24;
	v15 =	vmov v9;
	p0 =	slt.u32 s11, $0x3C;
	vm1 =	vmand vm0, vm2;
	[tilespmem:v18+s21+$0x0] =	vst.idx.msk $0xffff, v3;
	v12 =	vld.idx.msk [tilespmem:v23+s21+$0x0], $0xffff  }
0x4e5: {  	vm0 =	vgt.s32 v31, v37;
	v7 =	vadd.s32 v37, v31;
	v3 =	vld.idx.msk [tilespmem:v23+s20+$0x0], $0xffff;
	[tilespmem:v11+s20+$0x0] =	vst.idx.msk $0xffff, v42  }
0x4e6: {  	v9 =	vmovc v21;
	v4 =	vmovc v32;
	v18 =	vmov v10;
	v6 =	vsel vm1, v26, v25;
	v26 =	vshra.s32 v7, $0x1;
	v5 =	vld.idx.msk [tilespmem:v16+s20+$0x0], $0xffff  }
0x4e7: {  	vm3 =	vgt.s32 v22, v27;
	v8 =	vmovc v33;
	v10 =	vmov v23;
	vm1 =	vlt.s32 v41, v36;
	v7 =	vld.idx.msk [tilespmem:v33+s4+$0x0], $0xffff  }
0x4e8: {  	v21 =	vadd.s32 $0x1, v29;
	v44 =	vmovc v13;
	v43 =	vmovc v37;
	v25 =	vmov v31;
	vm1 =	vmand vm3, vm1;
	v42 =	vld.idx.msk [tilespmem:v35+s4+$0x0], $0xffff  }
0x4e9: {  	vm2 =	vgt.s32 v14, v44;
	v13 =	vmovc v30;
	v21 =	vsel vm1, v21, v27;
	v37 =	vld.idx.msk [tilespmem:v38+s19+$0x0], $0xffff;
	v38 =	vmov v23  }
0x4ea: {  	s0 =	sadd.s32 $0x40, s0;
	v45 =	vadd.s32 $0x1, v35;
	v34 =	vmovc v35;
	v46 =	vadd.s32 $0x1, v8;
	vm1 =	vgt.s32 v20, v19;
	v39 =	vld.idx.msk [tilespmem:v24+s19+$0x0], $0xffff  }
0x4eb: {  	s12 =	sadd.s32 $0xFFFFFFD0, s0;
	s13 =	sadd.s32 $0xFFFFFFE0, s0;
	s14 =	sadd.s32 $0xFFFFFFF0, s0;
	v47 =	vadd.s32 $0x1, v26;
	vm4 =	vge.s32 v41, v36;
	v24 =	vor.u32 s0, v0;
	v40 =	vld.idx.msk [tilespmem:v26+s4+$0x0], $0xffff;
	[tilespmem:v17+s20+$0x0] =	vst.idx.msk $0xffff, v21  }
0x4ec: {  	v30 =	vor.u32 s14, v0;
	vm3 =	vmand vm3, vm4;
	v21 =	vor.u32 s13, v0;
	v27 =	vmovc v5  }
0x4ed: {  	v22 =	vsel vm3, v29, v22;
	v5 =	vadd.s32 v13, v2;
	v23 =	vadd.s32 v27, v28;
	v32 =	vld.idx.msk [tilespmem:v9+s19+$0x0], $0xffff  }
0x4ee: {  	v35 =	vadd.s32 v3, v12;
	vm3 =	vge.s32 v7, v4;
	v29 =	vshra.s32 v23, $0x1;
	[tilespmem:v17+s21+$0x0] =	vst.idx.msk $0xffff, v22  }
0x4ef: {  	v33 =	vshra.s32 v5, $0x1;
	v23 =	vor.u32 s12, v0;
	vm4 =	vge.s32 v42, v37;
	v17 =	vmovc v16;
	v36 =	vld.idx.msk [tilespmem:v16+s19+$0x0], $0xffff;
	v16 =	vmovc v30  }
.Ltmp14:
0x4f0: {  	vm6 =	vlt.s32 v7, v4;
	vm3 =	vmand vm2, vm3;
	vm5 =	vlt.s32 v42, v37;
	v22 =	vmovc v28;
	v31 =	vld.idx.msk [tilespmem:v24+s21+$0x0], $0xffff;
	(pc) =	sbr.rel @p0 .LBB2_26-.Ltmp14, $4  }
0x4f1: {  	vm2 =	vmand vm2, vm6;
	vm5 =	vmand vm1, vm5;
	vm7 =	vlt.s32 v40, v39;
	v37 =	vld.idx.msk [tilespmem:v24+s20+$0x0], $0xffff;
	[tilespmem:v11+s21+$0x0] =	vst.idx.msk $0xffff, v6  }
0x4f2: {  	v35 =	vshra.s32 v35, $0x1;
	v4 =	vsel vm5, v45, v19;
	v19 =	vmovc v3;
	vm6 =	vmand vm0, vm7;
	v11 =	vmovc v1;
	v30 =	vld.idx.msk [tilespmem:v21+s20+$0x0], $0xffff  }
0x4f3: {  	v1 =	vsel vm2, v46, v44;
	v42 =	vsel vm6, v47, v43;
	v41 =	vld.idx.msk [tilespmem:v29+s4+$0x0], $0xffff;
	[tilespmem:v18+s20+$0x0] =	vst.idx.msk $0xffff, v4  }
0x4f4: {  	vm1 =	vmand vm1, vm4;
	v28 =	vld.idx.msk [tilespmem:v16+s21+$0x0], $0xffff;
	[tilespmem:v15+s20+$0x0] =	vst.idx.msk $0xffff, v1;
	v1 =	vsel vm3, v8, v14;
	v14 =	vmov v2  }
0x4f5: {  	_ =	sdelay $0x3  }
0x4f6: {  	v2 =	vld.idx.msk [tilespmem:v21+s21+$0x0], $0xffff  }
0x4f7: {  	v3 =	vld.idx.msk [tilespmem:v23+s21+$0x0], $0xffff  }
0x4f8: {  	v5 =	vld.idx.msk [tilespmem:v16+s20+$0x0], $0xffff  }
0x4f9: {  	v6 =	vld.idx.msk [tilespmem:v23+s20+$0x0], $0xffff  }
0x4fa: {  	vm2 =	vge.s32 v40, v39;
	v7 =	vld.idx.msk [tilespmem:v33+s4+$0x0], $0xffff;
	v8 =	vsel vm1, v34, v20;
	vm9 =	vgt.s32 v22, v27  }
0x4fb: {  	v53 =	vld.idx.msk [tilespmem:v35+s4+$0x0], $0xffff;
	v58 =	vadd.s32 $0x1, v29;
	vm11 =	vgt.s32 v14, v13;
	vm12 =	vgt.s32 v12, v19  }
0x4fc: {  	v54 =	vld.idx.msk [tilespmem:v38+s19+$0x0], $0xffff;
	v60 =	vadd.s32 $0x1, v35;
	v63 =	vadd.s32 $0x1, v33;
	v4 =	vadd.s32 v37, v31  }
0x4fd: {  	v55 =	vld.idx.msk [tilespmem:v24+s19+$0x0], $0xffff;
	[tilespmem:v15+s21+$0x0] =	vst.idx.msk $0xffff, v1;
	vm8 =	vmand vm0, vm2;
	vm0 =	vgt.s32 v31, v37;
	v4 =	vshra.s32 v4, $0x1  }
0x4fe: {  	v43 =	vld.idx.msk [tilespmem:v16+s19+$0x0], $0xffff;
	v25 =	vsel vm8, v26, v25;
	vm10 =	vlt.s32 v41, v36;
	vm4 =	vge.s32 v41, v36  }
0x4ff: {  	[tilespmem:v11+s20+$0x0] =	vst.idx.msk $0xffff, v42;
	v45 =	vld.idx.msk [tilespmem:v21+s19+$0x0], $0xffff;
	vm3 =	vmand vm9, vm10;
	vm2 =	vmand vm9, vm4;
	v57 =	vadd.s32 v5, v28  }
0x500: {  	[tilespmem:v18+s21+$0x0] =	vst.idx.msk $0xffff, v8;
	v1 =	vsel vm3, v58, v27;
	v38 =	vadd.s32 v6, v3;
	v36 =	vshra.s32 v57, $0x1  }
0x501: {  	v52 =	vld.idx.msk [tilespmem:v23+s19+$0x0], $0xffff;
	v40 =	vsel vm2, v29, v22;
	vm13 =	vge.s32 v7, v32;
	vm14 =	vge.s32 v53, v54  }
0x502: {  	vm5 =	vlt.s32 v53, v54;
	[tilespmem:v17+s20+$0x0] =	vst.idx.msk $0xffff, v1;
	v1 =	vadd.s32 v30, v2;
	v18 =	vshra.s32 v38, $0x1  }
0x503: {  	[tilespmem:v11+s21+$0x0] =	vst.idx.msk $0xffff, v25;
	vm7 =	vlt.s32 v7, v32;
	vm5 =	vmand vm12, vm5;
	v59 =	vld.idx.msk [tilespmem:v4+s4+$0x0], $0xffff;
	v1 =	vshra.s32 v1, $0x1  }
0x504: {  	vm9 =	vgt.s32 v2, v30;
	vm7 =	vmand vm11, vm7;
	[tilespmem:v17+s21+$0x0] =	vst.idx.msk $0xffff, v40;
	v46 =	vsel vm5, v60, v19  }
0x505: {  	vm1 =	vmand vm11, vm13;
	v8 =	vsel vm7, v63, v13;
	[tilespmem:v10+s20+$0x0] =	vst.idx.msk $0xffff, v46;
	v44 =	vld.idx.msk [tilespmem:v36+s4+$0x0], $0xffff  }
0x506: {  	vm15 =	vmand vm12, vm14;
	vm11 =	vgt.s32 v3, v6;
	v51 =	vsel vm1, v33, v14;
	[tilespmem:v9+s20+$0x0] =	vst.idx.msk $0xffff, v8  }
0x507: {  	v41 =	vadd.s32 $0x1, v4;
	v54 =	vsel vm15, v35, v12;
	v57 =	vadd.s32 $0x1, v18;
	[tilespmem:v9+s21+$0x0] =	vst.idx.msk $0xffff, v51;
	v49 =	vld.idx.msk [tilespmem:v18+s4+$0x0], $0xffff  }
0x508: {  	vm6 =	vlt.s32 v59, v55;
	vm5 =	vge.s32 v59, v55;
	v53 =	vld.idx.msk [tilespmem:v1+s4+$0x0], $0xffff;
	v55 =	vadd.s32 $0x1, v36  }
0x509: {  	[tilespmem:v10+s21+$0x0] =	vst.idx.msk $0xffff, v54;
	v59 =	vadd.s32 $0x1, v1;
	vm6 =	vmand vm0, vm6;
	vm0 =	vmand vm0, vm5  }
0x50a: {  	v47 =	vsel vm6, v41, v37;
	vm6 =	vgt.s32 v28, v5;
	vm7 =	vlt.s32 v44, v43  }
0x50b: {  	v4 =	vsel vm0, v4, v31;
	[tilespmem:v24+s20+$0x0] =	vst.idx.msk $0xffff, v47;
	vm10 =	vge.s32 v44, v43;
	vm8 =	vmand vm6, vm7  }
0x50c: {  	s10 =	sshrl.u32 s10, $0x1;
	vm12 =	vlt.s32 v49, v52;
	[tilespmem:v24+s21+$0x0] =	vst.idx.msk $0xffff, v4;
	vm1 =	vmand vm6, vm10;
	v5 =	vsel vm8, v55, v5  }
0x50d: {  	p0 =	sne.s32 s10, $0x0;
	vm13 =	vlt.s32 v53, v45;
	v58 =	vsel vm1, v36, v28;
	vm1 =	vmand vm11, vm12;
	[tilespmem:v16+s20+$0x0] =	vst.idx.msk $0xffff, v5  }
.Ltmp15:
0x50e: {  	vm14 =	vge.s32 v53, v45;
	vm3 =	vmand vm9, vm13;
	v60 =	vsel vm1, v57, v6;
	[tilespmem:v16+s21+$0x0] =	vst.idx.msk $0xffff, v58;
	(pc) =	sbr.rel @p0 .LBB2_25-.Ltmp15, $4  }
0x50f: {  	vm15 =	vge.s32 v49, v52;
	vm2 =	vmand vm9, vm14;
	v63 =	vsel vm3, v59, v30;
	[tilespmem:v23+s20+$0x0] =	vst.idx.msk $0xffff, v60  }
0x510: {  	vm0 =	vmand vm11, vm15;
	v1 =	vsel vm2, v1, v2;
	[tilespmem:v21+s20+$0x0] =	vst.idx.msk $0xffff, v63  }
0x511: {  	v2 =	vsel vm0, v18, v3;
	[tilespmem:v21+s21+$0x0] =	vst.idx.msk $0xffff, v1  }
0x512: {  	[tilespmem:v23+s21+$0x0] =	vst.idx.msk $0xffff, v2  }
.LBB2_28:
0x513: {  	s0 =	simm.s32 $0x30  }
0x514: {  	s10 =	simm.s32 $0x20;
	v3 =	vor.u32 s0, v0  }
0x515: {  	s15 =	simm.s32 $0x0;
	v8 =	vor.u32 s10, v0  }
0x516: {  	s11 =	simm.s32 $0x10;
	v11 =	vor.u32 s15, v0  }
0x517: {  	v1 =	vor.u32 s11, v0;
	_ =	sdelay $0x1  }
0x518: {  	s12 =	simm.s32 $0x70;
	v4 =	vld.idx.msk [tilespmem:v3+s20+$0x0], $0xffff  }
0x519: {  	s13 =	simm.s32 $0x60;
	v2 =	vor.u32 s12, v0;
	v5 =	vld.idx.msk [tilespmem:v8+s20+$0x0], $0xffff  }
0x51a: {  	v10 =	vor.u32 s13, v0;
	s15 =	simm.s32 $0x40;
	v15 =	vld.idx.msk [tilespmem:v11+s20+$0x0], $0xffff  }
0x51b: {  	s14 =	simm.s32 $0x50;
	v12 =	vor.u32 s15, v0;
	v13 =	vld.idx.msk [tilespmem:v1+s20+$0x0], $0xffff  }
0x51c: {  	v9 =	vor.u32 s14, v0  }
0x51d: {  	vm0 =	vlt.s32 v4, $0xF423  }
0x51e: {  	v14 =	vld.idx.msk [tilespmem:v2+s20+$0x0], $0xffff;
	vm1 =	vlt.s32 v5, $0xF423;
	v6 =	vnsel vm0, $0xF423, v4  }
0x51f: {  	s0 =	simm.s32 $0x4;
	s10 =	simm.s32 $0xB0;
	v16 =	vld.idx.msk [tilespmem:v10+s20+$0x0], $0xffff;
	vm0 =	vlt.s32 v15, $0xF423;
	v4 =	vnsel vm1, $0xF423, v5;
	[tilespmem:v3+s22+$0x0] =	vst.idx.msk $0xffff, v6  }
.LBB2_29:
0x520: {  	s11 =	sadd.s32 $0xFFFFFFE0, s10;
	s12 =	sadd.s32 $0xFFFFFFF0, s10;
	v3 =	vor.u32 s10, v0;
	s0 =	sadd.s32 $0x4, s0;
	v5 =	vnsel vm0, $0xF423, v15;
	v15 =	vld.idx.msk [tilespmem:v12+s20+$0x0], $0xffff;
	vm0 =	vlt.s32 v13, $0xF423;
	[tilespmem:v8+s22+$0x0] =	vst.idx.msk $0xffff, v4;
	v8 =	vmovc v10  }
0x521: {  	s13 =	sadd.s32 $0xFFFFFFD0, s10;
	v4 =	vor.u32 s11, v0;
	v10 =	vor.u32 s12, v0;
	p0 =	slt.u32 s0, $0x3C;
	[tilespmem:v11+s22+$0x0] =	vst.idx.msk $0xffff, v5;
	v5 =	vnsel vm0, $0xF423, v13;
	v13 =	vld.idx.msk [tilespmem:v9+s20+$0x0], $0xffff;
	v11 =	vmovc v12  }
.Ltmp16:
0x522: {  	v12 =	vor.u32 s13, v0;
	[tilespmem:v1+s22+$0x0] =	vst.idx.msk $0xffff, v5;
	v1 =	vmov v9;
	v9 =	vmov v4;
	(pc) =	sbr.rel @p0 .LBB2_29-.Ltmp16, $4  }
0x523: {  	_ = 	snop  }
0x524: {  	vm0 =	vlt.s32 v14, $0xF423  }
0x525: {  	vm1 =	vlt.s32 v16, $0xF423;
	v5 =	vnsel vm0, $0xF423, v14;
	v14 =	vld.idx.msk [tilespmem:v3+s20+$0x0], $0xffff  }
0x526: {  	s10 =	sadd.s32 $0x40, s10;
	vm0 =	vlt.s32 v15, $0xF423;
	v4 =	vnsel vm1, $0xF423, v16;
	v16 =	vld.idx.msk [tilespmem:v10+s20+$0x0], $0xffff;
	[tilespmem:v2+s22+$0x0] =	vst.idx.msk $0xffff, v5;
	v2 =	vmov v3  }
0x527: {  	_ =	sdelay $0x3  }
0x528: {  	v3 =	vld.idx.msk [tilespmem:v12+s20+$0x0], $0xffff  }
0x529: {  	v5 =	vld.idx.msk [tilespmem:v9+s20+$0x0], $0xffff  }
0x52a: {  	v6 =	vnsel vm0, $0xF423, v15;
	vm11 =	vlt.s32 v13, $0xF423;
	[tilespmem:v8+s22+$0x0] =	vst.idx.msk $0xffff, v4  }
0x52b: {  	[tilespmem:v11+s22+$0x0] =	vst.idx.msk $0xffff, v6;
	v4 =	vnsel vm11, $0xF423, v13;
	vm12 =	vlt.s32 v14, $0xF423  }
0x52c: {  	[tilespmem:v1+s22+$0x0] =	vst.idx.msk $0xffff, v4;
	vm1 =	vlt.s32 v16, $0xF423;
	v1 =	vnsel vm12, $0xF423, v14  }
0x52d: {  	vm13 =	vlt.s32 v3, $0xF423;
	v4 =	vnsel vm1, $0xF423, v16;
	[tilespmem:v2+s22+$0x0] =	vst.idx.msk $0xffff, v1  }
0x52e: {  	vm14 =	vlt.s32 v5, $0xF423;
	v1 =	vnsel vm13, $0xF423, v3;
	[tilespmem:v10+s22+$0x0] =	vst.idx.msk $0xffff, v4  }
0x52f: {  	[tilespmem:v12+s22+$0x0] =	vst.idx.msk $0xffff, v1;
	v1 =	vnsel vm14, $0xF423, v5  }
0x530: {  	s0 =	simm.s32 $0x20;
	[tilespmem:v9+s22+$0x0] =	vst.idx.msk $0xffff, v1  }
0x531: {  	v1 =	vor.u32 s0, v0;
	_ =	swait.ge [sflag:s30], $0x4000  }
0x532: {  	v19 =	vand.u32 v61, v1;
	v25 =	vshll.u32 v1, $0x4;
	[sflag:s30] =	ssyncset.done $0x0  }
0x533: {  	v1 =	vor.u32 $0x7, v25;
	[sflag:s30] =	ssyncadd.s32 $0xFFFFC000  }
0x534: {  	s11 =	simm.s32 $0x0;
	_ =	swait.ge [sflag:s31], $0x4000  }
0x535: {  	v2 =	vor.u32 s11, v0;
	[sflag:s31] =	ssyncset.done $0x0  }
0x536: {  	v31 =	vshll.u32 v2, $0x4;
	[sflag:s31] =	ssyncadd.s32 $0xFFFFC000  }
0x537: {  	s10 =	simm.s32 $0x10;
	v4 =	vor.u32 $0x7, v31;
	v24 =	vld.idx.msk [tilespmem:v19+s26+$0x0], $0xffff;
	[tilespmem:$0x1FEB0] =	vst v19  }
0x538: {  	s12 =	simm.s32 $0x30;
	v3 =	vor.u32 s10, v0;
	v9 =	vand.u32 v48, v2;
	v1 =	vld.idx.msk [tilespmem:v1+s24+$0x0], $0xffff  }
0x539: {  	v6 =	vor.u32 s12, v0;
	v34 =	vshll.u32 v3, $0x4;
	v10 =	vand.u32 v56, v3  }
0x53a: {  	v38 =	vshll.u32 v6, $0x4;
	v5 =	vor.u32 $0x7, v34  }
0x53b: {  	v2 =	vor.u32 $0x7, v38  }
0x53c: {  	v11 =	vand.u32 v62, v6;
	v3 =	vld.idx.msk [tilespmem:v4+s24+$0x0], $0xffff  }
0x53d: {  	v18 =	vld.idx.msk [tilespmem:v9+s26+$0x0], $0xffff;
	vm15 =	vlt.s32 v1, v24  }
0x53e: {  	v20 =	vld.idx.msk [tilespmem:v10+s26+$0x0], $0xffff;
	v4 =	vsel vm15, $0x8, v50  }
0x53f: {  	v1 =	vld.idx.msk [tilespmem:v5+s24+$0x0], $0xffff;
	v5 =	vor.u32 v25, v4  }
0x540: {  	v2 =	vld.idx.msk [tilespmem:v2+s24+$0x0], $0xffff;
	v6 =	vor.u32 $0x3, v5  }
0x541: {  	v22 =	vld.idx.msk [tilespmem:v11+s26+$0x0], $0xffff;
	_ =	sdelay $0x2  }
0x542: {  	vm4 =	vlt.s32 v3, v18  }
0x543: {  	v35 =	vsel vm4, $0x8, v50;
	vm5 =	vlt.s32 v1, v20;
	v3 =	vld.idx.msk [tilespmem:v6+s24+$0x0], $0xffff  }
0x544: {  	vm6 =	vlt.s32 v2, v22;
	v1 =	vor.u32 v31, v35;
	v41 =	vsel vm5, $0x8, v50  }
0x545: {  	v40 =	vsel vm6, $0x8, v50;
	v2 =	vor.u32 v34, v41;
	v6 =	vor.u32 $0x3, v1  }
0x546: {  	v7 =	vor.u32 v38, v40;
	v8 =	vor.u32 $0x3, v2  }
0x547: {  	v46 =	vor.u32 $0x3, v7  }
0x548: {  	vm7 =	vlt.s32 v3, v24  }
0x549: {  	v3 =	vsel vm7, $0x4, v50  }
0x54a: {  	v6 =	vld.idx.msk [tilespmem:v6+s24+$0x0], $0xffff;
	v47 =	vor.u32 v3, v5  }
0x54b: {  	v8 =	vld.idx.msk [tilespmem:v8+s24+$0x0], $0xffff;
	v13 =	vor.u32 $0x1, v47  }
0x54c: {  	v12 =	vld.idx.msk [tilespmem:v46+s24+$0x0], $0xffff;
	_ =	sdelay $0x2  }
0x54d: {  	vm8 =	vlt.s32 v6, v18  }
0x54e: {  	vm9 =	vlt.s32 v8, v20;
	v49 =	vsel vm8, $0x4, v50;
	v6 =	vld.idx.msk [tilespmem:v13+s24+$0x0], $0xffff  }
0x54f: {  	vm10 =	vlt.s32 v12, v22;
	v16 =	vsel vm9, $0x4, v50;
	v8 =	vor.u32 v49, v1  }
0x550: {  	v17 =	vsel vm10, $0x4, v50;
	v51 =	vor.u32 v16, v2;
	v8 =	vor.u32 $0x1, v8  }
0x551: {  	s13 =	simm.s32 $0x60;
	v52 =	vor.u32 v17, v7;
	v12 =	vor.u32 $0x1, v51;
	[tilespmem:$0x1FDC0] =	vst v9  }
0x552: {  	v53 =	vor.u32 s13, v0;
	v13 =	vor.u32 $0x1, v52;
	v26 =	vld.idx.msk [tilespmem:v9+s28+$0x0], $0xffff;
	[tilespmem:$0x1FDD0] =	vst v10  }
0x553: {  	v63 =	vand.u32 v61, v53;
	v44 =	vshll.u32 v53, $0x4;
	vm11 =	vlt.s32 v6, v24;
	v6 =	vld.idx.msk [tilespmem:v10+s28+$0x0], $0xffff;
	[tilespmem:$0x1FDE0] =	vst v11  }
0x554: {  	s14 =	simm.s32 $0x40;
	s15 =	simm.s32 $0x50;
	v28 =	vor.u32 $0x7, v44;
	v27 =	vld.idx.msk [tilespmem:v11+s28+$0x0], $0xffff  }
0x555: {  	v23 =	vor.u32 s14, v0;
	v55 =	vor.u32 s15, v0;
	v8 =	vld.idx.msk [tilespmem:v8+s24+$0x0], $0xffff  }
0x556: {  	v47 =	vshll.u32 v55, $0x4;
	v9 =	vand.u32 v56, v55;
	v54 =	vsel vm11, $0x2, v50;
	v29 =	vld.idx.msk [tilespmem:v12+s24+$0x0], $0xffff  }
0x557: {  	v10 =	vand.u32 v48, v23;
	v32 =	vld.idx.msk [tilespmem:v13+s24+$0x0], $0xffff;
	[tilespmem:$0x1FEC0] =	vst v47;
	v3 =	vor.u32 v3, v54  }
0x558: {  	v39 =	vshll.u32 v23, $0x4;
	s11 =	simm.s32 $0x70;
	v45 =	vld.idx.msk [tilespmem:v63+s26+$0x0], $0xffff;
	v5 =	vor.u32 v5, v3  }
0x559: {  	v30 =	vor.u32 $0x7, v39;
	v36 =	vor.u32 s11, v0;
	v28 =	vld.idx.msk [tilespmem:v28+s24+$0x0], $0xffff  }
0x55a: {  	v33 =	vor.u32 $0x7, v47;
	v23 =	vshll.u32 v36, $0x4;
	v58 =	vld.idx.msk [tilespmem:v19+s28+$0x0], $0xffff  }
0x55b: {  	v37 =	vor.u32 $0x7, v23;
	v13 =	vld.idx.msk [tilespmem:v9+s26+$0x0], $0xffff  }
0x55c: {  	s13 =	simm.s32 $0x80;
	v11 =	vand.u32 v62, v36;
	v12 =	vld.idx.msk [tilespmem:v10+s26+$0x0], $0xffff  }
0x55d: {  	v26 =	vshll.u32 v26, $0x4;
	v54 =	vor.u32 s13, v0;
	v5 =	vld.idx.msk [tilespmem:v5+s24+$0x0], $0xffff  }
0x55e: {  	v6 =	vshll.u32 v6, $0x4;
	vm12 =	vlt.s32 v8, v18;
	v8 =	vld.idx.msk [tilespmem:v30+s24+$0x0], $0xffff;
	vm13 =	vlt.s32 v29, v20  }
0x55f: {  	v29 =	vld.idx.msk [tilespmem:v33+s24+$0x0], $0xffff;
	vm14 =	vlt.s32 v32, v22;
	v30 =	vsel vm12, $0x2, v50;
	v57 =	vsel vm13, $0x2, v50  }
0x560: {  	v37 =	vld.idx.msk [tilespmem:v37+s24+$0x0], $0xffff;
	v60 =	vsel vm14, $0x2, v50;
	vm15 =	vlt.s32 v28, v45;
	v30 =	vor.u32 v49, v30  }
0x561: {  	v14 =	vld.idx.msk [tilespmem:v11+s26+$0x0], $0xffff;
	v59 =	vor.u32 v16, v57;
	v36 =	vor.u32 v17, v60;
	v1 =	vor.u32 v1, v30  }
0x562: {  	v46 =	vsel vm15, $0x8, v50;
	v2 =	vor.u32 v2, v59;
	vm4 =	vlt.s32 v5, v24  }
0x563: {  	v42 =	vor.u32 v44, v46;
	v5 =	vor.u32 v7, v36;
	v7 =	vsel vm4, $0x1, v50  }
0x564: {  	v27 =	vshll.u32 v27, $0x4;
	v43 =	vor.u32 $0x3, v42;
	v7 =	vor.u32 v7, v4  }
0x565: {  	vm5 =	vlt.s32 v8, v12;
	v3 =	vor.u32 v3, v7;
	v7 =	vshll.u32 v58, $0x4  }
0x566: {  	vm6 =	vlt.s32 v29, v13;
	vm7 =	vlt.s32 v37, v14;
	v1 =	vld.idx.msk [tilespmem:v1+s24+$0x0], $0xffff;
	v7 =	vor.u32 v7, v3  }
0x567: {  	v28 =	vsel vm5, $0x8, v50;
	v2 =	vld.idx.msk [tilespmem:v2+s24+$0x0], $0xffff;
	v3 =	vand.u32 $0x7, v3;
	vm2 =	vlt.s32 v7, $0xF423F  }
0x568: {  	v21 =	vmovc v48;
	v33 =	vsel vm6, $0x8, v50;
	v5 =	vld.idx.msk [tilespmem:v5+s24+$0x0], $0xffff;
	v3 =	vor.u32 v3, v25;
	v7 =	vnsel vm2, $0xF423F, v7  }
0x569: {  	v48 =	vor.u32 v47, v33;
	v3 =	vor.u32 v4, v3;
	v4 =	vand.u32 $0xF, v7;
	v7 =	vld.idx.msk [tilespmem:v43+s24+$0x0], $0xffff;
	[tilespmem:$0x1FDF0] =	vst v10  }
0x56a: {  	s14 =	simm.s32 $0x90;
	v8 =	vor.u32 v39, v28;
	v15 =	vor.u32 $0x3, v48;
	v4 =	vor.u32 v25, v4;
	v29 =	vld.idx.msk [tilespmem:v10+s28+$0x0], $0xffff  }
0x56b: {  	v58 =	vor.u32 s14, v0;
	v43 =	vsel vm7, $0x8, v50;
	v25 =	vor.u32 $0x3, v8  }
0x56c: {  	v32 =	vshll.u32 v58, $0x4;
	vm8 =	vlt.s32 v1, v18;
	v49 =	vor.u32 v23, v43  }
0x56d: {  	v17 =	vand.u32 v56, v58;
	v1 =	vsel vm8, $0x1, v50;
	[tilespmem:$0x1FE00] =	vst v18;
	v51 =	vor.u32 $0x3, v49  }
0x56e: {  	vm9 =	vlt.s32 v2, v20;
	v1 =	vor.u32 v1, v35;
	v3 =	vld.idx.msk [tilespmem:v3+s24+$0x0], $0xffff;
	vm11 =	vlt.s32 v7, v45  }
0x56f: {  	v1 =	vor.u32 v30, v1;
	v4 =	vld.idx.msk [tilespmem:v4+s25+$0x0], $0xffff;
	v7 =	vsel vm11, $0x4, v50;
	v10 =	vshll.u32 v29, $0x4  }
0x570: {  	v2 =	vsel vm9, $0x1, v50;
	vm10 =	vlt.s32 v5, v22;
	v25 =	vld.idx.msk [tilespmem:v25+s24+$0x0], $0xffff;
	v30 =	vor.u32 v7, v42;
	[tilespmem:$0x1FE90] =	vst v10  }
0x571: {  	v2 =	vor.u32 v2, v41;
	v5 =	vsel vm10, $0x1, v50;
	v29 =	vor.u32 $0x1, v30;
	v30 =	vld.idx.msk [tilespmem:v15+s24+$0x0], $0xffff  }
0x572: {  	v2 =	vor.u32 v59, v2;
	v26 =	vor.u32 v26, v1;
	v5 =	vor.u32 v5, v40;
	v47 =	vld.idx.msk [tilespmem:v51+s24+$0x0], $0xffff  }
0x573: {  	v6 =	vor.u32 v6, v2;
	v1 =	vand.u32 $0x7, v1;
	v5 =	vor.u32 v36, v5  }
0x574: {  	vm12 =	vlt.s32 v26, $0xF423F;
	vm13 =	veq.s32 v3, v24;
	v3 =	vor.u32 v27, v5  }
0x575: {  	v19 =	vmovc v20;
	v20 =	vnsel vm13, $0xF423F, v4;
	v4 =	vand.u32 $0x7, v5;
	vm3 =	vlt.s32 v25, v12  }
0x576: {  	v5 =	vnsel vm12, $0xF423F, v26;
	v51 =	vsel vm3, $0x4, v50;
	v24 =	vld.idx.msk [tilespmem:v29+s24+$0x0], $0xffff;
	vm5 =	vlt.s32 v30, v13  }
0x577: {  	s12 =	simm.s32 $0xA0;
	v25 =	vor.u32 v51, v8;
	vm6 =	vlt.s32 v47, v14;
	v52 =	vsel vm5, $0x4, v50  }
0x578: {  	v29 =	vor.u32 s12, v0;
	v25 =	vor.u32 $0x1, v25;
	v26 =	vor.u32 v52, v48  }
0x579: {  	v53 =	vsel vm6, $0x4, v50;
	v37 =	vshll.u32 v29, $0x4;
	v26 =	vor.u32 $0x1, v26  }
0x57a: {  	v2 =	vand.u32 $0x7, v2;
	v27 =	vor.u32 v53, v49;
	v55 =	vor.u32 $0x7, v37  }
0x57b: {  	vm14 =	vlt.s32 v6, $0xF423F;
	v27 =	vor.u32 $0x1, v27;
	vm7 =	vlt.s32 v24, v45  }
0x57c: {  	v30 =	vshll.u32 v54, $0x4;
	v24 =	vand.u32 v61, v29;
	v29 =	vsel vm7, $0x2, v50  }
0x57d: {  	v1 =	vor.u32 v1, v31;
	v60 =	vor.u32 $0x7, v30;
	v57 =	vld.idx.msk [tilespmem:v25+s24+$0x0], $0xffff;
	v7 =	vor.u32 v7, v29  }
0x57e: {  	v2 =	vor.u32 v2, v34;
	v6 =	vnsel vm14, $0xF423F, v6;
	v42 =	vor.u32 v42, v7;
	v59 =	vld.idx.msk [tilespmem:v26+s24+$0x0], $0xffff  }
0x57f: {  	s15 =	simm.s32 $0xB0;
	v15 =	vand.u32 v21, v54;
	v4 =	vor.u32 v4, v38;
	v50 =	vor.u32 $0x7, v32;
	v55 =	vld.idx.msk [tilespmem:v55+s24+$0x0], $0xffff  }
0x580: {  	v5 =	vand.u32 $0xF, v5;
	v47 =	vor.u32 v35, v1;
	v26 =	vor.u32 s15, v0;
	v61 =	vld.idx.msk [tilespmem:v27+s24+$0x0], $0xffff  }
0x581: {  	v10 =	vmovc v62;
	v1 =	vor.u32 v31, v5;
	v25 =	vimm.s32 $0x0;
	v36 =	vshll.u32 v26, $0x4;
	v29 =	vld.idx.msk [tilespmem:v24+s26+$0x0], $0xffff  }
0x582: {  	v16 =	vand.u32 v10, v26;
	v26 =	vor.u32 v40, v4;
	v40 =	vld.idx.msk [tilespmem:v60+s24+$0x0], $0xffff;
	vm8 =	vlt.s32 v57, v12  }
0x583: {  	v27 =	vor.u32 v41, v2;
	v60 =	vsel vm8, $0x2, v25;
	v41 =	vld.idx.msk [tilespmem:v42+s24+$0x0], $0xffff;
	vm9 =	vlt.s32 v59, v13;
	[tilespmem:$0x1FEA0] =	vst v1  }
0x584: {  	v54 =	vor.u32 $0x7, v36;
	v58 =	vor.u32 v51, v60;
	v57 =	vld.idx.msk [tilespmem:v50+s24+$0x0], $0xffff;
	v31 =	vsel vm9, $0x2, v25  }
0x585: {  	vm10 =	vlt.s32 v61, v14;
	v59 =	vld.idx.msk [tilespmem:v63+s28+$0x0], $0xffff;
	v8 =	vor.u32 v8, v58;
	v60 =	vor.u32 v52, v31  }
0x586: {  	v35 =	vld.idx.msk [tilespmem:v15+s26+$0x0], $0xffff;
	v31 =	vsel vm10, $0x2, v25;
	vm11 =	vlt.s32 v55, v29;
	v48 =	vor.u32 v48, v60  }
0x587: {  	v6 =	vand.u32 $0xF, v6;
	v53 =	vor.u32 v53, v31;
	v31 =	vld.idx.msk [tilespmem:v17+s26+$0x0], $0xffff;
	v42 =	vsel vm11, $0x8, v25  }
0x588: {  	v10 =	vor.u32 v34, v6;
	v34 =	vld.idx.msk [tilespmem:v16+s26+$0x0], $0xffff;
	v49 =	vor.u32 v49, v53;
	v51 =	vor.u32 v37, v42  }
0x589: {  	v18 =	vmovc v63;
	vm15 =	vlt.s32 v3, $0xF423F;
	v63 =	vld.idx.msk [tilespmem:v54+s24+$0x0], $0xffff;
	vm12 =	vlt.s32 v41, v45;
	v61 =	vor.u32 $0x3, v51  }
0x58a: {  	v3 =	vnsel vm15, $0xF423F, v3;
	v41 =	vsel vm12, $0x1, v25;
	v8 =	vld.idx.msk [tilespmem:v8+s24+$0x0], $0xffff  }
0x58b: {  	v3 =	vand.u32 $0xF, v3;
	v50 =	vor.u32 v41, v46;
	v48 =	vld.idx.msk [tilespmem:v48+s24+$0x0], $0xffff;
	[tilespmem:$0x1FE10] =	vst v9  }
0x58c: {  	v62 =	vshll.u32 v59, $0x4;
	v7 =	vor.u32 v7, v50;
	vm14 =	vlt.s32 v57, v31;
	v57 =	vld.idx.msk [tilespmem:v9+s28+$0x0], $0xffff  }
0x58d: {  	v56 =	vor.u32 v38, v3;
	v38 =	vor.u32 v62, v7;
	v7 =	vand.u32 $0x7, v7;
	v49 =	vld.idx.msk [tilespmem:v49+s24+$0x0], $0xffff;
	[tilespmem:$0x1FE20] =	vst v11  }
0x58e: {  	vm13 =	vlt.s32 v40, v35;
	v40 =	vsel vm14, $0x8, v25;
	v7 =	vor.u32 v7, v44;
	v59 =	vld.idx.msk [tilespmem:v61+s24+$0x0], $0xffff  }
0x58f: {  	v54 =	vor.u32 v32, v40;
	v7 =	vor.u32 v46, v7;
	v46 =	vld.idx.msk [tilespmem:v11+s28+$0x0], $0xffff;
	[tilespmem:$0x1FE30] =	vst v15  }
0x590: {  	v1 =	vor.u32 $0x3, v54;
	v61 =	vld.idx.msk [tilespmem:v15+s28+$0x0], $0xffff;
	[tilespmem:$0x1FE40] =	vst v12  }
0x591: {  	[tilespmem:$0x1FE50] =	vst v13  }
0x592: {  	[tilespmem:$0x1FE60] =	vst v17  }
0x593: {  	vm15 =	vlt.s32 v38, $0xF423F;
	vm5 =	vlt.s32 v8, v12;
	v8 =	vld.idx.msk [tilespmem:v17+s28+$0x0], $0xffff;
	[tilespmem:$0x1FE70] =	vst v14  }
0x594: {  	vm4 =	vlt.s32 v63, v34;
	v38 =	vnsel vm15, $0xF423F, v38;
	v7 =	vld.idx.msk [tilespmem:v7+s24+$0x0], $0xffff;
	[tilespmem:$0x1FE80] =	vst v16  }
0x595: {  	v41 =	vsel vm13, $0x8, v25;
	v63 =	vand.u32 $0xF, v38;
	v38 =	vsel vm4, $0x8, v25;
	v4 =	vld.idx.msk [tilespmem:v1+s24+$0x0], $0xffff  }
0x596: {  	v55 =	vor.u32 v30, v41;
	v44 =	vor.u32 v44, v63;
	v52 =	vor.u32 v36, v38;
	v1 =	vld [tilespmem:$0x1FE90]  }
0x597: {  	vm6 =	vlt.s32 v48, v13;
	v48 =	vor.u32 $0x3, v55;
	v13 =	vsel vm5, $0x1, v25  }
0x598: {  	v15 =	vsel vm6, $0x1, v25;
	vm7 =	vlt.s32 v49, v14;
	v12 =	vor.u32 v13, v28  }
0x599: {  	v13 =	vor.u32 v15, v33;
	v49 =	vor.u32 v58, v12;
	v15 =	vor.u32 $0x3, v52;
	v14 =	vld.idx.msk [tilespmem:v16+s28+$0x0], $0xffff  }
0x59a: {  	vm8 =	vlt.s32 v59, v29;
	v59 =	vshll.u32 v46, $0x4;
	vm14 =	vlt.s32 v4, v31;
	v4 =	vld [tilespmem:$0x1FEB0]  }
0x59b: {  	v2 =	vld.idx.msk [tilespmem:v44+s25+$0x0], $0xffff;
	v46 =	vshll.u32 v8, $0x4;
	v8 =	vor.u32 v1, v49;
	v1 =	vand.u32 $0x7, v49  }
0x59c: {  	v50 =	vsel vm7, $0x1, v25;
	v62 =	vor.u32 v1, v39;
	v1 =	vld [tilespmem:$0x1FEA0]  }
0x59d: {  	v60 =	vor.u32 v60, v13;
	v12 =	vor.u32 v50, v43;
	v13 =	vld.idx.msk [tilespmem:v48+s24+$0x0], $0xffff  }
0x59e: {  	v57 =	vshll.u32 v57, $0x4;
	v53 =	vor.u32 v53, v12  }
0x59f: {  	v58 =	vsel vm8, $0x4, v25;
	v44 =	vshll.u32 v61, $0x4;
	v3 =	vor.u32 v59, v53;
	v5 =	vld.idx.msk [tilespmem:v15+s24+$0x0], $0xffff  }
0x5a0: {  	v15 =	vor.u32 v57, v60;
	vm9 =	veq.s32 v7, v45;
	v7 =	vor.u32 v58, v51  }
0x5a1: {  	v47 =	vld.idx.msk [tilespmem:v47+s24+$0x0], $0xffff;
	v45 =	vshll.u32 v14, $0x4;
	v14 =	vor.u32 $0x1, v7;
	v7 =	vand.u32 $0x7, v53  }
0x5a2: {  	v56 =	vld.idx.msk [tilespmem:v56+s25+$0x0], $0xffff;
	vm10 =	vlt.s32 v8, $0xF423F;
	v6 =	vnsel vm9, $0xF423F, v2;
	vm13 =	vlt.s32 v13, v35;
	[tilespmem:v4+s21+$0x0] =	vst.idx.msk $0xffff, v20  }
0x5a3: {  	v2 =	vand.u32 $0x7, v60;
	v57 =	vnsel vm10, $0xF423F, v8;
	v59 =	vsel vm13, $0x4, v25;
	v8 =	vld [tilespmem:$0x1FEC0]  }
0x5a4: {  	v60 =	vsel vm14, $0x4, v25;
	vm15 =	vlt.s32 v5, v34;
	v53 =	vld.idx.msk [tilespmem:v1+s25+$0x0], $0xffff;
	v1 =	vor.u32 v59, v55  }
0x5a5: {  	v48 =	vld.idx.msk [tilespmem:v27+s24+$0x0], $0xffff;
	v61 =	vsel vm15, $0x4, v25;
	v4 =	vor.u32 $0x1, v1;
	v1 =	vor.u32 v60, v54  }
0x5a6: {  	vm11 =	vlt.s32 v15, $0xF423F;
	v49 =	vld.idx.msk [tilespmem:v26+s24+$0x0], $0xffff;
	v5 =	vor.u32 $0x1, v1;
	v1 =	vor.u32 v61, v52  }
0x5a7: {  	v27 =	vmovc v39;
	vm12 =	vlt.s32 v3, $0xF423F;
	v63 =	vnsel vm11, $0xF423F, v15;
	v39 =	vld.idx.msk [tilespmem:v10+s25+$0x0], $0xffff;
	[tilespmem:v18+s21+$0x0] =	vst.idx.msk $0xffff, v6;
	v6 =	vor.u32 $0x1, v1  }
0x5a8: {  	s10 =	simm.s32 $0x8;
	s11 =	simm.s32 $0xF0;
	v50 =	vld.idx.msk [tilespmem:v14+s24+$0x0], $0xffff;
	v1 =	vor.u32 v7, v23;
	v21 =	vmovc v8;
	v2 =	vor.u32 v2, v8;
	v8 =	vnsel vm12, $0xF423F, v3  }
.LBB2_31:
0x5a9: {  	_ = 	snop  }
0x5aa: {  	v10 =	vld [tilespmem:$0x1FFC0]  }
0x5ab: {  	v4 =	vld.idx.msk [tilespmem:v4+s24+$0x0], $0xffff  }
0x5ac: {  	v5 =	vld.idx.msk [tilespmem:v5+s24+$0x0], $0xffff  }
0x5ad: {  	v17 =	vld [tilespmem:$0x1FFF0]  }
0x5ae: {  	v3 =	vor.u32 s11, v0;
	v7 =	vand.u32 $0xF, v57;
	v63 =	vand.u32 $0xF, v63;
	v18 =	vld [tilespmem:$0x1FFE0]  }
0x5af: {  	s0 =	sadd.s32 $0xFFFFFFD0, s11;
	s12 =	sadd.s32 $0xFFFFFFE0, s11;
	s13 =	sadd.s32 $0xFFFFFFF0, s11;
	v20 =	vld [tilespmem:$0x1FFD0];
	v2 =	vor.u32 v33, v2;
	v1 =	vor.u32 v43, v1;
	vm1 =	veq.s32 v49, v22  }
0x5b0: {  	v6 =	vld.idx.msk [tilespmem:v6+s24+$0x0], $0xffff;
	v57 =	vor.u32 s0, v0;
	v9 =	vor.u32 s13, v0;
	v11 =	vor.u32 s12, v0  }
0x5b1: {  	v16 =	vshll.u32 v3, $0x4;
	vm0 =	vlt.s32 v50, v29;
	v13 =	vshll.u32 v11, $0x4  }
0x5b2: {  	v15 =	vor.u32 $0x7, v13;
	v50 =	vand.u32 v10, v9;
	v9 =	vshll.u32 v9, $0x4  }
0x5b3: {  	v10 =	vsel vm0, $0x2, v25;
	v17 =	vand.u32 v17, v57;
	v11 =	vand.u32 v18, v11  }
0x5b4: {  	v3 =	vand.u32 v20, v3;
	vm8 =	vlt.s32 v4, v35;
	v4 =	vand.u32 $0xF, v8  }
0x5b5: {  	v22 =	vld [tilespmem:$0x1FDC0];
	vm9 =	vlt.s32 v5, v31;
	vm10 =	vlt.s32 v6, v34;
	v10 =	vor.u32 v58, v10  }
0x5b6: {  	v58 =	vshll.u32 v57, $0x4;
	v26 =	vsel vm9, $0x2, v25;
	v43 =	vor.u32 v23, v4;
	v4 =	vld [tilespmem:$0x1FE00]  }
0x5b7: {  	v20 =	vmovc v30;
	v12 =	vor.u32 $0x7, v9;
	v14 =	vor.u32 $0x7, v58;
	v30 =	vmovc v58;
	v58 =	vor.u32 v60, v26;
	v6 =	vld.idx.msk [tilespmem:v15+s24+$0x0], $0xffff  }
0x5b8: {  	v33 =	vmovc v40;
	v8 =	vsel vm8, $0x2, v25;
	v60 =	vsel vm10, $0x2, v25;
	v40 =	vor.u32 v54, v58;
	v54 =	vld.idx.msk [tilespmem:v24+s28+$0x0], $0xffff  }
0x5b9: {  	v8 =	vor.u32 v59, v8;
	v59 =	vor.u32 v61, v60;
	v60 =	vor.u32 v21, v63;
	v63 =	vld [tilespmem:$0x1FE20]  }
0x5ba: {  	v62 =	vor.u32 v28, v62;
	v28 =	vmovc v41;
	v18 =	vor.u32 $0x7, v16;
	v41 =	vor.u32 v52, v59;
	v52 =	vld [tilespmem:$0x1FDD0]  }
0x5bb: {  	v57 =	vld.idx.msk [tilespmem:v50+s26+$0x0], $0xffff  }
0x5bc: {  	v51 =	vor.u32 v51, v10;
	v61 =	vld.idx.msk [tilespmem:v17+s26+$0x0], $0xffff  }
0x5bd: {  	v12 =	vld.idx.msk [tilespmem:v12+s24+$0x0], $0xffff  }
0x5be: {  	vm11 =	veq.s32 v47, v4;
	v4 =	vld.idx.msk [tilespmem:v11+s26+$0x0], $0xffff  }
0x5bf: {  	v47 =	vld.idx.msk [tilespmem:v18+s24+$0x0], $0xffff  }
0x5c0: {  	v15 =	vor.u32 v55, v8;
	v18 =	vld.idx.msk [tilespmem:v3+s26+$0x0], $0xffff  }
0x5c1: {  	v5 =	vld.idx.msk [tilespmem:v51+s24+$0x0], $0xffff  }
0x5c2: {  	v21 =	vnsel vm11, $0xF423F, v53;
	v53 =	vld [tilespmem:$0x1FDE0]  }
0x5c3: {  	v14 =	vld.idx.msk [tilespmem:v14+s24+$0x0], $0xffff  }
0x5c4: {  	[tilespmem:v22+s21+$0x0] =	vst.idx.msk $0xffff, v21;
	v21 =	vld [tilespmem:$0x1FE30]  }
0x5c5: {  	vm12 =	veq.s32 v48, v19;
	v15 =	vld.idx.msk [tilespmem:v15+s24+$0x0], $0xffff  }
0x5c6: {  	vm4 =	vlt.s32 v47, v18;
	v47 =	vld.idx.msk [tilespmem:v62+s24+$0x0], $0xffff;
	vm3 =	vlt.s32 v5, v29;
	v5 =	vnsel vm12, $0xF423F, v39  }
0x5c7: {  	v62 =	vld [tilespmem:$0x1FE70];
	[tilespmem:v52+s21+$0x0] =	vst.idx.msk $0xffff, v5  }
0x5c8: {  	v7 =	vor.u32 v27, v7;
	vm2 =	vlt.s32 v12, v57;
	v39 =	vld.idx.msk [tilespmem:v40+s24+$0x0], $0xffff  }
0x5c9: {  	v26 =	vmovc v32;
	v32 =	vmovc v13;
	v22 =	vnsel vm1, $0xF423F, v56;
	v13 =	vsel vm2, $0x8, v25;
	v19 =	vsel vm3, $0x1, v25;
	v48 =	vld.idx.msk [tilespmem:v2+s24+$0x0], $0xffff  }
0x5ca: {  	v51 =	vor.u32 v9, v13;
	v21 =	vmov v21;
	v19 =	vor.u32 v19, v42;
	[tilespmem:v53+s21+$0x0] =	vst.idx.msk $0xffff, v22;
	v22 =	vld [tilespmem:$0x1FDF0]  }
0x5cb: {  	v5 =	vor.u32 $0x3, v51;
	v27 =	vor.u32 v10, v19;
	v19 =	vshll.u32 v54, $0x4;
	[tilespmem:$0x1FDF0] =	vst v21;
	v21 =	vld [tilespmem:$0x1FE60]  }
0x5cc: {  	vm5 =	vlt.s32 v15, v35;
	v54 =	vor.u32 v19, v27;
	v19 =	vld.idx.msk [tilespmem:v41+s24+$0x0], $0xffff  }
0x5cd: {  	v10 =	vmov v17;
	v49 =	vld.idx.msk [tilespmem:v1+s24+$0x0], $0xffff;
	v1 =	vsel vm5, $0x1, v25  }
0x5ce: {  	vm14 =	vlt.s32 v6, v4;
	[tilespmem:$0x1FE30] =	vst v10;
	v10 =	vld.idx.msk [tilespmem:v11+s28+$0x0], $0xffff;
	v1 =	vor.u32 v1, v28  }
0x5cf: {  	v6 =	vand.u32 $0x7, v27;
	vm15 =	vlt.s32 v54, $0xF423F;
	v1 =	vor.u32 v8, v1;
	v8 =	vld [tilespmem:$0x1FE50]  }
0x5d0: {  	v23 =	vmovc v36;
	v36 =	vmovc v16;
	v56 =	vmov v11;
	v6 =	vor.u32 v6, v37;
	v27 =	vnsel vm15, $0xF423F, v54;
	v5 =	vld.idx.msk [tilespmem:v5+s24+$0x0], $0xffff  }
0x5d1: {  	vm13 =	vlt.s32 v14, v61;
	[tilespmem:$0x1FE60] =	vst v56;
	v6 =	vor.u32 v42, v6;
	v55 =	vand.u32 $0xF, v27;
	v16 =	vmovc v22;
	v22 =	vld [tilespmem:$0x1FE10]  }
0x5d2: {  	v41 =	vsel vm13, $0x8, v25;
	v12 =	vor.u32 v37, v55;
	v37 =	vmovc v9;
	v9 =	vmov v63;
	[tilespmem:$0x1FDC0] =	vst v16;
	v16 =	vld.idx.msk [tilespmem:v17+s28+$0x0], $0xffff  }
0x5d3: {  	v40 =	vsel vm14, $0x8, v25;
	v2 =	vmovc v3;
	v11 =	vsel vm4, $0x8, v25;
	v55 =	vor.u32 v30, v41;
	v17 =	vmovc v21;
	[tilespmem:$0x1FDE0] =	vst v9;
	v21 =	vld [tilespmem:$0x1FE80]  }
0x5d4: {  	v56 =	vmovc v35;
	v54 =	vor.u32 v32, v40;
	v9 =	vor.u32 $0x3, v55;
	[tilespmem:$0x1FE80] =	vst v2;
	vm7 =	vlt.s32 v19, v34;
	v19 =	vld [tilespmem:$0x1FE40]  }
0x5d5: {  	v35 =	vmov v61;
	v52 =	vor.u32 v36, v11;
	v42 =	vor.u32 $0x3, v54;
	[tilespmem:$0x1FE40] =	vst v56;
	v56 =	vld.idx.msk [tilespmem:v43+s25+$0x0], $0xffff  }
0x5d6: {  	vm6 =	vlt.s32 v39, v31;
	v61 =	vor.u32 v44, v1;
	[tilespmem:$0x1FE10] =	vst v17;
	v17 =	vld.idx.msk [tilespmem:v3+s28+$0x0], $0xffff;
	v22 =	vmov v22  }
0x5d7: {  	v1 =	vand.u32 $0x7, v1;
	v2 =	vsel vm6, $0x1, v25;
	v3 =	vld.idx.msk [tilespmem:v6+s24+$0x0], $0xffff;
	[tilespmem:$0x1FDD0] =	vst v22;
	v22 =	vor.u32 $0x3, v52  }
0x5d8: {  	vm9 =	vlt.s32 v61, $0xF423F;
	v2 =	vor.u32 v2, v33;
	v6 =	vsel vm7, $0x1, v25;
	v12 =	vld.idx.msk [tilespmem:v12+s25+$0x0], $0xffff  }
0x5d9: {  	v2 =	vor.u32 v58, v2;
	v6 =	vor.u32 v6, v38;
	vm8 =	vlt.s32 v5, v57;
	v5 =	vld.idx.msk [tilespmem:v9+s24+$0x0], $0xffff  }
0x5da: {  	v58 =	vsel vm8, $0x4, v25;
	v6 =	vor.u32 v59, v6;
	v53 =	vmovc v19;
	v19 =	vmovc v8;
	v8 =	vld.idx.msk [tilespmem:v42+s24+$0x0], $0xffff;
	v9 =	vshll.u32 v10, $0x4  }
0x5db: {  	v63 =	vmovc v34;
	v10 =	vor.u32 v58, v51;
	[tilespmem:$0x1FE00] =	vst v53;
	v53 =	vld.idx.msk [tilespmem:v7+s25+$0x0], $0xffff;
	v7 =	vshll.u32 v16, $0x4;
	v14 =	vshll.u32 v17, $0x4  }
0x5dc: {  	v59 =	vmovc v31;
	v31 =	vmovc v4;
	v4 =	vor.u32 $0x1, v10;
	v16 =	vor.u32 v46, v2;
	v2 =	vand.u32 $0x7, v2;
	v10 =	vld.idx.msk [tilespmem:v22+s24+$0x0], $0xffff  }
0x5dd: {  	v34 =	vmovc v18;
	v43 =	vmovc v38;
	vm10 =	veq.s32 v3, v29;
	v3 =	vor.u32 v45, v6;
	vm11 =	vlt.s32 v16, $0xF423F  }
0x5de: {  	s10 =	sadd.s32 $0x4, s10;
	v39 =	vld.idx.msk [tilespmem:v60+s25+$0x0], $0xffff;
	v27 =	vmovc v20;
	v29 =	vmovc v57;
	v57 =	vnsel vm9, $0xF423F, v61;
	v2 =	vor.u32 v2, v26;
	vm12 =	vlt.s32 v3, $0xF423F  }
0x5df: {  	p0 =	slt.u32 s10, $0x3C;
	[tilespmem:$0x1FE70] =	vst v63;
	v38 =	vmovc v11;
	v21 =	vmovc v21;
	v63 =	vnsel vm11, $0xF423F, v16;
	v12 =	vnsel vm10, $0xF423F, v12;
	vm13 =	vlt.s32 v5, v35  }
.Ltmp17:
0x5e0: {  	[tilespmem:$0x1FE50] =	vst v59;
	v22 =	vmovc v62;
	vm14 =	vlt.s32 v8, v31;
	v62 =	vor.u32 v1, v20;
	v59 =	vsel vm13, $0x4, v25;
	(pc) =	sbr.rel @p0 .LBB2_31-.Ltmp17, $4  }
0x5e1: {  	[tilespmem:v24+s21+$0x0] =	vst.idx.msk $0xffff, v12;
	v60 =	vsel vm14, $0x4, v25;
	v1 =	vor.u32 v59, v55;
	vm15 =	vlt.s32 v10, v34  }
0x5e2: {  	v42 =	vmovc v13;
	v24 =	vmovc v50;
	v50 =	vld.idx.msk [tilespmem:v4+s24+$0x0], $0xffff;
	v4 =	vor.u32 $0x1, v1;
	v1 =	vor.u32 v60, v54;
	v61 =	vsel vm15, $0x4, v25  }
0x5e3: {  	v46 =	vmovc v9;
	v44 =	vmovc v7;
	v12 =	vand.u32 $0x7, v6;
	v5 =	vor.u32 $0x1, v1;
	v1 =	vor.u32 v61, v52  }
0x5e4: {  	s11 =	sadd.s32 $0x40, s11;
	[tilespmem:$0x1FE20] =	vst v21;
	v45 =	vmovc v14;
	v21 =	vmovc v26;
	v8 =	vnsel vm12, $0xF423F, v3;
	v6 =	vor.u32 $0x1, v1;
	v1 =	vor.u32 v12, v23  }
0x5e5: {  	_ =	sdelay $0x1  }
0x5e6: {  	vm0 =	vlt.s32 v50, v29  }
0x5e7: {  	v3 =	vsel vm0, $0x2, v25  }
0x5e8: {  	v3 =	vor.u32 v58, v3  }
0x5e9: {  	v7 =	vor.u32 v51, v3;
	_ =	sdelay $0x3  }
0x5ea: {  	v4 =	vld.idx.msk [tilespmem:v4+s24+$0x0], $0xffff  }
0x5eb: {  	v17 =	vld.idx.msk [tilespmem:v7+s24+$0x0], $0xffff;
	_ =	sdelay $0x1  }
0x5ec: {  	v5 =	vld.idx.msk [tilespmem:v5+s24+$0x0], $0xffff;
	_ =	sdelay $0x1  }
0x5ed: {  	v6 =	vld.idx.msk [tilespmem:v6+s24+$0x0], $0xffff  }
0x5ee: {  	vm9 =	vlt.s32 v4, v35;
	vm12 =	vlt.s32 v17, v29;
	v17 =	vld [tilespmem:$0x1FDC0]  }
0x5ef: {  	v26 =	vand.u32 $0xF, v57;
	v57 =	vld [tilespmem:$0x1FE00];
	v4 =	vsel vm9, $0x2, v25  }
0x5f0: {  	v15 =	vor.u32 v28, v62;
	vm10 =	vlt.s32 v5, v31;
	v4 =	vor.u32 v59, v4  }
0x5f1: {  	v18 =	vsel vm10, $0x2, v25;
	v20 =	vor.u32 v55, v4  }
0x5f2: {  	vm11 =	vlt.s32 v6, v34;
	v7 =	vor.u32 v60, v18  }
0x5f3: {  	v9 =	vsel vm11, $0x2, v25;
	v10 =	vor.u32 v54, v7  }
0x5f4: {  	v11 =	vld.idx.msk [tilespmem:v24+s28+$0x0], $0xffff;
	vm6 =	veq.s32 v47, v57;
	v9 =	vor.u32 v61, v9  }
0x5f5: {  	v12 =	vor.u32 v52, v9;
	v52 =	vld.idx.msk [tilespmem:v15+s24+$0x0], $0xffff;
	v15 =	vnsel vm6, $0xF423F, v53  }
0x5f6: {  	v6 =	vld.idx.msk [tilespmem:v20+s24+$0x0], $0xffff;
	[tilespmem:v17+s21+$0x0] =	vst.idx.msk $0xffff, v15  }
0x5f7: {  	v14 =	vsel vm12, $0x1, v25;
	v17 =	vld [tilespmem:$0x1FDD0]  }
0x5f8: {  	v10 =	vld.idx.msk [tilespmem:v10+s24+$0x0], $0xffff;
	v14 =	vor.u32 v14, v42  }
0x5f9: {  	v11 =	vshll.u32 v11, $0x4;
	v3 =	vor.u32 v3, v14  }
0x5fa: {  	vm7 =	veq.s32 v48, v19;
	v11 =	vor.u32 v11, v3;
	v3 =	vand.u32 $0x7, v3  }
0x5fb: {  	vm14 =	vlt.s32 v6, v35;
	vm13 =	vlt.s32 v11, $0xF423F;
	v3 =	vor.u32 v3, v37  }
0x5fc: {  	v11 =	vnsel vm13, $0xF423F, v11;
	v3 =	vor.u32 v42, v3;
	v42 =	vsel vm14, $0x1, v25  }
0x5fd: {  	vm1 =	vlt.s32 v10, v31;
	v11 =	vand.u32 $0xF, v11;
	v10 =	vor.u32 v42, v41  }
0x5fe: {  	v16 =	vnsel vm7, $0xF423F, v39;
	v37 =	vor.u32 v37, v11;
	v4 =	vor.u32 v4, v10  }
0x5ff: {  	v1 =	vor.u32 v43, v1;
	v43 =	vsel vm1, $0x1, v25;
	v51 =	vor.u32 v44, v4;
	[tilespmem:v17+s21+$0x0] =	vst.idx.msk $0xffff, v16  }
0x600: {  	v11 =	vor.u32 v43, v40;
	vm4 =	vlt.s32 v51, $0xF423F;
	v59 =	vld [tilespmem:$0x1FDE0]  }
0x601: {  	v7 =	vor.u32 v7, v11;
	v11 =	vnsel vm4, $0xF423F, v51  }
0x602: {  	v3 =	vld.idx.msk [tilespmem:v3+s24+$0x0], $0xffff;
	v11 =	vand.u32 $0xF, v11  }
0x603: {  	v6 =	vld.idx.msk [tilespmem:v37+s25+$0x0], $0xffff;
	v11 =	vor.u32 v30, v11;
	_ =	sdelay $0x2  }
0x604: {  	vm8 =	veq.s32 v49, v22  }
0x605: {  	v58 =	vnsel vm8, $0xF423F, v56;
	v5 =	vor.u32 v27, v26;
	vm9 =	veq.s32 v3, v29  }
0x606: {  	v2 =	vor.u32 v33, v2;
	v3 =	vld.idx.msk [tilespmem:v11+s25+$0x0], $0xffff;
	v6 =	vnsel vm9, $0xF423F, v6;
	[tilespmem:v59+s21+$0x0] =	vst.idx.msk $0xffff, v58  }
0x607: {  	v11 =	vld [tilespmem:$0x1FE40];
	[tilespmem:v24+s21+$0x0] =	vst.idx.msk $0xffff, v6  }
0x608: {  	v61 =	vld [tilespmem:$0x1FDF0];
	_ =	sdelay $0x1  }
0x609: {  	v5 =	vld.idx.msk [tilespmem:v5+s25+$0x0], $0xffff  }
0x60a: {  	v2 =	vld.idx.msk [tilespmem:v2+s24+$0x0], $0xffff  }
0x60b: {  	v6 =	vld [tilespmem:$0x1FE50]  }
0x60c: {  	v13 =	vand.u32 $0xF, v63  }
0x60d: {  	v13 =	vor.u32 v21, v13;
	vm10 =	veq.s32 v52, v11  }
0x60e: {  	v5 =	vnsel vm10, $0xF423F, v5  }
0x60f: {  	v60 =	vld [tilespmem:$0x1FE70];
	[tilespmem:v61+s21+$0x0] =	vst.idx.msk $0xffff, v5  }
0x610: {  	vm11 =	veq.s32 v2, v6;
	v6 =	vld [tilespmem:$0x1FE10]  }
0x611: {  	v1 =	vld.idx.msk [tilespmem:v1+s24+$0x0], $0xffff  }
0x612: {  	v13 =	vld.idx.msk [tilespmem:v13+s25+$0x0], $0xffff;
	_ =	sdelay $0x1  }
0x613: {  	v12 =	vld.idx.msk [tilespmem:v12+s24+$0x0], $0xffff  }
0x614: {  	v8 =	vand.u32 $0xF, v8  }
0x615: {  	v8 =	vor.u32 v23, v8  }
0x616: {  	vm12 =	veq.s32 v1, v60;
	v1 =	vnsel vm11, $0xF423F, v13  }
0x617: {  	[tilespmem:v6+s21+$0x0] =	vst.idx.msk $0xffff, v1  }
0x618: {  	vm15 =	vlt.s32 v12, v34;
	v1 =	vld [tilespmem:$0x1FE20]  }
0x619: {  	v12 =	vsel vm15, $0x1, v25  }
0x61a: {  	v8 =	vld.idx.msk [tilespmem:v8+s25+$0x0], $0xffff;
	v50 =	vor.u32 v12, v38  }
0x61b: {  	v9 =	vor.u32 v9, v50;
	v4 =	vand.u32 $0x7, v4  }
0x61c: {  	v55 =	vor.u32 v45, v9;
	v4 =	vor.u32 v4, v30  }
0x61d: {  	v9 =	vand.u32 $0x7, v9;
	vm2 =	vlt.s32 v55, $0xF423F;
	v4 =	vor.u32 v41, v4  }
0x61e: {  	v9 =	vor.u32 v9, v36;
	v14 =	vnsel vm2, $0xF423F, v55  }
0x61f: {  	v9 =	vor.u32 v38, v9;
	v14 =	vand.u32 $0xF, v14;
	v62 =	vnsel vm12, $0xF423F, v8  }
0x620: {  	v14 =	vor.u32 v36, v14;
	[tilespmem:v1+s21+$0x0] =	vst.idx.msk $0xffff, v62  }
0x621: {  	v63 =	vld [tilespmem:$0x1FE30]  }
0x622: {  	v4 =	vld.idx.msk [tilespmem:v4+s24+$0x0], $0xffff  }
0x623: {  	v54 =	vor.u32 v46, v7  }
0x624: {  	v7 =	vand.u32 $0x7, v7;
	vm5 =	vlt.s32 v54, $0xF423F;
	v9 =	vld.idx.msk [tilespmem:v9+s24+$0x0], $0xffff  }
0x625: {  	v7 =	vor.u32 v7, v32;
	v10 =	vnsel vm5, $0xF423F, v54;
	v2 =	vld.idx.msk [tilespmem:v14+s25+$0x0], $0xffff  }
0x626: {  	v7 =	vor.u32 v40, v7;
	v10 =	vand.u32 $0xF, v10  }
0x627: {  	v10 =	vor.u32 v32, v10;
	vm13 =	veq.s32 v4, v35  }
0x628: {  	v1 =	vnsel vm13, $0xF423F, v3  }
0x629: {  	vm15 =	veq.s32 v9, v34;
	[tilespmem:v63+s21+$0x0] =	vst.idx.msk $0xffff, v1  }
0x62a: {  	v1 =	vnsel vm15, $0xF423F, v2;
	v2 =	vld [tilespmem:$0x1FE60]  }
0x62b: {  	v7 =	vld.idx.msk [tilespmem:v7+s24+$0x0], $0xffff  }
0x62c: {  	v10 =	vld.idx.msk [tilespmem:v10+s25+$0x0], $0xffff;
	_ =	sdelay $0x3  }
0x62d: {  	vm14 =	veq.s32 v7, v31  }
0x62e: {  	v3 =	vnsel vm14, $0xF423F, v10  }
0x62f: {  	[tilespmem:v2+s21+$0x0] =	vst.idx.msk $0xffff, v3  }
0x630: {  	v2 =	vld [tilespmem:$0x1FE80];
	_ =	sdelay $0x7  }
0x631: {  	s0 =	sadd.s32 s9, s6;
	s2 =	sadd.s32 $0x1, s2;
	[tilespmem:v2+s21+$0x0] =	vst.idx.msk $0xffff, v1  }
0x632: {  	[hbm4b:s0+s4] =	stream.linear.scatter [tilespmem:s21], [sflag:$0x3], $0x400, $0x38;
	[tilespmem:$0x1E408] =	vst v63  }
0x633: {  	p0 =	sne.s32 s2, $0xC;
	_ =	swait.ge [sflag:s16], $0x400  }
.Ltmp18:
0x634: {  	[sflag:s16] =	ssyncset.done $0x0;
	(pc) =	sbr.rel @p0 .LBB2_12-.Ltmp18, $4  }
0x635: {  	v63 =	vld [tilespmem:$0x1FFF0];
	[sflag:s16] =	ssyncadd.s32 $0xFFFFFC00  }
0x636: {  	v60 =	vld [tilespmem:$0x1FFE0];
	[tilespmem:s24], [sflag:$0x1] =	stream.indirect.gather [hbm4b:s1+s23], $0x10, s20, s23, $0xb8  }
0x637: {  	v61 =	vld [tilespmem:$0x1FFC0]  }
0x638: {  	v59 =	vimm.s32 $0x0;
	v62 =	vld [tilespmem:$0x1FFD0];
	[tilespmem:s25], [sflag:$0x2] =	stream.indirect.gather [hbm4b:s8+s23], $0x10, s22, s23, $0xb8  }
0x639: {  	_ = 	snop  }
0x63a: {  	s0 =	simm.s32 $0x20  }
0x63b: {  	_ =	swait.ge [sflag:s30], $0x4000;
	v1 =	vor.u32 s0, v0  }
0x63c: {  	[sflag:s30] =	ssyncset.done $0x0;
	v25 =	vshll.u32 v1, $0x4;
	v19 =	vand.u32 v61, v1  }
0x63d: {  	s15 =	simm.s32 $0x0;
	[sflag:s30] =	ssyncadd.s32 $0xFFFFC000;
	v1 =	vor.u32 $0x7, v25  }
0x63e: {  	v2 =	vor.u32 s15, v0;
	_ =	swait.ge [sflag:s31], $0x4000  }
0x63f: {  	s2 =	simm.s32 $0x10;
	v31 =	vshll.u32 v2, $0x4;
	[sflag:s31] =	ssyncset.done $0x0  }
0x640: {  	v3 =	vor.u32 s2, v0;
	s2 =	simm.s32 $0x30;
	v4 =	vor.u32 $0x7, v31;
	[sflag:s31] =	ssyncadd.s32 $0xFFFFC000  }
0x641: {  	v6 =	vor.u32 s2, v0;
	v9 =	vand.u32 v63, v2;
	v24 =	vld.idx.msk [tilespmem:v19+s19+$0x0], $0xffff;
	[tilespmem:$0x1FDB0] =	vst v19  }
0x642: {  	v10 =	vand.u32 v60, v3;
	v38 =	vshll.u32 v6, $0x4;
	v1 =	vld.idx.msk [tilespmem:v1+s24+$0x0], $0xffff  }
0x643: {  	v34 =	vshll.u32 v3, $0x4;
	v2 =	vor.u32 $0x7, v38  }
0x644: {  	v5 =	vor.u32 $0x7, v34  }
0x645: {  	v11 =	vand.u32 v62, v6;
	v3 =	vld.idx.msk [tilespmem:v4+s24+$0x0], $0xffff  }
0x646: {  	v18 =	vld.idx.msk [tilespmem:v9+s19+$0x0], $0xffff  }
0x647: {  	v20 =	vld.idx.msk [tilespmem:v10+s19+$0x0], $0xffff;
	vm0 =	vlt.s32 v1, v24  }
0x648: {  	v2 =	vld.idx.msk [tilespmem:v2+s24+$0x0], $0xffff;
	v4 =	vsel vm0, $0x8, v59  }
0x649: {  	v1 =	vld.idx.msk [tilespmem:v5+s24+$0x0], $0xffff;
	v5 =	vor.u32 v25, v4  }
0x64a: {  	v22 =	vld.idx.msk [tilespmem:v11+s19+$0x0], $0xffff;
	v6 =	vor.u32 $0x3, v5;
	_ =	sdelay $0x2  }
0x64b: {  	vm5 =	vlt.s32 v3, v18  }
0x64c: {  	v35 =	vsel vm5, $0x8, v59;
	vm1 =	vlt.s32 v1, v20  }
0x64d: {  	vm6 =	vlt.s32 v2, v22;
	v1 =	vor.u32 v31, v35;
	v41 =	vsel vm1, $0x8, v59;
	v3 =	vld.idx.msk [tilespmem:v6+s24+$0x0], $0xffff  }
0x64e: {  	v40 =	vsel vm6, $0x8, v59;
	v2 =	vor.u32 v34, v41;
	v6 =	vor.u32 $0x3, v1  }
0x64f: {  	v7 =	vor.u32 v38, v40;
	v8 =	vor.u32 $0x3, v2  }
0x650: {  	v12 =	vor.u32 $0x3, v7;
	_ =	sdelay $0x1  }
0x651: {  	vm7 =	vlt.s32 v3, v24  }
0x652: {  	v6 =	vld.idx.msk [tilespmem:v6+s24+$0x0], $0xffff;
	v3 =	vsel vm7, $0x4, v59  }
0x653: {  	v8 =	vld.idx.msk [tilespmem:v8+s24+$0x0], $0xffff;
	v13 =	vor.u32 v3, v5  }
0x654: {  	v12 =	vld.idx.msk [tilespmem:v12+s24+$0x0], $0xffff;
	v13 =	vor.u32 $0x1, v13;
	_ =	sdelay $0x2  }
0x655: {  	vm8 =	vlt.s32 v6, v18  }
0x656: {  	vm9 =	vlt.s32 v8, v20;
	v15 =	vsel vm8, $0x4, v59  }
0x657: {  	vm10 =	vlt.s32 v12, v22;
	v16 =	vsel vm9, $0x4, v59;
	v8 =	vor.u32 v15, v1;
	v6 =	vld.idx.msk [tilespmem:v13+s24+$0x0], $0xffff  }
0x658: {  	v17 =	vsel vm10, $0x4, v59;
	v51 =	vor.u32 v16, v2;
	v8 =	vor.u32 $0x1, v8  }
0x659: {  	s3 =	simm.s32 $0x60;
	v52 =	vor.u32 v17, v7;
	v12 =	vor.u32 $0x1, v51  }
0x65a: {  	v14 =	vor.u32 s3, v0;
	[tilespmem:$0x1FCC0] =	vst v9;
	v13 =	vor.u32 $0x1, v52  }
0x65b: {  	v44 =	vshll.u32 v14, $0x4;
	v50 =	vand.u32 v61, v14;
	v26 =	vld.idx.msk [tilespmem:v9+s20+$0x0], $0xffff;
	[tilespmem:$0x1FCD0] =	vst v10  }
0x65c: {  	v28 =	vor.u32 $0x7, v44;
	vm11 =	vlt.s32 v6, v24;
	v6 =	vld.idx.msk [tilespmem:v10+s20+$0x0], $0xffff;
	[tilespmem:$0x1FCE0] =	vst v11  }
0x65d: {  	v53 =	vsel vm11, $0x2, v59;
	v8 =	vld.idx.msk [tilespmem:v8+s24+$0x0], $0xffff  }
0x65e: {  	s6 =	simm.s32 $0x40;
	s10 =	simm.s32 $0x50;
	v29 =	vld.idx.msk [tilespmem:v12+s24+$0x0], $0xffff;
	v3 =	vor.u32 v3, v53  }
0x65f: {  	v23 =	vor.u32 s6, v0;
	v54 =	vor.u32 s10, v0;
	v32 =	vld.idx.msk [tilespmem:v13+s24+$0x0], $0xffff;
	v5 =	vor.u32 v5, v3  }
0x660: {  	v39 =	vshll.u32 v23, $0x4;
	v9 =	vand.u32 v60, v54;
	v45 =	vld.idx.msk [tilespmem:v50+s19+$0x0], $0xffff  }
0x661: {  	s11 =	simm.s32 $0x70;
	v30 =	vor.u32 $0x7, v39;
	v28 =	vld.idx.msk [tilespmem:v28+s24+$0x0], $0xffff  }
0x662: {  	s13 =	simm.s32 $0x80;
	v36 =	vor.u32 s11, v0;
	v21 =	vshll.u32 v54, $0x4;
	v10 =	vand.u32 v63, v23;
	v27 =	vld.idx.msk [tilespmem:v11+s20+$0x0], $0xffff  }
0x663: {  	v33 =	vor.u32 $0x7, v21;
	v54 =	vor.u32 s13, v0;
	v23 =	vshll.u32 v36, $0x4;
	v56 =	vld.idx.msk [tilespmem:v19+s20+$0x0], $0xffff  }
0x664: {  	v37 =	vor.u32 $0x7, v23;
	v11 =	vand.u32 v62, v36;
	v26 =	vshll.u32 v26, $0x4;
	v5 =	vld.idx.msk [tilespmem:v5+s24+$0x0], $0xffff  }
0x665: {  	v13 =	vld.idx.msk [tilespmem:v9+s19+$0x0], $0xffff;
	v6 =	vshll.u32 v6, $0x4;
	vm12 =	vlt.s32 v8, v18;
	vm13 =	vlt.s32 v29, v20  }
0x666: {  	v8 =	vld.idx.msk [tilespmem:v30+s24+$0x0], $0xffff;
	vm14 =	vlt.s32 v32, v22;
	vm15 =	vlt.s32 v28, v45;
	v30 =	vsel vm12, $0x2, v59  }
0x667: {  	v12 =	vld.idx.msk [tilespmem:v10+s19+$0x0], $0xffff;
	v55 =	vsel vm13, $0x2, v59;
	v58 =	vsel vm14, $0x2, v59;
	v30 =	vor.u32 v15, v30  }
0x668: {  	v29 =	vld.idx.msk [tilespmem:v33+s24+$0x0], $0xffff;
	v46 =	vsel vm15, $0x8, v59;
	v57 =	vor.u32 v16, v55;
	v1 =	vor.u32 v1, v30  }
0x669: {  	v37 =	vld.idx.msk [tilespmem:v37+s24+$0x0], $0xffff;
	v36 =	vor.u32 v17, v58;
	v2 =	vor.u32 v2, v57;
	vm4 =	vlt.s32 v5, v24  }
0x66a: {  	v14 =	vld.idx.msk [tilespmem:v11+s19+$0x0], $0xffff;
	v42 =	vor.u32 v44, v46;
	v5 =	vor.u32 v7, v36;
	v7 =	vsel vm4, $0x1, v59  }
0x66b: {  	s14 =	simm.s32 $0x90;
	v27 =	vshll.u32 v27, $0x4;
	v43 =	vor.u32 $0x3, v42;
	v7 =	vor.u32 v7, v4  }
0x66c: {  	v58 =	vor.u32 s14, v0;
	v3 =	vor.u32 v3, v7;
	v7 =	vshll.u32 v56, $0x4  }
0x66d: {  	v16 =	vand.u32 v63, v54;
	vm5 =	vlt.s32 v8, v12;
	v1 =	vld.idx.msk [tilespmem:v1+s24+$0x0], $0xffff;
	v7 =	vor.u32 v7, v3  }
0x66e: {  	vm6 =	vlt.s32 v29, v13;
	v2 =	vld.idx.msk [tilespmem:v2+s24+$0x0], $0xffff;
	v3 =	vand.u32 $0x7, v3;
	vm2 =	vlt.s32 v7, $0xF423F  }
0x66f: {  	vm7 =	vlt.s32 v37, v14;
	v5 =	vld.idx.msk [tilespmem:v5+s24+$0x0], $0xffff;
	v3 =	vor.u32 v3, v25;
	v7 =	vnsel vm2, $0xF423F, v7  }
0x670: {  	v28 =	vsel vm5, $0x8, v59;
	v3 =	vor.u32 v4, v3;
	v4 =	vand.u32 $0xF, v7;
	v7 =	vld.idx.msk [tilespmem:v43+s24+$0x0], $0xffff;
	[tilespmem:$0x1FCF0] =	vst v10  }
0x671: {  	v33 =	vsel vm6, $0x8, v59;
	v8 =	vor.u32 v39, v28;
	v4 =	vor.u32 v25, v4;
	v29 =	vld.idx.msk [tilespmem:v10+s20+$0x0], $0xffff  }
0x672: {  	v48 =	vor.u32 v21, v33;
	v43 =	vsel vm7, $0x8, v59;
	v25 =	vor.u32 $0x3, v8  }
0x673: {  	v15 =	vor.u32 $0x3, v48;
	vm8 =	vlt.s32 v1, v18;
	v49 =	vor.u32 v23, v43  }
0x674: {  	v32 =	vshll.u32 v58, $0x4;
	v1 =	vsel vm8, $0x1, v59;
	[tilespmem:$0x1FD00] =	vst v18;
	v51 =	vor.u32 $0x3, v49  }
0x675: {  	vm9 =	vlt.s32 v2, v20;
	v1 =	vor.u32 v1, v35;
	v3 =	vld.idx.msk [tilespmem:v3+s24+$0x0], $0xffff;
	vm11 =	vlt.s32 v7, v45  }
0x676: {  	v1 =	vor.u32 v30, v1;
	v4 =	vld.idx.msk [tilespmem:v4+s25+$0x0], $0xffff;
	v7 =	vsel vm11, $0x4, v59;
	v10 =	vshll.u32 v29, $0x4  }
0x677: {  	v2 =	vsel vm9, $0x1, v59;
	vm10 =	vlt.s32 v5, v22;
	v25 =	vld.idx.msk [tilespmem:v25+s24+$0x0], $0xffff;
	v30 =	vor.u32 v7, v42;
	[tilespmem:$0x1FD90] =	vst v10  }
0x678: {  	v2 =	vor.u32 v2, v41;
	v5 =	vsel vm10, $0x1, v59;
	v29 =	vor.u32 $0x1, v30;
	v30 =	vld.idx.msk [tilespmem:v15+s24+$0x0], $0xffff  }
0x679: {  	v47 =	vmovc v62;
	v62 =	vor.u32 $0x7, v32;
	v2 =	vor.u32 v57, v2;
	v5 =	vor.u32 v5, v40;
	v37 =	vld.idx.msk [tilespmem:v51+s24+$0x0], $0xffff  }
0x67a: {  	v26 =	vor.u32 v26, v1;
	v6 =	vor.u32 v6, v2;
	v5 =	vor.u32 v36, v5  }
0x67b: {  	vm12 =	vlt.s32 v26, $0xF423F;
	vm13 =	veq.s32 v3, v24;
	v3 =	vor.u32 v27, v5  }
0x67c: {  	v19 =	vmovc v20;
	v20 =	vnsel vm13, $0xF423F, v4;
	v4 =	vand.u32 $0x7, v5;
	vm3 =	vlt.s32 v25, v12  }
0x67d: {  	v5 =	vnsel vm12, $0xF423F, v26;
	v51 =	vsel vm3, $0x4, v59;
	v24 =	vld.idx.msk [tilespmem:v29+s24+$0x0], $0xffff;
	vm5 =	vlt.s32 v30, v13  }
0x67e: {  	s12 =	simm.s32 $0xA0;
	v25 =	vor.u32 v51, v8;
	vm6 =	vlt.s32 v37, v14;
	v52 =	vsel vm5, $0x4, v59  }
0x67f: {  	v29 =	vor.u32 s12, v0;
	v25 =	vor.u32 $0x1, v25;
	v26 =	vor.u32 v52, v48  }
0x680: {  	v53 =	vsel vm6, $0x4, v59;
	v37 =	vshll.u32 v29, $0x4;
	v26 =	vor.u32 $0x1, v26  }
0x681: {  	v1 =	vand.u32 $0x7, v1;
	v27 =	vor.u32 v53, v49;
	v55 =	vor.u32 $0x7, v37  }
0x682: {  	v2 =	vand.u32 $0x7, v2;
	v27 =	vor.u32 $0x1, v27;
	vm7 =	vlt.s32 v24, v45  }
0x683: {  	v30 =	vshll.u32 v54, $0x4;
	v24 =	vand.u32 v61, v29;
	v29 =	vsel vm7, $0x2, v59  }
0x684: {  	vm14 =	vlt.s32 v6, $0xF423F;
	v10 =	vmovc v60;
	v60 =	vor.u32 $0x7, v30;
	v57 =	vld.idx.msk [tilespmem:v25+s24+$0x0], $0xffff;
	v7 =	vor.u32 v7, v29  }
0x685: {  	v1 =	vor.u32 v1, v31;
	v2 =	vor.u32 v2, v34;
	v42 =	vor.u32 v42, v7;
	v59 =	vld.idx.msk [tilespmem:v26+s24+$0x0], $0xffff  }
0x686: {  	s15 =	simm.s32 $0xB0;
	v6 =	vnsel vm14, $0xF423F, v6;
	v17 =	vand.u32 v10, v58;
	v4 =	vor.u32 v4, v38;
	v55 =	vld.idx.msk [tilespmem:v55+s24+$0x0], $0xffff  }
0x687: {  	v5 =	vand.u32 $0xF, v5;
	v25 =	vimm.s32 $0x0;
	v26 =	vor.u32 s15, v0;
	v61 =	vld.idx.msk [tilespmem:v27+s24+$0x0], $0xffff  }
0x688: {  	v36 =	vshll.u32 v26, $0x4;
	v15 =	vand.u32 v47, v26;
	v47 =	vor.u32 v35, v1;
	v29 =	vld.idx.msk [tilespmem:v24+s19+$0x0], $0xffff  }
0x689: {  	v26 =	vor.u32 v40, v4;
	v40 =	vld.idx.msk [tilespmem:v60+s24+$0x0], $0xffff;
	v1 =	vor.u32 v31, v5;
	vm8 =	vlt.s32 v57, v12  }
0x68a: {  	v27 =	vor.u32 v41, v2;
	v60 =	vsel vm8, $0x2, v25;
	v41 =	vld.idx.msk [tilespmem:v42+s24+$0x0], $0xffff;
	vm9 =	vlt.s32 v59, v13;
	[tilespmem:$0x1FDA0] =	vst v1  }
0x68b: {  	v54 =	vor.u32 $0x7, v36;
	v58 =	vor.u32 v51, v60;
	v57 =	vld.idx.msk [tilespmem:v62+s24+$0x0], $0xffff;
	v31 =	vsel vm9, $0x2, v25  }
0x68c: {  	vm10 =	vlt.s32 v61, v14;
	v59 =	vld.idx.msk [tilespmem:v50+s20+$0x0], $0xffff;
	v8 =	vor.u32 v8, v58;
	v60 =	vor.u32 v52, v31  }
0x68d: {  	v35 =	vld.idx.msk [tilespmem:v16+s19+$0x0], $0xffff;
	v31 =	vsel vm10, $0x2, v25;
	vm11 =	vlt.s32 v55, v29;
	v48 =	vor.u32 v48, v60  }
0x68e: {  	v6 =	vand.u32 $0xF, v6;
	v53 =	vor.u32 v53, v31;
	v31 =	vld.idx.msk [tilespmem:v17+s19+$0x0], $0xffff;
	v42 =	vsel vm11, $0x8, v25  }
0x68f: {  	v10 =	vor.u32 v34, v6;
	v34 =	vld.idx.msk [tilespmem:v15+s19+$0x0], $0xffff;
	v49 =	vor.u32 v49, v53;
	v51 =	vor.u32 v37, v42  }
0x690: {  	vm15 =	vlt.s32 v3, $0xF423F;
	v63 =	vld.idx.msk [tilespmem:v54+s24+$0x0], $0xffff;
	vm12 =	vlt.s32 v41, v45;
	v61 =	vor.u32 $0x3, v51  }
0x691: {  	v3 =	vnsel vm15, $0xF423F, v3;
	v41 =	vsel vm12, $0x1, v25;
	v8 =	vld.idx.msk [tilespmem:v8+s24+$0x0], $0xffff  }
0x692: {  	v18 =	vmov v50;
	v3 =	vand.u32 $0xF, v3;
	v50 =	vor.u32 v41, v46;
	v48 =	vld.idx.msk [tilespmem:v48+s24+$0x0], $0xffff;
	[tilespmem:$0x1FD10] =	vst v9  }
0x693: {  	v62 =	vshll.u32 v59, $0x4;
	v7 =	vor.u32 v7, v50;
	vm14 =	vlt.s32 v57, v31;
	v57 =	vld.idx.msk [tilespmem:v9+s20+$0x0], $0xffff  }
0x694: {  	v56 =	vor.u32 v38, v3;
	v38 =	vor.u32 v62, v7;
	v7 =	vand.u32 $0x7, v7;
	v49 =	vld.idx.msk [tilespmem:v49+s24+$0x0], $0xffff;
	[tilespmem:$0x1FD20] =	vst v11  }
0x695: {  	vm13 =	vlt.s32 v40, v35;
	v40 =	vsel vm14, $0x8, v25;
	v7 =	vor.u32 v7, v44;
	v59 =	vld.idx.msk [tilespmem:v61+s24+$0x0], $0xffff  }
0x696: {  	v54 =	vor.u32 v32, v40;
	v7 =	vor.u32 v46, v7;
	v46 =	vld.idx.msk [tilespmem:v11+s20+$0x0], $0xffff;
	[tilespmem:$0x1FD30] =	vst v16  }
0x697: {  	v1 =	vor.u32 $0x3, v54;
	v61 =	vld.idx.msk [tilespmem:v16+s20+$0x0], $0xffff;
	[tilespmem:$0x1FD40] =	vst v12  }
0x698: {  	[tilespmem:$0x1FD50] =	vst v13  }
0x699: {  	vm15 =	vlt.s32 v38, $0xF423F;
	[tilespmem:$0x1FD60] =	vst v17  }
0x69a: {  	v38 =	vnsel vm15, $0xF423F, v38;
	vm5 =	vlt.s32 v8, v12;
	v8 =	vld.idx.msk [tilespmem:v17+s20+$0x0], $0xffff;
	[tilespmem:$0x1FD70] =	vst v14  }
0x69b: {  	v41 =	vsel vm13, $0x8, v25;
	vm4 =	vlt.s32 v63, v34;
	v63 =	vand.u32 $0xF, v38;
	v7 =	vld.idx.msk [tilespmem:v7+s24+$0x0], $0xffff;
	[tilespmem:$0x1FD80] =	vst v15  }
0x69c: {  	v55 =	vor.u32 v30, v41;
	v38 =	vsel vm4, $0x8, v25;
	v44 =	vor.u32 v44, v63;
	v4 =	vld.idx.msk [tilespmem:v1+s24+$0x0], $0xffff  }
0x69d: {  	v12 =	vsel vm5, $0x1, v25;
	vm6 =	vlt.s32 v48, v13;
	v48 =	vor.u32 $0x3, v55;
	v1 =	vld [tilespmem:$0x1FD90]  }
0x69e: {  	v52 =	vor.u32 v36, v38;
	v12 =	vor.u32 v12, v28  }
0x69f: {  	v13 =	vsel vm6, $0x1, v25;
	vm7 =	vlt.s32 v49, v14;
	v49 =	vor.u32 v58, v12  }
0x6a0: {  	v13 =	vor.u32 v13, v33;
	vm8 =	vlt.s32 v59, v29;
	v50 =	vsel vm7, $0x1, v25;
	v14 =	vld.idx.msk [tilespmem:v15+s20+$0x0], $0xffff  }
0x6a1: {  	v60 =	vor.u32 v60, v13;
	v59 =	vshll.u32 v46, $0x4;
	v15 =	vor.u32 $0x3, v52;
	v2 =	vld.idx.msk [tilespmem:v44+s25+$0x0], $0xffff  }
0x6a2: {  	v13 =	vld.idx.msk [tilespmem:v48+s24+$0x0], $0xffff;
	v46 =	vshll.u32 v8, $0x4;
	v8 =	vor.u32 v1, v49;
	v1 =	vand.u32 $0x7, v49  }
0x6a3: {  	v12 =	vor.u32 v50, v43;
	v62 =	vor.u32 v1, v39;
	v1 =	vld [tilespmem:$0x1FDA0]  }
0x6a4: {  	v57 =	vshll.u32 v57, $0x4;
	v53 =	vor.u32 v53, v12;
	vm14 =	vlt.s32 v4, v31;
	v4 =	vld [tilespmem:$0x1FDB0]  }
0x6a5: {  	v58 =	vsel vm8, $0x4, v25;
	v44 =	vshll.u32 v61, $0x4;
	v3 =	vor.u32 v59, v53  }
0x6a6: {  	vm12 =	vlt.s32 v3, $0xF423F;
	vm9 =	veq.s32 v7, v45;
	v7 =	vor.u32 v58, v51;
	v5 =	vld.idx.msk [tilespmem:v15+s24+$0x0], $0xffff  }
0x6a7: {  	v45 =	vshll.u32 v14, $0x4;
	v14 =	vor.u32 $0x1, v7;
	v15 =	vor.u32 v57, v60  }
0x6a8: {  	v47 =	vld.idx.msk [tilespmem:v47+s24+$0x0], $0xffff;
	v7 =	vand.u32 $0x7, v53;
	vm10 =	vlt.s32 v8, $0xF423F;
	v6 =	vnsel vm9, $0xF423F, v2  }
0x6a9: {  	v56 =	vld.idx.msk [tilespmem:v56+s25+$0x0], $0xffff;
	vm11 =	vlt.s32 v15, $0xF423F;
	v2 =	vand.u32 $0x7, v60;
	vm13 =	vlt.s32 v13, v35  }
0x6aa: {  	v48 =	vld.idx.msk [tilespmem:v27+s24+$0x0], $0xffff;
	v60 =	vsel vm14, $0x4, v25;
	v57 =	vnsel vm10, $0xF423F, v8;
	v59 =	vsel vm13, $0x4, v25  }
0x6ab: {  	v63 =	vnsel vm11, $0xF423F, v15;
	vm15 =	vlt.s32 v5, v34;
	v53 =	vld.idx.msk [tilespmem:v1+s25+$0x0], $0xffff;
	v1 =	vor.u32 v59, v55  }
0x6ac: {  	v49 =	vld.idx.msk [tilespmem:v26+s24+$0x0], $0xffff;
	v61 =	vsel vm15, $0x4, v25;
	[tilespmem:v4+s21+$0x0] =	vst.idx.msk $0xffff, v20;
	v4 =	vor.u32 $0x1, v1;
	v1 =	vor.u32 v60, v54  }
0x6ad: {  	v27 =	vmovc v39;
	v39 =	vld.idx.msk [tilespmem:v10+s25+$0x0], $0xffff;
	v2 =	vor.u32 v2, v21;
	v5 =	vor.u32 $0x1, v1;
	v1 =	vor.u32 v61, v52  }
0x6ae: {  	s3 =	simm.s32 $0xF0;
	s2 =	simm.s32 $0x8;
	[tilespmem:v18+s21+$0x0] =	vst.idx.msk $0xffff, v6;
	v8 =	vnsel vm12, $0xF423F, v3;
	v50 =	vld.idx.msk [tilespmem:v14+s24+$0x0], $0xffff;
	v6 =	vor.u32 $0x1, v1;
	v1 =	vor.u32 v7, v23  }
.LBB2_34:
0x6af: {  	_ = 	snop  }
0x6b0: {  	v10 =	vld [tilespmem:$0x1FFC0]  }
0x6b1: {  	v4 =	vld.idx.msk [tilespmem:v4+s24+$0x0], $0xffff  }
0x6b2: {  	v5 =	vld.idx.msk [tilespmem:v5+s24+$0x0], $0xffff  }
0x6b3: {  	v17 =	vld [tilespmem:$0x1FFF0]  }
0x6b4: {  	v3 =	vor.u32 s3, v0;
	v7 =	vand.u32 $0xF, v57;
	v63 =	vand.u32 $0xF, v63;
	v18 =	vld [tilespmem:$0x1FFE0]  }
0x6b5: {  	s0 =	sadd.s32 $0xFFFFFFD0, s3;
	s6 =	sadd.s32 $0xFFFFFFE0, s3;
	s10 =	sadd.s32 $0xFFFFFFF0, s3;
	v20 =	vld [tilespmem:$0x1FFD0];
	v2 =	vor.u32 v33, v2;
	v1 =	vor.u32 v43, v1;
	vm1 =	veq.s32 v49, v22  }
0x6b6: {  	v6 =	vld.idx.msk [tilespmem:v6+s24+$0x0], $0xffff;
	v57 =	vor.u32 s0, v0;
	v9 =	vor.u32 s10, v0;
	v11 =	vor.u32 s6, v0  }
0x6b7: {  	v16 =	vshll.u32 v3, $0x4;
	vm0 =	vlt.s32 v50, v29;
	v13 =	vshll.u32 v11, $0x4  }
0x6b8: {  	v15 =	vor.u32 $0x7, v13;
	v50 =	vand.u32 v10, v9;
	v9 =	vshll.u32 v9, $0x4  }
0x6b9: {  	v10 =	vsel vm0, $0x2, v25;
	v17 =	vand.u32 v17, v57;
	v11 =	vand.u32 v18, v11  }
0x6ba: {  	v3 =	vand.u32 v20, v3;
	vm8 =	vlt.s32 v4, v35;
	v4 =	vand.u32 $0xF, v8  }
0x6bb: {  	v22 =	vld [tilespmem:$0x1FCC0];
	vm9 =	vlt.s32 v5, v31;
	vm10 =	vlt.s32 v6, v34;
	v10 =	vor.u32 v58, v10  }
0x6bc: {  	v58 =	vshll.u32 v57, $0x4;
	v26 =	vsel vm9, $0x2, v25;
	v43 =	vor.u32 v23, v4;
	v4 =	vld [tilespmem:$0x1FD00]  }
0x6bd: {  	v20 =	vmovc v30;
	v12 =	vor.u32 $0x7, v9;
	v14 =	vor.u32 $0x7, v58;
	v30 =	vmovc v58;
	v58 =	vor.u32 v60, v26;
	v6 =	vld.idx.msk [tilespmem:v15+s24+$0x0], $0xffff  }
0x6be: {  	v33 =	vmovc v40;
	v8 =	vsel vm8, $0x2, v25;
	v60 =	vsel vm10, $0x2, v25;
	v40 =	vor.u32 v54, v58;
	v54 =	vld.idx.msk [tilespmem:v24+s20+$0x0], $0xffff  }
0x6bf: {  	v8 =	vor.u32 v59, v8;
	v59 =	vor.u32 v61, v60;
	v60 =	vor.u32 v21, v63;
	v63 =	vld [tilespmem:$0x1FD20]  }
0x6c0: {  	v62 =	vor.u32 v28, v62;
	v28 =	vmovc v41;
	v18 =	vor.u32 $0x7, v16;
	v41 =	vor.u32 v52, v59;
	v52 =	vld [tilespmem:$0x1FCD0]  }
0x6c1: {  	v57 =	vld.idx.msk [tilespmem:v50+s19+$0x0], $0xffff  }
0x6c2: {  	v51 =	vor.u32 v51, v10;
	v61 =	vld.idx.msk [tilespmem:v17+s19+$0x0], $0xffff  }
0x6c3: {  	v12 =	vld.idx.msk [tilespmem:v12+s24+$0x0], $0xffff  }
0x6c4: {  	vm11 =	veq.s32 v47, v4;
	v4 =	vld.idx.msk [tilespmem:v11+s19+$0x0], $0xffff  }
0x6c5: {  	v47 =	vld.idx.msk [tilespmem:v18+s24+$0x0], $0xffff  }
0x6c6: {  	v15 =	vor.u32 v55, v8;
	v18 =	vld.idx.msk [tilespmem:v3+s19+$0x0], $0xffff  }
0x6c7: {  	v5 =	vld.idx.msk [tilespmem:v51+s24+$0x0], $0xffff  }
0x6c8: {  	v21 =	vnsel vm11, $0xF423F, v53;
	v53 =	vld [tilespmem:$0x1FCE0]  }
0x6c9: {  	v14 =	vld.idx.msk [tilespmem:v14+s24+$0x0], $0xffff  }
0x6ca: {  	[tilespmem:v22+s21+$0x0] =	vst.idx.msk $0xffff, v21;
	v21 =	vld [tilespmem:$0x1FD30]  }
0x6cb: {  	vm12 =	veq.s32 v48, v19;
	v15 =	vld.idx.msk [tilespmem:v15+s24+$0x0], $0xffff  }
0x6cc: {  	vm4 =	vlt.s32 v47, v18;
	v47 =	vld.idx.msk [tilespmem:v62+s24+$0x0], $0xffff;
	vm3 =	vlt.s32 v5, v29;
	v5 =	vnsel vm12, $0xF423F, v39  }
0x6cd: {  	v62 =	vld [tilespmem:$0x1FD70];
	[tilespmem:v52+s21+$0x0] =	vst.idx.msk $0xffff, v5  }
0x6ce: {  	v7 =	vor.u32 v27, v7;
	vm2 =	vlt.s32 v12, v57;
	v39 =	vld.idx.msk [tilespmem:v40+s24+$0x0], $0xffff  }
0x6cf: {  	v26 =	vmovc v32;
	v32 =	vmovc v13;
	v22 =	vnsel vm1, $0xF423F, v56;
	v13 =	vsel vm2, $0x8, v25;
	v19 =	vsel vm3, $0x1, v25;
	v48 =	vld.idx.msk [tilespmem:v2+s24+$0x0], $0xffff  }
0x6d0: {  	v51 =	vor.u32 v9, v13;
	v21 =	vmov v21;
	v19 =	vor.u32 v19, v42;
	[tilespmem:v53+s21+$0x0] =	vst.idx.msk $0xffff, v22;
	v22 =	vld [tilespmem:$0x1FCF0]  }
0x6d1: {  	v5 =	vor.u32 $0x3, v51;
	v27 =	vor.u32 v10, v19;
	v19 =	vshll.u32 v54, $0x4;
	[tilespmem:$0x1FCF0] =	vst v21;
	v21 =	vld [tilespmem:$0x1FD60]  }
0x6d2: {  	vm5 =	vlt.s32 v15, v35;
	v54 =	vor.u32 v19, v27;
	v19 =	vld.idx.msk [tilespmem:v41+s24+$0x0], $0xffff  }
0x6d3: {  	v10 =	vmov v17;
	v49 =	vld.idx.msk [tilespmem:v1+s24+$0x0], $0xffff;
	v1 =	vsel vm5, $0x1, v25  }
0x6d4: {  	vm14 =	vlt.s32 v6, v4;
	[tilespmem:$0x1FD30] =	vst v10;
	v10 =	vld.idx.msk [tilespmem:v11+s20+$0x0], $0xffff;
	v1 =	vor.u32 v1, v28  }
0x6d5: {  	v6 =	vand.u32 $0x7, v27;
	vm15 =	vlt.s32 v54, $0xF423F;
	v1 =	vor.u32 v8, v1;
	v8 =	vld [tilespmem:$0x1FD50]  }
0x6d6: {  	v23 =	vmovc v36;
	v36 =	vmovc v16;
	v56 =	vmov v11;
	v6 =	vor.u32 v6, v37;
	v27 =	vnsel vm15, $0xF423F, v54;
	v5 =	vld.idx.msk [tilespmem:v5+s24+$0x0], $0xffff  }
0x6d7: {  	vm13 =	vlt.s32 v14, v61;
	[tilespmem:$0x1FD60] =	vst v56;
	v6 =	vor.u32 v42, v6;
	v55 =	vand.u32 $0xF, v27;
	v16 =	vmovc v22;
	v22 =	vld [tilespmem:$0x1FD10]  }
0x6d8: {  	v41 =	vsel vm13, $0x8, v25;
	v12 =	vor.u32 v37, v55;
	v37 =	vmovc v9;
	v9 =	vmov v63;
	[tilespmem:$0x1FCC0] =	vst v16;
	v16 =	vld.idx.msk [tilespmem:v17+s20+$0x0], $0xffff  }
0x6d9: {  	v40 =	vsel vm14, $0x8, v25;
	v2 =	vmovc v3;
	v11 =	vsel vm4, $0x8, v25;
	v55 =	vor.u32 v30, v41;
	v17 =	vmovc v21;
	[tilespmem:$0x1FCE0] =	vst v9;
	v21 =	vld [tilespmem:$0x1FD80]  }
0x6da: {  	v56 =	vmovc v35;
	v54 =	vor.u32 v32, v40;
	v9 =	vor.u32 $0x3, v55;
	[tilespmem:$0x1FD80] =	vst v2;
	vm7 =	vlt.s32 v19, v34;
	v19 =	vld [tilespmem:$0x1FD40]  }
0x6db: {  	v35 =	vmov v61;
	v52 =	vor.u32 v36, v11;
	v42 =	vor.u32 $0x3, v54;
	[tilespmem:$0x1FD40] =	vst v56;
	v56 =	vld.idx.msk [tilespmem:v43+s25+$0x0], $0xffff  }
0x6dc: {  	vm6 =	vlt.s32 v39, v31;
	v61 =	vor.u32 v44, v1;
	[tilespmem:$0x1FD10] =	vst v17;
	v17 =	vld.idx.msk [tilespmem:v3+s20+$0x0], $0xffff;
	v22 =	vmov v22  }
0x6dd: {  	v1 =	vand.u32 $0x7, v1;
	v2 =	vsel vm6, $0x1, v25;
	v3 =	vld.idx.msk [tilespmem:v6+s24+$0x0], $0xffff;
	[tilespmem:$0x1FCD0] =	vst v22;
	v22 =	vor.u32 $0x3, v52  }
0x6de: {  	vm9 =	vlt.s32 v61, $0xF423F;
	v2 =	vor.u32 v2, v33;
	v6 =	vsel vm7, $0x1, v25;
	v12 =	vld.idx.msk [tilespmem:v12+s25+$0x0], $0xffff  }
0x6df: {  	v2 =	vor.u32 v58, v2;
	v6 =	vor.u32 v6, v38;
	vm8 =	vlt.s32 v5, v57;
	v5 =	vld.idx.msk [tilespmem:v9+s24+$0x0], $0xffff  }
0x6e0: {  	v58 =	vsel vm8, $0x4, v25;
	v6 =	vor.u32 v59, v6;
	v53 =	vmovc v19;
	v19 =	vmovc v8;
	v8 =	vld.idx.msk [tilespmem:v42+s24+$0x0], $0xffff;
	v9 =	vshll.u32 v10, $0x4  }
0x6e1: {  	v63 =	vmovc v34;
	v10 =	vor.u32 v58, v51;
	[tilespmem:$0x1FD00] =	vst v53;
	v53 =	vld.idx.msk [tilespmem:v7+s25+$0x0], $0xffff;
	v7 =	vshll.u32 v16, $0x4;
	v14 =	vshll.u32 v17, $0x4  }
0x6e2: {  	v59 =	vmovc v31;
	v31 =	vmovc v4;
	v4 =	vor.u32 $0x1, v10;
	v16 =	vor.u32 v46, v2;
	v2 =	vand.u32 $0x7, v2;
	v10 =	vld.idx.msk [tilespmem:v22+s24+$0x0], $0xffff  }
0x6e3: {  	v34 =	vmovc v18;
	v43 =	vmovc v38;
	vm10 =	veq.s32 v3, v29;
	v3 =	vor.u32 v45, v6;
	vm11 =	vlt.s32 v16, $0xF423F  }
0x6e4: {  	s2 =	sadd.s32 $0x4, s2;
	v39 =	vld.idx.msk [tilespmem:v60+s25+$0x0], $0xffff;
	v27 =	vmovc v20;
	v29 =	vmovc v57;
	v57 =	vnsel vm9, $0xF423F, v61;
	v2 =	vor.u32 v2, v26;
	vm12 =	vlt.s32 v3, $0xF423F  }
0x6e5: {  	p0 =	slt.u32 s2, $0x3C;
	[tilespmem:$0x1FD70] =	vst v63;
	v38 =	vmovc v11;
	v21 =	vmovc v21;
	v63 =	vnsel vm11, $0xF423F, v16;
	v12 =	vnsel vm10, $0xF423F, v12;
	vm13 =	vlt.s32 v5, v35  }
.Ltmp19:
0x6e6: {  	[tilespmem:$0x1FD50] =	vst v59;
	v22 =	vmovc v62;
	vm14 =	vlt.s32 v8, v31;
	v62 =	vor.u32 v1, v20;
	v59 =	vsel vm13, $0x4, v25;
	(pc) =	sbr.rel @p0 .LBB2_34-.Ltmp19, $4  }
0x6e7: {  	[tilespmem:v24+s21+$0x0] =	vst.idx.msk $0xffff, v12;
	v60 =	vsel vm14, $0x4, v25;
	v1 =	vor.u32 v59, v55;
	vm15 =	vlt.s32 v10, v34  }
0x6e8: {  	v42 =	vmovc v13;
	v24 =	vmovc v50;
	v50 =	vld.idx.msk [tilespmem:v4+s24+$0x0], $0xffff;
	v4 =	vor.u32 $0x1, v1;
	v1 =	vor.u32 v60, v54;
	v61 =	vsel vm15, $0x4, v25  }
0x6e9: {  	v46 =	vmovc v9;
	v44 =	vmovc v7;
	v12 =	vand.u32 $0x7, v6;
	v5 =	vor.u32 $0x1, v1;
	v1 =	vor.u32 v61, v52  }
0x6ea: {  	s3 =	sadd.s32 $0x40, s3;
	[tilespmem:$0x1FD20] =	vst v21;
	v45 =	vmovc v14;
	v21 =	vmovc v26;
	v8 =	vnsel vm12, $0xF423F, v3;
	v6 =	vor.u32 $0x1, v1;
	v1 =	vor.u32 v12, v23  }
0x6eb: {  	_ =	sdelay $0x3  }
0x6ec: {  	v6 =	vld.idx.msk [tilespmem:v6+s24+$0x0], $0xffff  }
0x6ed: {  	v4 =	vld.idx.msk [tilespmem:v4+s24+$0x0], $0xffff;
	vm0 =	vlt.s32 v50, v29  }
0x6ee: {  	v3 =	vsel vm0, $0x2, v25  }
0x6ef: {  	v5 =	vld.idx.msk [tilespmem:v5+s24+$0x0], $0xffff;
	v3 =	vor.u32 v58, v3  }
0x6f0: {  	v7 =	vor.u32 v51, v3  }
0x6f1: {  	vm11 =	vlt.s32 v6, v34  }
0x6f2: {  	v17 =	vld [tilespmem:$0x1FCC0];
	vm9 =	vlt.s32 v4, v35;
	v9 =	vsel vm11, $0x2, v25  }
0x6f3: {  	v4 =	vsel vm9, $0x2, v25;
	v9 =	vor.u32 v61, v9;
	v61 =	vld [tilespmem:$0x1FD00]  }
0x6f4: {  	v15 =	vor.u32 v28, v62;
	vm10 =	vlt.s32 v5, v31;
	v4 =	vor.u32 v59, v4  }
0x6f5: {  	v6 =	vor.u32 v55, v4;
	v5 =	vld.idx.msk [tilespmem:v7+s24+$0x0], $0xffff;
	v7 =	vsel vm10, $0x2, v25  }
0x6f6: {  	v7 =	vor.u32 v60, v7  }
0x6f7: {  	v10 =	vor.u32 v54, v7  }
0x6f8: {  	v11 =	vld.idx.msk [tilespmem:v24+s20+$0x0], $0xffff;
	vm6 =	veq.s32 v47, v61  }
0x6f9: {  	v58 =	vld.idx.msk [tilespmem:v15+s24+$0x0], $0xffff;
	v15 =	vnsel vm6, $0xF423F, v53  }
0x6fa: {  	v6 =	vld.idx.msk [tilespmem:v6+s24+$0x0], $0xffff;
	[tilespmem:v17+s21+$0x0] =	vst.idx.msk $0xffff, v15;
	vm12 =	vlt.s32 v5, v29  }
0x6fb: {  	v17 =	vld [tilespmem:$0x1FCD0];
	v14 =	vsel vm12, $0x1, v25  }
0x6fc: {  	v14 =	vor.u32 v14, v42;
	v10 =	vld.idx.msk [tilespmem:v10+s24+$0x0], $0xffff  }
0x6fd: {  	vm7 =	veq.s32 v48, v19;
	v11 =	vshll.u32 v11, $0x4;
	v3 =	vor.u32 v3, v14  }
0x6fe: {  	v12 =	vor.u32 v52, v9;
	v11 =	vor.u32 v11, v3;
	v3 =	vand.u32 $0x7, v3  }
0x6ff: {  	vm14 =	vlt.s32 v6, v35;
	vm13 =	vlt.s32 v11, $0xF423F;
	v3 =	vor.u32 v3, v37  }
0x700: {  	v52 =	vsel vm14, $0x1, v25;
	v11 =	vnsel vm13, $0xF423F, v11;
	v3 =	vor.u32 v42, v3  }
0x701: {  	v11 =	vand.u32 $0xF, v11;
	vm1 =	vlt.s32 v10, v31;
	v10 =	vor.u32 v52, v41  }
0x702: {  	v16 =	vnsel vm7, $0xF423F, v39;
	v6 =	vor.u32 v37, v11;
	v4 =	vor.u32 v4, v10  }
0x703: {  	v5 =	vand.u32 $0xF, v57;
	v54 =	vsel vm1, $0x1, v25;
	[tilespmem:v17+s21+$0x0] =	vst.idx.msk $0xffff, v16;
	v57 =	vor.u32 v44, v4  }
0x704: {  	v13 =	vand.u32 $0xF, v63;
	v11 =	vor.u32 v54, v40;
	v63 =	vld [tilespmem:$0x1FCE0];
	vm4 =	vlt.s32 v57, $0xF423F  }
0x705: {  	v7 =	vor.u32 v7, v11;
	v11 =	vnsel vm4, $0xF423F, v57  }
0x706: {  	v2 =	vor.u32 v33, v2;
	v3 =	vld.idx.msk [tilespmem:v3+s24+$0x0], $0xffff;
	v11 =	vand.u32 $0xF, v11  }
0x707: {  	v6 =	vld.idx.msk [tilespmem:v6+s25+$0x0], $0xffff;
	v11 =	vor.u32 v30, v11;
	_ =	sdelay $0x2  }
0x708: {  	vm8 =	veq.s32 v49, v22  }
0x709: {  	v62 =	vnsel vm8, $0xF423F, v56;
	v2 =	vld.idx.msk [tilespmem:v2+s24+$0x0], $0xffff;
	vm9 =	veq.s32 v3, v29  }
0x70a: {  	[tilespmem:v63+s21+$0x0] =	vst.idx.msk $0xffff, v62;
	v3 =	vld.idx.msk [tilespmem:v11+s25+$0x0], $0xffff;
	v6 =	vnsel vm9, $0xF423F, v6  }
0x70b: {  	v1 =	vor.u32 v43, v1;
	v11 =	vld [tilespmem:$0x1FD40];
	[tilespmem:v24+s21+$0x0] =	vst.idx.msk $0xffff, v6  }
0x70c: {  	v6 =	vld [tilespmem:$0x1FD50];
	_ =	sdelay $0x3  }
0x70d: {  	v1 =	vld.idx.msk [tilespmem:v1+s24+$0x0], $0xffff  }
0x70e: {  	vm11 =	veq.s32 v2, v6;
	v6 =	vld [tilespmem:$0x1FD70];
	_ =	sdelay $0x1  }
0x70f: {  	v5 =	vor.u32 v27, v5;
	_ =	sdelay $0x2  }
0x710: {  	vm12 =	veq.s32 v1, v6;
	v6 =	vld [tilespmem:$0x1FCF0];
	_ =	sdelay $0x1  }
0x711: {  	v5 =	vld.idx.msk [tilespmem:v5+s25+$0x0], $0xffff;
	_ =	sdelay $0x3  }
0x712: {  	v13 =	vor.u32 v21, v13;
	vm10 =	veq.s32 v58, v11  }
0x713: {  	v5 =	vnsel vm10, $0xF423F, v5  }
0x714: {  	[tilespmem:v6+s21+$0x0] =	vst.idx.msk $0xffff, v5  }
0x715: {  	v6 =	vld [tilespmem:$0x1FD10];
	_ =	sdelay $0x1  }
0x716: {  	v13 =	vld.idx.msk [tilespmem:v13+s25+$0x0], $0xffff;
	_ =	sdelay $0x1  }
0x717: {  	v12 =	vld.idx.msk [tilespmem:v12+s24+$0x0], $0xffff  }
0x718: {  	v8 =	vand.u32 $0xF, v8  }
0x719: {  	v8 =	vor.u32 v23, v8;
	v4 =	vand.u32 $0x7, v4  }
0x71a: {  	v4 =	vor.u32 v4, v30;
	v1 =	vnsel vm11, $0xF423F, v13  }
0x71b: {  	v4 =	vor.u32 v41, v4;
	[tilespmem:v6+s21+$0x0] =	vst.idx.msk $0xffff, v1  }
0x71c: {  	vm15 =	vlt.s32 v12, v34;
	v1 =	vld [tilespmem:$0x1FD20]  }
0x71d: {  	v12 =	vsel vm15, $0x1, v25  }
0x71e: {  	v8 =	vld.idx.msk [tilespmem:v8+s25+$0x0], $0xffff;
	v55 =	vor.u32 v12, v38  }
0x71f: {  	v9 =	vor.u32 v9, v55  }
0x720: {  	v60 =	vor.u32 v45, v9;
	v4 =	vld.idx.msk [tilespmem:v4+s24+$0x0], $0xffff  }
0x721: {  	v9 =	vand.u32 $0x7, v9;
	vm2 =	vlt.s32 v60, $0xF423F  }
0x722: {  	v9 =	vor.u32 v9, v36;
	v14 =	vnsel vm2, $0xF423F, v60  }
0x723: {  	v9 =	vor.u32 v38, v9;
	v14 =	vand.u32 $0xF, v14;
	v5 =	vnsel vm12, $0xF423F, v8  }
0x724: {  	v14 =	vor.u32 v36, v14;
	[tilespmem:v1+s21+$0x0] =	vst.idx.msk $0xffff, v5  }
0x725: {  	vm13 =	veq.s32 v4, v35;
	v4 =	vld [tilespmem:$0x1FD30];
	_ =	sdelay $0x1  }
0x726: {  	v59 =	vor.u32 v46, v7  }
0x727: {  	v7 =	vand.u32 $0x7, v7;
	vm5 =	vlt.s32 v59, $0xF423F;
	v9 =	vld.idx.msk [tilespmem:v9+s24+$0x0], $0xffff  }
0x728: {  	v7 =	vor.u32 v7, v32;
	v10 =	vnsel vm5, $0xF423F, v59;
	v2 =	vld.idx.msk [tilespmem:v14+s25+$0x0], $0xffff  }
0x729: {  	v7 =	vor.u32 v40, v7;
	v10 =	vand.u32 $0xF, v10  }
0x72a: {  	v10 =	vor.u32 v32, v10  }
0x72b: {  	v1 =	vnsel vm13, $0xF423F, v3  }
0x72c: {  	vm15 =	veq.s32 v9, v34;
	[tilespmem:v4+s21+$0x0] =	vst.idx.msk $0xffff, v1  }
0x72d: {  	v1 =	vnsel vm15, $0xF423F, v2;
	v2 =	vld [tilespmem:$0x1FD60]  }
0x72e: {  	v7 =	vld.idx.msk [tilespmem:v7+s24+$0x0], $0xffff  }
0x72f: {  	v10 =	vld.idx.msk [tilespmem:v10+s25+$0x0], $0xffff;
	_ =	sdelay $0x3  }
0x730: {  	vm14 =	veq.s32 v7, v31  }
0x731: {  	v3 =	vnsel vm14, $0xF423F, v10  }
0x732: {  	[tilespmem:v2+s21+$0x0] =	vst.idx.msk $0xffff, v3  }
0x733: {  	v2 =	vld [tilespmem:$0x1FD80];
	_ =	sdelay $0x7  }
0x734: {  	[tilespmem:v2+s21+$0x0] =	vst.idx.msk $0xffff, v1  }
0x735: {  	s0 =	rddreg [dreg:$0x9]  }
0x736: {  	[hbm4b:s0+s4] =	stream.linear.scatter [tilespmem:s21], [sflag:$0x3], $0x400, $0x38;
	[tilespmem:$0x1E408] =	vst v63  }
0x737: {  	_ =	swait.ge [sflag:s16], $0x400  }
0x738: {  	s2 =	rddreg [dreg:$0xb]  }
0x739: {  	s15 =	rddreg [dreg:$0xa];
	s2 =	sadd.s32 $0x1, s2  }
0x73a: {  	p0 =	sne.s32 s2, s15  }
.Ltmp20:
0x73b: {  	v7 =	vimm.s32 $0x7FFF;
	v3 =	vld [tilespmem:$0x1FFB0];
	(pc) =	sbr.rel @p0 .LBB2_1-.Ltmp20, $4  }
0x73c: {  	v63 =	vld [tilespmem:$0x1FFF0]  }
0x73d: {  	v60 =	vld [tilespmem:$0x1FFE0]  }
0x73e: {  	[sflag:s16] =	ssyncset.done $0x0;
	v61 =	vld [tilespmem:$0x1FFC0]  }
0x73f: {  	v59 =	vimm.s32 $0x0;
	v62 =	vld [tilespmem:$0x1FFD0];
	[sflag:s16] =	ssyncadd.s32 $0xFFFFFC00  }
0x740: {  	_ =	sfence.sel $0x180000  }
0x741: {  	[bflag:$0x0] =	sbarrier.arrive $0xFFFF  }
0x742: {  	_ =	strace $0x90000047  }
0x743: {  	s0 =	stileid.u32;
	[bflag:$0x2] =	sbarrier.arrive $0xFFFF  }
0x744: {  	p0 =	sne.s32 s0, $0x0;
	s0 =	rddreg [dreg:$0x3]  }
0x745: {  	s0 =	sadd.s32 @!p0 $0x100000, s0  }
0x746: {  	[sflag:s0] =	ssyncadd.tile.s32 @!p0 $0x1;
	_ =	shalt  }
.Lfunc_end2:
_tile_overlayer_lowered:
.L_overlay_start_2:
0x747: {  	(tag) =	ssettag $0x2  }
0x748: {  	s0 =	rddreg [dreg:$0x0];
	s2 =	stileid.u32  }
0x749: {  	s1 =	rddreg [dreg:$0x1];
	p0 =	sne.s32 s2, $0x0  }
0x74a: {  	s3 =	rddreg [dreg:$0x2];
	[bflag:$0x3] =	sbarrier.arrive $0xFFFF;
	s2 =	simm.s32 @!p0 $0x1C03  }
0x74b: {  	[timem:s3], [sflag:s2] =	dma.local @!p0 [hbm:s0], s1  }
0x74c: {  	s0 =	simm.s32 @!p0 $0x3  }
0x74d: {  	_ =	swait.ge @!p0 [sflag:s0], s1  }
0x74e: {  	s1 =	ssub.s32 @!p0 $0x0, s1;
	[sflag:s0] =	ssyncset.done @!p0 $0x0  }
0x74f: {  	[sflag:s0] =	ssyncadd.s32 @!p0 s1  }
0x750: {  	[bflag:$0x3] =	sbarrier.arrive $0xFFFF  }
0x751: {  	_ =	shalt  }

</sc_bundles>
